<compile_context>
chip_gen: v7x
topology: tpu7x:2x2x1
jax: 0.10.2.dev20260603
libtpu: 0.0.44.dev20260713+nightly
codegen_flags: <defaults>
</compile_context>

<pallas_src>
import functools

import jax
import jax.numpy as jnp
from jax import lax
from jax.experimental import pallas as pl
from jax.experimental.pallas import tpu as pltpu
from jax.experimental.pallas import tpu_sc as plsc

T, V, C, H, DS, E, OUT = 4, 10000, 128, 64, 16, 160000, 128
HDS = H * DS

NS = 16
K = 400
EP = E // NS
NCHUNK = EP // K

_MM = dict(preferred_element_type=jnp.float32,
           precision=jax.lax.Precision.DEFAULT)


@functools.cache
def _make_sc_agg(with_deg):
  mesh = plsc.VectorSubcoreMesh(core_axis_name="c", subcore_axis_name="s")
  out_type = [jax.ShapeDtypeStruct((T, V, H), jnp.float32)]
  if with_deg:
    out_type.append(jax.ShapeDtypeStruct((T, V, 8), jnp.float32))
  scratch = [
      pltpu.VMEM((EP,), jnp.int32),
      pltpu.VMEM((K,), jnp.int32),
      pltpu.VMEM((K,), jnp.int32),
      pltpu.VMEM((K, H), jnp.float32),
      pltpu.VMEM((K,), jnp.int32),
      pltpu.VMEM((K,), jnp.int32),
      pltpu.VMEM((K, H), jnp.float32),
      pltpu.VMEM((K, 8), jnp.float32),
      pltpu.SemaphoreType.DMA,
      pltpu.SemaphoreType.DMA,
      pltpu.VMEM_SHARED((V, H), jnp.float32),
      pltpu.VMEM_SHARED((V, 8), jnp.float32),
  ]

  def body(feat_h, pk_h, zrows_h, zdeg_h, ones_h, *rest):
    if with_deg:
      agg_h, deg_h = rest[0], rest[1]
      rest = rest[2:]
    else:
      agg_h = rest[0]
      rest = rest[1:]
    (idx_pk, idx_sa, idx_da, rows_a, idx_sb, idx_db, rows_b, ones_v,
     sem_a, sem_b, agg_sh, deg_sh) = rest
    c = lax.axis_index("c")
    s = lax.axis_index("s")

    if with_deg:
      pltpu.sync_copy(ones_h, ones_v)

    def start(ci, idx_s, idx_d, rows, sem):
      def unpack(j, _2):
        v = idx_pk[pl.ds(ci * K + j * 16, 16)]
        idx_s[pl.ds(j * 16, 16)] = v & 0xFFFF
        idx_d[pl.ds(j * 16, 16)] = lax.shift_right_logical(v, 16)
        return 0

      lax.fori_loop(0, K // 16, unpack, 0)
      pltpu.async_copy(feat_h.at[idx_s], rows, sem)

    def drain(idx_s, idx_d, rows, sem):
      pltpu.make_async_copy(feat_h.at[idx_s], rows, sem).wait()
      pltpu.sync_copy(rows, agg_sh.at[idx_d], add=True)
      if with_deg:
        pltpu.sync_copy(ones_v, deg_sh.at[idx_d], add=True)

    for tl in range(2):
      t = 2 * c + tl

      @pl.when(s < 10)
      def _():
        for k2 in range(8):
          pltpu.sync_copy(zrows_h,
                          agg_sh.at[pl.ds(s * 1000 + k2 * 125, 125)])
          if with_deg:
            pltpu.sync_copy(zdeg_h,
                            deg_sh.at[pl.ds(s * 1000 + k2 * 125, 125)])
      pltpu.sync_copy(pk_h.at[pl.ds(t * E + s * EP, EP)], idx_pk)
      plsc.subcore_barrier()

      start(0, idx_sa, idx_da, rows_a, sem_a)

      def pair(i, _):
        start(2 * i + 1, idx_sb, idx_db, rows_b, sem_b)
        drain(idx_sa, idx_da, rows_a, sem_a)
        start(2 * i + 2, idx_sa, idx_da, rows_a, sem_a)
        drain(idx_sb, idx_db, rows_b, sem_b)
        return 0

      lax.fori_loop(0, (NCHUNK - 1) // 2, pair, 0)
      drain(idx_sa, idx_da, rows_a, sem_a)
      plsc.subcore_barrier()

      @pl.when(s < 10)
      def _():
        pltpu.sync_copy(agg_sh.at[pl.ds(s * 1000, 1000)],
                        agg_h.at[t, pl.ds(s * 1000, 1000)])
        if with_deg:
          pltpu.sync_copy(deg_sh.at[pl.ds(s * 1000, 1000)],
                          deg_h.at[t, pl.ds(s * 1000, 1000)])
      plsc.subcore_barrier()

  return pl.kernel(
      body, out_type=out_type, mesh=mesh, scratch_types=scratch,
      compiler_params=pltpu.CompilerParams(use_tc_tiling_on_sc=False))


def _sc_aggregate(feat_flat, pk_idx, with_deg):
  zrows = jnp.zeros((125, H), jnp.float32)
  zdeg = jnp.zeros((125, 8), jnp.float32)
  ones = jnp.ones((K, 8), jnp.float32)
  return _make_sc_agg(with_deg)(feat_flat, pk_idx, zrows, zdeg, ones)


def _p1_body(xs_ref, w_ref, b_ref, wl_ref, xm_ref, xp_ref):
  w = w_ref[...]
  b = b_ref[...]
  wl = wl_ref[...]
  xs = [xs_ref[t] for t in range(T)]
  for t in range(T):
    xm = xs[t] * w[1] + b
    if t > 0:
      xm = xm + xs[t - 1] * w[0]
    if t < T - 1:
      xm = xm + xs[t + 1] * w[2]
    xm_ref[t] = xm
    xp_ref[t] = jnp.dot(xm, wl, **_MM)


def _p1(xs, tm_w, tm_b, wl0):
  bV, grid = 2000, V // 2000
  w3 = jnp.transpose(tm_w[:, 0, :])
  return pl.pallas_call(
      _p1_body,
      grid=(grid,),
      in_specs=[
          pl.BlockSpec((T, bV, C), lambda i: (0, i, 0)),
          pl.BlockSpec((3, C), lambda i: (0, 0)),
          pl.BlockSpec((1, C), lambda i: (0, 0)),
          pl.BlockSpec((C, H), lambda i: (0, 0)),
      ],
      out_specs=[
          pl.BlockSpec((T, bV, C), lambda i: (0, i, 0)),
          pl.BlockSpec((T, bV, H), lambda i: (0, i, 0)),
      ],
      out_shape=[
          jax.ShapeDtypeStruct((T, V, C), jnp.float32),
          jax.ShapeDtypeStruct((T, V, H), jnp.float32),
      ],
  )(xs, w3, tm_b[None, :], wl0)


def _p3_body(xm_ref, agg_ref, deg_ref, wr_ref, rw_ref, sb_ref, rb_ref,
             av_ref, bv_ref, cw_ref, cb_ref, wl1_ref, out_ref, xp_ref):
  wr, rw, wl1 = wr_ref[...], rw_ref[...], wl1_ref[...]
  sb, rb, cb = sb_ref[...], rb_ref[...], cb_ref[...]
  av, bv = av_ref[...], bv_ref[...]
  cw = cw_ref[...]
  bV = xm_ref.shape[1]
  st = jnp.zeros((bV, HDS), jnp.float32)
  for t in range(T):
    xm = xm_ref[t]
    scale = 1.0 / jnp.maximum(deg_ref[t][:, 0:1], 1.0)
    h = agg_ref[t] * scale + jnp.dot(xm, wr, **_MM) + sb
    xsr = jnp.dot(xm, rw, **_MM) + rb
    h16 = jnp.concatenate([h] * DS, axis=1)
    st = av * st + bv * h16
    y = jnp.dot(jnp.maximum(st, 0.0), cw, **_MM) + cb
    out = y + xsr
    out_ref[t] = out
    xp_ref[t] = jnp.dot(out, wl1, **_MM)


def _p3(xs_m, agg0, deg, wr0, rw0, sb0, rb0, a0v, b0v, cw0r, cb0, wl1):
  bV, grid = 1000, V // 1000
  return pl.pallas_call(
      _p3_body,
      grid=(grid,),
      in_specs=[
          pl.BlockSpec((T, bV, C), lambda i: (0, i, 0)),
          pl.BlockSpec((T, bV, H), lambda i: (0, i, 0)),
          pl.BlockSpec((T, bV, 8), lambda i: (0, i, 0)),
          pl.BlockSpec((C, H), lambda i: (0, 0)),
          pl.BlockSpec((C, H), lambda i: (0, 0)),
          pl.BlockSpec((1, H), lambda i: (0, 0)),
          pl.BlockSpec((1, H), lambda i: (0, 0)),
          pl.BlockSpec((1, HDS), lambda i: (0, 0)),
          pl.BlockSpec((1, HDS), lambda i: (0, 0)),
          pl.BlockSpec((HDS, H), lambda i: (0, 0)),
          pl.BlockSpec((1, H), lambda i: (0, 0)),
          pl.BlockSpec((H, H), lambda i: (0, 0)),
      ],
      out_specs=[
          pl.BlockSpec((T, bV, H), lambda i: (0, i, 0)),
          pl.BlockSpec((T, bV, H), lambda i: (0, i, 0)),
      ],
      out_shape=[
          jax.ShapeDtypeStruct((T, V, H), jnp.float32),
          jax.ShapeDtypeStruct((T, V, H), jnp.float32),
      ],
  )(xs_m, agg0, deg, wr0, rw0, sb0, rb0, a0v, b0v, cw0r, cb0, wl1)


def _p5_body(x_ref, agg_ref, deg_ref, wr_ref, rw_ref, sb_ref, rb_ref,
             av_ref, bv_ref, cw_ref, cb_ref, mw_ref, mb_ref, out_ref):
  wr, rw = wr_ref[...], rw_ref[...]
  sb, rb, cb, mb = sb_ref[...], rb_ref[...], cb_ref[...], mb_ref[...]
  av, bv = av_ref[...], bv_ref[...]
  cw, mw = cw_ref[...], mw_ref[...]
  bV = x_ref.shape[1]
  st = jnp.zeros((bV, HDS), jnp.float32)
  for t in range(T):
    x = x_ref[t]
    scale = 1.0 / jnp.maximum(deg_ref[t][:, 0:1], 1.0)
    h = agg_ref[t] * scale + jnp.dot(x, wr, **_MM) + sb
    h16 = jnp.concatenate([h] * DS, axis=1)
    st = av * st + bv * h16
  y = jnp.dot(jnp.maximum(st, 0.0), cw, **_MM) + cb
  fin = y + jnp.dot(x_ref[T - 1], rw, **_MM) + rb
  out_ref[...] = jnp.dot(fin, mw, **_MM) + mb


def _p5(out0, agg1, deg, wr1, rw1, sb1, rb1, a1v, b1v, cw1r, cb1,
        mlp_W, mlp_b):
  bV, grid = 1000, V // 1000
  return pl.pallas_call(
      _p5_body,
      grid=(grid,),
      in_specs=[
          pl.BlockSpec((T, bV, H), lambda i: (0, i, 0)),
          pl.BlockSpec((T, bV, H), lambda i: (0, i, 0)),
          pl.BlockSpec((T, bV, 8), lambda i: (0, i, 0)),
          pl.BlockSpec((H, H), lambda i: (0, 0)),
          pl.BlockSpec((H, H), lambda i: (0, 0)),
          pl.BlockSpec((1, H), lambda i: (0, 0)),
          pl.BlockSpec((1, H), lambda i: (0, 0)),
          pl.BlockSpec((1, HDS), lambda i: (0, 0)),
          pl.BlockSpec((1, HDS), lambda i: (0, 0)),
          pl.BlockSpec((HDS, H), lambda i: (0, 0)),
          pl.BlockSpec((1, H), lambda i: (0, 0)),
          pl.BlockSpec((H, OUT), lambda i: (0, 0)),
          pl.BlockSpec((1, OUT), lambda i: (0, 0)),
      ],
      out_specs=pl.BlockSpec((bV, OUT), lambda i: (i, 0)),
      out_shape=jax.ShapeDtypeStruct((V, OUT), jnp.float32),
  )(out0, agg1, deg, wr1, rw1, sb1, rb1, a1v, b1v, cw1r, cb1, mlp_W,
    mlp_b[None, :])


def kernel(xs, edge_index, tm_w, tm_b, res_W0, res_b0, sage_Wl0, sage_Wr0,
           sage_b0, ssm_A0, ssm_B0, cm_W0, cm_b0, res_W1, res_b1, sage_Wl1,
           sage_Wr1, sage_b1, ssm_A1, ssm_B1, cm_W1, cm_b1, mlp_W, mlp_b):
  toff = (jnp.arange(T, dtype=jnp.int32) * V)[:, None]
  pk_idx = ((edge_index[:, 0, :] + toff)
            | (edge_index[:, 1, :] << 16)).reshape(T * E)

  a0v = jnp.repeat(ssm_A0, H)[None, :]
  b0v = jnp.repeat(ssm_B0, H)[None, :]
  a1v = jnp.repeat(ssm_A1, H)[None, :]
  b1v = jnp.repeat(ssm_B1, H)[None, :]
  cw0r = cm_W0.reshape(H, DS, H).transpose(1, 0, 2).reshape(HDS, H)
  cw1r = cm_W1.reshape(H, DS, H).transpose(1, 0, 2).reshape(HDS, H)

  xs_m, xp0 = _p1(xs, tm_w, tm_b, sage_Wl0)

  agg0, deg = _sc_aggregate(xp0.reshape(T * V, H), pk_idx, True)

  out0, xp1 = _p3(xs_m, agg0, deg, sage_Wr0, res_W0, sage_b0[None, :],
                  res_b0[None, :], a0v, b0v, cw0r, cm_b0[None, :], sage_Wl1)

  (agg1,) = _sc_aggregate(xp1.reshape(T * V, H), pk_idx, False)

  return _p5(out0, agg1, deg, sage_Wr1, res_W1, sage_b1[None, :],
             res_b1[None, :], a1v, b1v, cw1r, cm_b1[None, :], mlp_W, mlp_b)

# --- scband reference (transcript-rebuilt; emitter-appended) ---
"""Pipeline reference for scband-diagonal-ssm-47708496724572 (READ-ONLY COPY).

The authoritative reference and input builder live on the scoring server;
editing this copy changes nothing except your own understanding.
"""

import jax, jax.numpy as jnp
import numpy as np

T, V, C, H, DS, E, OUT = 4, 10000, 128, 64, 16, 160000, 128


def _lin(k, fi, fo):
    return (jax.random.normal(k, (fi, fo), dtype=jnp.float32) / np.sqrt(fi)).astype(jnp.float32)


def setup_inputs(seed: int = 0):
    key = jax.random.key(seed)
    ks = jax.random.split(key, 30)
    inp = {}
    inp['xs'] = jax.random.normal(ks[0], (T, V, C), dtype=jnp.float32)
    inp['edge_index'] = jax.random.randint(ks[1], (T, 2, E), 0, V, dtype=jnp.int32)
    inp['tm_w'] = jax.random.normal(ks[2], (C, 1, 3), dtype=jnp.float32) * 0.1
    inp['tm_b'] = jnp.zeros((C,), jnp.float32)
    fi = C
    idx = 3
    for i in range(2):
        inp[f'res_W{i}'] = _lin(ks[idx], fi, H); idx += 1
        inp[f'res_b{i}'] = jnp.zeros((H,), jnp.float32)
        inp[f'sage_Wl{i}'] = _lin(ks[idx], fi, H); idx += 1
        inp[f'sage_Wr{i}'] = _lin(ks[idx], fi, H); idx += 1
        inp[f'sage_b{i}'] = jnp.zeros((H,), jnp.float32)
        inp[f'ssm_A{i}'] = jax.random.uniform(ks[idx], (DS,), jnp.float32, 0.1, 0.9); idx += 1
        inp[f'ssm_B{i}'] = jax.random.normal(ks[idx], (DS,), jnp.float32) * 0.1; idx += 1
        inp[f'cm_W{i}'] = _lin(ks[idx], DS * H, H); idx += 1
        inp[f'cm_b{i}'] = jnp.zeros((H,), jnp.float32)
        fi = H
    inp['mlp_W'] = _lin(ks[idx], H, OUT); idx += 1
    inp['mlp_b'] = jnp.zeros((OUT,), jnp.float32)
    return inp


def _token_mix(xs, w, b):
    # depthwise conv1d over the temporal (snapshot) axis, kernel=3, SAME padding
    z = jnp.transpose(xs, (1, 2, 0))  # [V, C, T]
    out = jax.lax.conv_general_dilated(z, w, window_strides=(1,), padding='SAME',
                                       feature_group_count=z.shape[1],
                                       dimension_numbers=('NCH', 'OIH', 'NCH'))
    out = out + b[None, :, None]
    return jnp.transpose(out, (2, 0, 1))  # [T, V, C]


def _sage(x, ei, Wl, Wr, b):
    # GraphSAGE with mean aggregation: lin_l(mean_neigh) + lin_r(x)
    src, dst = ei[0], ei[1]
    msg = x[src]
    agg = jax.ops.segment_sum(msg, dst, num_segments=x.shape[0])
    deg = jax.ops.segment_sum(jnp.ones((ei.shape[1],), x.dtype), dst, num_segments=x.shape[0])
    mean = agg / jnp.clip(deg, 1.0)[:, None]
    return mean @ Wl + x @ Wr + b


def _forward(xs, edge_index, tm_w, tm_b, layers, mlp_W, mlp_b):
    xs_m = _token_mix(xs, tm_w, tm_b)
    xs_list = [xs_m[t] for t in range(T)]
    for (rW, rb, Wl, Wr, sb, A, B, cW, cb) in layers:
        xsr = [x @ rW + rb for x in xs_list]
        xs_list = [_sage(xs_list[j], edge_index[j], Wl, Wr, sb) for j in range(T)]
        state = jnp.zeros((V, H, DS), xs.dtype)
        new = []
        for j in range(T):
            # diagonal SISO SSM step applied channelwise: state[v,h,:] = A*state + B*u
            state = A[None, None, :] * state + xs_list[j][:, :, None] * B[None, None, :]
            y = jax.nn.relu(state.reshape(V, -1)) @ cW + cb
            new.append(y + xsr[j])
        xs_list = new
    return xs_list[-1] @ mlp_W + mlp_b


def reference(xs, edge_index, tm_w, tm_b, res_W0, res_b0, sage_Wl0, sage_Wr0, sage_b0, ssm_A0, ssm_B0, cm_W0, cm_b0, res_W1, res_b1, sage_Wl1, sage_Wr1, sage_b1, ssm_A1, ssm_B1, cm_W1, cm_b1, mlp_W, mlp_b):
    layers = [
        (res_W0, res_b0, sage_Wl0, sage_Wr0, sage_b0, ssm_A0, ssm_B0, cm_W0, cm_b0),
        (res_W1, res_b1, sage_Wl1, sage_Wr1, sage_b1, ssm_A1, ssm_B1, cm_W1, cm_b1),
    ]
    return _forward(xs, edge_index, tm_w, tm_b, layers, mlp_W, mlp_b)

if __name__ == "__main__":
    import jax
    _d = setup_inputs()
    print(jax.jit(kernel)(*tuple(_d.values())))

</pallas_src>

<mosaic_0001>
#map = affine_map<(d0, d1) -> (0, 0)>
#map1 = affine_map<(d0, d1) -> (0)>
#map2 = affine_map<(d0, d1) -> (0, 0, 0)>
module attributes {stable_mosaic.version = 14 : i64} {
  func.func @body(%arg0: i32, %arg1: i32, %arg2: memref<40000x64xf32, #tpu.memory_space<hbm>>, %arg3: memref<640000xi32, #tpu.memory_space<hbm>>, %arg4: memref<125x64xf32, #tpu.memory_space<hbm>>, %arg5: memref<125x8xf32, #tpu.memory_space<hbm>>, %arg6: memref<400x8xf32, #tpu.memory_space<hbm>>, %arg7: memref<4x10000x64xf32, #tpu.memory_space<hbm>>, %arg8: memref<4x10000x8xf32, #tpu.memory_space<hbm>>, %arg9: memref<10000xi32, #tpu.memory_space<vmem>>, %arg10: memref<400xi32, #tpu.memory_space<vmem>>, %arg11: memref<400xi32, #tpu.memory_space<vmem>>, %arg12: memref<400x64xf32, #tpu.memory_space<vmem>>, %arg13: memref<400xi32, #tpu.memory_space<vmem>>, %arg14: memref<400xi32, #tpu.memory_space<vmem>>, %arg15: memref<400x64xf32, #tpu.memory_space<vmem>>, %arg16: memref<400x8xf32, #tpu.memory_space<vmem>>, %arg17: memref<!tpu.dma_semaphore, #tpu.memory_space<semaphore_mem>>, %arg18: memref<!tpu.dma_semaphore, #tpu.memory_space<semaphore_mem>>, %arg19: memref<10000x64xf32, #tpu.memory_space<vmem_shared>>, %arg20: memref<10000x8xf32, #tpu.memory_space<vmem_shared>>) attributes {dimension_semantics = [#tpu.dimension_semantics<core_parallel>, #tpu.dimension_semantics<subcore_parallel>], iteration_bounds = array<i64: 2, 16>, scalar_prefetch = 0 : i64, scratch_operands = 12 : i64, tpu.core_type = #tpu.core_type<sc_vector_subcore>, window_params = [{transform_indices = #map}, {transform_indices = #map1}, {transform_indices = #map}, {transform_indices = #map}, {transform_indices = #map}, {transform_indices = #map2}, {transform_indices = #map2}]} {
    "tpu.region"() ({
      %run_scoped3A = tpu.sem_alloc : memref<!tpu.dma_semaphore, #tpu.memory_space<semaphore_mem>>
      tpu.enqueue_dma source(%arg6 : memref<400x8xf32, #tpu.memory_space<hbm>>) target(%arg16 : memref<400x8xf32, #tpu.memory_space<vmem>>) target_semaphore(%run_scoped3A : memref<!tpu.dma_semaphore, #tpu.memory_space<semaphore_mem>>)
      tpu.wait_dma2 semaphore(%run_scoped3A : memref<!tpu.dma_semaphore, #tpu.memory_space<semaphore_mem>>) src(%arg6 : memref<400x8xf32, #tpu.memory_space<hbm>>) dst(%arg16 : memref<400x8xf32, #tpu.memory_space<vmem>>)
      tpu.yield
    }) : () -> ()
    %mul3A = arith.constant 2 : i32
    %mul3A_0 = arith.muli %mul3A, %arg0 : i32
    %add3A = arith.constant 0 : i32
    %add3A_1 = arith.addi %mul3A_0, %add3A : i32
    %lt3A = arith.constant 10 : i32
    %lt3A_2 = arith.cmpi slt, %arg1, %lt3A : i32
    %convert_element_type3A = arith.extui %lt3A_2 : i1 to i32
    %cond3A = arith.constant 0 : i32
    %cond3A_3 = arith.cmpi ne, %convert_element_type3A, %cond3A : i32
    scf.if %cond3A_3 {
      %mul3A_75 = arith.constant 1000 : i32
      %mul3A_76 = arith.muli %arg1, %mul3A_75 : i32
      %add3A_77 = arith.constant 0 : i32
      %add3A_78 = arith.addi %mul3A_76, %add3A_77 : i32
      "tpu.region"() ({
        %run_scoped3A = tpu.sem_alloc : memref<!tpu.dma_semaphore, #tpu.memory_space<semaphore_mem>>
        %dma_start3A_139 = arith.constant 0 : i32
        %dma_start3A_140 = tpu.memref_slice %arg19[%add3A_78, %dma_start3A_139] : memref<10000x64xf32, #tpu.memory_space<vmem_shared>> -> memref<125x64xf32, #tpu.memory_space<vmem_shared>>
        tpu.enqueue_dma source(%arg4 : memref<125x64xf32, #tpu.memory_space<hbm>>) target(%dma_start3A_140 : memref<125x64xf32, #tpu.memory_space<vmem_shared>>) target_semaphore(%run_scoped3A : memref<!tpu.dma_semaphore, #tpu.memory_space<semaphore_mem>>)
        %dma_wait3A_141 = arith.constant 0 : i32
        %dma_wait3A_142 = tpu.memref_slice %arg19[%add3A_78, %dma_wait3A_141] : memref<10000x64xf32, #tpu.memory_space<vmem_shared>> -> memref<125x64xf32, #tpu.memory_space<vmem_shared>>
        tpu.wait_dma2 semaphore(%run_scoped3A : memref<!tpu.dma_semaphore, #tpu.memory_space<semaphore_mem>>) src(%arg4 : memref<125x64xf32, #tpu.memory_space<hbm>>) dst(%dma_wait3A_142 : memref<125x64xf32, #tpu.memory_space<vmem_shared>>)
        tpu.yield
      }) : () -> ()
      %mul3A_79 = arith.constant 1000 : i32
      %mul3A_80 = arith.muli %arg1, %mul3A_79 : i32
      %add3A_81 = arith.constant 0 : i32
      %add3A_82 = arith.addi %mul3A_80, %add3A_81 : i32
      "tpu.region"() ({
        %run_scoped3A = tpu.sem_alloc : memref<!tpu.dma_semaphore, #tpu.memory_space<semaphore_mem>>
        %dma_start3A_139 = arith.constant 0 : i32
        %dma_start3A_140 = tpu.memref_slice %arg20[%add3A_82, %dma_start3A_139] : memref<10000x8xf32, #tpu.memory_space<vmem_shared>> -> memref<125x8xf32, #tpu.memory_space<vmem_shared>>
        tpu.enqueue_dma source(%arg5 : memref<125x8xf32, #tpu.memory_space<hbm>>) target(%dma_start3A_140 : memref<125x8xf32, #tpu.memory_space<vmem_shared>>) target_semaphore(%run_scoped3A : memref<!tpu.dma_semaphore, #tpu.memory_space<semaphore_mem>>)
        %dma_wait3A_141 = arith.constant 0 : i32
        %dma_wait3A_142 = tpu.memref_slice %arg20[%add3A_82, %dma_wait3A_141] : memref<10000x8xf32, #tpu.memory_space<vmem_shared>> -> memref<125x8xf32, #tpu.memory_space<vmem_shared>>
        tpu.wait_dma2 semaphore(%run_scoped3A : memref<!tpu.dma_semaphore, #tpu.memory_space<semaphore_mem>>) src(%arg5 : memref<125x8xf32, #tpu.memory_space<hbm>>) dst(%dma_wait3A_142 : memref<125x8xf32, #tpu.memory_space<vmem_shared>>)
        tpu.yield
      }) : () -> ()
      %mul3A_83 = arith.constant 1000 : i32
      %mul3A_84 = arith.muli %arg1, %mul3A_83 : i32
      %add3A_85 = arith.constant 125 : i32
      %add3A_86 = arith.addi %mul3A_84, %add3A_85 : i32
      "tpu.region"() ({
        %run_scoped3A = tpu.sem_alloc : memref<!tpu.dma_semaphore, #tpu.memory_space<semaphore_mem>>
        %dma_start3A_139 = arith.constant 0 : i32
        %dma_start3A_140 = tpu.memref_slice %arg19[%add3A_86, %dma_start3A_139] : memref<10000x64xf32, #tpu.memory_space<vmem_shared>> -> memref<125x64xf32, #tpu.memory_space<vmem_shared>>
        tpu.enqueue_dma source(%arg4 : memref<125x64xf32, #tpu.memory_space<hbm>>) target(%dma_start3A_140 : memref<125x64xf32, #tpu.memory_space<vmem_shared>>) target_semaphore(%run_scoped3A : memref<!tpu.dma_semaphore, #tpu.memory_space<semaphore_mem>>)
        %dma_wait3A_141 = arith.constant 0 : i32
        %dma_wait3A_142 = tpu.memref_slice %arg19[%add3A_86, %dma_wait3A_141] : memref<10000x64xf32, #tpu.memory_space<vmem_shared>> -> memref<125x64xf32, #tpu.memory_space<vmem_shared>>
        tpu.wait_dma2 semaphore(%run_scoped3A : memref<!tpu.dma_semaphore, #tpu.memory_space<semaphore_mem>>) src(%arg4 : memref<125x64xf32, #tpu.memory_space<hbm>>) dst(%dma_wait3A_142 : memref<125x64xf32, #tpu.memory_space<vmem_shared>>)
        tpu.yield
      }) : () -> ()
      %mul3A_87 = arith.constant 1000 : i32
      %mul3A_88 = arith.muli %arg1, %mul3A_87 : i32
      %add3A_89 = arith.constant 125 : i32
      %add3A_90 = arith.addi %mul3A_88, %add3A_89 : i32
      "tpu.region"() ({
        %run_scoped3A = tpu.sem_alloc : memref<!tpu.dma_semaphore, #tpu.memory_space<semaphore_mem>>
        %dma_start3A_139 = arith.constant 0 : i32
        %dma_start3A_140 = tpu.memref_slice %arg20[%add3A_90, %dma_start3A_139] : memref<10000x8xf32, #tpu.memory_space<vmem_shared>> -> memref<125x8xf32, #tpu.memory_space<vmem_shared>>
        tpu.enqueue_dma source(%arg5 : memref<125x8xf32, #tpu.memory_space<hbm>>) target(%dma_start3A_140 : memref<125x8xf32, #tpu.memory_space<vmem_shared>>) target_semaphore(%run_scoped3A : memref<!tpu.dma_semaphore, #tpu.memory_space<semaphore_mem>>)
        %dma_wait3A_141 = arith.constant 0 : i32
        %dma_wait3A_142 = tpu.memref_slice %arg20[%add3A_90, %dma_wait3A_141] : memref<10000x8xf32, #tpu.memory_space<vmem_shared>> -> memref<125x8xf32, #tpu.memory_space<vmem_shared>>
        tpu.wait_dma2 semaphore(%run_scoped3A : memref<!tpu.dma_semaphore, #tpu.memory_space<semaphore_mem>>) src(%arg5 : memref<125x8xf32, #tpu.memory_space<hbm>>) dst(%dma_wait3A_142 : memref<125x8xf32, #tpu.memory_space<vmem_shared>>)
        tpu.yield
      }) : () -> ()
      %mul3A_91 = arith.constant 1000 : i32
      %mul3A_92 = arith.muli %arg1, %mul3A_91 : i32
      %add3A_93 = arith.constant 250 : i32
      %add3A_94 = arith.addi %mul3A_92, %add3A_93 : i32
      "tpu.region"() ({
        %run_scoped3A = tpu.sem_alloc : memref<!tpu.dma_semaphore, #tpu.memory_space<semaphore_mem>>
        %dma_start3A_139 = arith.constant 0 : i32
        %dma_start3A_140 = tpu.memref_slice %arg19[%add3A_94, %dma_start3A_139] : memref<10000x64xf32, #tpu.memory_space<vmem_shared>> -> memref<125x64xf32, #tpu.memory_space<vmem_shared>>
        tpu.enqueue_dma source(%arg4 : memref<125x64xf32, #tpu.memory_space<hbm>>) target(%dma_start3A_140 : memref<125x64xf32, #tpu.memory_space<vmem_shared>>) target_semaphore(%run_scoped3A : memref<!tpu.dma_semaphore, #tpu.memory_space<semaphore_mem>>)
        %dma_wait3A_141 = arith.constant 0 : i32
        %dma_wait3A_142 = tpu.memref_slice %arg19[%add3A_94, %dma_wait3A_141] : memref<10000x64xf32, #tpu.memory_space<vmem_shared>> -> memref<125x64xf32, #tpu.memory_space<vmem_shared>>
        tpu.wait_dma2 semaphore(%run_scoped3A : memref<!tpu.dma_semaphore, #tpu.memory_space<semaphore_mem>>) src(%arg4 : memref<125x64xf32, #tpu.memory_space<hbm>>) dst(%dma_wait3A_142 : memref<125x64xf32, #tpu.memory_space<vmem_shared>>)
        tpu.yield
      }) : () -> ()
      %mul3A_95 = arith.constant 1000 : i32
      %mul3A_96 = arith.muli %arg1, %mul3A_95 : i32
      %add3A_97 = arith.constant 250 : i32
      %add3A_98 = arith.addi %mul3A_96, %add3A_97 : i32
      "tpu.region"() ({
        %run_scoped3A = tpu.sem_alloc : memref<!tpu.dma_semaphore, #tpu.memory_space<semaphore_mem>>
        %dma_start3A_139 = arith.constant 0 : i32
        %dma_start3A_140 = tpu.memref_slice %arg20[%add3A_98, %dma_start3A_139] : memref<10000x8xf32, #tpu.memory_space<vmem_shared>> -> memref<125x8xf32, #tpu.memory_space<vmem_shared>>
        tpu.enqueue_dma source(%arg5 : memref<125x8xf32, #tpu.memory_space<hbm>>) target(%dma_start3A_140 : memref<125x8xf32, #tpu.memory_space<vmem_shared>>) target_semaphore(%run_scoped3A : memref<!tpu.dma_semaphore, #tpu.memory_space<semaphore_mem>>)
        %dma_wait3A_141 = arith.constant 0 : i32
        %dma_wait3A_142 = tpu.memref_slice %arg20[%add3A_98, %dma_wait3A_141] : memref<10000x8xf32, #tpu.memory_space<vmem_shared>> -> memref<125x8xf32, #tpu.memory_space<vmem_shared>>
        tpu.wait_dma2 semaphore(%run_scoped3A : memref<!tpu.dma_semaphore, #tpu.memory_space<semaphore_mem>>) src(%arg5 : memref<125x8xf32, #tpu.memory_space<hbm>>) dst(%dma_wait3A_142 : memref<125x8xf32, #tpu.memory_space<vmem_shared>>)
        tpu.yield
      }) : () -> ()
      %mul3A_99 = arith.constant 1000 : i32
      %mul3A_100 = arith.muli %arg1, %mul3A_99 : i32
      %add3A_101 = arith.constant 375 : i32
      %add3A_102 = arith.addi %mul3A_100, %add3A_101 : i32
      "tpu.region"() ({
        %run_scoped3A = tpu.sem_alloc : memref<!tpu.dma_semaphore, #tpu.memory_space<semaphore_mem>>
        %dma_start3A_139 = arith.constant 0 : i32
        %dma_start3A_140 = tpu.memref_slice %arg19[%add3A_102, %dma_start3A_139] : memref<10000x64xf32, #tpu.memory_space<vmem_shared>> -> memref<125x64xf32, #tpu.memory_space<vmem_shared>>
        tpu.enqueue_dma source(%arg4 : memref<125x64xf32, #tpu.memory_space<hbm>>) target(%dma_start3A_140 : memref<125x64xf32, #tpu.memory_space<vmem_shared>>) target_semaphore(%run_scoped3A : memref<!tpu.dma_semaphore, #tpu.memory_space<semaphore_mem>>)
        %dma_wait3A_141 = arith.constant 0 : i32
        %dma_wait3A_142 = tpu.memref_slice %arg19[%add3A_102, %dma_wait3A_141] : memref<10000x64xf32, #tpu.memory_space<vmem_shared>> -> memref<125x64xf32, #tpu.memory_space<vmem_shared>>
        tpu.wait_dma2 semaphore(%run_scoped3A : memref<!tpu.dma_semaphore, #tpu.memory_space<semaphore_mem>>) src(%arg4 : memref<125x64xf32, #tpu.memory_space<hbm>>) dst(%dma_wait3A_142 : memref<125x64xf32, #tpu.memory_space<vmem_shared>>)
        tpu.yield
      }) : () -> ()
      %mul3A_103 = arith.constant 1000 : i32
      %mul3A_104 = arith.muli %arg1, %mul3A_103 : i32
      %add3A_105 = arith.constant 375 : i32
      %add3A_106 = arith.addi %mul3A_104, %add3A_105 : i32
      "tpu.region"() ({
        %run_scoped3A = tpu.sem_alloc : memref<!tpu.dma_semaphore, #tpu.memory_space<semaphore_mem>>
        %dma_start3A_139 = arith.constant 0 : i32
        %dma_start3A_140 = tpu.memref_slice %arg20[%add3A_106, %dma_start3A_139] : memref<10000x8xf32, #tpu.memory_space<vmem_shared>> -> memref<125x8xf32, #tpu.memory_space<vmem_shared>>
        tpu.enqueue_dma source(%arg5 : memref<125x8xf32, #tpu.memory_space<hbm>>) target(%dma_start3A_140 : memref<125x8xf32, #tpu.memory_space<vmem_shared>>) target_semaphore(%run_scoped3A : memref<!tpu.dma_semaphore, #tpu.memory_space<semaphore_mem>>)
        %dma_wait3A_141 = arith.constant 0 : i32
        %dma_wait3A_142 = tpu.memref_slice %arg20[%add3A_106, %dma_wait3A_141] : memref<10000x8xf32, #tpu.memory_space<vmem_shared>> -> memref<125x8xf32, #tpu.memory_space<vmem_shared>>
        tpu.wait_dma2 semaphore(%run_scoped3A : memref<!tpu.dma_semaphore, #tpu.memory_space<semaphore_mem>>) src(%arg5 : memref<125x8xf32, #tpu.memory_space<hbm>>) dst(%dma_wait3A_142 : memref<125x8xf32, #tpu.memory_space<vmem_shared>>)
        tpu.yield
      }) : () -> ()
      %mul3A_107 = arith.constant 1000 : i32
      %mul3A_108 = arith.muli %arg1, %mul3A_107 : i32
      %add3A_109 = arith.constant 500 : i32
      %add3A_110 = arith.addi %mul3A_108, %add3A_109 : i32
      "tpu.region"() ({
        %run_scoped3A = tpu.sem_alloc : memref<!tpu.dma_semaphore, #tpu.memory_space<semaphore_mem>>
        %dma_start3A_139 = arith.constant 0 : i32
        %dma_start3A_140 = tpu.memref_slice %arg19[%add3A_110, %dma_start3A_139] : memref<10000x64xf32, #tpu.memory_space<vmem_shared>> -> memref<125x64xf32, #tpu.memory_space<vmem_shared>>
        tpu.enqueue_dma source(%arg4 : memref<125x64xf32, #tpu.memory_space<hbm>>) target(%dma_start3A_140 : memref<125x64xf32, #tpu.memory_space<vmem_shared>>) target_semaphore(%run_scoped3A : memref<!tpu.dma_semaphore, #tpu.memory_space<semaphore_mem>>)
        %dma_wait3A_141 = arith.constant 0 : i32
        %dma_wait3A_142 = tpu.memref_slice %arg19[%add3A_110, %dma_wait3A_141] : memref<10000x64xf32, #tpu.memory_space<vmem_shared>> -> memref<125x64xf32, #tpu.memory_space<vmem_shared>>
        tpu.wait_dma2 semaphore(%run_scoped3A : memref<!tpu.dma_semaphore, #tpu.memory_space<semaphore_mem>>) src(%arg4 : memref<125x64xf32, #tpu.memory_space<hbm>>) dst(%dma_wait3A_142 : memref<125x64xf32, #tpu.memory_space<vmem_shared>>)
        tpu.yield
      }) : () -> ()
      %mul3A_111 = arith.constant 1000 : i32
      %mul3A_112 = arith.muli %arg1, %mul3A_111 : i32
      %add3A_113 = arith.constant 500 : i32
      %add3A_114 = arith.addi %mul3A_112, %add3A_113 : i32
      "tpu.region"() ({
        %run_scoped3A = tpu.sem_alloc : memref<!tpu.dma_semaphore, #tpu.memory_space<semaphore_mem>>
        %dma_start3A_139 = arith.constant 0 : i32
        %dma_start3A_140 = tpu.memref_slice %arg20[%add3A_114, %dma_start3A_139] : memref<10000x8xf32, #tpu.memory_space<vmem_shared>> -> memref<125x8xf32, #tpu.memory_space<vmem_shared>>
        tpu.enqueue_dma source(%arg5 : memref<125x8xf32, #tpu.memory_space<hbm>>) target(%dma_start3A_140 : memref<125x8xf32, #tpu.memory_space<vmem_shared>>) target_semaphore(%run_scoped3A : memref<!tpu.dma_semaphore, #tpu.memory_space<semaphore_mem>>)
        %dma_wait3A_141 = arith.constant 0 : i32
        %dma_wait3A_142 = tpu.memref_slice %arg20[%add3A_114, %dma_wait3A_141] : memref<10000x8xf32, #tpu.memory_space<vmem_shared>> -> memref<125x8xf32, #tpu.memory_space<vmem_shared>>
        tpu.wait_dma2 semaphore(%run_scoped3A : memref<!tpu.dma_semaphore, #tpu.memory_space<semaphore_mem>>) src(%arg5 : memref<125x8xf32, #tpu.memory_space<hbm>>) dst(%dma_wait3A_142 : memref<125x8xf32, #tpu.memory_space<vmem_shared>>)
        tpu.yield
      }) : () -> ()
      %mul3A_115 = arith.constant 1000 : i32
      %mul3A_116 = arith.muli %arg1, %mul3A_115 : i32
      %add3A_117 = arith.constant 625 : i32
      %add3A_118 = arith.addi %mul3A_116, %add3A_117 : i32
      "tpu.region"() ({
        %run_scoped3A = tpu.sem_alloc : memref<!tpu.dma_semaphore, #tpu.memory_space<semaphore_mem>>
        %dma_start3A_139 = arith.constant 0 : i32
        %dma_start3A_140 = tpu.memref_slice %arg19[%add3A_118, %dma_start3A_139] : memref<10000x64xf32, #tpu.memory_space<vmem_shared>> -> memref<125x64xf32, #tpu.memory_space<vmem_shared>>
        tpu.enqueue_dma source(%arg4 : memref<125x64xf32, #tpu.memory_space<hbm>>) target(%dma_start3A_140 : memref<125x64xf32, #tpu.memory_space<vmem_shared>>) target_semaphore(%run_scoped3A : memref<!tpu.dma_semaphore, #tpu.memory_space<semaphore_mem>>)
        %dma_wait3A_141 = arith.constant 0 : i32
        %dma_wait3A_142 = tpu.memref_slice %arg19[%add3A_118, %dma_wait3A_141] : memref<10000x64xf32, #tpu.memory_space<vmem_shared>> -> memref<125x64xf32, #tpu.memory_space<vmem_shared>>
        tpu.wait_dma2 semaphore(%run_scoped3A : memref<!tpu.dma_semaphore, #tpu.memory_space<semaphore_mem>>) src(%arg4 : memref<125x64xf32, #tpu.memory_space<hbm>>) dst(%dma_wait3A_142 : memref<125x64xf32, #tpu.memory_space<vmem_shared>>)
        tpu.yield
      }) : () -> ()
      %mul3A_119 = arith.constant 1000 : i32
      %mul3A_120 = arith.muli %arg1, %mul3A_119 : i32
      %add3A_121 = arith.constant 625 : i32
      %add3A_122 = arith.addi %mul3A_120, %add3A_121 : i32
      "tpu.region"() ({
        %run_scoped3A = tpu.sem_alloc : memref<!tpu.dma_semaphore, #tpu.memory_space<semaphore_mem>>
        %dma_start3A_139 = arith.constant 0 : i32
        %dma_start3A_140 = tpu.memref_slice %arg20[%add3A_122, %dma_start3A_139] : memref<10000x8xf32, #tpu.memory_space<vmem_shared>> -> memref<125x8xf32, #tpu.memory_space<vmem_shared>>
        tpu.enqueue_dma source(%arg5 : memref<125x8xf32, #tpu.memory_space<hbm>>) target(%dma_start3A_140 : memref<125x8xf32, #tpu.memory_space<vmem_shared>>) target_semaphore(%run_scoped3A : memref<!tpu.dma_semaphore, #tpu.memory_space<semaphore_mem>>)
        %dma_wait3A_141 = arith.constant 0 : i32
        %dma_wait3A_142 = tpu.memref_slice %arg20[%add3A_122, %dma_wait3A_141] : memref<10000x8xf32, #tpu.memory_space<vmem_shared>> -> memref<125x8xf32, #tpu.memory_space<vmem_shared>>
        tpu.wait_dma2 semaphore(%run_scoped3A : memref<!tpu.dma_semaphore, #tpu.memory_space<semaphore_mem>>) src(%arg5 : memref<125x8xf32, #tpu.memory_space<hbm>>) dst(%dma_wait3A_142 : memref<125x8xf32, #tpu.memory_space<vmem_shared>>)
        tpu.yield
      }) : () -> ()
      %mul3A_123 = arith.constant 1000 : i32
      %mul3A_124 = arith.muli %arg1, %mul3A_123 : i32
      %add3A_125 = arith.constant 750 : i32
      %add3A_126 = arith.addi %mul3A_124, %add3A_125 : i32
      "tpu.region"() ({
        %run_scoped3A = tpu.sem_alloc : memref<!tpu.dma_semaphore, #tpu.memory_space<semaphore_mem>>
        %dma_start3A_139 = arith.constant 0 : i32
        %dma_start3A_140 = tpu.memref_slice %arg19[%add3A_126, %dma_start3A_139] : memref<10000x64xf32, #tpu.memory_space<vmem_shared>> -> memref<125x64xf32, #tpu.memory_space<vmem_shared>>
        tpu.enqueue_dma source(%arg4 : memref<125x64xf32, #tpu.memory_space<hbm>>) target(%dma_start3A_140 : memref<125x64xf32, #tpu.memory_space<vmem_shared>>) target_semaphore(%run_scoped3A : memref<!tpu.dma_semaphore, #tpu.memory_space<semaphore_mem>>)
        %dma_wait3A_141 = arith.constant 0 : i32
        %dma_wait3A_142 = tpu.memref_slice %arg19[%add3A_126, %dma_wait3A_141] : memref<10000x64xf32, #tpu.memory_space<vmem_shared>> -> memref<125x64xf32, #tpu.memory_space<vmem_shared>>
        tpu.wait_dma2 semaphore(%run_scoped3A : memref<!tpu.dma_semaphore, #tpu.memory_space<semaphore_mem>>) src(%arg4 : memref<125x64xf32, #tpu.memory_space<hbm>>) dst(%dma_wait3A_142 : memref<125x64xf32, #tpu.memory_space<vmem_shared>>)
        tpu.yield
      }) : () -> ()
      %mul3A_127 = arith.constant 1000 : i32
      %mul3A_128 = arith.muli %arg1, %mul3A_127 : i32
      %add3A_129 = arith.constant 750 : i32
      %add3A_130 = arith.addi %mul3A_128, %add3A_129 : i32
      "tpu.region"() ({
        %run_scoped3A = tpu.sem_alloc : memref<!tpu.dma_semaphore, #tpu.memory_space<semaphore_mem>>
        %dma_start3A_139 = arith.constant 0 : i32
        %dma_start3A_140 = tpu.memref_slice %arg20[%add3A_130, %dma_start3A_139] : memref<10000x8xf32, #tpu.memory_space<vmem_shared>> -> memref<125x8xf32, #tpu.memory_space<vmem_shared>>
        tpu.enqueue_dma source(%arg5 : memref<125x8xf32, #tpu.memory_space<hbm>>) target(%dma_start3A_140 : memref<125x8xf32, #tpu.memory_space<vmem_shared>>) target_semaphore(%run_scoped3A : memref<!tpu.dma_semaphore, #tpu.memory_space<semaphore_mem>>)
        %dma_wait3A_141 = arith.constant 0 : i32
        %dma_wait3A_142 = tpu.memref_slice %arg20[%add3A_130, %dma_wait3A_141] : memref<10000x8xf32, #tpu.memory_space<vmem_shared>> -> memref<125x8xf32, #tpu.memory_space<vmem_shared>>
        tpu.wait_dma2 semaphore(%run_scoped3A : memref<!tpu.dma_semaphore, #tpu.memory_space<semaphore_mem>>) src(%arg5 : memref<125x8xf32, #tpu.memory_space<hbm>>) dst(%dma_wait3A_142 : memref<125x8xf32, #tpu.memory_space<vmem_shared>>)
        tpu.yield
      }) : () -> ()
      %mul3A_131 = arith.constant 1000 : i32
      %mul3A_132 = arith.muli %arg1, %mul3A_131 : i32
      %add3A_133 = arith.constant 875 : i32
      %add3A_134 = arith.addi %mul3A_132, %add3A_133 : i32
      "tpu.region"() ({
        %run_scoped3A = tpu.sem_alloc : memref<!tpu.dma_semaphore, #tpu.memory_space<semaphore_mem>>
        %dma_start3A_139 = arith.constant 0 : i32
        %dma_start3A_140 = tpu.memref_slice %arg19[%add3A_134, %dma_start3A_139] : memref<10000x64xf32, #tpu.memory_space<vmem_shared>> -> memref<125x64xf32, #tpu.memory_space<vmem_shared>>
        tpu.enqueue_dma source(%arg4 : memref<125x64xf32, #tpu.memory_space<hbm>>) target(%dma_start3A_140 : memref<125x64xf32, #tpu.memory_space<vmem_shared>>) target_semaphore(%run_scoped3A : memref<!tpu.dma_semaphore, #tpu.memory_space<semaphore_mem>>)
        %dma_wait3A_141 = arith.constant 0 : i32
        %dma_wait3A_142 = tpu.memref_slice %arg19[%add3A_134, %dma_wait3A_141] : memref<10000x64xf32, #tpu.memory_space<vmem_shared>> -> memref<125x64xf32, #tpu.memory_space<vmem_shared>>
        tpu.wait_dma2 semaphore(%run_scoped3A : memref<!tpu.dma_semaphore, #tpu.memory_space<semaphore_mem>>) src(%arg4 : memref<125x64xf32, #tpu.memory_space<hbm>>) dst(%dma_wait3A_142 : memref<125x64xf32, #tpu.memory_space<vmem_shared>>)
        tpu.yield
      }) : () -> ()
      %mul3A_135 = arith.constant 1000 : i32
      %mul3A_136 = arith.muli %arg1, %mul3A_135 : i32
      %add3A_137 = arith.constant 875 : i32
      %add3A_138 = arith.addi %mul3A_136, %add3A_137 : i32
      "tpu.region"() ({
        %run_scoped3A = tpu.sem_alloc : memref<!tpu.dma_semaphore, #tpu.memory_space<semaphore_mem>>
        %dma_start3A_139 = arith.constant 0 : i32
        %dma_start3A_140 = tpu.memref_slice %arg20[%add3A_138, %dma_start3A_139] : memref<10000x8xf32, #tpu.memory_space<vmem_shared>> -> memref<125x8xf32, #tpu.memory_space<vmem_shared>>
        tpu.enqueue_dma source(%arg5 : memref<125x8xf32, #tpu.memory_space<hbm>>) target(%dma_start3A_140 : memref<125x8xf32, #tpu.memory_space<vmem_shared>>) target_semaphore(%run_scoped3A : memref<!tpu.dma_semaphore, #tpu.memory_space<semaphore_mem>>)
        %dma_wait3A_141 = arith.constant 0 : i32
        %dma_wait3A_142 = tpu.memref_slice %arg20[%add3A_138, %dma_wait3A_141] : memref<10000x8xf32, #tpu.memory_space<vmem_shared>> -> memref<125x8xf32, #tpu.memory_space<vmem_shared>>
        tpu.wait_dma2 semaphore(%run_scoped3A : memref<!tpu.dma_semaphore, #tpu.memory_space<semaphore_mem>>) src(%arg5 : memref<125x8xf32, #tpu.memory_space<hbm>>) dst(%dma_wait3A_142 : memref<125x8xf32, #tpu.memory_space<vmem_shared>>)
        tpu.yield
      }) : () -> ()
    } else {
    }
    %mul3A_4 = arith.constant 160000 : i32
    %mul3A_5 = arith.muli %add3A_1, %mul3A_4 : i32
    %mul3A_6 = arith.constant 10000 : i32
    %mul3A_7 = arith.muli %arg1, %mul3A_6 : i32
    %add3A_8 = arith.addi %mul3A_5, %mul3A_7 : i32
    "tpu.region"() ({
      %run_scoped3A = tpu.sem_alloc : memref<!tpu.dma_semaphore, #tpu.memory_space<semaphore_mem>>
      %dma_start3A_75 = tpu.memref_slice %arg3[%add3A_8] : memref<640000xi32, #tpu.memory_space<hbm>> -> memref<10000xi32, #tpu.memory_space<hbm>>
      %dma_start3A_76 = tpu.memref_slice %arg3[%add3A_8] : memref<640000xi32, #tpu.memory_space<hbm>> -> memref<10000xi32, #tpu.memory_space<hbm>>
      tpu.enqueue_dma source(%dma_start3A_76 : memref<10000xi32, #tpu.memory_space<hbm>>) target(%arg9 : memref<10000xi32, #tpu.memory_space<vmem>>) target_semaphore(%run_scoped3A : memref<!tpu.dma_semaphore, #tpu.memory_space<semaphore_mem>>)
      %dma_wait3A_77 = tpu.memref_slice %arg3[%add3A_8] : memref<640000xi32, #tpu.memory_space<hbm>> -> memref<10000xi32, #tpu.memory_space<hbm>>
      %dma_wait3A_78 = tpu.memref_slice %arg3[%add3A_8] : memref<640000xi32, #tpu.memory_space<hbm>> -> memref<10000xi32, #tpu.memory_space<hbm>>
      tpu.wait_dma2 semaphore(%run_scoped3A : memref<!tpu.dma_semaphore, #tpu.memory_space<semaphore_mem>>) src(%dma_wait3A_78 : memref<10000xi32, #tpu.memory_space<hbm>>) dst(%arg9 : memref<10000xi32, #tpu.memory_space<vmem>>)
      tpu.yield
    }) : () -> ()
    %barrier3A = arith.constant 0 : index
    tpu.barrier barrier_id(%barrier3A)
    %scan3A = arith.constant 0 : i32
    %scan3A_9 = arith.constant 0 : i32
    %scan3A_10 = arith.constant 25 : i32
    %scan3A_11 = arith.addi %scan3A_9, %scan3A_10 : i32
    %scan3A_12 = arith.constant 1 : i32
    %scan3A_13 = scf.for %scan3A_75 = %scan3A_9 to %scan3A_11 step %scan3A_12 iter_args(%scan3A_76 = %scan3A) -> (i32)  : i32 {
      %mul3A_77 = arith.constant 16 : i32
      %mul3A_78 = arith.muli %scan3A_75, %mul3A_77 : i32
      %add3A_79 = arith.constant 0 : i32
      %add3A_80 = arith.addi %add3A_79, %mul3A_78 : i32
      %get3A = arith.index_cast %add3A_80 : i32 to index
      %get3A_81 = tpu.vector_load %arg9[%get3A] {strides = array<i32>} : memref<10000xi32, #tpu.memory_space<vmem>>, vector<16xi32>,
      %get3A_82 = vector.shape_cast %get3A_81 : vector<16xi32> to vector<16xi32>
      %and3A = arith.constant 65535 : i32
      %and3A_83 = vector.broadcast %and3A : i32 to vector<16xi32>
      %and3A_84 = arith.andi %get3A_82, %and3A_83 : vector<16xi32>
      %mul3A_85 = arith.constant 16 : i32
      %mul3A_86 = arith.muli %scan3A_75, %mul3A_85 : i32
      %swap3A = arith.index_cast %mul3A_86 : i32 to index
      %swap3A_87 = tpu.vector_load %arg10[%swap3A] {strides = array<i32>} : memref<400xi32, #tpu.memory_space<vmem>>, vector<16xi32>,
      %swap3A_88 = vector.shape_cast %swap3A_87 : vector<16xi32> to vector<16xi32>
      %swap3A_89 = vector.shape_cast %and3A_84 : vector<16xi32> to vector<16xi32>
      tpu.vector_store %arg10[%swap3A], %swap3A_89 {strides = array<i32>} : memref<400xi32, #tpu.memory_space<vmem>>, vector<16xi32>,
      %shift_right_logical3A = arith.constant 16 : i32
      %shift_right_logical3A_90 = vector.broadcast %shift_right_logical3A : i32 to vector<16xi32>
      %shift_right_logical3A_91 = arith.shrui %get3A_82, %shift_right_logical3A_90 : vector<16xi32>
      %mul3A_92 = arith.constant 16 : i32
      %mul3A_93 = arith.muli %scan3A_75, %mul3A_92 : i32
      %swap3A_94 = arith.index_cast %mul3A_93 : i32 to index
      %swap3A_95 = tpu.vector_load %arg11[%swap3A_94] {strides = array<i32>} : memref<400xi32, #tpu.memory_space<vmem>>, vector<16xi32>,
      %swap3A_96 = vector.shape_cast %swap3A_95 : vector<16xi32> to vector<16xi32>
      %swap3A_97 = vector.shape_cast %shift_right_logical3A_91 : vector<16xi32> to vector<16xi32>
      tpu.vector_store %arg11[%swap3A_94], %swap3A_97 {strides = array<i32>} : memref<400xi32, #tpu.memory_space<vmem>>, vector<16xi32>,
      %scan3A_98 = arith.constant 0 : i32
      scf.yield %scan3A_98 : i32
    }
    %scan3A_14 = arith.constant 25 : i32
    %dma_start3A = arith.constant 0 : i32
    %dma_start3A_15 = arith.constant 0 : i32
    %dma_start3A_16 = tpu.memref_slice %arg2[%dma_start3A, %dma_start3A_15] : memref<40000x64xf32, #tpu.memory_space<hbm>> -> memref<40000x64xf32, #tpu.memory_space<hbm>>
    tpu.enqueue_indirect_dma source(%dma_start3A_16 : memref<40000x64xf32, #tpu.memory_space<hbm>>) target(%arg12 : memref<400x64xf32, #tpu.memory_space<vmem>>) offsets(%arg10 : memref<400xi32, #tpu.memory_space<vmem>>) semaphore(%arg17 : memref<!tpu.dma_semaphore, #tpu.memory_space<semaphore_mem>>)
    %scan3A_17 = arith.constant 0 : i32
    %scan3A_18 = arith.constant 0 : i32
    %scan3A_19 = arith.constant 12 : i32
    %scan3A_20 = arith.addi %scan3A_18, %scan3A_19 : i32
    %scan3A_21 = arith.constant 1 : i32
    %scan3A_22 = scf.for %scan3A_75 = %scan3A_18 to %scan3A_20 step %scan3A_21 iter_args(%scan3A_76 = %scan3A_17) -> (i32)  : i32 {
      %mul3A_77 = arith.constant 2 : i32
      %mul3A_78 = arith.muli %mul3A_77, %scan3A_75 : i32
      %add3A_79 = arith.constant 1 : i32
      %add3A_80 = arith.addi %mul3A_78, %add3A_79 : i32
      %scan3A_81 = arith.constant 0 : i32
      %scan3A_82 = arith.constant 0 : i32
      %scan3A_83 = arith.constant 25 : i32
      %scan3A_84 = arith.addi %scan3A_82, %scan3A_83 : i32
      %scan3A_85 = arith.constant 1 : i32
      %scan3A_86 = scf.for %scan3A_112 = %scan3A_82 to %scan3A_84 step %scan3A_85 iter_args(%scan3A_113 = %scan3A_81) -> (i32)  : i32 {
        %mul3A_114 = arith.constant 400 : i32
        %mul3A_115 = arith.muli %add3A_80, %mul3A_114 : i32
        %mul3A_116 = arith.constant 16 : i32
        %mul3A_117 = arith.muli %scan3A_112, %mul3A_116 : i32
        %add3A_118 = arith.addi %mul3A_115, %mul3A_117 : i32
        %get3A = arith.index_cast %add3A_118 : i32 to index
        %get3A_119 = tpu.vector_load %arg9[%get3A] {strides = array<i32>} : memref<10000xi32, #tpu.memory_space<vmem>>, vector<16xi32>,
        %get3A_120 = vector.shape_cast %get3A_119 : vector<16xi32> to vector<16xi32>
        %and3A = arith.constant 65535 : i32
        %and3A_121 = vector.broadcast %and3A : i32 to vector<16xi32>
        %and3A_122 = arith.andi %get3A_120, %and3A_121 : vector<16xi32>
        %mul3A_123 = arith.constant 16 : i32
        %mul3A_124 = arith.muli %scan3A_112, %mul3A_123 : i32
        %swap3A = arith.index_cast %mul3A_124 : i32 to index
        %swap3A_125 = tpu.vector_load %arg13[%swap3A] {strides = array<i32>} : memref<400xi32, #tpu.memory_space<vmem>>, vector<16xi32>,
        %swap3A_126 = vector.shape_cast %swap3A_125 : vector<16xi32> to vector<16xi32>
        %swap3A_127 = vector.shape_cast %and3A_122 : vector<16xi32> to vector<16xi32>
        tpu.vector_store %arg13[%swap3A], %swap3A_127 {strides = array<i32>} : memref<400xi32, #tpu.memory_space<vmem>>, vector<16xi32>,
        %shift_right_logical3A = arith.constant 16 : i32
        %shift_right_logical3A_128 = vector.broadcast %shift_right_logical3A : i32 to vector<16xi32>
        %shift_right_logical3A_129 = arith.shrui %get3A_120, %shift_right_logical3A_128 : vector<16xi32>
        %mul3A_130 = arith.constant 16 : i32
        %mul3A_131 = arith.muli %scan3A_112, %mul3A_130 : i32
        %swap3A_132 = arith.index_cast %mul3A_131 : i32 to index
        %swap3A_133 = tpu.vector_load %arg14[%swap3A_132] {strides = array<i32>} : memref<400xi32, #tpu.memory_space<vmem>>, vector<16xi32>,
        %swap3A_134 = vector.shape_cast %swap3A_133 : vector<16xi32> to vector<16xi32>
        %swap3A_135 = vector.shape_cast %shift_right_logical3A_129 : vector<16xi32> to vector<16xi32>
        tpu.vector_store %arg14[%swap3A_132], %swap3A_135 {strides = array<i32>} : memref<400xi32, #tpu.memory_space<vmem>>, vector<16xi32>,
        %scan3A_136 = arith.constant 0 : i32
        scf.yield %scan3A_136 : i32
      }
      %scan3A_87 = arith.constant 25 : i32
      %dma_start3A_88 = arith.constant 0 : i32
      %dma_start3A_89 = arith.constant 0 : i32
      %dma_start3A_90 = tpu.memref_slice %arg2[%dma_start3A_88, %dma_start3A_89] : memref<40000x64xf32, #tpu.memory_space<hbm>> -> memref<40000x64xf32, #tpu.memory_space<hbm>>
      tpu.enqueue_indirect_dma source(%dma_start3A_90 : memref<40000x64xf32, #tpu.memory_space<hbm>>) target(%arg15 : memref<400x64xf32, #tpu.memory_space<vmem>>) offsets(%arg13 : memref<400xi32, #tpu.memory_space<vmem>>) semaphore(%arg18 : memref<!tpu.dma_semaphore, #tpu.memory_space<semaphore_mem>>)
      %dma_wait3A_91 = arith.constant 0 : i32
      %dma_wait3A_92 = arith.constant 0 : i32
      %dma_wait3A_93 = tpu.memref_slice %arg2[%dma_wait3A_91, %dma_wait3A_92] : memref<40000x64xf32, #tpu.memory_space<hbm>> -> memref<40000x64xf32, #tpu.memory_space<hbm>>
      tpu.wait_indirect_dma semaphore(%arg17 : memref<!tpu.dma_semaphore, #tpu.memory_space<semaphore_mem>>) src(%dma_wait3A_93 : memref<40000x64xf32, #tpu.memory_space<hbm>>) dst(%arg12 : memref<400x64xf32, #tpu.memory_space<vmem>>)
      "tpu.region"() ({
        %run_scoped3A = tpu.sem_alloc : memref<!tpu.dma_semaphore, #tpu.memory_space<semaphore_mem>>
        %dma_start3A_112 = arith.constant 0 : i32
        %dma_start3A_113 = arith.constant 0 : i32
        %dma_start3A_114 = tpu.memref_slice %arg19[%dma_start3A_112, %dma_start3A_113] : memref<10000x64xf32, #tpu.memory_space<vmem_shared>> -> memref<10000x64xf32, #tpu.memory_space<vmem_shared>>
        tpu.enqueue_indirect_dma source(%arg12 : memref<400x64xf32, #tpu.memory_space<vmem>>) target(%dma_start3A_114 : memref<10000x64xf32, #tpu.memory_space<vmem_shared>>) offsets(%arg11 : memref<400xi32, #tpu.memory_space<vmem>>) semaphore(%run_scoped3A : memref<!tpu.dma_semaphore, #tpu.memory_space<semaphore_mem>>) {add = true}
        %dma_wait3A_115 = arith.constant 0 : i32
        %dma_wait3A_116 = arith.constant 0 : i32
        %dma_wait3A_117 = tpu.memref_slice %arg19[%dma_wait3A_115, %dma_wait3A_116] : memref<10000x64xf32, #tpu.memory_space<vmem_shared>> -> memref<10000x64xf32, #tpu.memory_space<vmem_shared>>
        tpu.wait_indirect_dma semaphore(%run_scoped3A : memref<!tpu.dma_semaphore, #tpu.memory_space<semaphore_mem>>) src(%arg12 : memref<400x64xf32, #tpu.memory_space<vmem>>) dst(%dma_wait3A_117 : memref<10000x64xf32, #tpu.memory_space<vmem_shared>>)
        tpu.yield
      }) : () -> ()
      "tpu.region"() ({
        %run_scoped3A = tpu.sem_alloc : memref<!tpu.dma_semaphore, #tpu.memory_space<semaphore_mem>>
        %dma_start3A_112 = arith.constant 0 : i32
        %dma_start3A_113 = arith.constant 0 : i32
        %dma_start3A_114 = tpu.memref_slice %arg20[%dma_start3A_112, %dma_start3A_113] : memref<10000x8xf32, #tpu.memory_space<vmem_shared>> -> memref<10000x8xf32, #tpu.memory_space<vmem_shared>>
        tpu.enqueue_indirect_dma source(%arg16 : memref<400x8xf32, #tpu.memory_space<vmem>>) target(%dma_start3A_114 : memref<10000x8xf32, #tpu.memory_space<vmem_shared>>) offsets(%arg11 : memref<400xi32, #tpu.memory_space<vmem>>) semaphore(%run_scoped3A : memref<!tpu.dma_semaphore, #tpu.memory_space<semaphore_mem>>) {add = true}
        %dma_wait3A_115 = arith.constant 0 : i32
        %dma_wait3A_116 = arith.constant 0 : i32
        %dma_wait3A_117 = tpu.memref_slice %arg20[%dma_wait3A_115, %dma_wait3A_116] : memref<10000x8xf32, #tpu.memory_space<vmem_shared>> -> memref<10000x8xf32, #tpu.memory_space<vmem_shared>>
        tpu.wait_indirect_dma semaphore(%run_scoped3A : memref<!tpu.dma_semaphore, #tpu.memory_space<semaphore_mem>>) src(%arg16 : memref<400x8xf32, #tpu.memory_space<vmem>>) dst(%dma_wait3A_117 : memref<10000x8xf32, #tpu.memory_space<vmem_shared>>)
        tpu.yield
      }) : () -> ()
      %mul3A_94 = arith.constant 2 : i32
      %mul3A_95 = arith.muli %mul3A_94, %scan3A_75 : i32
      %add3A_96 = arith.constant 2 : i32
      %add3A_97 = arith.addi %mul3A_95, %add3A_96 : i32
      %scan3A_98 = arith.constant 0 : i32
      %scan3A_99 = arith.constant 0 : i32
      %scan3A_100 = arith.constant 25 : i32
      %scan3A_101 = arith.addi %scan3A_99, %scan3A_100 : i32
      %scan3A_102 = arith.constant 1 : i32
      %scan3A_103 = scf.for %scan3A_112 = %scan3A_99 to %scan3A_101 step %scan3A_102 iter_args(%scan3A_113 = %scan3A_98) -> (i32)  : i32 {
        %mul3A_114 = arith.constant 400 : i32
        %mul3A_115 = arith.muli %add3A_97, %mul3A_114 : i32
        %mul3A_116 = arith.constant 16 : i32
        %mul3A_117 = arith.muli %scan3A_112, %mul3A_116 : i32
        %add3A_118 = arith.addi %mul3A_115, %mul3A_117 : i32
        %get3A = arith.index_cast %add3A_118 : i32 to index
        %get3A_119 = tpu.vector_load %arg9[%get3A] {strides = array<i32>} : memref<10000xi32, #tpu.memory_space<vmem>>, vector<16xi32>,
        %get3A_120 = vector.shape_cast %get3A_119 : vector<16xi32> to vector<16xi32>
        %and3A = arith.constant 65535 : i32
        %and3A_121 = vector.broadcast %and3A : i32 to vector<16xi32>
        %and3A_122 = arith.andi %get3A_120, %and3A_121 : vector<16xi32>
        %mul3A_123 = arith.constant 16 : i32
        %mul3A_124 = arith.muli %scan3A_112, %mul3A_123 : i32
        %swap3A = arith.index_cast %mul3A_124 : i32 to index
        %swap3A_125 = tpu.vector_load %arg10[%swap3A] {strides = array<i32>} : memref<400xi32, #tpu.memory_space<vmem>>, vector<16xi32>,
        %swap3A_126 = vector.shape_cast %swap3A_125 : vector<16xi32> to vector<16xi32>
        %swap3A_127 = vector.shape_cast %and3A_122 : vector<16xi32> to vector<16xi32>
        tpu.vector_store %arg10[%swap3A], %swap3A_127 {strides = array<i32>} : memref<400xi32, #tpu.memory_space<vmem>>, vector<16xi32>,
        %shift_right_logical3A = arith.constant 16 : i32
        %shift_right_logical3A_128 = vector.broadcast %shift_right_logical3A : i32 to vector<16xi32>
        %shift_right_logical3A_129 = arith.shrui %get3A_120, %shift_right_logical3A_128 : vector<16xi32>
        %mul3A_130 = arith.constant 16 : i32
        %mul3A_131 = arith.muli %scan3A_112, %mul3A_130 : i32
        %swap3A_132 = arith.index_cast %mul3A_131 : i32 to index
        %swap3A_133 = tpu.vector_load %arg11[%swap3A_132] {strides = array<i32>} : memref<400xi32, #tpu.memory_space<vmem>>, vector<16xi32>,
        %swap3A_134 = vector.shape_cast %swap3A_133 : vector<16xi32> to vector<16xi32>
        %swap3A_135 = vector.shape_cast %shift_right_logical3A_129 : vector<16xi32> to vector<16xi32>
        tpu.vector_store %arg11[%swap3A_132], %swap3A_135 {strides = array<i32>} : memref<400xi32, #tpu.memory_space<vmem>>, vector<16xi32>,
        %scan3A_136 = arith.constant 0 : i32
        scf.yield %scan3A_136 : i32
      }
      %scan3A_104 = arith.constant 25 : i32
      %dma_start3A_105 = arith.constant 0 : i32
      %dma_start3A_106 = arith.constant 0 : i32
      %dma_start3A_107 = tpu.memref_slice %arg2[%dma_start3A_105, %dma_start3A_106] : memref<40000x64xf32, #tpu.memory_space<hbm>> -> memref<40000x64xf32, #tpu.memory_space<hbm>>
      tpu.enqueue_indirect_dma source(%dma_start3A_107 : memref<40000x64xf32, #tpu.memory_space<hbm>>) target(%arg12 : memref<400x64xf32, #tpu.memory_space<vmem>>) offsets(%arg10 : memref<400xi32, #tpu.memory_space<vmem>>) semaphore(%arg17 : memref<!tpu.dma_semaphore, #tpu.memory_space<semaphore_mem>>)
      %dma_wait3A_108 = arith.constant 0 : i32
      %dma_wait3A_109 = arith.constant 0 : i32
      %dma_wait3A_110 = tpu.memref_slice %arg2[%dma_wait3A_108, %dma_wait3A_109] : memref<40000x64xf32, #tpu.memory_space<hbm>> -> memref<40000x64xf32, #tpu.memory_space<hbm>>
      tpu.wait_indirect_dma semaphore(%arg18 : memref<!tpu.dma_semaphore, #tpu.memory_space<semaphore_mem>>) src(%dma_wait3A_110 : memref<40000x64xf32, #tpu.memory_space<hbm>>) dst(%arg15 : memref<400x64xf32, #tpu.memory_space<vmem>>)
      "tpu.region"() ({
        %run_scoped3A = tpu.sem_alloc : memref<!tpu.dma_semaphore, #tpu.memory_space<semaphore_mem>>
        %dma_start3A_112 = arith.constant 0 : i32
        %dma_start3A_113 = arith.constant 0 : i32
        %dma_start3A_114 = tpu.memref_slice %arg19[%dma_start3A_112, %dma_start3A_113] : memref<10000x64xf32, #tpu.memory_space<vmem_shared>> -> memref<10000x64xf32, #tpu.memory_space<vmem_shared>>
        tpu.enqueue_indirect_dma source(%arg15 : memref<400x64xf32, #tpu.memory_space<vmem>>) target(%dma_start3A_114 : memref<10000x64xf32, #tpu.memory_space<vmem_shared>>) offsets(%arg14 : memref<400xi32, #tpu.memory_space<vmem>>) semaphore(%run_scoped3A : memref<!tpu.dma_semaphore, #tpu.memory_space<semaphore_mem>>) {add = true}
        %dma_wait3A_115 = arith.constant 0 : i32
        %dma_wait3A_116 = arith.constant 0 : i32
        %dma_wait3A_117 = tpu.memref_slice %arg19[%dma_wait3A_115, %dma_wait3A_116] : memref<10000x64xf32, #tpu.memory_space<vmem_shared>> -> memref<10000x64xf32, #tpu.memory_space<vmem_shared>>
        tpu.wait_indirect_dma semaphore(%run_scoped3A : memref<!tpu.dma_semaphore, #tpu.memory_space<semaphore_mem>>) src(%arg15 : memref<400x64xf32, #tpu.memory_space<vmem>>) dst(%dma_wait3A_117 : memref<10000x64xf32, #tpu.memory_space<vmem_shared>>)
        tpu.yield
      }) : () -> ()
      "tpu.region"() ({
        %run_scoped3A = tpu.sem_alloc : memref<!tpu.dma_semaphore, #tpu.memory_space<semaphore_mem>>
        %dma_start3A_112 = arith.constant 0 : i32
        %dma_start3A_113 = arith.constant 0 : i32
        %dma_start3A_114 = tpu.memref_slice %arg20[%dma_start3A_112, %dma_start3A_113] : memref<10000x8xf32, #tpu.memory_space<vmem_shared>> -> memref<10000x8xf32, #tpu.memory_space<vmem_shared>>
        tpu.enqueue_indirect_dma source(%arg16 : memref<400x8xf32, #tpu.memory_space<vmem>>) target(%dma_start3A_114 : memref<10000x8xf32, #tpu.memory_space<vmem_shared>>) offsets(%arg14 : memref<400xi32, #tpu.memory_space<vmem>>) semaphore(%run_scoped3A : memref<!tpu.dma_semaphore, #tpu.memory_space<semaphore_mem>>) {add = true}
        %dma_wait3A_115 = arith.constant 0 : i32
        %dma_wait3A_116 = arith.constant 0 : i32
        %dma_wait3A_117 = tpu.memref_slice %arg20[%dma_wait3A_115, %dma_wait3A_116] : memref<10000x8xf32, #tpu.memory_space<vmem_shared>> -> memref<10000x8xf32, #tpu.memory_space<vmem_shared>>
        tpu.wait_indirect_dma semaphore(%run_scoped3A : memref<!tpu.dma_semaphore, #tpu.memory_space<semaphore_mem>>) src(%arg16 : memref<400x8xf32, #tpu.memory_space<vmem>>) dst(%dma_wait3A_117 : memref<10000x8xf32, #tpu.memory_space<vmem_shared>>)
        tpu.yield
      }) : () -> ()
      %scan3A_111 = arith.constant 0 : i32
      scf.yield %scan3A_111 : i32
    }
    %scan3A_23 = arith.constant 12 : i32
    %dma_wait3A = arith.constant 0 : i32
    %dma_wait3A_24 = arith.constant 0 : i32
    %dma_wait3A_25 = tpu.memref_slice %arg2[%dma_wait3A, %dma_wait3A_24] : memref<40000x64xf32, #tpu.memory_space<hbm>> -> memref<40000x64xf32, #tpu.memory_space<hbm>>
    tpu.wait_indirect_dma semaphore(%arg17 : memref<!tpu.dma_semaphore, #tpu.memory_space<semaphore_mem>>) src(%dma_wait3A_25 : memref<40000x64xf32, #tpu.memory_space<hbm>>) dst(%arg12 : memref<400x64xf32, #tpu.memory_space<vmem>>)
    "tpu.region"() ({
      %run_scoped3A = tpu.sem_alloc : memref<!tpu.dma_semaphore, #tpu.memory_space<semaphore_mem>>
      %dma_start3A_75 = arith.constant 0 : i32
      %dma_start3A_76 = arith.constant 0 : i32
      %dma_start3A_77 = tpu.memref_slice %arg19[%dma_start3A_75, %dma_start3A_76] : memref<10000x64xf32, #tpu.memory_space<vmem_shared>> -> memref<10000x64xf32, #tpu.memory_space<vmem_shared>>
      tpu.enqueue_indirect_dma source(%arg12 : memref<400x64xf32, #tpu.memory_space<vmem>>) target(%dma_start3A_77 : memref<10000x64xf32, #tpu.memory_space<vmem_shared>>) offsets(%arg11 : memref<400xi32, #tpu.memory_space<vmem>>) semaphore(%run_scoped3A : memref<!tpu.dma_semaphore, #tpu.memory_space<semaphore_mem>>) {add = true}
      %dma_wait3A_78 = arith.constant 0 : i32
      %dma_wait3A_79 = arith.constant 0 : i32
      %dma_wait3A_80 = tpu.memref_slice %arg19[%dma_wait3A_78, %dma_wait3A_79] : memref<10000x64xf32, #tpu.memory_space<vmem_shared>> -> memref<10000x64xf32, #tpu.memory_space<vmem_shared>>
      tpu.wait_indirect_dma semaphore(%run_scoped3A : memref<!tpu.dma_semaphore, #tpu.memory_space<semaphore_mem>>) src(%arg12 : memref<400x64xf32, #tpu.memory_space<vmem>>) dst(%dma_wait3A_80 : memref<10000x64xf32, #tpu.memory_space<vmem_shared>>)
      tpu.yield
    }) : () -> ()
    "tpu.region"() ({
      %run_scoped3A = tpu.sem_alloc : memref<!tpu.dma_semaphore, #tpu.memory_space<semaphore_mem>>
      %dma_start3A_75 = arith.constant 0 : i32
      %dma_start3A_76 = arith.constant 0 : i32
      %dma_start3A_77 = tpu.memref_slice %arg20[%dma_start3A_75, %dma_start3A_76] : memref<10000x8xf32, #tpu.memory_space<vmem_shared>> -> memref<10000x8xf32, #tpu.memory_space<vmem_shared>>
      tpu.enqueue_indirect_dma source(%arg16 : memref<400x8xf32, #tpu.memory_space<vmem>>) target(%dma_start3A_77 : memref<10000x8xf32, #tpu.memory_space<vmem_shared>>) offsets(%arg11 : memref<400xi32, #tpu.memory_space<vmem>>) semaphore(%run_scoped3A : memref<!tpu.dma_semaphore, #tpu.memory_space<semaphore_mem>>) {add = true}
      %dma_wait3A_78 = arith.constant 0 : i32
      %dma_wait3A_79 = arith.constant 0 : i32
      %dma_wait3A_80 = tpu.memref_slice %arg20[%dma_wait3A_78, %dma_wait3A_79] : memref<10000x8xf32, #tpu.memory_space<vmem_shared>> -> memref<10000x8xf32, #tpu.memory_space<vmem_shared>>
      tpu.wait_indirect_dma semaphore(%run_scoped3A : memref<!tpu.dma_semaphore, #tpu.memory_space<semaphore_mem>>) src(%arg16 : memref<400x8xf32, #tpu.memory_space<vmem>>) dst(%dma_wait3A_80 : memref<10000x8xf32, #tpu.memory_space<vmem_shared>>)
      tpu.yield
    }) : () -> ()
    %barrier3A_26 = arith.constant 0 : index
    tpu.barrier barrier_id(%barrier3A_26)
    %lt3A_27 = arith.constant 10 : i32
    %lt3A_28 = arith.cmpi slt, %arg1, %lt3A_27 : i32
    %convert_element_type3A_29 = arith.extui %lt3A_28 : i1 to i32
    %cond3A_30 = arith.constant 0 : i32
    %cond3A_31 = arith.cmpi ne, %convert_element_type3A_29, %cond3A_30 : i32
    scf.if %cond3A_31 {
      %mul3A_75 = arith.constant 1000 : i32
      %mul3A_76 = arith.muli %arg1, %mul3A_75 : i32
      %mul3A_77 = arith.constant 1000 : i32
      %mul3A_78 = arith.muli %arg1, %mul3A_77 : i32
      "tpu.region"() ({
        %run_scoped3A = tpu.sem_alloc : memref<!tpu.dma_semaphore, #tpu.memory_space<semaphore_mem>>
        %dma_start3A_83 = arith.constant 0 : i32
        %dma_start3A_84 = tpu.memref_slice %arg7[%add3A_1, %mul3A_78, %dma_start3A_83] : memref<4x10000x64xf32, #tpu.memory_space<hbm>> -> memref<1x1000x64xf32, #tpu.memory_space<hbm>>
        %dma_start3A_85 = tpu.memref_squeeze %dma_start3A_84 : memref<1x1000x64xf32, #tpu.memory_space<hbm>> -> memref<1000x64xf32, #tpu.memory_space<hbm>>
        %dma_start3A_86 = arith.constant 0 : i32
        %dma_start3A_87 = tpu.memref_slice %arg19[%mul3A_76, %dma_start3A_86] : memref<10000x64xf32, #tpu.memory_space<vmem_shared>> -> memref<1000x64xf32, #tpu.memory_space<vmem_shared>>
        tpu.enqueue_dma source(%dma_start3A_87 : memref<1000x64xf32, #tpu.memory_space<vmem_shared>>) target(%dma_start3A_85 : memref<1000x64xf32, #tpu.memory_space<hbm>>) target_semaphore(%run_scoped3A : memref<!tpu.dma_semaphore, #tpu.memory_space<semaphore_mem>>)
        %dma_wait3A_88 = arith.constant 0 : i32
        %dma_wait3A_89 = tpu.memref_slice %arg7[%add3A_1, %mul3A_78, %dma_wait3A_88] : memref<4x10000x64xf32, #tpu.memory_space<hbm>> -> memref<1x1000x64xf32, #tpu.memory_space<hbm>>
        %dma_wait3A_90 = tpu.memref_squeeze %dma_wait3A_89 : memref<1x1000x64xf32, #tpu.memory_space<hbm>> -> memref<1000x64xf32, #tpu.memory_space<hbm>>
        %dma_wait3A_91 = arith.constant 0 : i32
        %dma_wait3A_92 = tpu.memref_slice %arg19[%mul3A_76, %dma_wait3A_91] : memref<10000x64xf32, #tpu.memory_space<vmem_shared>> -> memref<1000x64xf32, #tpu.memory_space<vmem_shared>>
        tpu.wait_dma2 semaphore(%run_scoped3A : memref<!tpu.dma_semaphore, #tpu.memory_space<semaphore_mem>>) src(%dma_wait3A_92 : memref<1000x64xf32, #tpu.memory_space<vmem_shared>>) dst(%dma_wait3A_90 : memref<1000x64xf32, #tpu.memory_space<hbm>>)
        tpu.yield
      }) : () -> ()
      %mul3A_79 = arith.constant 1000 : i32
      %mul3A_80 = arith.muli %arg1, %mul3A_79 : i32
      %mul3A_81 = arith.constant 1000 : i32
      %mul3A_82 = arith.muli %arg1, %mul3A_81 : i32
      "tpu.region"() ({
        %run_scoped3A = tpu.sem_alloc : memref<!tpu.dma_semaphore, #tpu.memory_space<semaphore_mem>>
        %dma_start3A_83 = arith.constant 0 : i32
        %dma_start3A_84 = tpu.memref_slice %arg8[%add3A_1, %mul3A_82, %dma_start3A_83] : memref<4x10000x8xf32, #tpu.memory_space<hbm>> -> memref<1x1000x8xf32, #tpu.memory_space<hbm>>
        %dma_start3A_85 = tpu.memref_squeeze %dma_start3A_84 : memref<1x1000x8xf32, #tpu.memory_space<hbm>> -> memref<1000x8xf32, #tpu.memory_space<hbm>>
        %dma_start3A_86 = arith.constant 0 : i32
        %dma_start3A_87 = tpu.memref_slice %arg20[%mul3A_80, %dma_start3A_86] : memref<10000x8xf32, #tpu.memory_space<vmem_shared>> -> memref<1000x8xf32, #tpu.memory_space<vmem_shared>>
        tpu.enqueue_dma source(%dma_start3A_87 : memref<1000x8xf32, #tpu.memory_space<vmem_shared>>) target(%dma_start3A_85 : memref<1000x8xf32, #tpu.memory_space<hbm>>) target_semaphore(%run_scoped3A : memref<!tpu.dma_semaphore, #tpu.memory_space<semaphore_mem>>)
        %dma_wait3A_88 = arith.constant 0 : i32
        %dma_wait3A_89 = tpu.memref_slice %arg8[%add3A_1, %mul3A_82, %dma_wait3A_88] : memref<4x10000x8xf32, #tpu.memory_space<hbm>> -> memref<1x1000x8xf32, #tpu.memory_space<hbm>>
        %dma_wait3A_90 = tpu.memref_squeeze %dma_wait3A_89 : memref<1x1000x8xf32, #tpu.memory_space<hbm>> -> memref<1000x8xf32, #tpu.memory_space<hbm>>
        %dma_wait3A_91 = arith.constant 0 : i32
        %dma_wait3A_92 = tpu.memref_slice %arg20[%mul3A_80, %dma_wait3A_91] : memref<10000x8xf32, #tpu.memory_space<vmem_shared>> -> memref<1000x8xf32, #tpu.memory_space<vmem_shared>>
        tpu.wait_dma2 semaphore(%run_scoped3A : memref<!tpu.dma_semaphore, #tpu.memory_space<semaphore_mem>>) src(%dma_wait3A_92 : memref<1000x8xf32, #tpu.memory_space<vmem_shared>>) dst(%dma_wait3A_90 : memref<1000x8xf32, #tpu.memory_space<hbm>>)
        tpu.yield
      }) : () -> ()
    } else {
    }
    %barrier3A_32 = arith.constant 0 : index
    tpu.barrier barrier_id(%barrier3A_32)
    %mul3A_33 = arith.constant 2 : i32
    %mul3A_34 = arith.muli %mul3A_33, %arg0 : i32
    %add3A_35 = arith.constant 1 : i32
    %add3A_36 = arith.addi %mul3A_34, %add3A_35 : i32
    %lt3A_37 = arith.constant 10 : i32
    %lt3A_38 = arith.cmpi slt, %arg1, %lt3A_37 : i32
    %convert_element_type3A_39 = arith.extui %lt3A_38 : i1 to i32
    %cond3A_40 = arith.constant 0 : i32
    %cond3A_41 = arith.cmpi ne, %convert_element_type3A_39, %cond3A_40 : i32
    scf.if %cond3A_41 {
      %mul3A_75 = arith.constant 1000 : i32
      %mul3A_76 = arith.muli %arg1, %mul3A_75 : i32
      %add3A_77 = arith.constant 0 : i32
      %add3A_78 = arith.addi %mul3A_76, %add3A_77 : i32
      "tpu.region"() ({
        %run_scoped3A = tpu.sem_alloc : memref<!tpu.dma_semaphore, #tpu.memory_space<semaphore_mem>>
        %dma_start3A_139 = arith.constant 0 : i32
        %dma_start3A_140 = tpu.memref_slice %arg19[%add3A_78, %dma_start3A_139] : memref<10000x64xf32, #tpu.memory_space<vmem_shared>> -> memref<125x64xf32, #tpu.memory_space<vmem_shared>>
        tpu.enqueue_dma source(%arg4 : memref<125x64xf32, #tpu.memory_space<hbm>>) target(%dma_start3A_140 : memref<125x64xf32, #tpu.memory_space<vmem_shared>>) target_semaphore(%run_scoped3A : memref<!tpu.dma_semaphore, #tpu.memory_space<semaphore_mem>>)
        %dma_wait3A_141 = arith.constant 0 : i32
        %dma_wait3A_142 = tpu.memref_slice %arg19[%add3A_78, %dma_wait3A_141] : memref<10000x64xf32, #tpu.memory_space<vmem_shared>> -> memref<125x64xf32, #tpu.memory_space<vmem_shared>>
        tpu.wait_dma2 semaphore(%run_scoped3A : memref<!tpu.dma_semaphore, #tpu.memory_space<semaphore_mem>>) src(%arg4 : memref<125x64xf32, #tpu.memory_space<hbm>>) dst(%dma_wait3A_142 : memref<125x64xf32, #tpu.memory_space<vmem_shared>>)
        tpu.yield
      }) : () -> ()
      %mul3A_79 = arith.constant 1000 : i32
      %mul3A_80 = arith.muli %arg1, %mul3A_79 : i32
      %add3A_81 = arith.constant 0 : i32
      %add3A_82 = arith.addi %mul3A_80, %add3A_81 : i32
      "tpu.region"() ({
        %run_scoped3A = tpu.sem_alloc : memref<!tpu.dma_semaphore, #tpu.memory_space<semaphore_mem>>
        %dma_start3A_139 = arith.constant 0 : i32
        %dma_start3A_140 = tpu.memref_slice %arg20[%add3A_82, %dma_start3A_139] : memref<10000x8xf32, #tpu.memory_space<vmem_shared>> -> memref<125x8xf32, #tpu.memory_space<vmem_shared>>
        tpu.enqueue_dma source(%arg5 : memref<125x8xf32, #tpu.memory_space<hbm>>) target(%dma_start3A_140 : memref<125x8xf32, #tpu.memory_space<vmem_shared>>) target_semaphore(%run_scoped3A : memref<!tpu.dma_semaphore, #tpu.memory_space<semaphore_mem>>)
        %dma_wait3A_141 = arith.constant 0 : i32
        %dma_wait3A_142 = tpu.memref_slice %arg20[%add3A_82, %dma_wait3A_141] : memref<10000x8xf32, #tpu.memory_space<vmem_shared>> -> memref<125x8xf32, #tpu.memory_space<vmem_shared>>
        tpu.wait_dma2 semaphore(%run_scoped3A : memref<!tpu.dma_semaphore, #tpu.memory_space<semaphore_mem>>) src(%arg5 : memref<125x8xf32, #tpu.memory_space<hbm>>) dst(%dma_wait3A_142 : memref<125x8xf32, #tpu.memory_space<vmem_shared>>)
        tpu.yield
      }) : () -> ()
      %mul3A_83 = arith.constant 1000 : i32
      %mul3A_84 = arith.muli %arg1, %mul3A_83 : i32
      %add3A_85 = arith.constant 125 : i32
      %add3A_86 = arith.addi %mul3A_84, %add3A_85 : i32
      "tpu.region"() ({
        %run_scoped3A = tpu.sem_alloc : memref<!tpu.dma_semaphore, #tpu.memory_space<semaphore_mem>>
        %dma_start3A_139 = arith.constant 0 : i32
        %dma_start3A_140 = tpu.memref_slice %arg19[%add3A_86, %dma_start3A_139] : memref<10000x64xf32, #tpu.memory_space<vmem_shared>> -> memref<125x64xf32, #tpu.memory_space<vmem_shared>>
        tpu.enqueue_dma source(%arg4 : memref<125x64xf32, #tpu.memory_space<hbm>>) target(%dma_start3A_140 : memref<125x64xf32, #tpu.memory_space<vmem_shared>>) target_semaphore(%run_scoped3A : memref<!tpu.dma_semaphore, #tpu.memory_space<semaphore_mem>>)
        %dma_wait3A_141 = arith.constant 0 : i32
        %dma_wait3A_142 = tpu.memref_slice %arg19[%add3A_86, %dma_wait3A_141] : memref<10000x64xf32, #tpu.memory_space<vmem_shared>> -> memref<125x64xf32, #tpu.memory_space<vmem_shared>>
        tpu.wait_dma2 semaphore(%run_scoped3A : memref<!tpu.dma_semaphore, #tpu.memory_space<semaphore_mem>>) src(%arg4 : memref<125x64xf32, #tpu.memory_space<hbm>>) dst(%dma_wait3A_142 : memref<125x64xf32, #tpu.memory_space<vmem_shared>>)
        tpu.yield
      }) : () -> ()
      %mul3A_87 = arith.constant 1000 : i32
      %mul3A_88 = arith.muli %arg1, %mul3A_87 : i32
      %add3A_89 = arith.constant 125 : i32
      %add3A_90 = arith.addi %mul3A_88, %add3A_89 : i32
      "tpu.region"() ({
        %run_scoped3A = tpu.sem_alloc : memref<!tpu.dma_semaphore, #tpu.memory_space<semaphore_mem>>
        %dma_start3A_139 = arith.constant 0 : i32
        %dma_start3A_140 = tpu.memref_slice %arg20[%add3A_90, %dma_start3A_139] : memref<10000x8xf32, #tpu.memory_space<vmem_shared>> -> memref<125x8xf32, #tpu.memory_space<vmem_shared>>
        tpu.enqueue_dma source(%arg5 : memref<125x8xf32, #tpu.memory_space<hbm>>) target(%dma_start3A_140 : memref<125x8xf32, #tpu.memory_space<vmem_shared>>) target_semaphore(%run_scoped3A : memref<!tpu.dma_semaphore, #tpu.memory_space<semaphore_mem>>)
        %dma_wait3A_141 = arith.constant 0 : i32
        %dma_wait3A_142 = tpu.memref_slice %arg20[%add3A_90, %dma_wait3A_141] : memref<10000x8xf32, #tpu.memory_space<vmem_shared>> -> memref<125x8xf32, #tpu.memory_space<vmem_shared>>
        tpu.wait_dma2 semaphore(%run_scoped3A : memref<!tpu.dma_semaphore, #tpu.memory_space<semaphore_mem>>) src(%arg5 : memref<125x8xf32, #tpu.memory_space<hbm>>) dst(%dma_wait3A_142 : memref<125x8xf32, #tpu.memory_space<vmem_shared>>)
        tpu.yield
      }) : () -> ()
      %mul3A_91 = arith.constant 1000 : i32
      %mul3A_92 = arith.muli %arg1, %mul3A_91 : i32
      %add3A_93 = arith.constant 250 : i32
      %add3A_94 = arith.addi %mul3A_92, %add3A_93 : i32
      "tpu.region"() ({
        %run_scoped3A = tpu.sem_alloc : memref<!tpu.dma_semaphore, #tpu.memory_space<semaphore_mem>>
        %dma_start3A_139 = arith.constant 0 : i32
        %dma_start3A_140 = tpu.memref_slice %arg19[%add3A_94, %dma_start3A_139] : memref<10000x64xf32, #tpu.memory_space<vmem_shared>> -> memref<125x64xf32, #tpu.memory_space<vmem_shared>>
        tpu.enqueue_dma source(%arg4 : memref<125x64xf32, #tpu.memory_space<hbm>>) target(%dma_start3A_140 : memref<125x64xf32, #tpu.memory_space<vmem_shared>>) target_semaphore(%run_scoped3A : memref<!tpu.dma_semaphore, #tpu.memory_space<semaphore_mem>>)
        %dma_wait3A_141 = arith.constant 0 : i32
        %dma_wait3A_142 = tpu.memref_slice %arg19[%add3A_94, %dma_wait3A_141] : memref<10000x64xf32, #tpu.memory_space<vmem_shared>> -> memref<125x64xf32, #tpu.memory_space<vmem_shared>>
        tpu.wait_dma2 semaphore(%run_scoped3A : memref<!tpu.dma_semaphore, #tpu.memory_space<semaphore_mem>>) src(%arg4 : memref<125x64xf32, #tpu.memory_space<hbm>>) dst(%dma_wait3A_142 : memref<125x64xf32, #tpu.memory_space<vmem_shared>>)
        tpu.yield
      }) : () -> ()
      %mul3A_95 = arith.constant 1000 : i32
      %mul3A_96 = arith.muli %arg1, %mul3A_95 : i32
      %add3A_97 = arith.constant 250 : i32
      %add3A_98 = arith.addi %mul3A_96, %add3A_97 : i32
      "tpu.region"() ({
        %run_scoped3A = tpu.sem_alloc : memref<!tpu.dma_semaphore, #tpu.memory_space<semaphore_mem>>
        %dma_start3A_139 = arith.constant 0 : i32
        %dma_start3A_140 = tpu.memref_slice %arg20[%add3A_98, %dma_start3A_139] : memref<10000x8xf32, #tpu.memory_space<vmem_shared>> -> memref<125x8xf32, #tpu.memory_space<vmem_shared>>
        tpu.enqueue_dma source(%arg5 : memref<125x8xf32, #tpu.memory_space<hbm>>) target(%dma_start3A_140 : memref<125x8xf32, #tpu.memory_space<vmem_shared>>) target_semaphore(%run_scoped3A : memref<!tpu.dma_semaphore, #tpu.memory_space<semaphore_mem>>)
        %dma_wait3A_141 = arith.constant 0 : i32
        %dma_wait3A_142 = tpu.memref_slice %arg20[%add3A_98, %dma_wait3A_141] : memref<10000x8xf32, #tpu.memory_space<vmem_shared>> -> memref<125x8xf32, #tpu.memory_space<vmem_shared>>
        tpu.wait_dma2 semaphore(%run_scoped3A : memref<!tpu.dma_semaphore, #tpu.memory_space<semaphore_mem>>) src(%arg5 : memref<125x8xf32, #tpu.memory_space<hbm>>) dst(%dma_wait3A_142 : memref<125x8xf32, #tpu.memory_space<vmem_shared>>)
        tpu.yield
      }) : () -> ()
      %mul3A_99 = arith.constant 1000 : i32
      %mul3A_100 = arith.muli %arg1, %mul3A_99 : i32
      %add3A_101 = arith.constant 375 : i32
      %add3A_102 = arith.addi %mul3A_100, %add3A_101 : i32
      "tpu.region"() ({
        %run_scoped3A = tpu.sem_alloc : memref<!tpu.dma_semaphore, #tpu.memory_space<semaphore_mem>>
        %dma_start3A_139 = arith.constant 0 : i32
        %dma_start3A_140 = tpu.memref_slice %arg19[%add3A_102, %dma_start3A_139] : memref<10000x64xf32, #tpu.memory_space<vmem_shared>> -> memref<125x64xf32, #tpu.memory_space<vmem_shared>>
        tpu.enqueue_dma source(%arg4 : memref<125x64xf32, #tpu.memory_space<hbm>>) target(%dma_start3A_140 : memref<125x64xf32, #tpu.memory_space<vmem_shared>>) target_semaphore(%run_scoped3A : memref<!tpu.dma_semaphore, #tpu.memory_space<semaphore_mem>>)
        %dma_wait3A_141 = arith.constant 0 : i32
        %dma_wait3A_142 = tpu.memref_slice %arg19[%add3A_102, %dma_wait3A_141] : memref<10000x64xf32, #tpu.memory_space<vmem_shared>> -> memref<125x64xf32, #tpu.memory_space<vmem_shared>>
        tpu.wait_dma2 semaphore(%run_scoped3A : memref<!tpu.dma_semaphore, #tpu.memory_space<semaphore_mem>>) src(%arg4 : memref<125x64xf32, #tpu.memory_space<hbm>>) dst(%dma_wait3A_142 : memref<125x64xf32, #tpu.memory_space<vmem_shared>>)
        tpu.yield
      }) : () -> ()
      %mul3A_103 = arith.constant 1000 : i32
      %mul3A_104 = arith.muli %arg1, %mul3A_103 : i32
      %add3A_105 = arith.constant 375 : i32
      %add3A_106 = arith.addi %mul3A_104, %add3A_105 : i32
      "tpu.region"() ({
        %run_scoped3A = tpu.sem_alloc : memref<!tpu.dma_semaphore, #tpu.memory_space<semaphore_mem>>
        %dma_start3A_139 = arith.constant 0 : i32
        %dma_start3A_140 = tpu.memref_slice %arg20[%add3A_106, %dma_start3A_139] : memref<10000x8xf32, #tpu.memory_space<vmem_shared>> -> memref<125x8xf32, #tpu.memory_space<vmem_shared>>
        tpu.enqueue_dma source(%arg5 : memref<125x8xf32, #tpu.memory_space<hbm>>) target(%dma_start3A_140 : memref<125x8xf32, #tpu.memory_space<vmem_shared>>) target_semaphore(%run_scoped3A : memref<!tpu.dma_semaphore, #tpu.memory_space<semaphore_mem>>)
        %dma_wait3A_141 = arith.constant 0 : i32
        %dma_wait3A_142 = tpu.memref_slice %arg20[%add3A_106, %dma_wait3A_141] : memref<10000x8xf32, #tpu.memory_space<vmem_shared>> -> memref<125x8xf32, #tpu.memory_space<vmem_shared>>
        tpu.wait_dma2 semaphore(%run_scoped3A : memref<!tpu.dma_semaphore, #tpu.memory_space<semaphore_mem>>) src(%arg5 : memref<125x8xf32, #tpu.memory_space<hbm>>) dst(%dma_wait3A_142 : memref<125x8xf32, #tpu.memory_space<vmem_shared>>)
        tpu.yield
      }) : () -> ()
      %mul3A_107 = arith.constant 1000 : i32
      %mul3A_108 = arith.muli %arg1, %mul3A_107 : i32
      %add3A_109 = arith.constant 500 : i32
      %add3A_110 = arith.addi %mul3A_108, %add3A_109 : i32
      "tpu.region"() ({
        %run_scoped3A = tpu.sem_alloc : memref<!tpu.dma_semaphore, #tpu.memory_space<semaphore_mem>>
        %dma_start3A_139 = arith.constant 0 : i32
        %dma_start3A_140 = tpu.memref_slice %arg19[%add3A_110, %dma_start3A_139] : memref<10000x64xf32, #tpu.memory_space<vmem_shared>> -> memref<125x64xf32, #tpu.memory_space<vmem_shared>>
        tpu.enqueue_dma source(%arg4 : memref<125x64xf32, #tpu.memory_space<hbm>>) target(%dma_start3A_140 : memref<125x64xf32, #tpu.memory_space<vmem_shared>>) target_semaphore(%run_scoped3A : memref<!tpu.dma_semaphore, #tpu.memory_space<semaphore_mem>>)
        %dma_wait3A_141 = arith.constant 0 : i32
        %dma_wait3A_142 = tpu.memref_slice %arg19[%add3A_110, %dma_wait3A_141] : memref<10000x64xf32, #tpu.memory_space<vmem_shared>> -> memref<125x64xf32, #tpu.memory_space<vmem_shared>>
        tpu.wait_dma2 semaphore(%run_scoped3A : memref<!tpu.dma_semaphore, #tpu.memory_space<semaphore_mem>>) src(%arg4 : memref<125x64xf32, #tpu.memory_space<hbm>>) dst(%dma_wait3A_142 : memref<125x64xf32, #tpu.memory_space<vmem_shared>>)
        tpu.yield
      }) : () -> ()
      %mul3A_111 = arith.constant 1000 : i32
      %mul3A_112 = arith.muli %arg1, %mul3A_111 : i32
      %add3A_113 = arith.constant 500 : i32
      %add3A_114 = arith.addi %mul3A_112, %add3A_113 : i32
      "tpu.region"() ({
        %run_scoped3A = tpu.sem_alloc : memref<!tpu.dma_semaphore, #tpu.memory_space<semaphore_mem>>
        %dma_start3A_139 = arith.constant 0 : i32
        %dma_start3A_140 = tpu.memref_slice %arg20[%add3A_114, %dma_start3A_139] : memref<10000x8xf32, #tpu.memory_space<vmem_shared>> -> memref<125x8xf32, #tpu.memory_space<vmem_shared>>
        tpu.enqueue_dma source(%arg5 : memref<125x8xf32, #tpu.memory_space<hbm>>) target(%dma_start3A_140 : memref<125x8xf32, #tpu.memory_space<vmem_shared>>) target_semaphore(%run_scoped3A : memref<!tpu.dma_semaphore, #tpu.memory_space<semaphore_mem>>)
        %dma_wait3A_141 = arith.constant 0 : i32
        %dma_wait3A_142 = tpu.memref_slice %arg20[%add3A_114, %dma_wait3A_141] : memref<10000x8xf32, #tpu.memory_space<vmem_shared>> -> memref<125x8xf32, #tpu.memory_space<vmem_shared>>
        tpu.wait_dma2 semaphore(%run_scoped3A : memref<!tpu.dma_semaphore, #tpu.memory_space<semaphore_mem>>) src(%arg5 : memref<125x8xf32, #tpu.memory_space<hbm>>) dst(%dma_wait3A_142 : memref<125x8xf32, #tpu.memory_space<vmem_shared>>)
        tpu.yield
      }) : () -> ()
      %mul3A_115 = arith.constant 1000 : i32
      %mul3A_116 = arith.muli %arg1, %mul3A_115 : i32
      %add3A_117 = arith.constant 625 : i32
      %add3A_118 = arith.addi %mul3A_116, %add3A_117 : i32
      "tpu.region"() ({
        %run_scoped3A = tpu.sem_alloc : memref<!tpu.dma_semaphore, #tpu.memory_space<semaphore_mem>>
        %dma_start3A_139 = arith.constant 0 : i32
        %dma_start3A_140 = tpu.memref_slice %arg19[%add3A_118, %dma_start3A_139] : memref<10000x64xf32, #tpu.memory_space<vmem_shared>> -> memref<125x64xf32, #tpu.memory_space<vmem_shared>>
        tpu.enqueue_dma source(%arg4 : memref<125x64xf32, #tpu.memory_space<hbm>>) target(%dma_start3A_140 : memref<125x64xf32, #tpu.memory_space<vmem_shared>>) target_semaphore(%run_scoped3A : memref<!tpu.dma_semaphore, #tpu.memory_space<semaphore_mem>>)
        %dma_wait3A_141 = arith.constant 0 : i32
        %dma_wait3A_142 = tpu.memref_slice %arg19[%add3A_118, %dma_wait3A_141] : memref<10000x64xf32, #tpu.memory_space<vmem_shared>> -> memref<125x64xf32, #tpu.memory_space<vmem_shared>>
        tpu.wait_dma2 semaphore(%run_scoped3A : memref<!tpu.dma_semaphore, #tpu.memory_space<semaphore_mem>>) src(%arg4 : memref<125x64xf32, #tpu.memory_space<hbm>>) dst(%dma_wait3A_142 : memref<125x64xf32, #tpu.memory_space<vmem_shared>>)
        tpu.yield
      }) : () -> ()
      %mul3A_119 = arith.constant 1000 : i32
      %mul3A_120 = arith.muli %arg1, %mul3A_119 : i32
      %add3A_121 = arith.constant 625 : i32
      %add3A_122 = arith.addi %mul3A_120, %add3A_121 : i32
      "tpu.region"() ({
        %run_scoped3A = tpu.sem_alloc : memref<!tpu.dma_semaphore, #tpu.memory_space<semaphore_mem>>
        %dma_start3A_139 = arith.constant 0 : i32
        %dma_start3A_140 = tpu.memref_slice %arg20[%add3A_122, %dma_start3A_139] : memref<10000x8xf32, #tpu.memory_space<vmem_shared>> -> memref<125x8xf32, #tpu.memory_space<vmem_shared>>
        tpu.enqueue_dma source(%arg5 : memref<125x8xf32, #tpu.memory_space<hbm>>) target(%dma_start3A_140 : memref<125x8xf32, #tpu.memory_space<vmem_shared>>) target_semaphore(%run_scoped3A : memref<!tpu.dma_semaphore, #tpu.memory_space<semaphore_mem>>)
        %dma_wait3A_141 = arith.constant 0 : i32
        %dma_wait3A_142 = tpu.memref_slice %arg20[%add3A_122, %dma_wait3A_141] : memref<10000x8xf32, #tpu.memory_space<vmem_shared>> -> memref<125x8xf32, #tpu.memory_space<vmem_shared>>
        tpu.wait_dma2 semaphore(%run_scoped3A : memref<!tpu.dma_semaphore, #tpu.memory_space<semaphore_mem>>) src(%arg5 : memref<125x8xf32, #tpu.memory_space<hbm>>) dst(%dma_wait3A_142 : memref<125x8xf32, #tpu.memory_space<vmem_shared>>)
        tpu.yield
      }) : () -> ()
      %mul3A_123 = arith.constant 1000 : i32
      %mul3A_124 = arith.muli %arg1, %mul3A_123 : i32
      %add3A_125 = arith.constant 750 : i32
      %add3A_126 = arith.addi %mul3A_124, %add3A_125 : i32
      "tpu.region"() ({
        %run_scoped3A = tpu.sem_alloc : memref<!tpu.dma_semaphore, #tpu.memory_space<semaphore_mem>>
        %dma_start3A_139 = arith.constant 0 : i32
        %dma_start3A_140 = tpu.memref_slice %arg19[%add3A_126, %dma_start3A_139] : memref<10000x64xf32, #tpu.memory_space<vmem_shared>> -> memref<125x64xf32, #tpu.memory_space<vmem_shared>>
        tpu.enqueue_dma source(%arg4 : memref<125x64xf32, #tpu.memory_space<hbm>>) target(%dma_start3A_140 : memref<125x64xf32, #tpu.memory_space<vmem_shared>>) target_semaphore(%run_scoped3A : memref<!tpu.dma_semaphore, #tpu.memory_space<semaphore_mem>>)
        %dma_wait3A_141 = arith.constant 0 : i32
        %dma_wait3A_142 = tpu.memref_slice %arg19[%add3A_126, %dma_wait3A_141] : memref<10000x64xf32, #tpu.memory_space<vmem_shared>> -> memref<125x64xf32, #tpu.memory_space<vmem_shared>>
        tpu.wait_dma2 semaphore(%run_scoped3A : memref<!tpu.dma_semaphore, #tpu.memory_space<semaphore_mem>>) src(%arg4 : memref<125x64xf32, #tpu.memory_space<hbm>>) dst(%dma_wait3A_142 : memref<125x64xf32, #tpu.memory_space<vmem_shared>>)
        tpu.yield
      }) : () -> ()
      %mul3A_127 = arith.constant 1000 : i32
      %mul3A_128 = arith.muli %arg1, %mul3A_127 : i32
      %add3A_129 = arith.constant 750 : i32
      %add3A_130 = arith.addi %mul3A_128, %add3A_129 : i32
      "tpu.region"() ({
        %run_scoped3A = tpu.sem_alloc : memref<!tpu.dma_semaphore, #tpu.memory_space<semaphore_mem>>
        %dma_start3A_139 = arith.constant 0 : i32
        %dma_start3A_140 = tpu.memref_slice %arg20[%add3A_130, %dma_start3A_139] : memref<10000x8xf32, #tpu.memory_space<vmem_shared>> -> memref<125x8xf32, #tpu.memory_space<vmem_shared>>
        tpu.enqueue_dma source(%arg5 : memref<125x8xf32, #tpu.memory_space<hbm>>) target(%dma_start3A_140 : memref<125x8xf32, #tpu.memory_space<vmem_shared>>) target_semaphore(%run_scoped3A : memref<!tpu.dma_semaphore, #tpu.memory_space<semaphore_mem>>)
        %dma_wait3A_141 = arith.constant 0 : i32
        %dma_wait3A_142 = tpu.memref_slice %arg20[%add3A_130, %dma_wait3A_141] : memref<10000x8xf32, #tpu.memory_space<vmem_shared>> -> memref<125x8xf32, #tpu.memory_space<vmem_shared>>
        tpu.wait_dma2 semaphore(%run_scoped3A : memref<!tpu.dma_semaphore, #tpu.memory_space<semaphore_mem>>) src(%arg5 : memref<125x8xf32, #tpu.memory_space<hbm>>) dst(%dma_wait3A_142 : memref<125x8xf32, #tpu.memory_space<vmem_shared>>)
        tpu.yield
      }) : () -> ()
      %mul3A_131 = arith.constant 1000 : i32
      %mul3A_132 = arith.muli %arg1, %mul3A_131 : i32
      %add3A_133 = arith.constant 875 : i32
      %add3A_134 = arith.addi %mul3A_132, %add3A_133 : i32
      "tpu.region"() ({
        %run_scoped3A = tpu.sem_alloc : memref<!tpu.dma_semaphore, #tpu.memory_space<semaphore_mem>>
        %dma_start3A_139 = arith.constant 0 : i32
        %dma_start3A_140 = tpu.memref_slice %arg19[%add3A_134, %dma_start3A_139] : memref<10000x64xf32, #tpu.memory_space<vmem_shared>> -> memref<125x64xf32, #tpu.memory_space<vmem_shared>>
        tpu.enqueue_dma source(%arg4 : memref<125x64xf32, #tpu.memory_space<hbm>>) target(%dma_start3A_140 : memref<125x64xf32, #tpu.memory_space<vmem_shared>>) target_semaphore(%run_scoped3A : memref<!tpu.dma_semaphore, #tpu.memory_space<semaphore_mem>>)
        %dma_wait3A_141 = arith.constant 0 : i32
        %dma_wait3A_142 = tpu.memref_slice %arg19[%add3A_134, %dma_wait3A_141] : memref<10000x64xf32, #tpu.memory_space<vmem_shared>> -> memref<125x64xf32, #tpu.memory_space<vmem_shared>>
        tpu.wait_dma2 semaphore(%run_scoped3A : memref<!tpu.dma_semaphore, #tpu.memory_space<semaphore_mem>>) src(%arg4 : memref<125x64xf32, #tpu.memory_space<hbm>>) dst(%dma_wait3A_142 : memref<125x64xf32, #tpu.memory_space<vmem_shared>>)
        tpu.yield
      }) : () -> ()
      %mul3A_135 = arith.constant 1000 : i32
      %mul3A_136 = arith.muli %arg1, %mul3A_135 : i32
      %add3A_137 = arith.constant 875 : i32
      %add3A_138 = arith.addi %mul3A_136, %add3A_137 : i32
      "tpu.region"() ({
        %run_scoped3A = tpu.sem_alloc : memref<!tpu.dma_semaphore, #tpu.memory_space<semaphore_mem>>
        %dma_start3A_139 = arith.constant 0 : i32
        %dma_start3A_140 = tpu.memref_slice %arg20[%add3A_138, %dma_start3A_139] : memref<10000x8xf32, #tpu.memory_space<vmem_shared>> -> memref<125x8xf32, #tpu.memory_space<vmem_shared>>
        tpu.enqueue_dma source(%arg5 : memref<125x8xf32, #tpu.memory_space<hbm>>) target(%dma_start3A_140 : memref<125x8xf32, #tpu.memory_space<vmem_shared>>) target_semaphore(%run_scoped3A : memref<!tpu.dma_semaphore, #tpu.memory_space<semaphore_mem>>)
        %dma_wait3A_141 = arith.constant 0 : i32
        %dma_wait3A_142 = tpu.memref_slice %arg20[%add3A_138, %dma_wait3A_141] : memref<10000x8xf32, #tpu.memory_space<vmem_shared>> -> memref<125x8xf32, #tpu.memory_space<vmem_shared>>
        tpu.wait_dma2 semaphore(%run_scoped3A : memref<!tpu.dma_semaphore, #tpu.memory_space<semaphore_mem>>) src(%arg5 : memref<125x8xf32, #tpu.memory_space<hbm>>) dst(%dma_wait3A_142 : memref<125x8xf32, #tpu.memory_space<vmem_shared>>)
        tpu.yield
      }) : () -> ()
    } else {
    }
    %mul3A_42 = arith.constant 160000 : i32
    %mul3A_43 = arith.muli %add3A_36, %mul3A_42 : i32
    %mul3A_44 = arith.constant 10000 : i32
    %mul3A_45 = arith.muli %arg1, %mul3A_44 : i32
    %add3A_46 = arith.addi %mul3A_43, %mul3A_45 : i32
    "tpu.region"() ({
      %run_scoped3A = tpu.sem_alloc : memref<!tpu.dma_semaphore, #tpu.memory_space<semaphore_mem>>
      %dma_start3A_75 = tpu.memref_slice %arg3[%add3A_46] : memref<640000xi32, #tpu.memory_space<hbm>> -> memref<10000xi32, #tpu.memory_space<hbm>>
      %dma_start3A_76 = tpu.memref_slice %arg3[%add3A_46] : memref<640000xi32, #tpu.memory_space<hbm>> -> memref<10000xi32, #tpu.memory_space<hbm>>
      tpu.enqueue_dma source(%dma_start3A_76 : memref<10000xi32, #tpu.memory_space<hbm>>) target(%arg9 : memref<10000xi32, #tpu.memory_space<vmem>>) target_semaphore(%run_scoped3A : memref<!tpu.dma_semaphore, #tpu.memory_space<semaphore_mem>>)
      %dma_wait3A_77 = tpu.memref_slice %arg3[%add3A_46] : memref<640000xi32, #tpu.memory_space<hbm>> -> memref<10000xi32, #tpu.memory_space<hbm>>
      %dma_wait3A_78 = tpu.memref_slice %arg3[%add3A_46] : memref<640000xi32, #tpu.memory_space<hbm>> -> memref<10000xi32, #tpu.memory_space<hbm>>
      tpu.wait_dma2 semaphore(%run_scoped3A : memref<!tpu.dma_semaphore, #tpu.memory_space<semaphore_mem>>) src(%dma_wait3A_78 : memref<10000xi32, #tpu.memory_space<hbm>>) dst(%arg9 : memref<10000xi32, #tpu.memory_space<vmem>>)
      tpu.yield
    }) : () -> ()
    %barrier3A_47 = arith.constant 0 : index
    tpu.barrier barrier_id(%barrier3A_47)
    %scan3A_48 = arith.constant 0 : i32
    %scan3A_49 = arith.constant 0 : i32
    %scan3A_50 = arith.constant 25 : i32
    %scan3A_51 = arith.addi %scan3A_49, %scan3A_50 : i32
    %scan3A_52 = arith.constant 1 : i32
    %scan3A_53 = scf.for %scan3A_75 = %scan3A_49 to %scan3A_51 step %scan3A_52 iter_args(%scan3A_76 = %scan3A_48) -> (i32)  : i32 {
      %mul3A_77 = arith.constant 16 : i32
      %mul3A_78 = arith.muli %scan3A_75, %mul3A_77 : i32
      %add3A_79 = arith.constant 0 : i32
      %add3A_80 = arith.addi %add3A_79, %mul3A_78 : i32
      %get3A = arith.index_cast %add3A_80 : i32 to index
      %get3A_81 = tpu.vector_load %arg9[%get3A] {strides = array<i32>} : memref<10000xi32, #tpu.memory_space<vmem>>, vector<16xi32>,
      %get3A_82 = vector.shape_cast %get3A_81 : vector<16xi32> to vector<16xi32>
      %and3A = arith.constant 65535 : i32
      %and3A_83 = vector.broadcast %and3A : i32 to vector<16xi32>
      %and3A_84 = arith.andi %get3A_82, %and3A_83 : vector<16xi32>
      %mul3A_85 = arith.constant 16 : i32
      %mul3A_86 = arith.muli %scan3A_75, %mul3A_85 : i32
      %swap3A = arith.index_cast %mul3A_86 : i32 to index
      %swap3A_87 = tpu.vector_load %arg10[%swap3A] {strides = array<i32>} : memref<400xi32, #tpu.memory_space<vmem>>, vector<16xi32>,
      %swap3A_88 = vector.shape_cast %swap3A_87 : vector<16xi32> to vector<16xi32>
      %swap3A_89 = vector.shape_cast %and3A_84 : vector<16xi32> to vector<16xi32>
      tpu.vector_store %arg10[%swap3A], %swap3A_89 {strides = array<i32>} : memref<400xi32, #tpu.memory_space<vmem>>, vector<16xi32>,
      %shift_right_logical3A = arith.constant 16 : i32
      %shift_right_logical3A_90 = vector.broadcast %shift_right_logical3A : i32 to vector<16xi32>
      %shift_right_logical3A_91 = arith.shrui %get3A_82, %shift_right_logical3A_90 : vector<16xi32>
      %mul3A_92 = arith.constant 16 : i32
      %mul3A_93 = arith.muli %scan3A_75, %mul3A_92 : i32
      %swap3A_94 = arith.index_cast %mul3A_93 : i32 to index
      %swap3A_95 = tpu.vector_load %arg11[%swap3A_94] {strides = array<i32>} : memref<400xi32, #tpu.memory_space<vmem>>, vector<16xi32>,
      %swap3A_96 = vector.shape_cast %swap3A_95 : vector<16xi32> to vector<16xi32>
      %swap3A_97 = vector.shape_cast %shift_right_logical3A_91 : vector<16xi32> to vector<16xi32>
      tpu.vector_store %arg11[%swap3A_94], %swap3A_97 {strides = array<i32>} : memref<400xi32, #tpu.memory_space<vmem>>, vector<16xi32>,
      %scan3A_98 = arith.constant 0 : i32
      scf.yield %scan3A_98 : i32
    }
    %scan3A_54 = arith.constant 25 : i32
    %dma_start3A_55 = arith.constant 0 : i32
    %dma_start3A_56 = arith.constant 0 : i32
    %dma_start3A_57 = tpu.memref_slice %arg2[%dma_start3A_55, %dma_start3A_56] : memref<40000x64xf32, #tpu.memory_space<hbm>> -> memref<40000x64xf32, #tpu.memory_space<hbm>>
    tpu.enqueue_indirect_dma source(%dma_start3A_57 : memref<40000x64xf32, #tpu.memory_space<hbm>>) target(%arg12 : memref<400x64xf32, #tpu.memory_space<vmem>>) offsets(%arg10 : memref<400xi32, #tpu.memory_space<vmem>>) semaphore(%arg17 : memref<!tpu.dma_semaphore, #tpu.memory_space<semaphore_mem>>)
    %scan3A_58 = arith.constant 0 : i32
    %scan3A_59 = arith.constant 0 : i32
    %scan3A_60 = arith.constant 12 : i32
    %scan3A_61 = arith.addi %scan3A_59, %scan3A_60 : i32
    %scan3A_62 = arith.constant 1 : i32
    %scan3A_63 = scf.for %scan3A_75 = %scan3A_59 to %scan3A_61 step %scan3A_62 iter_args(%scan3A_76 = %scan3A_58) -> (i32)  : i32 {
      %mul3A_77 = arith.constant 2 : i32
      %mul3A_78 = arith.muli %mul3A_77, %scan3A_75 : i32
      %add3A_79 = arith.constant 1 : i32
      %add3A_80 = arith.addi %mul3A_78, %add3A_79 : i32
      %scan3A_81 = arith.constant 0 : i32
      %scan3A_82 = arith.constant 0 : i32
      %scan3A_83 = arith.constant 25 : i32
      %scan3A_84 = arith.addi %scan3A_82, %scan3A_83 : i32
      %scan3A_85 = arith.constant 1 : i32
      %scan3A_86 = scf.for %scan3A_112 = %scan3A_82 to %scan3A_84 step %scan3A_85 iter_args(%scan3A_113 = %scan3A_81) -> (i32)  : i32 {
        %mul3A_114 = arith.constant 400 : i32
        %mul3A_115 = arith.muli %add3A_80, %mul3A_114 : i32
        %mul3A_116 = arith.constant 16 : i32
        %mul3A_117 = arith.muli %scan3A_112, %mul3A_116 : i32
        %add3A_118 = arith.addi %mul3A_115, %mul3A_117 : i32
        %get3A = arith.index_cast %add3A_118 : i32 to index
        %get3A_119 = tpu.vector_load %arg9[%get3A] {strides = array<i32>} : memref<10000xi32, #tpu.memory_space<vmem>>, vector<16xi32>,
        %get3A_120 = vector.shape_cast %get3A_119 : vector<16xi32> to vector<16xi32>
        %and3A = arith.constant 65535 : i32
        %and3A_121 = vector.broadcast %and3A : i32 to vector<16xi32>
        %and3A_122 = arith.andi %get3A_120, %and3A_121 : vector<16xi32>
        %mul3A_123 = arith.constant 16 : i32
        %mul3A_124 = arith.muli %scan3A_112, %mul3A_123 : i32
        %swap3A = arith.index_cast %mul3A_124 : i32 to index
        %swap3A_125 = tpu.vector_load %arg13[%swap3A] {strides = array<i32>} : memref<400xi32, #tpu.memory_space<vmem>>, vector<16xi32>,
        %swap3A_126 = vector.shape_cast %swap3A_125 : vector<16xi32> to vector<16xi32>
        %swap3A_127 = vector.shape_cast %and3A_122 : vector<16xi32> to vector<16xi32>
        tpu.vector_store %arg13[%swap3A], %swap3A_127 {strides = array<i32>} : memref<400xi32, #tpu.memory_space<vmem>>, vector<16xi32>,
        %shift_right_logical3A = arith.constant 16 : i32
        %shift_right_logical3A_128 = vector.broadcast %shift_right_logical3A : i32 to vector<16xi32>
        %shift_right_logical3A_129 = arith.shrui %get3A_120, %shift_right_logical3A_128 : vector<16xi32>
        %mul3A_130 = arith.constant 16 : i32
        %mul3A_131 = arith.muli %scan3A_112, %mul3A_130 : i32
        %swap3A_132 = arith.index_cast %mul3A_131 : i32 to index
        %swap3A_133 = tpu.vector_load %arg14[%swap3A_132] {strides = array<i32>} : memref<400xi32, #tpu.memory_space<vmem>>, vector<16xi32>,
        %swap3A_134 = vector.shape_cast %swap3A_133 : vector<16xi32> to vector<16xi32>
        %swap3A_135 = vector.shape_cast %shift_right_logical3A_129 : vector<16xi32> to vector<16xi32>
        tpu.vector_store %arg14[%swap3A_132], %swap3A_135 {strides = array<i32>} : memref<400xi32, #tpu.memory_space<vmem>>, vector<16xi32>,
        %scan3A_136 = arith.constant 0 : i32
        scf.yield %scan3A_136 : i32
      }
      %scan3A_87 = arith.constant 25 : i32
      %dma_start3A_88 = arith.constant 0 : i32
      %dma_start3A_89 = arith.constant 0 : i32
      %dma_start3A_90 = tpu.memref_slice %arg2[%dma_start3A_88, %dma_start3A_89] : memref<40000x64xf32, #tpu.memory_space<hbm>> -> memref<40000x64xf32, #tpu.memory_space<hbm>>
      tpu.enqueue_indirect_dma source(%dma_start3A_90 : memref<40000x64xf32, #tpu.memory_space<hbm>>) target(%arg15 : memref<400x64xf32, #tpu.memory_space<vmem>>) offsets(%arg13 : memref<400xi32, #tpu.memory_space<vmem>>) semaphore(%arg18 : memref<!tpu.dma_semaphore, #tpu.memory_space<semaphore_mem>>)
      %dma_wait3A_91 = arith.constant 0 : i32
      %dma_wait3A_92 = arith.constant 0 : i32
      %dma_wait3A_93 = tpu.memref_slice %arg2[%dma_wait3A_91, %dma_wait3A_92] : memref<40000x64xf32, #tpu.memory_space<hbm>> -> memref<40000x64xf32, #tpu.memory_space<hbm>>
      tpu.wait_indirect_dma semaphore(%arg17 : memref<!tpu.dma_semaphore, #tpu.memory_space<semaphore_mem>>) src(%dma_wait3A_93 : memref<40000x64xf32, #tpu.memory_space<hbm>>) dst(%arg12 : memref<400x64xf32, #tpu.memory_space<vmem>>)
      "tpu.region"() ({
        %run_scoped3A = tpu.sem_alloc : memref<!tpu.dma_semaphore, #tpu.memory_space<semaphore_mem>>
        %dma_start3A_112 = arith.constant 0 : i32
        %dma_start3A_113 = arith.constant 0 : i32
        %dma_start3A_114 = tpu.memref_slice %arg19[%dma_start3A_112, %dma_start3A_113] : memref<10000x64xf32, #tpu.memory_space<vmem_shared>> -> memref<10000x64xf32, #tpu.memory_space<vmem_shared>>
        tpu.enqueue_indirect_dma source(%arg12 : memref<400x64xf32, #tpu.memory_space<vmem>>) target(%dma_start3A_114 : memref<10000x64xf32, #tpu.memory_space<vmem_shared>>) offsets(%arg11 : memref<400xi32, #tpu.memory_space<vmem>>) semaphore(%run_scoped3A : memref<!tpu.dma_semaphore, #tpu.memory_space<semaphore_mem>>) {add = true}
        %dma_wait3A_115 = arith.constant 0 : i32
        %dma_wait3A_116 = arith.constant 0 : i32
        %dma_wait3A_117 = tpu.memref_slice %arg19[%dma_wait3A_115, %dma_wait3A_116] : memref<10000x64xf32, #tpu.memory_space<vmem_shared>> -> memref<10000x64xf32, #tpu.memory_space<vmem_shared>>
        tpu.wait_indirect_dma semaphore(%run_scoped3A : memref<!tpu.dma_semaphore, #tpu.memory_space<semaphore_mem>>) src(%arg12 : memref<400x64xf32, #tpu.memory_space<vmem>>) dst(%dma_wait3A_117 : memref<10000x64xf32, #tpu.memory_space<vmem_shared>>)
        tpu.yield
      }) : () -> ()
      "tpu.region"() ({
        %run_scoped3A = tpu.sem_alloc : memref<!tpu.dma_semaphore, #tpu.memory_space<semaphore_mem>>
        %dma_start3A_112 = arith.constant 0 : i32
        %dma_start3A_113 = arith.constant 0 : i32
        %dma_start3A_114 = tpu.memref_slice %arg20[%dma_start3A_112, %dma_start3A_113] : memref<10000x8xf32, #tpu.memory_space<vmem_shared>> -> memref<10000x8xf32, #tpu.memory_space<vmem_shared>>
        tpu.enqueue_indirect_dma source(%arg16 : memref<400x8xf32, #tpu.memory_space<vmem>>) target(%dma_start3A_114 : memref<10000x8xf32, #tpu.memory_space<vmem_shared>>) offsets(%arg11 : memref<400xi32, #tpu.memory_space<vmem>>) semaphore(%run_scoped3A : memref<!tpu.dma_semaphore, #tpu.memory_space<semaphore_mem>>) {add = true}
        %dma_wait3A_115 = arith.constant 0 : i32
        %dma_wait3A_116 = arith.constant 0 : i32
        %dma_wait3A_117 = tpu.memref_slice %arg20[%dma_wait3A_115, %dma_wait3A_116] : memref<10000x8xf32, #tpu.memory_space<vmem_shared>> -> memref<10000x8xf32, #tpu.memory_space<vmem_shared>>
        tpu.wait_indirect_dma semaphore(%run_scoped3A : memref<!tpu.dma_semaphore, #tpu.memory_space<semaphore_mem>>) src(%arg16 : memref<400x8xf32, #tpu.memory_space<vmem>>) dst(%dma_wait3A_117 : memref<10000x8xf32, #tpu.memory_space<vmem_shared>>)
        tpu.yield
      }) : () -> ()
      %mul3A_94 = arith.constant 2 : i32
      %mul3A_95 = arith.muli %mul3A_94, %scan3A_75 : i32
      %add3A_96 = arith.constant 2 : i32
      %add3A_97 = arith.addi %mul3A_95, %add3A_96 : i32
      %scan3A_98 = arith.constant 0 : i32
      %scan3A_99 = arith.constant 0 : i32
      %scan3A_100 = arith.constant 25 : i32
      %scan3A_101 = arith.addi %scan3A_99, %scan3A_100 : i32
      %scan3A_102 = arith.constant 1 : i32
      %scan3A_103 = scf.for %scan3A_112 = %scan3A_99 to %scan3A_101 step %scan3A_102 iter_args(%scan3A_113 = %scan3A_98) -> (i32)  : i32 {
        %mul3A_114 = arith.constant 400 : i32
        %mul3A_115 = arith.muli %add3A_97, %mul3A_114 : i32
        %mul3A_116 = arith.constant 16 : i32
        %mul3A_117 = arith.muli %scan3A_112, %mul3A_116 : i32
        %add3A_118 = arith.addi %mul3A_115, %mul3A_117 : i32
        %get3A = arith.index_cast %add3A_118 : i32 to index
        %get3A_119 = tpu.vector_load %arg9[%get3A] {strides = array<i32>} : memref<10000xi32, #tpu.memory_space<vmem>>, vector<16xi32>,
        %get3A_120 = vector.shape_cast %get3A_119 : vector<16xi32> to vector<16xi32>
        %and3A = arith.constant 65535 : i32
        %and3A_121 = vector.broadcast %and3A : i32 to vector<16xi32>
        %and3A_122 = arith.andi %get3A_120, %and3A_121 : vector<16xi32>
        %mul3A_123 = arith.constant 16 : i32
        %mul3A_124 = arith.muli %scan3A_112, %mul3A_123 : i32
        %swap3A = arith.index_cast %mul3A_124 : i32 to index
        %swap3A_125 = tpu.vector_load %arg10[%swap3A] {strides = array<i32>} : memref<400xi32, #tpu.memory_space<vmem>>, vector<16xi32>,
        %swap3A_126 = vector.shape_cast %swap3A_125 : vector<16xi32> to vector<16xi32>
        %swap3A_127 = vector.shape_cast %and3A_122 : vector<16xi32> to vector<16xi32>
        tpu.vector_store %arg10[%swap3A], %swap3A_127 {strides = array<i32>} : memref<400xi32, #tpu.memory_space<vmem>>, vector<16xi32>,
        %shift_right_logical3A = arith.constant 16 : i32
        %shift_right_logical3A_128 = vector.broadcast %shift_right_logical3A : i32 to vector<16xi32>
        %shift_right_logical3A_129 = arith.shrui %get3A_120, %shift_right_logical3A_128 : vector<16xi32>
        %mul3A_130 = arith.constant 16 : i32
        %mul3A_131 = arith.muli %scan3A_112, %mul3A_130 : i32
        %swap3A_132 = arith.index_cast %mul3A_131 : i32 to index
        %swap3A_133 = tpu.vector_load %arg11[%swap3A_132] {strides = array<i32>} : memref<400xi32, #tpu.memory_space<vmem>>, vector<16xi32>,
        %swap3A_134 = vector.shape_cast %swap3A_133 : vector<16xi32> to vector<16xi32>
        %swap3A_135 = vector.shape_cast %shift_right_logical3A_129 : vector<16xi32> to vector<16xi32>
        tpu.vector_store %arg11[%swap3A_132], %swap3A_135 {strides = array<i32>} : memref<400xi32, #tpu.memory_space<vmem>>, vector<16xi32>,
        %scan3A_136 = arith.constant 0 : i32
        scf.yield %scan3A_136 : i32
      }
      %scan3A_104 = arith.constant 25 : i32
      %dma_start3A_105 = arith.constant 0 : i32
      %dma_start3A_106 = arith.constant 0 : i32
      %dma_start3A_107 = tpu.memref_slice %arg2[%dma_start3A_105, %dma_start3A_106] : memref<40000x64xf32, #tpu.memory_space<hbm>> -> memref<40000x64xf32, #tpu.memory_space<hbm>>
      tpu.enqueue_indirect_dma source(%dma_start3A_107 : memref<40000x64xf32, #tpu.memory_space<hbm>>) target(%arg12 : memref<400x64xf32, #tpu.memory_space<vmem>>) offsets(%arg10 : memref<400xi32, #tpu.memory_space<vmem>>) semaphore(%arg17 : memref<!tpu.dma_semaphore, #tpu.memory_space<semaphore_mem>>)
      %dma_wait3A_108 = arith.constant 0 : i32
      %dma_wait3A_109 = arith.constant 0 : i32
      %dma_wait3A_110 = tpu.memref_slice %arg2[%dma_wait3A_108, %dma_wait3A_109] : memref<40000x64xf32, #tpu.memory_space<hbm>> -> memref<40000x64xf32, #tpu.memory_space<hbm>>
      tpu.wait_indirect_dma semaphore(%arg18 : memref<!tpu.dma_semaphore, #tpu.memory_space<semaphore_mem>>) src(%dma_wait3A_110 : memref<40000x64xf32, #tpu.memory_space<hbm>>) dst(%arg15 : memref<400x64xf32, #tpu.memory_space<vmem>>)
      "tpu.region"() ({
        %run_scoped3A = tpu.sem_alloc : memref<!tpu.dma_semaphore, #tpu.memory_space<semaphore_mem>>
        %dma_start3A_112 = arith.constant 0 : i32
        %dma_start3A_113 = arith.constant 0 : i32
        %dma_start3A_114 = tpu.memref_slice %arg19[%dma_start3A_112, %dma_start3A_113] : memref<10000x64xf32, #tpu.memory_space<vmem_shared>> -> memref<10000x64xf32, #tpu.memory_space<vmem_shared>>
        tpu.enqueue_indirect_dma source(%arg15 : memref<400x64xf32, #tpu.memory_space<vmem>>) target(%dma_start3A_114 : memref<10000x64xf32, #tpu.memory_space<vmem_shared>>) offsets(%arg14 : memref<400xi32, #tpu.memory_space<vmem>>) semaphore(%run_scoped3A : memref<!tpu.dma_semaphore, #tpu.memory_space<semaphore_mem>>) {add = true}
        %dma_wait3A_115 = arith.constant 0 : i32
        %dma_wait3A_116 = arith.constant 0 : i32
        %dma_wait3A_117 = tpu.memref_slice %arg19[%dma_wait3A_115, %dma_wait3A_116] : memref<10000x64xf32, #tpu.memory_space<vmem_shared>> -> memref<10000x64xf32, #tpu.memory_space<vmem_shared>>
        tpu.wait_indirect_dma semaphore(%run_scoped3A : memref<!tpu.dma_semaphore, #tpu.memory_space<semaphore_mem>>) src(%arg15 : memref<400x64xf32, #tpu.memory_space<vmem>>) dst(%dma_wait3A_117 : memref<10000x64xf32, #tpu.memory_space<vmem_shared>>)
        tpu.yield
      }) : () -> ()
      "tpu.region"() ({
        %run_scoped3A = tpu.sem_alloc : memref<!tpu.dma_semaphore, #tpu.memory_space<semaphore_mem>>
        %dma_start3A_112 = arith.constant 0 : i32
        %dma_start3A_113 = arith.constant 0 : i32
        %dma_start3A_114 = tpu.memref_slice %arg20[%dma_start3A_112, %dma_start3A_113] : memref<10000x8xf32, #tpu.memory_space<vmem_shared>> -> memref<10000x8xf32, #tpu.memory_space<vmem_shared>>
        tpu.enqueue_indirect_dma source(%arg16 : memref<400x8xf32, #tpu.memory_space<vmem>>) target(%dma_start3A_114 : memref<10000x8xf32, #tpu.memory_space<vmem_shared>>) offsets(%arg14 : memref<400xi32, #tpu.memory_space<vmem>>) semaphore(%run_scoped3A : memref<!tpu.dma_semaphore, #tpu.memory_space<semaphore_mem>>) {add = true}
        %dma_wait3A_115 = arith.constant 0 : i32
        %dma_wait3A_116 = arith.constant 0 : i32
        %dma_wait3A_117 = tpu.memref_slice %arg20[%dma_wait3A_115, %dma_wait3A_116] : memref<10000x8xf32, #tpu.memory_space<vmem_shared>> -> memref<10000x8xf32, #tpu.memory_space<vmem_shared>>
        tpu.wait_indirect_dma semaphore(%run_scoped3A : memref<!tpu.dma_semaphore, #tpu.memory_space<semaphore_mem>>) src(%arg16 : memref<400x8xf32, #tpu.memory_space<vmem>>) dst(%dma_wait3A_117 : memref<10000x8xf32, #tpu.memory_space<vmem_shared>>)
        tpu.yield
      }) : () -> ()
      %scan3A_111 = arith.constant 0 : i32
      scf.yield %scan3A_111 : i32
    }
    %scan3A_64 = arith.constant 12 : i32
    %dma_wait3A_65 = arith.constant 0 : i32
    %dma_wait3A_66 = arith.constant 0 : i32
    %dma_wait3A_67 = tpu.memref_slice %arg2[%dma_wait3A_65, %dma_wait3A_66] : memref<40000x64xf32, #tpu.memory_space<hbm>> -> memref<40000x64xf32, #tpu.memory_space<hbm>>
    tpu.wait_indirect_dma semaphore(%arg17 : memref<!tpu.dma_semaphore, #tpu.memory_space<semaphore_mem>>) src(%dma_wait3A_67 : memref<40000x64xf32, #tpu.memory_space<hbm>>) dst(%arg12 : memref<400x64xf32, #tpu.memory_space<vmem>>)
    "tpu.region"() ({
      %run_scoped3A = tpu.sem_alloc : memref<!tpu.dma_semaphore, #tpu.memory_space<semaphore_mem>>
      %dma_start3A_75 = arith.constant 0 : i32
      %dma_start3A_76 = arith.constant 0 : i32
      %dma_start3A_77 = tpu.memref_slice %arg19[%dma_start3A_75, %dma_start3A_76] : memref<10000x64xf32, #tpu.memory_space<vmem_shared>> -> memref<10000x64xf32, #tpu.memory_space<vmem_shared>>
      tpu.enqueue_indirect_dma source(%arg12 : memref<400x64xf32, #tpu.memory_space<vmem>>) target(%dma_start3A_77 : memref<10000x64xf32, #tpu.memory_space<vmem_shared>>) offsets(%arg11 : memref<400xi32, #tpu.memory_space<vmem>>) semaphore(%run_scoped3A : memref<!tpu.dma_semaphore, #tpu.memory_space<semaphore_mem>>) {add = true}
      %dma_wait3A_78 = arith.constant 0 : i32
      %dma_wait3A_79 = arith.constant 0 : i32
      %dma_wait3A_80 = tpu.memref_slice %arg19[%dma_wait3A_78, %dma_wait3A_79] : memref<10000x64xf32, #tpu.memory_space<vmem_shared>> -> memref<10000x64xf32, #tpu.memory_space<vmem_shared>>
      tpu.wait_indirect_dma semaphore(%run_scoped3A : memref<!tpu.dma_semaphore, #tpu.memory_space<semaphore_mem>>) src(%arg12 : memref<400x64xf32, #tpu.memory_space<vmem>>) dst(%dma_wait3A_80 : memref<10000x64xf32, #tpu.memory_space<vmem_shared>>)
      tpu.yield
    }) : () -> ()
    "tpu.region"() ({
      %run_scoped3A = tpu.sem_alloc : memref<!tpu.dma_semaphore, #tpu.memory_space<semaphore_mem>>
      %dma_start3A_75 = arith.constant 0 : i32
      %dma_start3A_76 = arith.constant 0 : i32
      %dma_start3A_77 = tpu.memref_slice %arg20[%dma_start3A_75, %dma_start3A_76] : memref<10000x8xf32, #tpu.memory_space<vmem_shared>> -> memref<10000x8xf32, #tpu.memory_space<vmem_shared>>
      tpu.enqueue_indirect_dma source(%arg16 : memref<400x8xf32, #tpu.memory_space<vmem>>) target(%dma_start3A_77 : memref<10000x8xf32, #tpu.memory_space<vmem_shared>>) offsets(%arg11 : memref<400xi32, #tpu.memory_space<vmem>>) semaphore(%run_scoped3A : memref<!tpu.dma_semaphore, #tpu.memory_space<semaphore_mem>>) {add = true}
      %dma_wait3A_78 = arith.constant 0 : i32
      %dma_wait3A_79 = arith.constant 0 : i32
      %dma_wait3A_80 = tpu.memref_slice %arg20[%dma_wait3A_78, %dma_wait3A_79] : memref<10000x8xf32, #tpu.memory_space<vmem_shared>> -> memref<10000x8xf32, #tpu.memory_space<vmem_shared>>
      tpu.wait_indirect_dma semaphore(%run_scoped3A : memref<!tpu.dma_semaphore, #tpu.memory_space<semaphore_mem>>) src(%arg16 : memref<400x8xf32, #tpu.memory_space<vmem>>) dst(%dma_wait3A_80 : memref<10000x8xf32, #tpu.memory_space<vmem_shared>>)
      tpu.yield
    }) : () -> ()
    %barrier3A_68 = arith.constant 0 : index
    tpu.barrier barrier_id(%barrier3A_68)
    %lt3A_69 = arith.constant 10 : i32
    %lt3A_70 = arith.cmpi slt, %arg1, %lt3A_69 : i32
    %convert_element_type3A_71 = arith.extui %lt3A_70 : i1 to i32
    %cond3A_72 = arith.constant 0 : i32
    %cond3A_73 = arith.cmpi ne, %convert_element_type3A_71, %cond3A_72 : i32
    scf.if %cond3A_73 {
      %mul3A_75 = arith.constant 1000 : i32
      %mul3A_76 = arith.muli %arg1, %mul3A_75 : i32
      %mul3A_77 = arith.constant 1000 : i32
      %mul3A_78 = arith.muli %arg1, %mul3A_77 : i32
      "tpu.region"() ({
        %run_scoped3A = tpu.sem_alloc : memref<!tpu.dma_semaphore, #tpu.memory_space<semaphore_mem>>
        %dma_start3A_83 = arith.constant 0 : i32
        %dma_start3A_84 = tpu.memref_slice %arg7[%add3A_36, %mul3A_78, %dma_start3A_83] : memref<4x10000x64xf32, #tpu.memory_space<hbm>> -> memref<1x1000x64xf32, #tpu.memory_space<hbm>>
        %dma_start3A_85 = tpu.memref_squeeze %dma_start3A_84 : memref<1x1000x64xf32, #tpu.memory_space<hbm>> -> memref<1000x64xf32, #tpu.memory_space<hbm>>
        %dma_start3A_86 = arith.constant 0 : i32
        %dma_start3A_87 = tpu.memref_slice %arg19[%mul3A_76, %dma_start3A_86] : memref<10000x64xf32, #tpu.memory_space<vmem_shared>> -> memref<1000x64xf32, #tpu.memory_space<vmem_shared>>
        tpu.enqueue_dma source(%dma_start3A_87 : memref<1000x64xf32, #tpu.memory_space<vmem_shared>>) target(%dma_start3A_85 : memref<1000x64xf32, #tpu.memory_space<hbm>>) target_semaphore(%run_scoped3A : memref<!tpu.dma_semaphore, #tpu.memory_space<semaphore_mem>>)
        %dma_wait3A_88 = arith.constant 0 : i32
        %dma_wait3A_89 = tpu.memref_slice %arg7[%add3A_36, %mul3A_78, %dma_wait3A_88] : memref<4x10000x64xf32, #tpu.memory_space<hbm>> -> memref<1x1000x64xf32, #tpu.memory_space<hbm>>
        %dma_wait3A_90 = tpu.memref_squeeze %dma_wait3A_89 : memref<1x1000x64xf32, #tpu.memory_space<hbm>> -> memref<1000x64xf32, #tpu.memory_space<hbm>>
        %dma_wait3A_91 = arith.constant 0 : i32
        %dma_wait3A_92 = tpu.memref_slice %arg19[%mul3A_76, %dma_wait3A_91] : memref<10000x64xf32, #tpu.memory_space<vmem_shared>> -> memref<1000x64xf32, #tpu.memory_space<vmem_shared>>
        tpu.wait_dma2 semaphore(%run_scoped3A : memref<!tpu.dma_semaphore, #tpu.memory_space<semaphore_mem>>) src(%dma_wait3A_92 : memref<1000x64xf32, #tpu.memory_space<vmem_shared>>) dst(%dma_wait3A_90 : memref<1000x64xf32, #tpu.memory_space<hbm>>)
        tpu.yield
      }) : () -> ()
      %mul3A_79 = arith.constant 1000 : i32
      %mul3A_80 = arith.muli %arg1, %mul3A_79 : i32
      %mul3A_81 = arith.constant 1000 : i32
      %mul3A_82 = arith.muli %arg1, %mul3A_81 : i32
      "tpu.region"() ({
        %run_scoped3A = tpu.sem_alloc : memref<!tpu.dma_semaphore, #tpu.memory_space<semaphore_mem>>
        %dma_start3A_83 = arith.constant 0 : i32
        %dma_start3A_84 = tpu.memref_slice %arg8[%add3A_36, %mul3A_82, %dma_start3A_83] : memref<4x10000x8xf32, #tpu.memory_space<hbm>> -> memref<1x1000x8xf32, #tpu.memory_space<hbm>>
        %dma_start3A_85 = tpu.memref_squeeze %dma_start3A_84 : memref<1x1000x8xf32, #tpu.memory_space<hbm>> -> memref<1000x8xf32, #tpu.memory_space<hbm>>
        %dma_start3A_86 = arith.constant 0 : i32
        %dma_start3A_87 = tpu.memref_slice %arg20[%mul3A_80, %dma_start3A_86] : memref<10000x8xf32, #tpu.memory_space<vmem_shared>> -> memref<1000x8xf32, #tpu.memory_space<vmem_shared>>
        tpu.enqueue_dma source(%dma_start3A_87 : memref<1000x8xf32, #tpu.memory_space<vmem_shared>>) target(%dma_start3A_85 : memref<1000x8xf32, #tpu.memory_space<hbm>>) target_semaphore(%run_scoped3A : memref<!tpu.dma_semaphore, #tpu.memory_space<semaphore_mem>>)
        %dma_wait3A_88 = arith.constant 0 : i32
        %dma_wait3A_89 = tpu.memref_slice %arg8[%add3A_36, %mul3A_82, %dma_wait3A_88] : memref<4x10000x8xf32, #tpu.memory_space<hbm>> -> memref<1x1000x8xf32, #tpu.memory_space<hbm>>
        %dma_wait3A_90 = tpu.memref_squeeze %dma_wait3A_89 : memref<1x1000x8xf32, #tpu.memory_space<hbm>> -> memref<1000x8xf32, #tpu.memory_space<hbm>>
        %dma_wait3A_91 = arith.constant 0 : i32
        %dma_wait3A_92 = tpu.memref_slice %arg20[%mul3A_80, %dma_wait3A_91] : memref<10000x8xf32, #tpu.memory_space<vmem_shared>> -> memref<1000x8xf32, #tpu.memory_space<vmem_shared>>
        tpu.wait_dma2 semaphore(%run_scoped3A : memref<!tpu.dma_semaphore, #tpu.memory_space<semaphore_mem>>) src(%dma_wait3A_92 : memref<1000x8xf32, #tpu.memory_space<vmem_shared>>) dst(%dma_wait3A_90 : memref<1000x8xf32, #tpu.memory_space<hbm>>)
        tpu.yield
      }) : () -> ()
    } else {
    }
    %barrier3A_74 = arith.constant 0 : index
    tpu.barrier barrier_id(%barrier3A_74)
    return
  }
}

#map = affine_map<(d0, d1) -> (0, 0)>
#map1 = affine_map<(d0, d1) -> (0)>
#map2 = affine_map<(d0, d1) -> (0, 0, 0)>
module attributes {stable_mosaic.version = 14 : i64} {
  func.func @body(%arg0: i32, %arg1: i32, %arg2: memref<40000x64xf32, #tpu.memory_space<hbm>>, %arg3: memref<640000xi32, #tpu.memory_space<hbm>>, %arg4: memref<125x64xf32, #tpu.memory_space<hbm>>, %arg5: memref<125x8xf32, #tpu.memory_space<hbm>>, %arg6: memref<400x8xf32, #tpu.memory_space<hbm>>, %arg7: memref<4x10000x64xf32, #tpu.memory_space<hbm>>, %arg8: memref<10000xi32, #tpu.memory_space<vmem>>, %arg9: memref<400xi32, #tpu.memory_space<vmem>>, %arg10: memref<400xi32, #tpu.memory_space<vmem>>, %arg11: memref<400x64xf32, #tpu.memory_space<vmem>>, %arg12: memref<400xi32, #tpu.memory_space<vmem>>, %arg13: memref<400xi32, #tpu.memory_space<vmem>>, %arg14: memref<400x64xf32, #tpu.memory_space<vmem>>, %arg15: memref<400x8xf32, #tpu.memory_space<vmem>>, %arg16: memref<!tpu.dma_semaphore, #tpu.memory_space<semaphore_mem>>, %arg17: memref<!tpu.dma_semaphore, #tpu.memory_space<semaphore_mem>>, %arg18: memref<10000x64xf32, #tpu.memory_space<vmem_shared>>, %arg19: memref<10000x8xf32, #tpu.memory_space<vmem_shared>>) attributes {dimension_semantics = [#tpu.dimension_semantics<core_parallel>, #tpu.dimension_semantics<subcore_parallel>], iteration_bounds = array<i64: 2, 16>, scalar_prefetch = 0 : i64, scratch_operands = 12 : i64, tpu.core_type = #tpu.core_type<sc_vector_subcore>, window_params = [{transform_indices = #map}, {transform_indices = #map1}, {transform_indices = #map}, {transform_indices = #map}, {transform_indices = #map}, {transform_indices = #map2}]} {
    %mul3A = arith.constant 2 : i32
    %mul3A_0 = arith.muli %mul3A, %arg0 : i32
    %add3A = arith.constant 0 : i32
    %add3A_1 = arith.addi %mul3A_0, %add3A : i32
    %lt3A = arith.constant 10 : i32
    %lt3A_2 = arith.cmpi slt, %arg1, %lt3A : i32
    %convert_element_type3A = arith.extui %lt3A_2 : i1 to i32
    %cond3A = arith.constant 0 : i32
    %cond3A_3 = arith.cmpi ne, %convert_element_type3A, %cond3A : i32
    scf.if %cond3A_3 {
      %mul3A_75 = arith.constant 1000 : i32
      %mul3A_76 = arith.muli %arg1, %mul3A_75 : i32
      %add3A_77 = arith.constant 0 : i32
      %add3A_78 = arith.addi %mul3A_76, %add3A_77 : i32
      "tpu.region"() ({
        %run_scoped3A = tpu.sem_alloc : memref<!tpu.dma_semaphore, #tpu.memory_space<semaphore_mem>>
        %dma_start3A_107 = arith.constant 0 : i32
        %dma_start3A_108 = tpu.memref_slice %arg18[%add3A_78, %dma_start3A_107] : memref<10000x64xf32, #tpu.memory_space<vmem_shared>> -> memref<125x64xf32, #tpu.memory_space<vmem_shared>>
        tpu.enqueue_dma source(%arg4 : memref<125x64xf32, #tpu.memory_space<hbm>>) target(%dma_start3A_108 : memref<125x64xf32, #tpu.memory_space<vmem_shared>>) target_semaphore(%run_scoped3A : memref<!tpu.dma_semaphore, #tpu.memory_space<semaphore_mem>>)
        %dma_wait3A_109 = arith.constant 0 : i32
        %dma_wait3A_110 = tpu.memref_slice %arg18[%add3A_78, %dma_wait3A_109] : memref<10000x64xf32, #tpu.memory_space<vmem_shared>> -> memref<125x64xf32, #tpu.memory_space<vmem_shared>>
        tpu.wait_dma2 semaphore(%run_scoped3A : memref<!tpu.dma_semaphore, #tpu.memory_space<semaphore_mem>>) src(%arg4 : memref<125x64xf32, #tpu.memory_space<hbm>>) dst(%dma_wait3A_110 : memref<125x64xf32, #tpu.memory_space<vmem_shared>>)
        tpu.yield
      }) : () -> ()
      %mul3A_79 = arith.constant 1000 : i32
      %mul3A_80 = arith.muli %arg1, %mul3A_79 : i32
      %add3A_81 = arith.constant 125 : i32
      %add3A_82 = arith.addi %mul3A_80, %add3A_81 : i32
      "tpu.region"() ({
        %run_scoped3A = tpu.sem_alloc : memref<!tpu.dma_semaphore, #tpu.memory_space<semaphore_mem>>
        %dma_start3A_107 = arith.constant 0 : i32
        %dma_start3A_108 = tpu.memref_slice %arg18[%add3A_82, %dma_start3A_107] : memref<10000x64xf32, #tpu.memory_space<vmem_shared>> -> memref<125x64xf32, #tpu.memory_space<vmem_shared>>
        tpu.enqueue_dma source(%arg4 : memref<125x64xf32, #tpu.memory_space<hbm>>) target(%dma_start3A_108 : memref<125x64xf32, #tpu.memory_space<vmem_shared>>) target_semaphore(%run_scoped3A : memref<!tpu.dma_semaphore, #tpu.memory_space<semaphore_mem>>)
        %dma_wait3A_109 = arith.constant 0 : i32
        %dma_wait3A_110 = tpu.memref_slice %arg18[%add3A_82, %dma_wait3A_109] : memref<10000x64xf32, #tpu.memory_space<vmem_shared>> -> memref<125x64xf32, #tpu.memory_space<vmem_shared>>
        tpu.wait_dma2 semaphore(%run_scoped3A : memref<!tpu.dma_semaphore, #tpu.memory_space<semaphore_mem>>) src(%arg4 : memref<125x64xf32, #tpu.memory_space<hbm>>) dst(%dma_wait3A_110 : memref<125x64xf32, #tpu.memory_space<vmem_shared>>)
        tpu.yield
      }) : () -> ()
      %mul3A_83 = arith.constant 1000 : i32
      %mul3A_84 = arith.muli %arg1, %mul3A_83 : i32
      %add3A_85 = arith.constant 250 : i32
      %add3A_86 = arith.addi %mul3A_84, %add3A_85 : i32
      "tpu.region"() ({
        %run_scoped3A = tpu.sem_alloc : memref<!tpu.dma_semaphore, #tpu.memory_space<semaphore_mem>>
        %dma_start3A_107 = arith.constant 0 : i32
        %dma_start3A_108 = tpu.memref_slice %arg18[%add3A_86, %dma_start3A_107] : memref<10000x64xf32, #tpu.memory_space<vmem_shared>> -> memref<125x64xf32, #tpu.memory_space<vmem_shared>>
        tpu.enqueue_dma source(%arg4 : memref<125x64xf32, #tpu.memory_space<hbm>>) target(%dma_start3A_108 : memref<125x64xf32, #tpu.memory_space<vmem_shared>>) target_semaphore(%run_scoped3A : memref<!tpu.dma_semaphore, #tpu.memory_space<semaphore_mem>>)
        %dma_wait3A_109 = arith.constant 0 : i32
        %dma_wait3A_110 = tpu.memref_slice %arg18[%add3A_86, %dma_wait3A_109] : memref<10000x64xf32, #tpu.memory_space<vmem_shared>> -> memref<125x64xf32, #tpu.memory_space<vmem_shared>>
        tpu.wait_dma2 semaphore(%run_scoped3A : memref<!tpu.dma_semaphore, #tpu.memory_space<semaphore_mem>>) src(%arg4 : memref<125x64xf32, #tpu.memory_space<hbm>>) dst(%dma_wait3A_110 : memref<125x64xf32, #tpu.memory_space<vmem_shared>>)
        tpu.yield
      }) : () -> ()
      %mul3A_87 = arith.constant 1000 : i32
      %mul3A_88 = arith.muli %arg1, %mul3A_87 : i32
      %add3A_89 = arith.constant 375 : i32
      %add3A_90 = arith.addi %mul3A_88, %add3A_89 : i32
      "tpu.region"() ({
        %run_scoped3A = tpu.sem_alloc : memref<!tpu.dma_semaphore, #tpu.memory_space<semaphore_mem>>
        %dma_start3A_107 = arith.constant 0 : i32
        %dma_start3A_108 = tpu.memref_slice %arg18[%add3A_90, %dma_start3A_107] : memref<10000x64xf32, #tpu.memory_space<vmem_shared>> -> memref<125x64xf32, #tpu.memory_space<vmem_shared>>
        tpu.enqueue_dma source(%arg4 : memref<125x64xf32, #tpu.memory_space<hbm>>) target(%dma_start3A_108 : memref<125x64xf32, #tpu.memory_space<vmem_shared>>) target_semaphore(%run_scoped3A : memref<!tpu.dma_semaphore, #tpu.memory_space<semaphore_mem>>)
        %dma_wait3A_109 = arith.constant 0 : i32
        %dma_wait3A_110 = tpu.memref_slice %arg18[%add3A_90, %dma_wait3A_109] : memref<10000x64xf32, #tpu.memory_space<vmem_shared>> -> memref<125x64xf32, #tpu.memory_space<vmem_shared>>
        tpu.wait_dma2 semaphore(%run_scoped3A : memref<!tpu.dma_semaphore, #tpu.memory_space<semaphore_mem>>) src(%arg4 : memref<125x64xf32, #tpu.memory_space<hbm>>) dst(%dma_wait3A_110 : memref<125x64xf32, #tpu.memory_space<vmem_shared>>)
        tpu.yield
      }) : () -> ()
      %mul3A_91 = arith.constant 1000 : i32
      %mul3A_92 = arith.muli %arg1, %mul3A_91 : i32
      %add3A_93 = arith.constant 500 : i32
      %add3A_94 = arith.addi %mul3A_92, %add3A_93 : i32
      "tpu.region"() ({
        %run_scoped3A = tpu.sem_alloc : memref<!tpu.dma_semaphore, #tpu.memory_space<semaphore_mem>>
        %dma_start3A_107 = arith.constant 0 : i32
        %dma_start3A_108 = tpu.memref_slice %arg18[%add3A_94, %dma_start3A_107] : memref<10000x64xf32, #tpu.memory_space<vmem_shared>> -> memref<125x64xf32, #tpu.memory_space<vmem_shared>>
        tpu.enqueue_dma source(%arg4 : memref<125x64xf32, #tpu.memory_space<hbm>>) target(%dma_start3A_108 : memref<125x64xf32, #tpu.memory_space<vmem_shared>>) target_semaphore(%run_scoped3A : memref<!tpu.dma_semaphore, #tpu.memory_space<semaphore_mem>>)
        %dma_wait3A_109 = arith.constant 0 : i32
        %dma_wait3A_110 = tpu.memref_slice %arg18[%add3A_94, %dma_wait3A_109] : memref<10000x64xf32, #tpu.memory_space<vmem_shared>> -> memref<125x64xf32, #tpu.memory_space<vmem_shared>>
        tpu.wait_dma2 semaphore(%run_scoped3A : memref<!tpu.dma_semaphore, #tpu.memory_space<semaphore_mem>>) src(%arg4 : memref<125x64xf32, #tpu.memory_space<hbm>>) dst(%dma_wait3A_110 : memref<125x64xf32, #tpu.memory_space<vmem_shared>>)
        tpu.yield
      }) : () -> ()
      %mul3A_95 = arith.constant 1000 : i32
      %mul3A_96 = arith.muli %arg1, %mul3A_95 : i32
      %add3A_97 = arith.constant 625 : i32
      %add3A_98 = arith.addi %mul3A_96, %add3A_97 : i32
      "tpu.region"() ({
        %run_scoped3A = tpu.sem_alloc : memref<!tpu.dma_semaphore, #tpu.memory_space<semaphore_mem>>
        %dma_start3A_107 = arith.constant 0 : i32
        %dma_start3A_108 = tpu.memref_slice %arg18[%add3A_98, %dma_start3A_107] : memref<10000x64xf32, #tpu.memory_space<vmem_shared>> -> memref<125x64xf32, #tpu.memory_space<vmem_shared>>
        tpu.enqueue_dma source(%arg4 : memref<125x64xf32, #tpu.memory_space<hbm>>) target(%dma_start3A_108 : memref<125x64xf32, #tpu.memory_space<vmem_shared>>) target_semaphore(%run_scoped3A : memref<!tpu.dma_semaphore, #tpu.memory_space<semaphore_mem>>)
        %dma_wait3A_109 = arith.constant 0 : i32
        %dma_wait3A_110 = tpu.memref_slice %arg18[%add3A_98, %dma_wait3A_109] : memref<10000x64xf32, #tpu.memory_space<vmem_shared>> -> memref<125x64xf32, #tpu.memory_space<vmem_shared>>
        tpu.wait_dma2 semaphore(%run_scoped3A : memref<!tpu.dma_semaphore, #tpu.memory_space<semaphore_mem>>) src(%arg4 : memref<125x64xf32, #tpu.memory_space<hbm>>) dst(%dma_wait3A_110 : memref<125x64xf32, #tpu.memory_space<vmem_shared>>)
        tpu.yield
      }) : () -> ()
      %mul3A_99 = arith.constant 1000 : i32
      %mul3A_100 = arith.muli %arg1, %mul3A_99 : i32
      %add3A_101 = arith.constant 750 : i32
      %add3A_102 = arith.addi %mul3A_100, %add3A_101 : i32
      "tpu.region"() ({
        %run_scoped3A = tpu.sem_alloc : memref<!tpu.dma_semaphore, #tpu.memory_space<semaphore_mem>>
        %dma_start3A_107 = arith.constant 0 : i32
        %dma_start3A_108 = tpu.memref_slice %arg18[%add3A_102, %dma_start3A_107] : memref<10000x64xf32, #tpu.memory_space<vmem_shared>> -> memref<125x64xf32, #tpu.memory_space<vmem_shared>>
        tpu.enqueue_dma source(%arg4 : memref<125x64xf32, #tpu.memory_space<hbm>>) target(%dma_start3A_108 : memref<125x64xf32, #tpu.memory_space<vmem_shared>>) target_semaphore(%run_scoped3A : memref<!tpu.dma_semaphore, #tpu.memory_space<semaphore_mem>>)
        %dma_wait3A_109 = arith.constant 0 : i32
        %dma_wait3A_110 = tpu.memref_slice %arg18[%add3A_102, %dma_wait3A_109] : memref<10000x64xf32, #tpu.memory_space<vmem_shared>> -> memref<125x64xf32, #tpu.memory_space<vmem_shared>>
        tpu.wait_dma2 semaphore(%run_scoped3A : memref<!tpu.dma_semaphore, #tpu.memory_space<semaphore_mem>>) src(%arg4 : memref<125x64xf32, #tpu.memory_space<hbm>>) dst(%dma_wait3A_110 : memref<125x64xf32, #tpu.memory_space<vmem_shared>>)
        tpu.yield
      }) : () -> ()
      %mul3A_103 = arith.constant 1000 : i32
      %mul3A_104 = arith.muli %arg1, %mul3A_103 : i32
      %add3A_105 = arith.constant 875 : i32
      %add3A_106 = arith.addi %mul3A_104, %add3A_105 : i32
      "tpu.region"() ({
        %run_scoped3A = tpu.sem_alloc : memref<!tpu.dma_semaphore, #tpu.memory_space<semaphore_mem>>
        %dma_start3A_107 = arith.constant 0 : i32
        %dma_start3A_108 = tpu.memref_slice %arg18[%add3A_106, %dma_start3A_107] : memref<10000x64xf32, #tpu.memory_space<vmem_shared>> -> memref<125x64xf32, #tpu.memory_space<vmem_shared>>
        tpu.enqueue_dma source(%arg4 : memref<125x64xf32, #tpu.memory_space<hbm>>) target(%dma_start3A_108 : memref<125x64xf32, #tpu.memory_space<vmem_shared>>) target_semaphore(%run_scoped3A : memref<!tpu.dma_semaphore, #tpu.memory_space<semaphore_mem>>)
        %dma_wait3A_109 = arith.constant 0 : i32
        %dma_wait3A_110 = tpu.memref_slice %arg18[%add3A_106, %dma_wait3A_109] : memref<10000x64xf32, #tpu.memory_space<vmem_shared>> -> memref<125x64xf32, #tpu.memory_space<vmem_shared>>
        tpu.wait_dma2 semaphore(%run_scoped3A : memref<!tpu.dma_semaphore, #tpu.memory_space<semaphore_mem>>) src(%arg4 : memref<125x64xf32, #tpu.memory_space<hbm>>) dst(%dma_wait3A_110 : memref<125x64xf32, #tpu.memory_space<vmem_shared>>)
        tpu.yield
      }) : () -> ()
    } else {
    }
    %mul3A_4 = arith.constant 160000 : i32
    %mul3A_5 = arith.muli %add3A_1, %mul3A_4 : i32
    %mul3A_6 = arith.constant 10000 : i32
    %mul3A_7 = arith.muli %arg1, %mul3A_6 : i32
    %add3A_8 = arith.addi %mul3A_5, %mul3A_7 : i32
    "tpu.region"() ({
      %run_scoped3A = tpu.sem_alloc : memref<!tpu.dma_semaphore, #tpu.memory_space<semaphore_mem>>
      %dma_start3A_75 = tpu.memref_slice %arg3[%add3A_8] : memref<640000xi32, #tpu.memory_space<hbm>> -> memref<10000xi32, #tpu.memory_space<hbm>>
      %dma_start3A_76 = tpu.memref_slice %arg3[%add3A_8] : memref<640000xi32, #tpu.memory_space<hbm>> -> memref<10000xi32, #tpu.memory_space<hbm>>
      tpu.enqueue_dma source(%dma_start3A_76 : memref<10000xi32, #tpu.memory_space<hbm>>) target(%arg8 : memref<10000xi32, #tpu.memory_space<vmem>>) target_semaphore(%run_scoped3A : memref<!tpu.dma_semaphore, #tpu.memory_space<semaphore_mem>>)
      %dma_wait3A_77 = tpu.memref_slice %arg3[%add3A_8] : memref<640000xi32, #tpu.memory_space<hbm>> -> memref<10000xi32, #tpu.memory_space<hbm>>
      %dma_wait3A_78 = tpu.memref_slice %arg3[%add3A_8] : memref<640000xi32, #tpu.memory_space<hbm>> -> memref<10000xi32, #tpu.memory_space<hbm>>
      tpu.wait_dma2 semaphore(%run_scoped3A : memref<!tpu.dma_semaphore, #tpu.memory_space<semaphore_mem>>) src(%dma_wait3A_78 : memref<10000xi32, #tpu.memory_space<hbm>>) dst(%arg8 : memref<10000xi32, #tpu.memory_space<vmem>>)
      tpu.yield
    }) : () -> ()
    %barrier3A = arith.constant 0 : index
    tpu.barrier barrier_id(%barrier3A)
    %scan3A = arith.constant 0 : i32
    %scan3A_9 = arith.constant 0 : i32
    %scan3A_10 = arith.constant 25 : i32
    %scan3A_11 = arith.addi %scan3A_9, %scan3A_10 : i32
    %scan3A_12 = arith.constant 1 : i32
    %scan3A_13 = scf.for %scan3A_75 = %scan3A_9 to %scan3A_11 step %scan3A_12 iter_args(%scan3A_76 = %scan3A) -> (i32)  : i32 {
      %mul3A_77 = arith.constant 16 : i32
      %mul3A_78 = arith.muli %scan3A_75, %mul3A_77 : i32
      %add3A_79 = arith.constant 0 : i32
      %add3A_80 = arith.addi %add3A_79, %mul3A_78 : i32
      %get3A = arith.index_cast %add3A_80 : i32 to index
      %get3A_81 = tpu.vector_load %arg8[%get3A] {strides = array<i32>} : memref<10000xi32, #tpu.memory_space<vmem>>, vector<16xi32>,
      %get3A_82 = vector.shape_cast %get3A_81 : vector<16xi32> to vector<16xi32>
      %and3A = arith.constant 65535 : i32
      %and3A_83 = vector.broadcast %and3A : i32 to vector<16xi32>
      %and3A_84 = arith.andi %get3A_82, %and3A_83 : vector<16xi32>
      %mul3A_85 = arith.constant 16 : i32
      %mul3A_86 = arith.muli %scan3A_75, %mul3A_85 : i32
      %swap3A = arith.index_cast %mul3A_86 : i32 to index
      %swap3A_87 = tpu.vector_load %arg9[%swap3A] {strides = array<i32>} : memref<400xi32, #tpu.memory_space<vmem>>, vector<16xi32>,
      %swap3A_88 = vector.shape_cast %swap3A_87 : vector<16xi32> to vector<16xi32>
      %swap3A_89 = vector.shape_cast %and3A_84 : vector<16xi32> to vector<16xi32>
      tpu.vector_store %arg9[%swap3A], %swap3A_89 {strides = array<i32>} : memref<400xi32, #tpu.memory_space<vmem>>, vector<16xi32>,
      %shift_right_logical3A = arith.constant 16 : i32
      %shift_right_logical3A_90 = vector.broadcast %shift_right_logical3A : i32 to vector<16xi32>
      %shift_right_logical3A_91 = arith.shrui %get3A_82, %shift_right_logical3A_90 : vector<16xi32>
      %mul3A_92 = arith.constant 16 : i32
      %mul3A_93 = arith.muli %scan3A_75, %mul3A_92 : i32
      %swap3A_94 = arith.index_cast %mul3A_93 : i32 to index
      %swap3A_95 = tpu.vector_load %arg10[%swap3A_94] {strides = array<i32>} : memref<400xi32, #tpu.memory_space<vmem>>, vector<16xi32>,
      %swap3A_96 = vector.shape_cast %swap3A_95 : vector<16xi32> to vector<16xi32>
      %swap3A_97 = vector.shape_cast %shift_right_logical3A_91 : vector<16xi32> to vector<16xi32>
      tpu.vector_store %arg10[%swap3A_94], %swap3A_97 {strides = array<i32>} : memref<400xi32, #tpu.memory_space<vmem>>, vector<16xi32>,
      %scan3A_98 = arith.constant 0 : i32
      scf.yield %scan3A_98 : i32
    }
    %scan3A_14 = arith.constant 25 : i32
    %dma_start3A = arith.constant 0 : i32
    %dma_start3A_15 = arith.constant 0 : i32
    %dma_start3A_16 = tpu.memref_slice %arg2[%dma_start3A, %dma_start3A_15] : memref<40000x64xf32, #tpu.memory_space<hbm>> -> memref<40000x64xf32, #tpu.memory_space<hbm>>
    tpu.enqueue_indirect_dma source(%dma_start3A_16 : memref<40000x64xf32, #tpu.memory_space<hbm>>) target(%arg11 : memref<400x64xf32, #tpu.memory_space<vmem>>) offsets(%arg9 : memref<400xi32, #tpu.memory_space<vmem>>) semaphore(%arg16 : memref<!tpu.dma_semaphore, #tpu.memory_space<semaphore_mem>>)
    %scan3A_17 = arith.constant 0 : i32
    %scan3A_18 = arith.constant 0 : i32
    %scan3A_19 = arith.constant 12 : i32
    %scan3A_20 = arith.addi %scan3A_18, %scan3A_19 : i32
    %scan3A_21 = arith.constant 1 : i32
    %scan3A_22 = scf.for %scan3A_75 = %scan3A_18 to %scan3A_20 step %scan3A_21 iter_args(%scan3A_76 = %scan3A_17) -> (i32)  : i32 {
      %mul3A_77 = arith.constant 2 : i32
      %mul3A_78 = arith.muli %mul3A_77, %scan3A_75 : i32
      %add3A_79 = arith.constant 1 : i32
      %add3A_80 = arith.addi %mul3A_78, %add3A_79 : i32
      %scan3A_81 = arith.constant 0 : i32
      %scan3A_82 = arith.constant 0 : i32
      %scan3A_83 = arith.constant 25 : i32
      %scan3A_84 = arith.addi %scan3A_82, %scan3A_83 : i32
      %scan3A_85 = arith.constant 1 : i32
      %scan3A_86 = scf.for %scan3A_112 = %scan3A_82 to %scan3A_84 step %scan3A_85 iter_args(%scan3A_113 = %scan3A_81) -> (i32)  : i32 {
        %mul3A_114 = arith.constant 400 : i32
        %mul3A_115 = arith.muli %add3A_80, %mul3A_114 : i32
        %mul3A_116 = arith.constant 16 : i32
        %mul3A_117 = arith.muli %scan3A_112, %mul3A_116 : i32
        %add3A_118 = arith.addi %mul3A_115, %mul3A_117 : i32
        %get3A = arith.index_cast %add3A_118 : i32 to index
        %get3A_119 = tpu.vector_load %arg8[%get3A] {strides = array<i32>} : memref<10000xi32, #tpu.memory_space<vmem>>, vector<16xi32>,
        %get3A_120 = vector.shape_cast %get3A_119 : vector<16xi32> to vector<16xi32>
        %and3A = arith.constant 65535 : i32
        %and3A_121 = vector.broadcast %and3A : i32 to vector<16xi32>
        %and3A_122 = arith.andi %get3A_120, %and3A_121 : vector<16xi32>
        %mul3A_123 = arith.constant 16 : i32
        %mul3A_124 = arith.muli %scan3A_112, %mul3A_123 : i32
        %swap3A = arith.index_cast %mul3A_124 : i32 to index
        %swap3A_125 = tpu.vector_load %arg12[%swap3A] {strides = array<i32>} : memref<400xi32, #tpu.memory_space<vmem>>, vector<16xi32>,
        %swap3A_126 = vector.shape_cast %swap3A_125 : vector<16xi32> to vector<16xi32>
        %swap3A_127 = vector.shape_cast %and3A_122 : vector<16xi32> to vector<16xi32>
        tpu.vector_store %arg12[%swap3A], %swap3A_127 {strides = array<i32>} : memref<400xi32, #tpu.memory_space<vmem>>, vector<16xi32>,
        %shift_right_logical3A = arith.constant 16 : i32
        %shift_right_logical3A_128 = vector.broadcast %shift_right_logical3A : i32 to vector<16xi32>
        %shift_right_logical3A_129 = arith.shrui %get3A_120, %shift_right_logical3A_128 : vector<16xi32>
        %mul3A_130 = arith.constant 16 : i32
        %mul3A_131 = arith.muli %scan3A_112, %mul3A_130 : i32
        %swap3A_132 = arith.index_cast %mul3A_131 : i32 to index
        %swap3A_133 = tpu.vector_load %arg13[%swap3A_132] {strides = array<i32>} : memref<400xi32, #tpu.memory_space<vmem>>, vector<16xi32>,
        %swap3A_134 = vector.shape_cast %swap3A_133 : vector<16xi32> to vector<16xi32>
        %swap3A_135 = vector.shape_cast %shift_right_logical3A_129 : vector<16xi32> to vector<16xi32>
        tpu.vector_store %arg13[%swap3A_132], %swap3A_135 {strides = array<i32>} : memref<400xi32, #tpu.memory_space<vmem>>, vector<16xi32>,
        %scan3A_136 = arith.constant 0 : i32
        scf.yield %scan3A_136 : i32
      }
      %scan3A_87 = arith.constant 25 : i32
      %dma_start3A_88 = arith.constant 0 : i32
      %dma_start3A_89 = arith.constant 0 : i32
      %dma_start3A_90 = tpu.memref_slice %arg2[%dma_start3A_88, %dma_start3A_89] : memref<40000x64xf32, #tpu.memory_space<hbm>> -> memref<40000x64xf32, #tpu.memory_space<hbm>>
      tpu.enqueue_indirect_dma source(%dma_start3A_90 : memref<40000x64xf32, #tpu.memory_space<hbm>>) target(%arg14 : memref<400x64xf32, #tpu.memory_space<vmem>>) offsets(%arg12 : memref<400xi32, #tpu.memory_space<vmem>>) semaphore(%arg17 : memref<!tpu.dma_semaphore, #tpu.memory_space<semaphore_mem>>)
      %dma_wait3A_91 = arith.constant 0 : i32
      %dma_wait3A_92 = arith.constant 0 : i32
      %dma_wait3A_93 = tpu.memref_slice %arg2[%dma_wait3A_91, %dma_wait3A_92] : memref<40000x64xf32, #tpu.memory_space<hbm>> -> memref<40000x64xf32, #tpu.memory_space<hbm>>
      tpu.wait_indirect_dma semaphore(%arg16 : memref<!tpu.dma_semaphore, #tpu.memory_space<semaphore_mem>>) src(%dma_wait3A_93 : memref<40000x64xf32, #tpu.memory_space<hbm>>) dst(%arg11 : memref<400x64xf32, #tpu.memory_space<vmem>>)
      "tpu.region"() ({
        %run_scoped3A = tpu.sem_alloc : memref<!tpu.dma_semaphore, #tpu.memory_space<semaphore_mem>>
        %dma_start3A_112 = arith.constant 0 : i32
        %dma_start3A_113 = arith.constant 0 : i32
        %dma_start3A_114 = tpu.memref_slice %arg18[%dma_start3A_112, %dma_start3A_113] : memref<10000x64xf32, #tpu.memory_space<vmem_shared>> -> memref<10000x64xf32, #tpu.memory_space<vmem_shared>>
        tpu.enqueue_indirect_dma source(%arg11 : memref<400x64xf32, #tpu.memory_space<vmem>>) target(%dma_start3A_114 : memref<10000x64xf32, #tpu.memory_space<vmem_shared>>) offsets(%arg10 : memref<400xi32, #tpu.memory_space<vmem>>) semaphore(%run_scoped3A : memref<!tpu.dma_semaphore, #tpu.memory_space<semaphore_mem>>) {add = true}
        %dma_wait3A_115 = arith.constant 0 : i32
        %dma_wait3A_116 = arith.constant 0 : i32
        %dma_wait3A_117 = tpu.memref_slice %arg18[%dma_wait3A_115, %dma_wait3A_116] : memref<10000x64xf32, #tpu.memory_space<vmem_shared>> -> memref<10000x64xf32, #tpu.memory_space<vmem_shared>>
        tpu.wait_indirect_dma semaphore(%run_scoped3A : memref<!tpu.dma_semaphore, #tpu.memory_space<semaphore_mem>>) src(%arg11 : memref<400x64xf32, #tpu.memory_space<vmem>>) dst(%dma_wait3A_117 : memref<10000x64xf32, #tpu.memory_space<vmem_shared>>)
        tpu.yield
      }) : () -> ()
      %mul3A_94 = arith.constant 2 : i32
      %mul3A_95 = arith.muli %mul3A_94, %scan3A_75 : i32
      %add3A_96 = arith.constant 2 : i32
      %add3A_97 = arith.addi %mul3A_95, %add3A_96 : i32
      %scan3A_98 = arith.constant 0 : i32
      %scan3A_99 = arith.constant 0 : i32
      %scan3A_100 = arith.constant 25 : i32
      %scan3A_101 = arith.addi %scan3A_99, %scan3A_100 : i32
      %scan3A_102 = arith.constant 1 : i32
      %scan3A_103 = scf.for %scan3A_112 = %scan3A_99 to %scan3A_101 step %scan3A_102 iter_args(%scan3A_113 = %scan3A_98) -> (i32)  : i32 {
        %mul3A_114 = arith.constant 400 : i32
        %mul3A_115 = arith.muli %add3A_97, %mul3A_114 : i32
        %mul3A_116 = arith.constant 16 : i32
        %mul3A_117 = arith.muli %scan3A_112, %mul3A_116 : i32
        %add3A_118 = arith.addi %mul3A_115, %mul3A_117 : i32
        %get3A = arith.index_cast %add3A_118 : i32 to index
        %get3A_119 = tpu.vector_load %arg8[%get3A] {strides = array<i32>} : memref<10000xi32, #tpu.memory_space<vmem>>, vector<16xi32>,
        %get3A_120 = vector.shape_cast %get3A_119 : vector<16xi32> to vector<16xi32>
        %and3A = arith.constant 65535 : i32
        %and3A_121 = vector.broadcast %and3A : i32 to vector<16xi32>
        %and3A_122 = arith.andi %get3A_120, %and3A_121 : vector<16xi32>
        %mul3A_123 = arith.constant 16 : i32
        %mul3A_124 = arith.muli %scan3A_112, %mul3A_123 : i32
        %swap3A = arith.index_cast %mul3A_124 : i32 to index
        %swap3A_125 = tpu.vector_load %arg9[%swap3A] {strides = array<i32>} : memref<400xi32, #tpu.memory_space<vmem>>, vector<16xi32>,
        %swap3A_126 = vector.shape_cast %swap3A_125 : vector<16xi32> to vector<16xi32>
        %swap3A_127 = vector.shape_cast %and3A_122 : vector<16xi32> to vector<16xi32>
        tpu.vector_store %arg9[%swap3A], %swap3A_127 {strides = array<i32>} : memref<400xi32, #tpu.memory_space<vmem>>, vector<16xi32>,
        %shift_right_logical3A = arith.constant 16 : i32
        %shift_right_logical3A_128 = vector.broadcast %shift_right_logical3A : i32 to vector<16xi32>
        %shift_right_logical3A_129 = arith.shrui %get3A_120, %shift_right_logical3A_128 : vector<16xi32>
        %mul3A_130 = arith.constant 16 : i32
        %mul3A_131 = arith.muli %scan3A_112, %mul3A_130 : i32
        %swap3A_132 = arith.index_cast %mul3A_131 : i32 to index
        %swap3A_133 = tpu.vector_load %arg10[%swap3A_132] {strides = array<i32>} : memref<400xi32, #tpu.memory_space<vmem>>, vector<16xi32>,
        %swap3A_134 = vector.shape_cast %swap3A_133 : vector<16xi32> to vector<16xi32>
        %swap3A_135 = vector.shape_cast %shift_right_logical3A_129 : vector<16xi32> to vector<16xi32>
        tpu.vector_store %arg10[%swap3A_132], %swap3A_135 {strides = array<i32>} : memref<400xi32, #tpu.memory_space<vmem>>, vector<16xi32>,
        %scan3A_136 = arith.constant 0 : i32
        scf.yield %scan3A_136 : i32
      }
      %scan3A_104 = arith.constant 25 : i32
      %dma_start3A_105 = arith.constant 0 : i32
      %dma_start3A_106 = arith.constant 0 : i32
      %dma_start3A_107 = tpu.memref_slice %arg2[%dma_start3A_105, %dma_start3A_106] : memref<40000x64xf32, #tpu.memory_space<hbm>> -> memref<40000x64xf32, #tpu.memory_space<hbm>>
      tpu.enqueue_indirect_dma source(%dma_start3A_107 : memref<40000x64xf32, #tpu.memory_space<hbm>>) target(%arg11 : memref<400x64xf32, #tpu.memory_space<vmem>>) offsets(%arg9 : memref<400xi32, #tpu.memory_space<vmem>>) semaphore(%arg16 : memref<!tpu.dma_semaphore, #tpu.memory_space<semaphore_mem>>)
      %dma_wait3A_108 = arith.constant 0 : i32
      %dma_wait3A_109 = arith.constant 0 : i32
      %dma_wait3A_110 = tpu.memref_slice %arg2[%dma_wait3A_108, %dma_wait3A_109] : memref<40000x64xf32, #tpu.memory_space<hbm>> -> memref<40000x64xf32, #tpu.memory_space<hbm>>
      tpu.wait_indirect_dma semaphore(%arg17 : memref<!tpu.dma_semaphore, #tpu.memory_space<semaphore_mem>>) src(%dma_wait3A_110 : memref<40000x64xf32, #tpu.memory_space<hbm>>) dst(%arg14 : memref<400x64xf32, #tpu.memory_space<vmem>>)
      "tpu.region"() ({
        %run_scoped3A = tpu.sem_alloc : memref<!tpu.dma_semaphore, #tpu.memory_space<semaphore_mem>>
        %dma_start3A_112 = arith.constant 0 : i32
        %dma_start3A_113 = arith.constant 0 : i32
        %dma_start3A_114 = tpu.memref_slice %arg18[%dma_start3A_112, %dma_start3A_113] : memref<10000x64xf32, #tpu.memory_space<vmem_shared>> -> memref<10000x64xf32, #tpu.memory_space<vmem_shared>>
        tpu.enqueue_indirect_dma source(%arg14 : memref<400x64xf32, #tpu.memory_space<vmem>>) target(%dma_start3A_114 : memref<10000x64xf32, #tpu.memory_space<vmem_shared>>) offsets(%arg13 : memref<400xi32, #tpu.memory_space<vmem>>) semaphore(%run_scoped3A : memref<!tpu.dma_semaphore, #tpu.memory_space<semaphore_mem>>) {add = true}
        %dma_wait3A_115 = arith.constant 0 : i32
        %dma_wait3A_116 = arith.constant 0 : i32
        %dma_wait3A_117 = tpu.memref_slice %arg18[%dma_wait3A_115, %dma_wait3A_116] : memref<10000x64xf32, #tpu.memory_space<vmem_shared>> -> memref<10000x64xf32, #tpu.memory_space<vmem_shared>>
        tpu.wait_indirect_dma semaphore(%run_scoped3A : memref<!tpu.dma_semaphore, #tpu.memory_space<semaphore_mem>>) src(%arg14 : memref<400x64xf32, #tpu.memory_space<vmem>>) dst(%dma_wait3A_117 : memref<10000x64xf32, #tpu.memory_space<vmem_shared>>)
        tpu.yield
      }) : () -> ()
      %scan3A_111 = arith.constant 0 : i32
      scf.yield %scan3A_111 : i32
    }
    %scan3A_23 = arith.constant 12 : i32
    %dma_wait3A = arith.constant 0 : i32
    %dma_wait3A_24 = arith.constant 0 : i32
    %dma_wait3A_25 = tpu.memref_slice %arg2[%dma_wait3A, %dma_wait3A_24] : memref<40000x64xf32, #tpu.memory_space<hbm>> -> memref<40000x64xf32, #tpu.memory_space<hbm>>
    tpu.wait_indirect_dma semaphore(%arg16 : memref<!tpu.dma_semaphore, #tpu.memory_space<semaphore_mem>>) src(%dma_wait3A_25 : memref<40000x64xf32, #tpu.memory_space<hbm>>) dst(%arg11 : memref<400x64xf32, #tpu.memory_space<vmem>>)
    "tpu.region"() ({
      %run_scoped3A = tpu.sem_alloc : memref<!tpu.dma_semaphore, #tpu.memory_space<semaphore_mem>>
      %dma_start3A_75 = arith.constant 0 : i32
      %dma_start3A_76 = arith.constant 0 : i32
      %dma_start3A_77 = tpu.memref_slice %arg18[%dma_start3A_75, %dma_start3A_76] : memref<10000x64xf32, #tpu.memory_space<vmem_shared>> -> memref<10000x64xf32, #tpu.memory_space<vmem_shared>>
      tpu.enqueue_indirect_dma source(%arg11 : memref<400x64xf32, #tpu.memory_space<vmem>>) target(%dma_start3A_77 : memref<10000x64xf32, #tpu.memory_space<vmem_shared>>) offsets(%arg10 : memref<400xi32, #tpu.memory_space<vmem>>) semaphore(%run_scoped3A : memref<!tpu.dma_semaphore, #tpu.memory_space<semaphore_mem>>) {add = true}
      %dma_wait3A_78 = arith.constant 0 : i32
      %dma_wait3A_79 = arith.constant 0 : i32
      %dma_wait3A_80 = tpu.memref_slice %arg18[%dma_wait3A_78, %dma_wait3A_79] : memref<10000x64xf32, #tpu.memory_space<vmem_shared>> -> memref<10000x64xf32, #tpu.memory_space<vmem_shared>>
      tpu.wait_indirect_dma semaphore(%run_scoped3A : memref<!tpu.dma_semaphore, #tpu.memory_space<semaphore_mem>>) src(%arg11 : memref<400x64xf32, #tpu.memory_space<vmem>>) dst(%dma_wait3A_80 : memref<10000x64xf32, #tpu.memory_space<vmem_shared>>)
      tpu.yield
    }) : () -> ()
    %barrier3A_26 = arith.constant 0 : index
    tpu.barrier barrier_id(%barrier3A_26)
    %lt3A_27 = arith.constant 10 : i32
    %lt3A_28 = arith.cmpi slt, %arg1, %lt3A_27 : i32
    %convert_element_type3A_29 = arith.extui %lt3A_28 : i1 to i32
    %cond3A_30 = arith.constant 0 : i32
    %cond3A_31 = arith.cmpi ne, %convert_element_type3A_29, %cond3A_30 : i32
    scf.if %cond3A_31 {
      %mul3A_75 = arith.constant 1000 : i32
      %mul3A_76 = arith.muli %arg1, %mul3A_75 : i32
      %mul3A_77 = arith.constant 1000 : i32
      %mul3A_78 = arith.muli %arg1, %mul3A_77 : i32
      "tpu.region"() ({
        %run_scoped3A = tpu.sem_alloc : memref<!tpu.dma_semaphore, #tpu.memory_space<semaphore_mem>>
        %dma_start3A_79 = arith.constant 0 : i32
        %dma_start3A_80 = tpu.memref_slice %arg7[%add3A_1, %mul3A_78, %dma_start3A_79] : memref<4x10000x64xf32, #tpu.memory_space<hbm>> -> memref<1x1000x64xf32, #tpu.memory_space<hbm>>
        %dma_start3A_81 = tpu.memref_squeeze %dma_start3A_80 : memref<1x1000x64xf32, #tpu.memory_space<hbm>> -> memref<1000x64xf32, #tpu.memory_space<hbm>>
        %dma_start3A_82 = arith.constant 0 : i32
        %dma_start3A_83 = tpu.memref_slice %arg18[%mul3A_76, %dma_start3A_82] : memref<10000x64xf32, #tpu.memory_space<vmem_shared>> -> memref<1000x64xf32, #tpu.memory_space<vmem_shared>>
        tpu.enqueue_dma source(%dma_start3A_83 : memref<1000x64xf32, #tpu.memory_space<vmem_shared>>) target(%dma_start3A_81 : memref<1000x64xf32, #tpu.memory_space<hbm>>) target_semaphore(%run_scoped3A : memref<!tpu.dma_semaphore, #tpu.memory_space<semaphore_mem>>)
        %dma_wait3A_84 = arith.constant 0 : i32
        %dma_wait3A_85 = tpu.memref_slice %arg7[%add3A_1, %mul3A_78, %dma_wait3A_84] : memref<4x10000x64xf32, #tpu.memory_space<hbm>> -> memref<1x1000x64xf32, #tpu.memory_space<hbm>>
        %dma_wait3A_86 = tpu.memref_squeeze %dma_wait3A_85 : memref<1x1000x64xf32, #tpu.memory_space<hbm>> -> memref<1000x64xf32, #tpu.memory_space<hbm>>
        %dma_wait3A_87 = arith.constant 0 : i32
        %dma_wait3A_88 = tpu.memref_slice %arg18[%mul3A_76, %dma_wait3A_87] : memref<10000x64xf32, #tpu.memory_space<vmem_shared>> -> memref<1000x64xf32, #tpu.memory_space<vmem_shared>>
        tpu.wait_dma2 semaphore(%run_scoped3A : memref<!tpu.dma_semaphore, #tpu.memory_space<semaphore_mem>>) src(%dma_wait3A_88 : memref<1000x64xf32, #tpu.memory_space<vmem_shared>>) dst(%dma_wait3A_86 : memref<1000x64xf32, #tpu.memory_space<hbm>>)
        tpu.yield
      }) : () -> ()
    } else {
    }
    %barrier3A_32 = arith.constant 0 : index
    tpu.barrier barrier_id(%barrier3A_32)
    %mul3A_33 = arith.constant 2 : i32
    %mul3A_34 = arith.muli %mul3A_33, %arg0 : i32
    %add3A_35 = arith.constant 1 : i32
    %add3A_36 = arith.addi %mul3A_34, %add3A_35 : i32
    %lt3A_37 = arith.constant 10 : i32
    %lt3A_38 = arith.cmpi slt, %arg1, %lt3A_37 : i32
    %convert_element_type3A_39 = arith.extui %lt3A_38 : i1 to i32
    %cond3A_40 = arith.constant 0 : i32
    %cond3A_41 = arith.cmpi ne, %convert_element_type3A_39, %cond3A_40 : i32
    scf.if %cond3A_41 {
      %mul3A_75 = arith.constant 1000 : i32
      %mul3A_76 = arith.muli %arg1, %mul3A_75 : i32
      %add3A_77 = arith.constant 0 : i32
      %add3A_78 = arith.addi %mul3A_76, %add3A_77 : i32
      "tpu.region"() ({
        %run_scoped3A = tpu.sem_alloc : memref<!tpu.dma_semaphore, #tpu.memory_space<semaphore_mem>>
        %dma_start3A_107 = arith.constant 0 : i32
        %dma_start3A_108 = tpu.memref_slice %arg18[%add3A_78, %dma_start3A_107] : memref<10000x64xf32, #tpu.memory_space<vmem_shared>> -> memref<125x64xf32, #tpu.memory_space<vmem_shared>>
        tpu.enqueue_dma source(%arg4 : memref<125x64xf32, #tpu.memory_space<hbm>>) target(%dma_start3A_108 : memref<125x64xf32, #tpu.memory_space<vmem_shared>>) target_semaphore(%run_scoped3A : memref<!tpu.dma_semaphore, #tpu.memory_space<semaphore_mem>>)
        %dma_wait3A_109 = arith.constant 0 : i32
        %dma_wait3A_110 = tpu.memref_slice %arg18[%add3A_78, %dma_wait3A_109] : memref<10000x64xf32, #tpu.memory_space<vmem_shared>> -> memref<125x64xf32, #tpu.memory_space<vmem_shared>>
        tpu.wait_dma2 semaphore(%run_scoped3A : memref<!tpu.dma_semaphore, #tpu.memory_space<semaphore_mem>>) src(%arg4 : memref<125x64xf32, #tpu.memory_space<hbm>>) dst(%dma_wait3A_110 : memref<125x64xf32, #tpu.memory_space<vmem_shared>>)
        tpu.yield
      }) : () -> ()
      %mul3A_79 = arith.constant 1000 : i32
      %mul3A_80 = arith.muli %arg1, %mul3A_79 : i32
      %add3A_81 = arith.constant 125 : i32
      %add3A_82 = arith.addi %mul3A_80, %add3A_81 : i32
      "tpu.region"() ({
        %run_scoped3A = tpu.sem_alloc : memref<!tpu.dma_semaphore, #tpu.memory_space<semaphore_mem>>
        %dma_start3A_107 = arith.constant 0 : i32
        %dma_start3A_108 = tpu.memref_slice %arg18[%add3A_82, %dma_start3A_107] : memref<10000x64xf32, #tpu.memory_space<vmem_shared>> -> memref<125x64xf32, #tpu.memory_space<vmem_shared>>
        tpu.enqueue_dma source(%arg4 : memref<125x64xf32, #tpu.memory_space<hbm>>) target(%dma_start3A_108 : memref<125x64xf32, #tpu.memory_space<vmem_shared>>) target_semaphore(%run_scoped3A : memref<!tpu.dma_semaphore, #tpu.memory_space<semaphore_mem>>)
        %dma_wait3A_109 = arith.constant 0 : i32
        %dma_wait3A_110 = tpu.memref_slice %arg18[%add3A_82, %dma_wait3A_109] : memref<10000x64xf32, #tpu.memory_space<vmem_shared>> -> memref<125x64xf32, #tpu.memory_space<vmem_shared>>
        tpu.wait_dma2 semaphore(%run_scoped3A : memref<!tpu.dma_semaphore, #tpu.memory_space<semaphore_mem>>) src(%arg4 : memref<125x64xf32, #tpu.memory_space<hbm>>) dst(%dma_wait3A_110 : memref<125x64xf32, #tpu.memory_space<vmem_shared>>)
        tpu.yield
      }) : () -> ()
      %mul3A_83 = arith.constant 1000 : i32
      %mul3A_84 = arith.muli %arg1, %mul3A_83 : i32
      %add3A_85 = arith.constant 250 : i32
      %add3A_86 = arith.addi %mul3A_84, %add3A_85 : i32
      "tpu.region"() ({
        %run_scoped3A = tpu.sem_alloc : memref<!tpu.dma_semaphore, #tpu.memory_space<semaphore_mem>>
        %dma_start3A_107 = arith.constant 0 : i32
        %dma_start3A_108 = tpu.memref_slice %arg18[%add3A_86, %dma_start3A_107] : memref<10000x64xf32, #tpu.memory_space<vmem_shared>> -> memref<125x64xf32, #tpu.memory_space<vmem_shared>>
        tpu.enqueue_dma source(%arg4 : memref<125x64xf32, #tpu.memory_space<hbm>>) target(%dma_start3A_108 : memref<125x64xf32, #tpu.memory_space<vmem_shared>>) target_semaphore(%run_scoped3A : memref<!tpu.dma_semaphore, #tpu.memory_space<semaphore_mem>>)
        %dma_wait3A_109 = arith.constant 0 : i32
        %dma_wait3A_110 = tpu.memref_slice %arg18[%add3A_86, %dma_wait3A_109] : memref<10000x64xf32, #tpu.memory_space<vmem_shared>> -> memref<125x64xf32, #tpu.memory_space<vmem_shared>>
        tpu.wait_dma2 semaphore(%run_scoped3A : memref<!tpu.dma_semaphore, #tpu.memory_space<semaphore_mem>>) src(%arg4 : memref<125x64xf32, #tpu.memory_space<hbm>>) dst(%dma_wait3A_110 : memref<125x64xf32, #tpu.memory_space<vmem_shared>>)
        tpu.yield
      }) : () -> ()
      %mul3A_87 = arith.constant 1000 : i32
      %mul3A_88 = arith.muli %arg1, %mul3A_87 : i32
      %add3A_89 = arith.constant 375 : i32
      %add3A_90 = arith.addi %mul3A_88, %add3A_89 : i32
      "tpu.region"() ({
        %run_scoped3A = tpu.sem_alloc : memref<!tpu.dma_semaphore, #tpu.memory_space<semaphore_mem>>
        %dma_start3A_107 = arith.constant 0 : i32
        %dma_start3A_108 = tpu.memref_slice %arg18[%add3A_90, %dma_start3A_107] : memref<10000x64xf32, #tpu.memory_space<vmem_shared>> -> memref<125x64xf32, #tpu.memory_space<vmem_shared>>
        tpu.enqueue_dma source(%arg4 : memref<125x64xf32, #tpu.memory_space<hbm>>) target(%dma_start3A_108 : memref<125x64xf32, #tpu.memory_space<vmem_shared>>) target_semaphore(%run_scoped3A : memref<!tpu.dma_semaphore, #tpu.memory_space<semaphore_mem>>)
        %dma_wait3A_109 = arith.constant 0 : i32
        %dma_wait3A_110 = tpu.memref_slice %arg18[%add3A_90, %dma_wait3A_109] : memref<10000x64xf32, #tpu.memory_space<vmem_shared>> -> memref<125x64xf32, #tpu.memory_space<vmem_shared>>
        tpu.wait_dma2 semaphore(%run_scoped3A : memref<!tpu.dma_semaphore, #tpu.memory_space<semaphore_mem>>) src(%arg4 : memref<125x64xf32, #tpu.memory_space<hbm>>) dst(%dma_wait3A_110 : memref<125x64xf32, #tpu.memory_space<vmem_shared>>)
        tpu.yield
      }) : () -> ()
      %mul3A_91 = arith.constant 1000 : i32
      %mul3A_92 = arith.muli %arg1, %mul3A_91 : i32
      %add3A_93 = arith.constant 500 : i32
      %add3A_94 = arith.addi %mul3A_92, %add3A_93 : i32
      "tpu.region"() ({
        %run_scoped3A = tpu.sem_alloc : memref<!tpu.dma_semaphore, #tpu.memory_space<semaphore_mem>>
        %dma_start3A_107 = arith.constant 0 : i32
        %dma_start3A_108 = tpu.memref_slice %arg18[%add3A_94, %dma_start3A_107] : memref<10000x64xf32, #tpu.memory_space<vmem_shared>> -> memref<125x64xf32, #tpu.memory_space<vmem_shared>>
        tpu.enqueue_dma source(%arg4 : memref<125x64xf32, #tpu.memory_space<hbm>>) target(%dma_start3A_108 : memref<125x64xf32, #tpu.memory_space<vmem_shared>>) target_semaphore(%run_scoped3A : memref<!tpu.dma_semaphore, #tpu.memory_space<semaphore_mem>>)
        %dma_wait3A_109 = arith.constant 0 : i32
        %dma_wait3A_110 = tpu.memref_slice %arg18[%add3A_94, %dma_wait3A_109] : memref<10000x64xf32, #tpu.memory_space<vmem_shared>> -> memref<125x64xf32, #tpu.memory_space<vmem_shared>>
        tpu.wait_dma2 semaphore(%run_scoped3A : memref<!tpu.dma_semaphore, #tpu.memory_space<semaphore_mem>>) src(%arg4 : memref<125x64xf32, #tpu.memory_space<hbm>>) dst(%dma_wait3A_110 : memref<125x64xf32, #tpu.memory_space<vmem_shared>>)
        tpu.yield
      }) : () -> ()
      %mul3A_95 = arith.constant 1000 : i32
      %mul3A_96 = arith.muli %arg1, %mul3A_95 : i32
      %add3A_97 = arith.constant 625 : i32
      %add3A_98 = arith.addi %mul3A_96, %add3A_97 : i32
      "tpu.region"() ({
        %run_scoped3A = tpu.sem_alloc : memref<!tpu.dma_semaphore, #tpu.memory_space<semaphore_mem>>
        %dma_start3A_107 = arith.constant 0 : i32
        %dma_start3A_108 = tpu.memref_slice %arg18[%add3A_98, %dma_start3A_107] : memref<10000x64xf32, #tpu.memory_space<vmem_shared>> -> memref<125x64xf32, #tpu.memory_space<vmem_shared>>
        tpu.enqueue_dma source(%arg4 : memref<125x64xf32, #tpu.memory_space<hbm>>) target(%dma_start3A_108 : memref<125x64xf32, #tpu.memory_space<vmem_shared>>) target_semaphore(%run_scoped3A : memref<!tpu.dma_semaphore, #tpu.memory_space<semaphore_mem>>)
        %dma_wait3A_109 = arith.constant 0 : i32
        %dma_wait3A_110 = tpu.memref_slice %arg18[%add3A_98, %dma_wait3A_109] : memref<10000x64xf32, #tpu.memory_space<vmem_shared>> -> memref<125x64xf32, #tpu.memory_space<vmem_shared>>
        tpu.wait_dma2 semaphore(%run_scoped3A : memref<!tpu.dma_semaphore, #tpu.memory_space<semaphore_mem>>) src(%arg4 : memref<125x64xf32, #tpu.memory_space<hbm>>) dst(%dma_wait3A_110 : memref<125x64xf32, #tpu.memory_space<vmem_shared>>)
        tpu.yield
      }) : () -> ()
      %mul3A_99 = arith.constant 1000 : i32
      %mul3A_100 = arith.muli %arg1, %mul3A_99 : i32
      %add3A_101 = arith.constant 750 : i32
      %add3A_102 = arith.addi %mul3A_100, %add3A_101 : i32
      "tpu.region"() ({
        %run_scoped3A = tpu.sem_alloc : memref<!tpu.dma_semaphore, #tpu.memory_space<semaphore_mem>>
        %dma_start3A_107 = arith.constant 0 : i32
        %dma_start3A_108 = tpu.memref_slice %arg18[%add3A_102, %dma_start3A_107] : memref<10000x64xf32, #tpu.memory_space<vmem_shared>> -> memref<125x64xf32, #tpu.memory_space<vmem_shared>>
        tpu.enqueue_dma source(%arg4 : memref<125x64xf32, #tpu.memory_space<hbm>>) target(%dma_start3A_108 : memref<125x64xf32, #tpu.memory_space<vmem_shared>>) target_semaphore(%run_scoped3A : memref<!tpu.dma_semaphore, #tpu.memory_space<semaphore_mem>>)
        %dma_wait3A_109 = arith.constant 0 : i32
        %dma_wait3A_110 = tpu.memref_slice %arg18[%add3A_102, %dma_wait3A_109] : memref<10000x64xf32, #tpu.memory_space<vmem_shared>> -> memref<125x64xf32, #tpu.memory_space<vmem_shared>>
        tpu.wait_dma2 semaphore(%run_scoped3A : memref<!tpu.dma_semaphore, #tpu.memory_space<semaphore_mem>>) src(%arg4 : memref<125x64xf32, #tpu.memory_space<hbm>>) dst(%dma_wait3A_110 : memref<125x64xf32, #tpu.memory_space<vmem_shared>>)
        tpu.yield
      }) : () -> ()
      %mul3A_103 = arith.constant 1000 : i32
      %mul3A_104 = arith.muli %arg1, %mul3A_103 : i32
      %add3A_105 = arith.constant 875 : i32
      %add3A_106 = arith.addi %mul3A_104, %add3A_105 : i32
      "tpu.region"() ({
        %run_scoped3A = tpu.sem_alloc : memref<!tpu.dma_semaphore, #tpu.memory_space<semaphore_mem>>
        %dma_start3A_107 = arith.constant 0 : i32
        %dma_start3A_108 = tpu.memref_slice %arg18[%add3A_106, %dma_start3A_107] : memref<10000x64xf32, #tpu.memory_space<vmem_shared>> -> memref<125x64xf32, #tpu.memory_space<vmem_shared>>
        tpu.enqueue_dma source(%arg4 : memref<125x64xf32, #tpu.memory_space<hbm>>) target(%dma_start3A_108 : memref<125x64xf32, #tpu.memory_space<vmem_shared>>) target_semaphore(%run_scoped3A : memref<!tpu.dma_semaphore, #tpu.memory_space<semaphore_mem>>)
        %dma_wait3A_109 = arith.constant 0 : i32
        %dma_wait3A_110 = tpu.memref_slice %arg18[%add3A_106, %dma_wait3A_109] : memref<10000x64xf32, #tpu.memory_space<vmem_shared>> -> memref<125x64xf32, #tpu.memory_space<vmem_shared>>
        tpu.wait_dma2 semaphore(%run_scoped3A : memref<!tpu.dma_semaphore, #tpu.memory_space<semaphore_mem>>) src(%arg4 : memref<125x64xf32, #tpu.memory_space<hbm>>) dst(%dma_wait3A_110 : memref<125x64xf32, #tpu.memory_space<vmem_shared>>)
        tpu.yield
      }) : () -> ()
    } else {
    }
    %mul3A_42 = arith.constant 160000 : i32
    %mul3A_43 = arith.muli %add3A_36, %mul3A_42 : i32
    %mul3A_44 = arith.constant 10000 : i32
    %mul3A_45 = arith.muli %arg1, %mul3A_44 : i32
    %add3A_46 = arith.addi %mul3A_43, %mul3A_45 : i32
    "tpu.region"() ({
      %run_scoped3A = tpu.sem_alloc : memref<!tpu.dma_semaphore, #tpu.memory_space<semaphore_mem>>
      %dma_start3A_75 = tpu.memref_slice %arg3[%add3A_46] : memref<640000xi32, #tpu.memory_space<hbm>> -> memref<10000xi32, #tpu.memory_space<hbm>>
      %dma_start3A_76 = tpu.memref_slice %arg3[%add3A_46] : memref<640000xi32, #tpu.memory_space<hbm>> -> memref<10000xi32, #tpu.memory_space<hbm>>
      tpu.enqueue_dma source(%dma_start3A_76 : memref<10000xi32, #tpu.memory_space<hbm>>) target(%arg8 : memref<10000xi32, #tpu.memory_space<vmem>>) target_semaphore(%run_scoped3A : memref<!tpu.dma_semaphore, #tpu.memory_space<semaphore_mem>>)
      %dma_wait3A_77 = tpu.memref_slice %arg3[%add3A_46] : memref<640000xi32, #tpu.memory_space<hbm>> -> memref<10000xi32, #tpu.memory_space<hbm>>
      %dma_wait3A_78 = tpu.memref_slice %arg3[%add3A_46] : memref<640000xi32, #tpu.memory_space<hbm>> -> memref<10000xi32, #tpu.memory_space<hbm>>
      tpu.wait_dma2 semaphore(%run_scoped3A : memref<!tpu.dma_semaphore, #tpu.memory_space<semaphore_mem>>) src(%dma_wait3A_78 : memref<10000xi32, #tpu.memory_space<hbm>>) dst(%arg8 : memref<10000xi32, #tpu.memory_space<vmem>>)
      tpu.yield
    }) : () -> ()
    %barrier3A_47 = arith.constant 0 : index
    tpu.barrier barrier_id(%barrier3A_47)
    %scan3A_48 = arith.constant 0 : i32
    %scan3A_49 = arith.constant 0 : i32
    %scan3A_50 = arith.constant 25 : i32
    %scan3A_51 = arith.addi %scan3A_49, %scan3A_50 : i32
    %scan3A_52 = arith.constant 1 : i32
    %scan3A_53 = scf.for %scan3A_75 = %scan3A_49 to %scan3A_51 step %scan3A_52 iter_args(%scan3A_76 = %scan3A_48) -> (i32)  : i32 {
      %mul3A_77 = arith.constant 16 : i32
      %mul3A_78 = arith.muli %scan3A_75, %mul3A_77 : i32
      %add3A_79 = arith.constant 0 : i32
      %add3A_80 = arith.addi %add3A_79, %mul3A_78 : i32
      %get3A = arith.index_cast %add3A_80 : i32 to index
      %get3A_81 = tpu.vector_load %arg8[%get3A] {strides = array<i32>} : memref<10000xi32, #tpu.memory_space<vmem>>, vector<16xi32>,
      %get3A_82 = vector.shape_cast %get3A_81 : vector<16xi32> to vector<16xi32>
      %and3A = arith.constant 65535 : i32
      %and3A_83 = vector.broadcast %and3A : i32 to vector<16xi32>
      %and3A_84 = arith.andi %get3A_82, %and3A_83 : vector<16xi32>
      %mul3A_85 = arith.constant 16 : i32
      %mul3A_86 = arith.muli %scan3A_75, %mul3A_85 : i32
      %swap3A = arith.index_cast %mul3A_86 : i32 to index
      %swap3A_87 = tpu.vector_load %arg9[%swap3A] {strides = array<i32>} : memref<400xi32, #tpu.memory_space<vmem>>, vector<16xi32>,
      %swap3A_88 = vector.shape_cast %swap3A_87 : vector<16xi32> to vector<16xi32>
      %swap3A_89 = vector.shape_cast %and3A_84 : vector<16xi32> to vector<16xi32>
      tpu.vector_store %arg9[%swap3A], %swap3A_89 {strides = array<i32>} : memref<400xi32, #tpu.memory_space<vmem>>, vector<16xi32>,
      %shift_right_logical3A = arith.constant 16 : i32
      %shift_right_logical3A_90 = vector.broadcast %shift_right_logical3A : i32 to vector<16xi32>
      %shift_right_logical3A_91 = arith.shrui %get3A_82, %shift_right_logical3A_90 : vector<16xi32>
      %mul3A_92 = arith.constant 16 : i32
      %mul3A_93 = arith.muli %scan3A_75, %mul3A_92 : i32
      %swap3A_94 = arith.index_cast %mul3A_93 : i32 to index
      %swap3A_95 = tpu.vector_load %arg10[%swap3A_94] {strides = array<i32>} : memref<400xi32, #tpu.memory_space<vmem>>, vector<16xi32>,
      %swap3A_96 = vector.shape_cast %swap3A_95 : vector<16xi32> to vector<16xi32>
      %swap3A_97 = vector.shape_cast %shift_right_logical3A_91 : vector<16xi32> to vector<16xi32>
      tpu.vector_store %arg10[%swap3A_94], %swap3A_97 {strides = array<i32>} : memref<400xi32, #tpu.memory_space<vmem>>, vector<16xi32>,
      %scan3A_98 = arith.constant 0 : i32
      scf.yield %scan3A_98 : i32
    }
    %scan3A_54 = arith.constant 25 : i32
    %dma_start3A_55 = arith.constant 0 : i32
    %dma_start3A_56 = arith.constant 0 : i32
    %dma_start3A_57 = tpu.memref_slice %arg2[%dma_start3A_55, %dma_start3A_56] : memref<40000x64xf32, #tpu.memory_space<hbm>> -> memref<40000x64xf32, #tpu.memory_space<hbm>>
    tpu.enqueue_indirect_dma source(%dma_start3A_57 : memref<40000x64xf32, #tpu.memory_space<hbm>>) target(%arg11 : memref<400x64xf32, #tpu.memory_space<vmem>>) offsets(%arg9 : memref<400xi32, #tpu.memory_space<vmem>>) semaphore(%arg16 : memref<!tpu.dma_semaphore, #tpu.memory_space<semaphore_mem>>)
    %scan3A_58 = arith.constant 0 : i32
    %scan3A_59 = arith.constant 0 : i32
    %scan3A_60 = arith.constant 12 : i32
    %scan3A_61 = arith.addi %scan3A_59, %scan3A_60 : i32
    %scan3A_62 = arith.constant 1 : i32
    %scan3A_63 = scf.for %scan3A_75 = %scan3A_59 to %scan3A_61 step %scan3A_62 iter_args(%scan3A_76 = %scan3A_58) -> (i32)  : i32 {
      %mul3A_77 = arith.constant 2 : i32
      %mul3A_78 = arith.muli %mul3A_77, %scan3A_75 : i32
      %add3A_79 = arith.constant 1 : i32
      %add3A_80 = arith.addi %mul3A_78, %add3A_79 : i32
      %scan3A_81 = arith.constant 0 : i32
      %scan3A_82 = arith.constant 0 : i32
      %scan3A_83 = arith.constant 25 : i32
      %scan3A_84 = arith.addi %scan3A_82, %scan3A_83 : i32
      %scan3A_85 = arith.constant 1 : i32
      %scan3A_86 = scf.for %scan3A_112 = %scan3A_82 to %scan3A_84 step %scan3A_85 iter_args(%scan3A_113 = %scan3A_81) -> (i32)  : i32 {
        %mul3A_114 = arith.constant 400 : i32
        %mul3A_115 = arith.muli %add3A_80, %mul3A_114 : i32
        %mul3A_116 = arith.constant 16 : i32
        %mul3A_117 = arith.muli %scan3A_112, %mul3A_116 : i32
        %add3A_118 = arith.addi %mul3A_115, %mul3A_117 : i32
        %get3A = arith.index_cast %add3A_118 : i32 to index
        %get3A_119 = tpu.vector_load %arg8[%get3A] {strides = array<i32>} : memref<10000xi32, #tpu.memory_space<vmem>>, vector<16xi32>,
        %get3A_120 = vector.shape_cast %get3A_119 : vector<16xi32> to vector<16xi32>
        %and3A = arith.constant 65535 : i32
        %and3A_121 = vector.broadcast %and3A : i32 to vector<16xi32>
        %and3A_122 = arith.andi %get3A_120, %and3A_121 : vector<16xi32>
        %mul3A_123 = arith.constant 16 : i32
        %mul3A_124 = arith.muli %scan3A_112, %mul3A_123 : i32
        %swap3A = arith.index_cast %mul3A_124 : i32 to index
        %swap3A_125 = tpu.vector_load %arg12[%swap3A] {strides = array<i32>} : memref<400xi32, #tpu.memory_space<vmem>>, vector<16xi32>,
        %swap3A_126 = vector.shape_cast %swap3A_125 : vector<16xi32> to vector<16xi32>
        %swap3A_127 = vector.shape_cast %and3A_122 : vector<16xi32> to vector<16xi32>
        tpu.vector_store %arg12[%swap3A], %swap3A_127 {strides = array<i32>} : memref<400xi32, #tpu.memory_space<vmem>>, vector<16xi32>,
        %shift_right_logical3A = arith.constant 16 : i32
        %shift_right_logical3A_128 = vector.broadcast %shift_right_logical3A : i32 to vector<16xi32>
        %shift_right_logical3A_129 = arith.shrui %get3A_120, %shift_right_logical3A_128 : vector<16xi32>
        %mul3A_130 = arith.constant 16 : i32
        %mul3A_131 = arith.muli %scan3A_112, %mul3A_130 : i32
        %swap3A_132 = arith.index_cast %mul3A_131 : i32 to index
        %swap3A_133 = tpu.vector_load %arg13[%swap3A_132] {strides = array<i32>} : memref<400xi32, #tpu.memory_space<vmem>>, vector<16xi32>,
        %swap3A_134 = vector.shape_cast %swap3A_133 : vector<16xi32> to vector<16xi32>
        %swap3A_135 = vector.shape_cast %shift_right_logical3A_129 : vector<16xi32> to vector<16xi32>
        tpu.vector_store %arg13[%swap3A_132], %swap3A_135 {strides = array<i32>} : memref<400xi32, #tpu.memory_space<vmem>>, vector<16xi32>,
        %scan3A_136 = arith.constant 0 : i32
        scf.yield %scan3A_136 : i32
      }
      %scan3A_87 = arith.constant 25 : i32
      %dma_start3A_88 = arith.constant 0 : i32
      %dma_start3A_89 = arith.constant 0 : i32
      %dma_start3A_90 = tpu.memref_slice %arg2[%dma_start3A_88, %dma_start3A_89] : memref<40000x64xf32, #tpu.memory_space<hbm>> -> memref<40000x64xf32, #tpu.memory_space<hbm>>
      tpu.enqueue_indirect_dma source(%dma_start3A_90 : memref<40000x64xf32, #tpu.memory_space<hbm>>) target(%arg14 : memref<400x64xf32, #tpu.memory_space<vmem>>) offsets(%arg12 : memref<400xi32, #tpu.memory_space<vmem>>) semaphore(%arg17 : memref<!tpu.dma_semaphore, #tpu.memory_space<semaphore_mem>>)
      %dma_wait3A_91 = arith.constant 0 : i32
      %dma_wait3A_92 = arith.constant 0 : i32
      %dma_wait3A_93 = tpu.memref_slice %arg2[%dma_wait3A_91, %dma_wait3A_92] : memref<40000x64xf32, #tpu.memory_space<hbm>> -> memref<40000x64xf32, #tpu.memory_space<hbm>>
      tpu.wait_indirect_dma semaphore(%arg16 : memref<!tpu.dma_semaphore, #tpu.memory_space<semaphore_mem>>) src(%dma_wait3A_93 : memref<40000x64xf32, #tpu.memory_space<hbm>>) dst(%arg11 : memref<400x64xf32, #tpu.memory_space<vmem>>)
      "tpu.region"() ({
        %run_scoped3A = tpu.sem_alloc : memref<!tpu.dma_semaphore, #tpu.memory_space<semaphore_mem>>
        %dma_start3A_112 = arith.constant 0 : i32
        %dma_start3A_113 = arith.constant 0 : i32
        %dma_start3A_114 = tpu.memref_slice %arg18[%dma_start3A_112, %dma_start3A_113] : memref<10000x64xf32, #tpu.memory_space<vmem_shared>> -> memref<10000x64xf32, #tpu.memory_space<vmem_shared>>
        tpu.enqueue_indirect_dma source(%arg11 : memref<400x64xf32, #tpu.memory_space<vmem>>) target(%dma_start3A_114 : memref<10000x64xf32, #tpu.memory_space<vmem_shared>>) offsets(%arg10 : memref<400xi32, #tpu.memory_space<vmem>>) semaphore(%run_scoped3A : memref<!tpu.dma_semaphore, #tpu.memory_space<semaphore_mem>>) {add = true}
        %dma_wait3A_115 = arith.constant 0 : i32
        %dma_wait3A_116 = arith.constant 0 : i32
        %dma_wait3A_117 = tpu.memref_slice %arg18[%dma_wait3A_115, %dma_wait3A_116] : memref<10000x64xf32, #tpu.memory_space<vmem_shared>> -> memref<10000x64xf32, #tpu.memory_space<vmem_shared>>
        tpu.wait_indirect_dma semaphore(%run_scoped3A : memref<!tpu.dma_semaphore, #tpu.memory_space<semaphore_mem>>) src(%arg11 : memref<400x64xf32, #tpu.memory_space<vmem>>) dst(%dma_wait3A_117 : memref<10000x64xf32, #tpu.memory_space<vmem_shared>>)
        tpu.yield
      }) : () -> ()
      %mul3A_94 = arith.constant 2 : i32
      %mul3A_95 = arith.muli %mul3A_94, %scan3A_75 : i32
      %add3A_96 = arith.constant 2 : i32
      %add3A_97 = arith.addi %mul3A_95, %add3A_96 : i32
      %scan3A_98 = arith.constant 0 : i32
      %scan3A_99 = arith.constant 0 : i32
      %scan3A_100 = arith.constant 25 : i32
      %scan3A_101 = arith.addi %scan3A_99, %scan3A_100 : i32
      %scan3A_102 = arith.constant 1 : i32
      %scan3A_103 = scf.for %scan3A_112 = %scan3A_99 to %scan3A_101 step %scan3A_102 iter_args(%scan3A_113 = %scan3A_98) -> (i32)  : i32 {
        %mul3A_114 = arith.constant 400 : i32
        %mul3A_115 = arith.muli %add3A_97, %mul3A_114 : i32
        %mul3A_116 = arith.constant 16 : i32
        %mul3A_117 = arith.muli %scan3A_112, %mul3A_116 : i32
        %add3A_118 = arith.addi %mul3A_115, %mul3A_117 : i32
        %get3A = arith.index_cast %add3A_118 : i32 to index
        %get3A_119 = tpu.vector_load %arg8[%get3A] {strides = array<i32>} : memref<10000xi32, #tpu.memory_space<vmem>>, vector<16xi32>,
        %get3A_120 = vector.shape_cast %get3A_119 : vector<16xi32> to vector<16xi32>
        %and3A = arith.constant 65535 : i32
        %and3A_121 = vector.broadcast %and3A : i32 to vector<16xi32>
        %and3A_122 = arith.andi %get3A_120, %and3A_121 : vector<16xi32>
        %mul3A_123 = arith.constant 16 : i32
        %mul3A_124 = arith.muli %scan3A_112, %mul3A_123 : i32
        %swap3A = arith.index_cast %mul3A_124 : i32 to index
        %swap3A_125 = tpu.vector_load %arg9[%swap3A] {strides = array<i32>} : memref<400xi32, #tpu.memory_space<vmem>>, vector<16xi32>,
        %swap3A_126 = vector.shape_cast %swap3A_125 : vector<16xi32> to vector<16xi32>
        %swap3A_127 = vector.shape_cast %and3A_122 : vector<16xi32> to vector<16xi32>
        tpu.vector_store %arg9[%swap3A], %swap3A_127 {strides = array<i32>} : memref<400xi32, #tpu.memory_space<vmem>>, vector<16xi32>,
        %shift_right_logical3A = arith.constant 16 : i32
        %shift_right_logical3A_128 = vector.broadcast %shift_right_logical3A : i32 to vector<16xi32>
        %shift_right_logical3A_129 = arith.shrui %get3A_120, %shift_right_logical3A_128 : vector<16xi32>
        %mul3A_130 = arith.constant 16 : i32
        %mul3A_131 = arith.muli %scan3A_112, %mul3A_130 : i32
        %swap3A_132 = arith.index_cast %mul3A_131 : i32 to index
        %swap3A_133 = tpu.vector_load %arg10[%swap3A_132] {strides = array<i32>} : memref<400xi32, #tpu.memory_space<vmem>>, vector<16xi32>,
        %swap3A_134 = vector.shape_cast %swap3A_133 : vector<16xi32> to vector<16xi32>
        %swap3A_135 = vector.shape_cast %shift_right_logical3A_129 : vector<16xi32> to vector<16xi32>
        tpu.vector_store %arg10[%swap3A_132], %swap3A_135 {strides = array<i32>} : memref<400xi32, #tpu.memory_space<vmem>>, vector<16xi32>,
        %scan3A_136 = arith.constant 0 : i32
        scf.yield %scan3A_136 : i32
      }
      %scan3A_104 = arith.constant 25 : i32
      %dma_start3A_105 = arith.constant 0 : i32
      %dma_start3A_106 = arith.constant 0 : i32
      %dma_start3A_107 = tpu.memref_slice %arg2[%dma_start3A_105, %dma_start3A_106] : memref<40000x64xf32, #tpu.memory_space<hbm>> -> memref<40000x64xf32, #tpu.memory_space<hbm>>
      tpu.enqueue_indirect_dma source(%dma_start3A_107 : memref<40000x64xf32, #tpu.memory_space<hbm>>) target(%arg11 : memref<400x64xf32, #tpu.memory_space<vmem>>) offsets(%arg9 : memref<400xi32, #tpu.memory_space<vmem>>) semaphore(%arg16 : memref<!tpu.dma_semaphore, #tpu.memory_space<semaphore_mem>>)
      %dma_wait3A_108 = arith.constant 0 : i32
      %dma_wait3A_109 = arith.constant 0 : i32
      %dma_wait3A_110 = tpu.memref_slice %arg2[%dma_wait3A_108, %dma_wait3A_109] : memref<40000x64xf32, #tpu.memory_space<hbm>> -> memref<40000x64xf32, #tpu.memory_space<hbm>>
      tpu.wait_indirect_dma semaphore(%arg17 : memref<!tpu.dma_semaphore, #tpu.memory_space<semaphore_mem>>) src(%dma_wait3A_110 : memref<40000x64xf32, #tpu.memory_space<hbm>>) dst(%arg14 : memref<400x64xf32, #tpu.memory_space<vmem>>)
      "tpu.region"() ({
        %run_scoped3A = tpu.sem_alloc : memref<!tpu.dma_semaphore, #tpu.memory_space<semaphore_mem>>
        %dma_start3A_112 = arith.constant 0 : i32
        %dma_start3A_113 = arith.constant 0 : i32
        %dma_start3A_114 = tpu.memref_slice %arg18[%dma_start3A_112, %dma_start3A_113] : memref<10000x64xf32, #tpu.memory_space<vmem_shared>> -> memref<10000x64xf32, #tpu.memory_space<vmem_shared>>
        tpu.enqueue_indirect_dma source(%arg14 : memref<400x64xf32, #tpu.memory_space<vmem>>) target(%dma_start3A_114 : memref<10000x64xf32, #tpu.memory_space<vmem_shared>>) offsets(%arg13 : memref<400xi32, #tpu.memory_space<vmem>>) semaphore(%run_scoped3A : memref<!tpu.dma_semaphore, #tpu.memory_space<semaphore_mem>>) {add = true}
        %dma_wait3A_115 = arith.constant 0 : i32
        %dma_wait3A_116 = arith.constant 0 : i32
        %dma_wait3A_117 = tpu.memref_slice %arg18[%dma_wait3A_115, %dma_wait3A_116] : memref<10000x64xf32, #tpu.memory_space<vmem_shared>> -> memref<10000x64xf32, #tpu.memory_space<vmem_shared>>
        tpu.wait_indirect_dma semaphore(%run_scoped3A : memref<!tpu.dma_semaphore, #tpu.memory_space<semaphore_mem>>) src(%arg14 : memref<400x64xf32, #tpu.memory_space<vmem>>) dst(%dma_wait3A_117 : memref<10000x64xf32, #tpu.memory_space<vmem_shared>>)
        tpu.yield
      }) : () -> ()
      %scan3A_111 = arith.constant 0 : i32
      scf.yield %scan3A_111 : i32
    }
    %scan3A_64 = arith.constant 12 : i32
    %dma_wait3A_65 = arith.constant 0 : i32
    %dma_wait3A_66 = arith.constant 0 : i32
    %dma_wait3A_67 = tpu.memref_slice %arg2[%dma_wait3A_65, %dma_wait3A_66] : memref<40000x64xf32, #tpu.memory_space<hbm>> -> memref<40000x64xf32, #tpu.memory_space<hbm>>
    tpu.wait_indirect_dma semaphore(%arg16 : memref<!tpu.dma_semaphore, #tpu.memory_space<semaphore_mem>>) src(%dma_wait3A_67 : memref<40000x64xf32, #tpu.memory_space<hbm>>) dst(%arg11 : memref<400x64xf32, #tpu.memory_space<vmem>>)
    "tpu.region"() ({
      %run_scoped3A = tpu.sem_alloc : memref<!tpu.dma_semaphore, #tpu.memory_space<semaphore_mem>>
      %dma_start3A_75 = arith.constant 0 : i32
      %dma_start3A_76 = arith.constant 0 : i32
      %dma_start3A_77 = tpu.memref_slice %arg18[%dma_start3A_75, %dma_start3A_76] : memref<10000x64xf32, #tpu.memory_space<vmem_shared>> -> memref<10000x64xf32, #tpu.memory_space<vmem_shared>>
      tpu.enqueue_indirect_dma source(%arg11 : memref<400x64xf32, #tpu.memory_space<vmem>>) target(%dma_start3A_77 : memref<10000x64xf32, #tpu.memory_space<vmem_shared>>) offsets(%arg10 : memref<400xi32, #tpu.memory_space<vmem>>) semaphore(%run_scoped3A : memref<!tpu.dma_semaphore, #tpu.memory_space<semaphore_mem>>) {add = true}
      %dma_wait3A_78 = arith.constant 0 : i32
      %dma_wait3A_79 = arith.constant 0 : i32
      %dma_wait3A_80 = tpu.memref_slice %arg18[%dma_wait3A_78, %dma_wait3A_79] : memref<10000x64xf32, #tpu.memory_space<vmem_shared>> -> memref<10000x64xf32, #tpu.memory_space<vmem_shared>>
      tpu.wait_indirect_dma semaphore(%run_scoped3A : memref<!tpu.dma_semaphore, #tpu.memory_space<semaphore_mem>>) src(%arg11 : memref<400x64xf32, #tpu.memory_space<vmem>>) dst(%dma_wait3A_80 : memref<10000x64xf32, #tpu.memory_space<vmem_shared>>)
      tpu.yield
    }) : () -> ()
    %barrier3A_68 = arith.constant 0 : index
    tpu.barrier barrier_id(%barrier3A_68)
    %lt3A_69 = arith.constant 10 : i32
    %lt3A_70 = arith.cmpi slt, %arg1, %lt3A_69 : i32
    %convert_element_type3A_71 = arith.extui %lt3A_70 : i1 to i32
    %cond3A_72 = arith.constant 0 : i32
    %cond3A_73 = arith.cmpi ne, %convert_element_type3A_71, %cond3A_72 : i32
    scf.if %cond3A_73 {
      %mul3A_75 = arith.constant 1000 : i32
      %mul3A_76 = arith.muli %arg1, %mul3A_75 : i32
      %mul3A_77 = arith.constant 1000 : i32
      %mul3A_78 = arith.muli %arg1, %mul3A_77 : i32
      "tpu.region"() ({
        %run_scoped3A = tpu.sem_alloc : memref<!tpu.dma_semaphore, #tpu.memory_space<semaphore_mem>>
        %dma_start3A_79 = arith.constant 0 : i32
        %dma_start3A_80 = tpu.memref_slice %arg7[%add3A_36, %mul3A_78, %dma_start3A_79] : memref<4x10000x64xf32, #tpu.memory_space<hbm>> -> memref<1x1000x64xf32, #tpu.memory_space<hbm>>
        %dma_start3A_81 = tpu.memref_squeeze %dma_start3A_80 : memref<1x1000x64xf32, #tpu.memory_space<hbm>> -> memref<1000x64xf32, #tpu.memory_space<hbm>>
        %dma_start3A_82 = arith.constant 0 : i32
        %dma_start3A_83 = tpu.memref_slice %arg18[%mul3A_76, %dma_start3A_82] : memref<10000x64xf32, #tpu.memory_space<vmem_shared>> -> memref<1000x64xf32, #tpu.memory_space<vmem_shared>>
        tpu.enqueue_dma source(%dma_start3A_83 : memref<1000x64xf32, #tpu.memory_space<vmem_shared>>) target(%dma_start3A_81 : memref<1000x64xf32, #tpu.memory_space<hbm>>) target_semaphore(%run_scoped3A : memref<!tpu.dma_semaphore, #tpu.memory_space<semaphore_mem>>)
        %dma_wait3A_84 = arith.constant 0 : i32
        %dma_wait3A_85 = tpu.memref_slice %arg7[%add3A_36, %mul3A_78, %dma_wait3A_84] : memref<4x10000x64xf32, #tpu.memory_space<hbm>> -> memref<1x1000x64xf32, #tpu.memory_space<hbm>>
        %dma_wait3A_86 = tpu.memref_squeeze %dma_wait3A_85 : memref<1x1000x64xf32, #tpu.memory_space<hbm>> -> memref<1000x64xf32, #tpu.memory_space<hbm>>
        %dma_wait3A_87 = arith.constant 0 : i32
        %dma_wait3A_88 = tpu.memref_slice %arg18[%mul3A_76, %dma_wait3A_87] : memref<10000x64xf32, #tpu.memory_space<vmem_shared>> -> memref<1000x64xf32, #tpu.memory_space<vmem_shared>>
        tpu.wait_dma2 semaphore(%run_scoped3A : memref<!tpu.dma_semaphore, #tpu.memory_space<semaphore_mem>>) src(%dma_wait3A_88 : memref<1000x64xf32, #tpu.memory_space<vmem_shared>>) dst(%dma_wait3A_86 : memref<1000x64xf32, #tpu.memory_space<hbm>>)
        tpu.yield
      }) : () -> ()
    } else {
    }
    %barrier3A_74 = arith.constant 0 : index
    tpu.barrier barrier_id(%barrier3A_74)
    return
  }
}

module attributes {stable_mosaic.version = 14 : i64} {
  func.func @_p1_body(%arg0: i32, %arg1: memref<4x2000x128xf32, #tpu.memory_space<vmem>>, %arg2: memref<3x128xf32, #tpu.memory_space<vmem>>, %arg3: memref<1x128xf32, #tpu.memory_space<vmem>>, %arg4: memref<128x64xf32, #tpu.memory_space<vmem>>, %arg5: memref<4x2000x128xf32, #tpu.memory_space<vmem>>, %arg6: memref<4x2000x64xf32, #tpu.memory_space<vmem>>) attributes {dimension_semantics = [#tpu.dimension_semantics<arbitrary>], iteration_bounds = array<i64: 5>, scalar_prefetch = 0 : i64, scratch_operands = 0 : i64, tpu.core_type = #tpu.core_type<tc>, window_params = [{transform_indices = @transform_0, window_bounds = array<i64: 4, 2000, 128>}, {pipeline_mode = #tpu.pipeline_mode<synchronous>, transform_indices = @transform_1, window_bounds = array<i64: 3, 128>}, {pipeline_mode = #tpu.pipeline_mode<synchronous>, transform_indices = @transform_2, window_bounds = array<i64: 1, 128>}, {pipeline_mode = #tpu.pipeline_mode<synchronous>, transform_indices = @transform_3, window_bounds = array<i64: 128, 64>}, {transform_indices = @transform_4, window_bounds = array<i64: 4, 2000, 128>}, {transform_indices = @transform_5, window_bounds = array<i64: 4, 2000, 64>}]} {
    %get3A = arith.constant 0 : index
    %get3A_0 = arith.constant 0 : index
    %get3A_1 = vector.load %arg2[%get3A, %get3A_0] : memref<3x128xf32, #tpu.memory_space<vmem>>, vector<3x128xf32>
    %get3A_2 = arith.constant 0 : index
    %get3A_3 = arith.constant 0 : index
    %get3A_4 = vector.load %arg3[%get3A_2, %get3A_3] : memref<1x128xf32, #tpu.memory_space<vmem>>, vector<1x128xf32>
    %get3A_5 = arith.constant 0 : index
    %get3A_6 = arith.constant 0 : index
    %get3A_7 = vector.load %arg4[%get3A_5, %get3A_6] : memref<128x64xf32, #tpu.memory_space<vmem>>, vector<128x64xf32>
    %get3A_8 = arith.constant 0 : index
    %get3A_9 = arith.constant 0 : index
    %get3A_10 = arith.constant 0 : index
    %get3A_11 = vector.load %arg1[%get3A_8, %get3A_9, %get3A_10] : memref<4x2000x128xf32, #tpu.memory_space<vmem>>, vector<1x2000x128xf32>
    %get3A_12 = vector.shape_cast %get3A_11 : vector<1x2000x128xf32> to vector<2000x128xf32>
    %get3A_13 = arith.constant 1 : index
    %get3A_14 = arith.constant 0 : index
    %get3A_15 = arith.constant 0 : index
    %get3A_16 = vector.load %arg1[%get3A_13, %get3A_14, %get3A_15] : memref<4x2000x128xf32, #tpu.memory_space<vmem>>, vector<1x2000x128xf32>
    %get3A_17 = vector.shape_cast %get3A_16 : vector<1x2000x128xf32> to vector<2000x128xf32>
    %get3A_18 = arith.constant 2 : index
    %get3A_19 = arith.constant 0 : index
    %get3A_20 = arith.constant 0 : index
    %get3A_21 = vector.load %arg1[%get3A_18, %get3A_19, %get3A_20] : memref<4x2000x128xf32, #tpu.memory_space<vmem>>, vector<1x2000x128xf32>
    %get3A_22 = vector.shape_cast %get3A_21 : vector<1x2000x128xf32> to vector<2000x128xf32>
    %get3A_23 = arith.constant 3 : index
    %get3A_24 = arith.constant 0 : index
    %get3A_25 = arith.constant 0 : index
    %get3A_26 = vector.load %arg1[%get3A_23, %get3A_24, %get3A_25] : memref<4x2000x128xf32, #tpu.memory_space<vmem>>, vector<1x2000x128xf32>
    %get3A_27 = vector.shape_cast %get3A_26 : vector<1x2000x128xf32> to vector<2000x128xf32>
    %slice3A = vector.extract_strided_slice %get3A_1 {offsets = [1, 0], sizes = [1, 128], strides = [1, 1]} : vector<3x128xf32> to vector<1x128xf32>
    %squeeze3A = vector.shape_cast %slice3A : vector<1x128xf32> to vector<128xf32>
    %broadcast_in_dim3A = vector.shape_cast %squeeze3A : vector<128xf32> to vector<1x128xf32>
    %mul3A = vector.broadcast %broadcast_in_dim3A : vector<1x128xf32> to vector<2000x128xf32>
    %mul3A_28 = arith.mulf %get3A_12, %mul3A : vector<2000x128xf32>
    %add3A = vector.broadcast %get3A_4 : vector<1x128xf32> to vector<2000x128xf32>
    %add3A_29 = arith.addf %mul3A_28, %add3A : vector<2000x128xf32>
    %slice3A_30 = vector.extract_strided_slice %get3A_1 {offsets = [2, 0], sizes = [1, 128], strides = [1, 1]} : vector<3x128xf32> to vector<1x128xf32>
    %squeeze3A_31 = vector.shape_cast %slice3A_30 : vector<1x128xf32> to vector<128xf32>
    %broadcast_in_dim3A_32 = vector.shape_cast %squeeze3A_31 : vector<128xf32> to vector<1x128xf32>
    %mul3A_33 = vector.broadcast %broadcast_in_dim3A_32 : vector<1x128xf32> to vector<2000x128xf32>
    %mul3A_34 = arith.mulf %get3A_17, %mul3A_33 : vector<2000x128xf32>
    %add3A_35 = arith.addf %add3A_29, %mul3A_34 : vector<2000x128xf32>
    %swap3A = arith.constant 0 : index
    %swap3A_36 = arith.constant 0 : index
    %swap3A_37 = arith.constant 0 : index
    %swap3A_38 = vector.load %arg5[%swap3A, %swap3A_36, %swap3A_37] : memref<4x2000x128xf32, #tpu.memory_space<vmem>>, vector<1x2000x128xf32>
    %swap3A_39 = vector.shape_cast %swap3A_38 : vector<1x2000x128xf32> to vector<2000x128xf32>
    %swap3A_40 = vector.shape_cast %add3A_35 : vector<2000x128xf32> to vector<1x2000x128xf32>
    tpu.vector_store %arg5[%swap3A, %swap3A_36, %swap3A_37], %swap3A_40 {strides = array<i32>} : memref<4x2000x128xf32, #tpu.memory_space<vmem>>, vector<1x2000x128xf32>,
    %dot_general3A = arith.constant dense<0.000000e+00> : vector<2000x64xf32>
    %dot_general3A_41 = tpu.matmul %add3A_35, %get3A_7, %dot_general3A {dimension_numbers = #tpu.dot_dimension_numbers<[1], [0], [0], [1], [0, 0, 1, 1], [], []>, transpose_lhs_hint = false} : vector<2000x128xf32>, vector<128x64xf32>, vector<2000x64xf32> -> vector<2000x64xf32>
    %swap3A_42 = arith.constant 0 : index
    %swap3A_43 = arith.constant 0 : index
    %swap3A_44 = arith.constant 0 : index
    %swap3A_45 = vector.load %arg6[%swap3A_42, %swap3A_43, %swap3A_44] : memref<4x2000x64xf32, #tpu.memory_space<vmem>>, vector<1x2000x64xf32>
    %swap3A_46 = vector.shape_cast %swap3A_45 : vector<1x2000x64xf32> to vector<2000x64xf32>
    %swap3A_47 = vector.shape_cast %dot_general3A_41 : vector<2000x64xf32> to vector<1x2000x64xf32>
    tpu.vector_store %arg6[%swap3A_42, %swap3A_43, %swap3A_44], %swap3A_47 {strides = array<i32>} : memref<4x2000x64xf32, #tpu.memory_space<vmem>>, vector<1x2000x64xf32>,
    %slice3A_48 = vector.extract_strided_slice %get3A_1 {offsets = [1, 0], sizes = [1, 128], strides = [1, 1]} : vector<3x128xf32> to vector<1x128xf32>
    %squeeze3A_49 = vector.shape_cast %slice3A_48 : vector<1x128xf32> to vector<128xf32>
    %broadcast_in_dim3A_50 = vector.shape_cast %squeeze3A_49 : vector<128xf32> to vector<1x128xf32>
    %mul3A_51 = vector.broadcast %broadcast_in_dim3A_50 : vector<1x128xf32> to vector<2000x128xf32>
    %mul3A_52 = arith.mulf %get3A_17, %mul3A_51 : vector<2000x128xf32>
    %add3A_53 = vector.broadcast %get3A_4 : vector<1x128xf32> to vector<2000x128xf32>
    %add3A_54 = arith.addf %mul3A_52, %add3A_53 : vector<2000x128xf32>
    %slice3A_55 = vector.extract_strided_slice %get3A_1 {offsets = [0, 0], sizes = [1, 128], strides = [1, 1]} : vector<3x128xf32> to vector<1x128xf32>
    %squeeze3A_56 = vector.shape_cast %slice3A_55 : vector<1x128xf32> to vector<128xf32>
    %broadcast_in_dim3A_57 = vector.shape_cast %squeeze3A_56 : vector<128xf32> to vector<1x128xf32>
    %mul3A_58 = vector.broadcast %broadcast_in_dim3A_57 : vector<1x128xf32> to vector<2000x128xf32>
    %mul3A_59 = arith.mulf %get3A_12, %mul3A_58 : vector<2000x128xf32>
    %add3A_60 = arith.addf %add3A_54, %mul3A_59 : vector<2000x128xf32>
    %slice3A_61 = vector.extract_strided_slice %get3A_1 {offsets = [2, 0], sizes = [1, 128], strides = [1, 1]} : vector<3x128xf32> to vector<1x128xf32>
    %squeeze3A_62 = vector.shape_cast %slice3A_61 : vector<1x128xf32> to vector<128xf32>
    %broadcast_in_dim3A_63 = vector.shape_cast %squeeze3A_62 : vector<128xf32> to vector<1x128xf32>
    %mul3A_64 = vector.broadcast %broadcast_in_dim3A_63 : vector<1x128xf32> to vector<2000x128xf32>
    %mul3A_65 = arith.mulf %get3A_22, %mul3A_64 : vector<2000x128xf32>
    %add3A_66 = arith.addf %add3A_60, %mul3A_65 : vector<2000x128xf32>
    %swap3A_67 = arith.constant 1 : index
    %swap3A_68 = arith.constant 0 : index
    %swap3A_69 = arith.constant 0 : index
    %swap3A_70 = vector.load %arg5[%swap3A_67, %swap3A_68, %swap3A_69] : memref<4x2000x128xf32, #tpu.memory_space<vmem>>, vector<1x2000x128xf32>
    %swap3A_71 = vector.shape_cast %swap3A_70 : vector<1x2000x128xf32> to vector<2000x128xf32>
    %swap3A_72 = vector.shape_cast %add3A_66 : vector<2000x128xf32> to vector<1x2000x128xf32>
    tpu.vector_store %arg5[%swap3A_67, %swap3A_68, %swap3A_69], %swap3A_72 {strides = array<i32>} : memref<4x2000x128xf32, #tpu.memory_space<vmem>>, vector<1x2000x128xf32>,
    %dot_general3A_73 = arith.constant dense<0.000000e+00> : vector<2000x64xf32>
    %dot_general3A_74 = tpu.matmul %add3A_66, %get3A_7, %dot_general3A_73 {dimension_numbers = #tpu.dot_dimension_numbers<[1], [0], [0], [1], [0, 0, 1, 1], [], []>, transpose_lhs_hint = false} : vector<2000x128xf32>, vector<128x64xf32>, vector<2000x64xf32> -> vector<2000x64xf32>
    %swap3A_75 = arith.constant 1 : index
    %swap3A_76 = arith.constant 0 : index
    %swap3A_77 = arith.constant 0 : index
    %swap3A_78 = vector.load %arg6[%swap3A_75, %swap3A_76, %swap3A_77] : memref<4x2000x64xf32, #tpu.memory_space<vmem>>, vector<1x2000x64xf32>
    %swap3A_79 = vector.shape_cast %swap3A_78 : vector<1x2000x64xf32> to vector<2000x64xf32>
    %swap3A_80 = vector.shape_cast %dot_general3A_74 : vector<2000x64xf32> to vector<1x2000x64xf32>
    tpu.vector_store %arg6[%swap3A_75, %swap3A_76, %swap3A_77], %swap3A_80 {strides = array<i32>} : memref<4x2000x64xf32, #tpu.memory_space<vmem>>, vector<1x2000x64xf32>,
    %slice3A_81 = vector.extract_strided_slice %get3A_1 {offsets = [1, 0], sizes = [1, 128], strides = [1, 1]} : vector<3x128xf32> to vector<1x128xf32>
    %squeeze3A_82 = vector.shape_cast %slice3A_81 : vector<1x128xf32> to vector<128xf32>
    %broadcast_in_dim3A_83 = vector.shape_cast %squeeze3A_82 : vector<128xf32> to vector<1x128xf32>
    %mul3A_84 = vector.broadcast %broadcast_in_dim3A_83 : vector<1x128xf32> to vector<2000x128xf32>
    %mul3A_85 = arith.mulf %get3A_22, %mul3A_84 : vector<2000x128xf32>
    %add3A_86 = vector.broadcast %get3A_4 : vector<1x128xf32> to vector<2000x128xf32>
    %add3A_87 = arith.addf %mul3A_85, %add3A_86 : vector<2000x128xf32>
    %slice3A_88 = vector.extract_strided_slice %get3A_1 {offsets = [0, 0], sizes = [1, 128], strides = [1, 1]} : vector<3x128xf32> to vector<1x128xf32>
    %squeeze3A_89 = vector.shape_cast %slice3A_88 : vector<1x128xf32> to vector<128xf32>
    %broadcast_in_dim3A_90 = vector.shape_cast %squeeze3A_89 : vector<128xf32> to vector<1x128xf32>
    %mul3A_91 = vector.broadcast %broadcast_in_dim3A_90 : vector<1x128xf32> to vector<2000x128xf32>
    %mul3A_92 = arith.mulf %get3A_17, %mul3A_91 : vector<2000x128xf32>
    %add3A_93 = arith.addf %add3A_87, %mul3A_92 : vector<2000x128xf32>
    %slice3A_94 = vector.extract_strided_slice %get3A_1 {offsets = [2, 0], sizes = [1, 128], strides = [1, 1]} : vector<3x128xf32> to vector<1x128xf32>
    %squeeze3A_95 = vector.shape_cast %slice3A_94 : vector<1x128xf32> to vector<128xf32>
    %broadcast_in_dim3A_96 = vector.shape_cast %squeeze3A_95 : vector<128xf32> to vector<1x128xf32>
    %mul3A_97 = vector.broadcast %broadcast_in_dim3A_96 : vector<1x128xf32> to vector<2000x128xf32>
    %mul3A_98 = arith.mulf %get3A_27, %mul3A_97 : vector<2000x128xf32>
    %add3A_99 = arith.addf %add3A_93, %mul3A_98 : vector<2000x128xf32>
    %swap3A_100 = arith.constant 2 : index
    %swap3A_101 = arith.constant 0 : index
    %swap3A_102 = arith.constant 0 : index
    %swap3A_103 = vector.load %arg5[%swap3A_100, %swap3A_101, %swap3A_102] : memref<4x2000x128xf32, #tpu.memory_space<vmem>>, vector<1x2000x128xf32>
    %swap3A_104 = vector.shape_cast %swap3A_103 : vector<1x2000x128xf32> to vector<2000x128xf32>
    %swap3A_105 = vector.shape_cast %add3A_99 : vector<2000x128xf32> to vector<1x2000x128xf32>
    tpu.vector_store %arg5[%swap3A_100, %swap3A_101, %swap3A_102], %swap3A_105 {strides = array<i32>} : memref<4x2000x128xf32, #tpu.memory_space<vmem>>, vector<1x2000x128xf32>,
    %dot_general3A_106 = arith.constant dense<0.000000e+00> : vector<2000x64xf32>
    %dot_general3A_107 = tpu.matmul %add3A_99, %get3A_7, %dot_general3A_106 {dimension_numbers = #tpu.dot_dimension_numbers<[1], [0], [0], [1], [0, 0, 1, 1], [], []>, transpose_lhs_hint = false} : vector<2000x128xf32>, vector<128x64xf32>, vector<2000x64xf32> -> vector<2000x64xf32>
    %swap3A_108 = arith.constant 2 : index
    %swap3A_109 = arith.constant 0 : index
    %swap3A_110 = arith.constant 0 : index
    %swap3A_111 = vector.load %arg6[%swap3A_108, %swap3A_109, %swap3A_110] : memref<4x2000x64xf32, #tpu.memory_space<vmem>>, vector<1x2000x64xf32>
    %swap3A_112 = vector.shape_cast %swap3A_111 : vector<1x2000x64xf32> to vector<2000x64xf32>
    %swap3A_113 = vector.shape_cast %dot_general3A_107 : vector<2000x64xf32> to vector<1x2000x64xf32>
    tpu.vector_store %arg6[%swap3A_108, %swap3A_109, %swap3A_110], %swap3A_113 {strides = array<i32>} : memref<4x2000x64xf32, #tpu.memory_space<vmem>>, vector<1x2000x64xf32>,
    %slice3A_114 = vector.extract_strided_slice %get3A_1 {offsets = [1, 0], sizes = [1, 128], strides = [1, 1]} : vector<3x128xf32> to vector<1x128xf32>
    %squeeze3A_115 = vector.shape_cast %slice3A_114 : vector<1x128xf32> to vector<128xf32>
    %broadcast_in_dim3A_116 = vector.shape_cast %squeeze3A_115 : vector<128xf32> to vector<1x128xf32>
    %mul3A_117 = vector.broadcast %broadcast_in_dim3A_116 : vector<1x128xf32> to vector<2000x128xf32>
    %mul3A_118 = arith.mulf %get3A_27, %mul3A_117 : vector<2000x128xf32>
    %add3A_119 = vector.broadcast %get3A_4 : vector<1x128xf32> to vector<2000x128xf32>
    %add3A_120 = arith.addf %mul3A_118, %add3A_119 : vector<2000x128xf32>
    %slice3A_121 = vector.extract_strided_slice %get3A_1 {offsets = [0, 0], sizes = [1, 128], strides = [1, 1]} : vector<3x128xf32> to vector<1x128xf32>
    %squeeze3A_122 = vector.shape_cast %slice3A_121 : vector<1x128xf32> to vector<128xf32>
    %broadcast_in_dim3A_123 = vector.shape_cast %squeeze3A_122 : vector<128xf32> to vector<1x128xf32>
    %mul3A_124 = vector.broadcast %broadcast_in_dim3A_123 : vector<1x128xf32> to vector<2000x128xf32>
    %mul3A_125 = arith.mulf %get3A_22, %mul3A_124 : vector<2000x128xf32>
    %add3A_126 = arith.addf %add3A_120, %mul3A_125 : vector<2000x128xf32>
    %swap3A_127 = arith.constant 3 : index
    %swap3A_128 = arith.constant 0 : index
    %swap3A_129 = arith.constant 0 : index
    %swap3A_130 = vector.load %arg5[%swap3A_127, %swap3A_128, %swap3A_129] : memref<4x2000x128xf32, #tpu.memory_space<vmem>>, vector<1x2000x128xf32>
    %swap3A_131 = vector.shape_cast %swap3A_130 : vector<1x2000x128xf32> to vector<2000x128xf32>
    %swap3A_132 = vector.shape_cast %add3A_126 : vector<2000x128xf32> to vector<1x2000x128xf32>
    tpu.vector_store %arg5[%swap3A_127, %swap3A_128, %swap3A_129], %swap3A_132 {strides = array<i32>} : memref<4x2000x128xf32, #tpu.memory_space<vmem>>, vector<1x2000x128xf32>,
    %dot_general3A_133 = arith.constant dense<0.000000e+00> : vector<2000x64xf32>
    %dot_general3A_134 = tpu.matmul %add3A_126, %get3A_7, %dot_general3A_133 {dimension_numbers = #tpu.dot_dimension_numbers<[1], [0], [0], [1], [0, 0, 1, 1], [], []>, transpose_lhs_hint = false} : vector<2000x128xf32>, vector<128x64xf32>, vector<2000x64xf32> -> vector<2000x64xf32>
    %swap3A_135 = arith.constant 3 : index
    %swap3A_136 = arith.constant 0 : index
    %swap3A_137 = arith.constant 0 : index
    %swap3A_138 = vector.load %arg6[%swap3A_135, %swap3A_136, %swap3A_137] : memref<4x2000x64xf32, #tpu.memory_space<vmem>>, vector<1x2000x64xf32>
    %swap3A_139 = vector.shape_cast %swap3A_138 : vector<1x2000x64xf32> to vector<2000x64xf32>
    %swap3A_140 = vector.shape_cast %dot_general3A_134 : vector<2000x64xf32> to vector<1x2000x64xf32>
    tpu.vector_store %arg6[%swap3A_135, %swap3A_136, %swap3A_137], %swap3A_140 {strides = array<i32>} : memref<4x2000x64xf32, #tpu.memory_space<vmem>>, vector<1x2000x64xf32>,
    return
  }
  func.func @transform_0(%arg0: i32) -> (i32, i32, i32) {
    %c0_i32 = arith.constant 0 : i32
    %c0_i32_0 = arith.constant 0 : i32
    %c0_i32_1 = arith.constant 0 : i32
    return %c0_i32, %arg0, %c0_i32_0 : i32, i32, i32
  }
  func.func @transform_1(%arg0: i32) -> (i32, i32) {
    %c0_i32 = arith.constant 0 : i32
    %c0_i32_0 = arith.constant 0 : i32
    %c0_i32_1 = arith.constant 0 : i32
    return %c0_i32, %c0_i32_0 : i32, i32
  }
  func.func @transform_2(%arg0: i32) -> (i32, i32) {
    %c0_i32 = arith.constant 0 : i32
    %c0_i32_0 = arith.constant 0 : i32
    %c0_i32_1 = arith.constant 0 : i32
    return %c0_i32, %c0_i32_0 : i32, i32
  }
  func.func @transform_3(%arg0: i32) -> (i32, i32) {
    %c0_i32 = arith.constant 0 : i32
    %c0_i32_0 = arith.constant 0 : i32
    %c0_i32_1 = arith.constant 0 : i32
    return %c0_i32, %c0_i32_0 : i32, i32
  }
  func.func @transform_4(%arg0: i32) -> (i32, i32, i32) {
    %c0_i32 = arith.constant 0 : i32
    %c0_i32_0 = arith.constant 0 : i32
    %c0_i32_1 = arith.constant 0 : i32
    return %c0_i32, %arg0, %c0_i32_0 : i32, i32, i32
  }
  func.func @transform_5(%arg0: i32) -> (i32, i32, i32) {
    %c0_i32 = arith.constant 0 : i32
    %c0_i32_0 = arith.constant 0 : i32
    %c0_i32_1 = arith.constant 0 : i32
    return %c0_i32, %arg0, %c0_i32_0 : i32, i32, i32
  }
}

module attributes {stable_mosaic.version = 14 : i64} {
  func.func @_p3_body(%arg0: i32, %arg1: memref<4x1000x128xf32, #tpu.memory_space<vmem>>, %arg2: memref<4x1000x64xf32, #tpu.memory_space<vmem>>, %arg3: memref<4x1000x8xf32, #tpu.memory_space<vmem>>, %arg4: memref<128x64xf32, #tpu.memory_space<vmem>>, %arg5: memref<128x64xf32, #tpu.memory_space<vmem>>, %arg6: memref<1x64xf32, #tpu.memory_space<vmem>>, %arg7: memref<1x64xf32, #tpu.memory_space<vmem>>, %arg8: memref<1x1024xf32, #tpu.memory_space<vmem>>, %arg9: memref<1x1024xf32, #tpu.memory_space<vmem>>, %arg10: memref<1024x64xf32, #tpu.memory_space<vmem>>, %arg11: memref<1x64xf32, #tpu.memory_space<vmem>>, %arg12: memref<64x64xf32, #tpu.memory_space<vmem>>, %arg13: memref<4x1000x64xf32, #tpu.memory_space<vmem>>, %arg14: memref<4x1000x64xf32, #tpu.memory_space<vmem>>) attributes {dimension_semantics = [#tpu.dimension_semantics<arbitrary>], iteration_bounds = array<i64: 10>, scalar_prefetch = 0 : i64, scratch_operands = 0 : i64, tpu.core_type = #tpu.core_type<tc>, window_params = [{transform_indices = @transform_0, window_bounds = array<i64: 4, 1000, 128>}, {transform_indices = @transform_1, window_bounds = array<i64: 4, 1000, 64>}, {transform_indices = @transform_2, window_bounds = array<i64: 4, 1000, 8>}, {pipeline_mode = #tpu.pipeline_mode<synchronous>, transform_indices = @transform_3, window_bounds = array<i64: 128, 64>}, {pipeline_mode = #tpu.pipeline_mode<synchronous>, transform_indices = @transform_4, window_bounds = array<i64: 128, 64>}, {pipeline_mode = #tpu.pipeline_mode<synchronous>, transform_indices = @transform_5, window_bounds = array<i64: 1, 64>}, {pipeline_mode = #tpu.pipeline_mode<synchronous>, transform_indices = @transform_6, window_bounds = array<i64: 1, 64>}, {pipeline_mode = #tpu.pipeline_mode<synchronous>, transform_indices = @transform_7, window_bounds = array<i64: 1, 1024>}, {pipeline_mode = #tpu.pipeline_mode<synchronous>, transform_indices = @transform_8, window_bounds = array<i64: 1, 1024>}, {pipeline_mode = #tpu.pipeline_mode<synchronous>, transform_indices = @transform_9, window_bounds = array<i64: 1024, 64>}, {pipeline_mode = #tpu.pipeline_mode<synchronous>, transform_indices = @transform_10, window_bounds = array<i64: 1, 64>}, {pipeline_mode = #tpu.pipeline_mode<synchronous>, transform_indices = @transform_11, window_bounds = array<i64: 64, 64>}, {transform_indices = @transform_12, window_bounds = array<i64: 4, 1000, 64>}, {transform_indices = @transform_13, window_bounds = array<i64: 4, 1000, 64>}]} {
    %get3A = arith.constant 0 : index
    %get3A_0 = arith.constant 0 : index
    %get3A_1 = vector.load %arg4[%get3A, %get3A_0] : memref<128x64xf32, #tpu.memory_space<vmem>>, vector<128x64xf32>
    %get3A_2 = arith.constant 0 : index
    %get3A_3 = arith.constant 0 : index
    %get3A_4 = vector.load %arg5[%get3A_2, %get3A_3] : memref<128x64xf32, #tpu.memory_space<vmem>>, vector<128x64xf32>
    %get3A_5 = arith.constant 0 : index
    %get3A_6 = arith.constant 0 : index
    %get3A_7 = vector.load %arg12[%get3A_5, %get3A_6] : memref<64x64xf32, #tpu.memory_space<vmem>>, vector<64x64xf32>
    %get3A_8 = arith.constant 0 : index
    %get3A_9 = arith.constant 0 : index
    %get3A_10 = vector.load %arg6[%get3A_8, %get3A_9] : memref<1x64xf32, #tpu.memory_space<vmem>>, vector<1x64xf32>
    %get3A_11 = arith.constant 0 : index
    %get3A_12 = arith.constant 0 : index
    %get3A_13 = vector.load %arg7[%get3A_11, %get3A_12] : memref<1x64xf32, #tpu.memory_space<vmem>>, vector<1x64xf32>
    %get3A_14 = arith.constant 0 : index
    %get3A_15 = arith.constant 0 : index
    %get3A_16 = vector.load %arg11[%get3A_14, %get3A_15] : memref<1x64xf32, #tpu.memory_space<vmem>>, vector<1x64xf32>
    %get3A_17 = arith.constant 0 : index
    %get3A_18 = arith.constant 0 : index
    %get3A_19 = vector.load %arg8[%get3A_17, %get3A_18] : memref<1x1024xf32, #tpu.memory_space<vmem>>, vector<1x1024xf32>
    %get3A_20 = arith.constant 0 : index
    %get3A_21 = arith.constant 0 : index
    %get3A_22 = vector.load %arg9[%get3A_20, %get3A_21] : memref<1x1024xf32, #tpu.memory_space<vmem>>, vector<1x1024xf32>
    %get3A_23 = arith.constant 0 : index
    %get3A_24 = arith.constant 0 : index
    %get3A_25 = vector.load %arg10[%get3A_23, %get3A_24] : memref<1024x64xf32, #tpu.memory_space<vmem>>, vector<1024x64xf32>
    %broadcast_in_dim3A = arith.constant 0.000000e+00 : f32
    %broadcast_in_dim3A_26 = vector.broadcast %broadcast_in_dim3A : f32 to vector<1000x1024xf32>
    %get3A_27 = arith.constant 0 : index
    %get3A_28 = arith.constant 0 : index
    %get3A_29 = arith.constant 0 : index
    %get3A_30 = vector.load %arg1[%get3A_27, %get3A_28, %get3A_29] : memref<4x1000x128xf32, #tpu.memory_space<vmem>>, vector<1x1000x128xf32>
    %get3A_31 = vector.shape_cast %get3A_30 : vector<1x1000x128xf32> to vector<1000x128xf32>
    %get3A_32 = arith.constant 0 : index
    %get3A_33 = arith.constant 0 : index
    %get3A_34 = arith.constant 0 : index
    %get3A_35 = vector.load %arg3[%get3A_32, %get3A_33, %get3A_34] : memref<4x1000x8xf32, #tpu.memory_space<vmem>>, vector<1x1000x8xf32>
    %get3A_36 = vector.shape_cast %get3A_35 : vector<1x1000x8xf32> to vector<1000x8xf32>
    %slice3A = vector.extract_strided_slice %get3A_36 {offsets = [0, 0], sizes = [1000, 1], strides = [1, 1]} : vector<1000x8xf32> to vector<1000x1xf32>
    %max3A = arith.constant 1.000000e+00 : f32
    %max3A_37 = vector.broadcast %max3A : f32 to vector<1000x1xf32>
    %max3A_38 = arith.maximumf %slice3A, %max3A_37 : vector<1000x1xf32>
    %div3A = arith.constant 1.000000e+00 : f32
    %div3A_39 = vector.broadcast %div3A : f32 to vector<1000x1xf32>
    %div3A_40 = arith.divf %div3A_39, %max3A_38 : vector<1000x1xf32>
    %get3A_41 = arith.constant 0 : index
    %get3A_42 = arith.constant 0 : index
    %get3A_43 = arith.constant 0 : index
    %get3A_44 = vector.load %arg2[%get3A_41, %get3A_42, %get3A_43] : memref<4x1000x64xf32, #tpu.memory_space<vmem>>, vector<1x1000x64xf32>
    %get3A_45 = vector.shape_cast %get3A_44 : vector<1x1000x64xf32> to vector<1000x64xf32>
    %mul3A = vector.broadcast %div3A_40 : vector<1000x1xf32> to vector<1000x64xf32>
    %mul3A_46 = arith.mulf %get3A_45, %mul3A : vector<1000x64xf32>
    %dot_general3A = arith.constant dense<0.000000e+00> : vector<1000x64xf32>
    %dot_general3A_47 = tpu.matmul %get3A_31, %get3A_1, %dot_general3A {dimension_numbers = #tpu.dot_dimension_numbers<[1], [0], [0], [1], [0, 0, 1, 1], [], []>, transpose_lhs_hint = false} : vector<1000x128xf32>, vector<128x64xf32>, vector<1000x64xf32> -> vector<1000x64xf32>
    %add3A = arith.addf %mul3A_46, %dot_general3A_47 : vector<1000x64xf32>
    %add3A_48 = vector.broadcast %get3A_10 : vector<1x64xf32> to vector<1000x64xf32>
    %add3A_49 = arith.addf %add3A, %add3A_48 : vector<1000x64xf32>
    %dot_general3A_50 = arith.constant dense<0.000000e+00> : vector<1000x64xf32>
    %dot_general3A_51 = tpu.matmul %get3A_31, %get3A_4, %dot_general3A_50 {dimension_numbers = #tpu.dot_dimension_numbers<[1], [0], [0], [1], [0, 0, 1, 1], [], []>, transpose_lhs_hint = false} : vector<1000x128xf32>, vector<128x64xf32>, vector<1000x64xf32> -> vector<1000x64xf32>
    %add3A_52 = vector.broadcast %get3A_13 : vector<1x64xf32> to vector<1000x64xf32>
    %add3A_53 = arith.addf %dot_general3A_51, %add3A_52 : vector<1000x64xf32>
    %concatenate3A = tpu.concatenate %add3A_49, %add3A_49, %add3A_49, %add3A_49, %add3A_49, %add3A_49, %add3A_49, %add3A_49, %add3A_49, %add3A_49, %add3A_49, %add3A_49, %add3A_49, %add3A_49, %add3A_49, %add3A_49 in 1 : vector<1000x64xf32>, vector<1000x64xf32>, vector<1000x64xf32>, vector<1000x64xf32>, vector<1000x64xf32>, vector<1000x64xf32>, vector<1000x64xf32>, vector<1000x64xf32>, vector<1000x64xf32>, vector<1000x64xf32>, vector<1000x64xf32>, vector<1000x64xf32>, vector<1000x64xf32>, vector<1000x64xf32>, vector<1000x64xf32>, vector<1000x64xf32> -> vector<1000x1024xf32>
    %mul3A_54 = vector.broadcast %get3A_19 : vector<1x1024xf32> to vector<1000x1024xf32>
    %mul3A_55 = arith.mulf %mul3A_54, %broadcast_in_dim3A_26 : vector<1000x1024xf32>
    %mul3A_56 = vector.broadcast %get3A_22 : vector<1x1024xf32> to vector<1000x1024xf32>
    %mul3A_57 = arith.mulf %mul3A_56, %concatenate3A : vector<1000x1024xf32>
    %add3A_58 = arith.addf %mul3A_55, %mul3A_57 : vector<1000x1024xf32>
    %max3A_59 = arith.constant 0.000000e+00 : f32
    %max3A_60 = vector.broadcast %max3A_59 : f32 to vector<1000x1024xf32>
    %max3A_61 = arith.maximumf %add3A_58, %max3A_60 : vector<1000x1024xf32>
    %dot_general3A_62 = arith.constant dense<0.000000e+00> : vector<1000x64xf32>
    %dot_general3A_63 = tpu.matmul %max3A_61, %get3A_25, %dot_general3A_62 {dimension_numbers = #tpu.dot_dimension_numbers<[1], [0], [0], [1], [0, 0, 1, 1], [], []>, transpose_lhs_hint = false} : vector<1000x1024xf32>, vector<1024x64xf32>, vector<1000x64xf32> -> vector<1000x64xf32>
    %add3A_64 = vector.broadcast %get3A_16 : vector<1x64xf32> to vector<1000x64xf32>
    %add3A_65 = arith.addf %dot_general3A_63, %add3A_64 : vector<1000x64xf32>
    %add3A_66 = arith.addf %add3A_65, %add3A_53 : vector<1000x64xf32>
    %swap3A = arith.constant 0 : index
    %swap3A_67 = arith.constant 0 : index
    %swap3A_68 = arith.constant 0 : index
    %swap3A_69 = vector.load %arg13[%swap3A, %swap3A_67, %swap3A_68] : memref<4x1000x64xf32, #tpu.memory_space<vmem>>, vector<1x1000x64xf32>
    %swap3A_70 = vector.shape_cast %swap3A_69 : vector<1x1000x64xf32> to vector<1000x64xf32>
    %swap3A_71 = vector.shape_cast %add3A_66 : vector<1000x64xf32> to vector<1x1000x64xf32>
    tpu.vector_store %arg13[%swap3A, %swap3A_67, %swap3A_68], %swap3A_71 {strides = array<i32>} : memref<4x1000x64xf32, #tpu.memory_space<vmem>>, vector<1x1000x64xf32>,
    %dot_general3A_72 = arith.constant dense<0.000000e+00> : vector<1000x64xf32>
    %dot_general3A_73 = tpu.matmul %add3A_66, %get3A_7, %dot_general3A_72 {dimension_numbers = #tpu.dot_dimension_numbers<[1], [0], [0], [1], [0, 0, 1, 1], [], []>, transpose_lhs_hint = false} : vector<1000x64xf32>, vector<64x64xf32>, vector<1000x64xf32> -> vector<1000x64xf32>
    %swap3A_74 = arith.constant 0 : index
    %swap3A_75 = arith.constant 0 : index
    %swap3A_76 = arith.constant 0 : index
    %swap3A_77 = vector.load %arg14[%swap3A_74, %swap3A_75, %swap3A_76] : memref<4x1000x64xf32, #tpu.memory_space<vmem>>, vector<1x1000x64xf32>
    %swap3A_78 = vector.shape_cast %swap3A_77 : vector<1x1000x64xf32> to vector<1000x64xf32>
    %swap3A_79 = vector.shape_cast %dot_general3A_73 : vector<1000x64xf32> to vector<1x1000x64xf32>
    tpu.vector_store %arg14[%swap3A_74, %swap3A_75, %swap3A_76], %swap3A_79 {strides = array<i32>} : memref<4x1000x64xf32, #tpu.memory_space<vmem>>, vector<1x1000x64xf32>,
    %get3A_80 = arith.constant 1 : index
    %get3A_81 = arith.constant 0 : index
    %get3A_82 = arith.constant 0 : index
    %get3A_83 = vector.load %arg1[%get3A_80, %get3A_81, %get3A_82] : memref<4x1000x128xf32, #tpu.memory_space<vmem>>, vector<1x1000x128xf32>
    %get3A_84 = vector.shape_cast %get3A_83 : vector<1x1000x128xf32> to vector<1000x128xf32>
    %get3A_85 = arith.constant 1 : index
    %get3A_86 = arith.constant 0 : index
    %get3A_87 = arith.constant 0 : index
    %get3A_88 = vector.load %arg3[%get3A_85, %get3A_86, %get3A_87] : memref<4x1000x8xf32, #tpu.memory_space<vmem>>, vector<1x1000x8xf32>
    %get3A_89 = vector.shape_cast %get3A_88 : vector<1x1000x8xf32> to vector<1000x8xf32>
    %slice3A_90 = vector.extract_strided_slice %get3A_89 {offsets = [0, 0], sizes = [1000, 1], strides = [1, 1]} : vector<1000x8xf32> to vector<1000x1xf32>
    %max3A_91 = arith.constant 1.000000e+00 : f32
    %max3A_92 = vector.broadcast %max3A_91 : f32 to vector<1000x1xf32>
    %max3A_93 = arith.maximumf %slice3A_90, %max3A_92 : vector<1000x1xf32>
    %div3A_94 = arith.constant 1.000000e+00 : f32
    %div3A_95 = vector.broadcast %div3A_94 : f32 to vector<1000x1xf32>
    %div3A_96 = arith.divf %div3A_95, %max3A_93 : vector<1000x1xf32>
    %get3A_97 = arith.constant 1 : index
    %get3A_98 = arith.constant 0 : index
    %get3A_99 = arith.constant 0 : index
    %get3A_100 = vector.load %arg2[%get3A_97, %get3A_98, %get3A_99] : memref<4x1000x64xf32, #tpu.memory_space<vmem>>, vector<1x1000x64xf32>
    %get3A_101 = vector.shape_cast %get3A_100 : vector<1x1000x64xf32> to vector<1000x64xf32>
    %mul3A_102 = vector.broadcast %div3A_96 : vector<1000x1xf32> to vector<1000x64xf32>
    %mul3A_103 = arith.mulf %get3A_101, %mul3A_102 : vector<1000x64xf32>
    %dot_general3A_104 = arith.constant dense<0.000000e+00> : vector<1000x64xf32>
    %dot_general3A_105 = tpu.matmul %get3A_84, %get3A_1, %dot_general3A_104 {dimension_numbers = #tpu.dot_dimension_numbers<[1], [0], [0], [1], [0, 0, 1, 1], [], []>, transpose_lhs_hint = false} : vector<1000x128xf32>, vector<128x64xf32>, vector<1000x64xf32> -> vector<1000x64xf32>
    %add3A_106 = arith.addf %mul3A_103, %dot_general3A_105 : vector<1000x64xf32>
    %add3A_107 = vector.broadcast %get3A_10 : vector<1x64xf32> to vector<1000x64xf32>
    %add3A_108 = arith.addf %add3A_106, %add3A_107 : vector<1000x64xf32>
    %dot_general3A_109 = arith.constant dense<0.000000e+00> : vector<1000x64xf32>
    %dot_general3A_110 = tpu.matmul %get3A_84, %get3A_4, %dot_general3A_109 {dimension_numbers = #tpu.dot_dimension_numbers<[1], [0], [0], [1], [0, 0, 1, 1], [], []>, transpose_lhs_hint = false} : vector<1000x128xf32>, vector<128x64xf32>, vector<1000x64xf32> -> vector<1000x64xf32>
    %add3A_111 = vector.broadcast %get3A_13 : vector<1x64xf32> to vector<1000x64xf32>
    %add3A_112 = arith.addf %dot_general3A_110, %add3A_111 : vector<1000x64xf32>
    %concatenate3A_113 = tpu.concatenate %add3A_108, %add3A_108, %add3A_108, %add3A_108, %add3A_108, %add3A_108, %add3A_108, %add3A_108, %add3A_108, %add3A_108, %add3A_108, %add3A_108, %add3A_108, %add3A_108, %add3A_108, %add3A_108 in 1 : vector<1000x64xf32>, vector<1000x64xf32>, vector<1000x64xf32>, vector<1000x64xf32>, vector<1000x64xf32>, vector<1000x64xf32>, vector<1000x64xf32>, vector<1000x64xf32>, vector<1000x64xf32>, vector<1000x64xf32>, vector<1000x64xf32>, vector<1000x64xf32>, vector<1000x64xf32>, vector<1000x64xf32>, vector<1000x64xf32>, vector<1000x64xf32> -> vector<1000x1024xf32>
    %mul3A_114 = vector.broadcast %get3A_19 : vector<1x1024xf32> to vector<1000x1024xf32>
    %mul3A_115 = arith.mulf %mul3A_114, %add3A_58 : vector<1000x1024xf32>
    %mul3A_116 = vector.broadcast %get3A_22 : vector<1x1024xf32> to vector<1000x1024xf32>
    %mul3A_117 = arith.mulf %mul3A_116, %concatenate3A_113 : vector<1000x1024xf32>
    %add3A_118 = arith.addf %mul3A_115, %mul3A_117 : vector<1000x1024xf32>
    %max3A_119 = arith.constant 0.000000e+00 : f32
    %max3A_120 = vector.broadcast %max3A_119 : f32 to vector<1000x1024xf32>
    %max3A_121 = arith.maximumf %add3A_118, %max3A_120 : vector<1000x1024xf32>
    %dot_general3A_122 = arith.constant dense<0.000000e+00> : vector<1000x64xf32>
    %dot_general3A_123 = tpu.matmul %max3A_121, %get3A_25, %dot_general3A_122 {dimension_numbers = #tpu.dot_dimension_numbers<[1], [0], [0], [1], [0, 0, 1, 1], [], []>, transpose_lhs_hint = false} : vector<1000x1024xf32>, vector<1024x64xf32>, vector<1000x64xf32> -> vector<1000x64xf32>
    %add3A_124 = vector.broadcast %get3A_16 : vector<1x64xf32> to vector<1000x64xf32>
    %add3A_125 = arith.addf %dot_general3A_123, %add3A_124 : vector<1000x64xf32>
    %add3A_126 = arith.addf %add3A_125, %add3A_112 : vector<1000x64xf32>
    %swap3A_127 = arith.constant 1 : index
    %swap3A_128 = arith.constant 0 : index
    %swap3A_129 = arith.constant 0 : index
    %swap3A_130 = vector.load %arg13[%swap3A_127, %swap3A_128, %swap3A_129] : memref<4x1000x64xf32, #tpu.memory_space<vmem>>, vector<1x1000x64xf32>
    %swap3A_131 = vector.shape_cast %swap3A_130 : vector<1x1000x64xf32> to vector<1000x64xf32>
    %swap3A_132 = vector.shape_cast %add3A_126 : vector<1000x64xf32> to vector<1x1000x64xf32>
    tpu.vector_store %arg13[%swap3A_127, %swap3A_128, %swap3A_129], %swap3A_132 {strides = array<i32>} : memref<4x1000x64xf32, #tpu.memory_space<vmem>>, vector<1x1000x64xf32>,
    %dot_general3A_133 = arith.constant dense<0.000000e+00> : vector<1000x64xf32>
    %dot_general3A_134 = tpu.matmul %add3A_126, %get3A_7, %dot_general3A_133 {dimension_numbers = #tpu.dot_dimension_numbers<[1], [0], [0], [1], [0, 0, 1, 1], [], []>, transpose_lhs_hint = false} : vector<1000x64xf32>, vector<64x64xf32>, vector<1000x64xf32> -> vector<1000x64xf32>
    %swap3A_135 = arith.constant 1 : index
    %swap3A_136 = arith.constant 0 : index
    %swap3A_137 = arith.constant 0 : index
    %swap3A_138 = vector.load %arg14[%swap3A_135, %swap3A_136, %swap3A_137] : memref<4x1000x64xf32, #tpu.memory_space<vmem>>, vector<1x1000x64xf32>
    %swap3A_139 = vector.shape_cast %swap3A_138 : vector<1x1000x64xf32> to vector<1000x64xf32>
    %swap3A_140 = vector.shape_cast %dot_general3A_134 : vector<1000x64xf32> to vector<1x1000x64xf32>
    tpu.vector_store %arg14[%swap3A_135, %swap3A_136, %swap3A_137], %swap3A_140 {strides = array<i32>} : memref<4x1000x64xf32, #tpu.memory_space<vmem>>, vector<1x1000x64xf32>,
    %get3A_141 = arith.constant 2 : index
    %get3A_142 = arith.constant 0 : index
    %get3A_143 = arith.constant 0 : index
    %get3A_144 = vector.load %arg1[%get3A_141, %get3A_142, %get3A_143] : memref<4x1000x128xf32, #tpu.memory_space<vmem>>, vector<1x1000x128xf32>
    %get3A_145 = vector.shape_cast %get3A_144 : vector<1x1000x128xf32> to vector<1000x128xf32>
    %get3A_146 = arith.constant 2 : index
    %get3A_147 = arith.constant 0 : index
    %get3A_148 = arith.constant 0 : index
    %get3A_149 = vector.load %arg3[%get3A_146, %get3A_147, %get3A_148] : memref<4x1000x8xf32, #tpu.memory_space<vmem>>, vector<1x1000x8xf32>
    %get3A_150 = vector.shape_cast %get3A_149 : vector<1x1000x8xf32> to vector<1000x8xf32>
    %slice3A_151 = vector.extract_strided_slice %get3A_150 {offsets = [0, 0], sizes = [1000, 1], strides = [1, 1]} : vector<1000x8xf32> to vector<1000x1xf32>
    %max3A_152 = arith.constant 1.000000e+00 : f32
    %max3A_153 = vector.broadcast %max3A_152 : f32 to vector<1000x1xf32>
    %max3A_154 = arith.maximumf %slice3A_151, %max3A_153 : vector<1000x1xf32>
    %div3A_155 = arith.constant 1.000000e+00 : f32
    %div3A_156 = vector.broadcast %div3A_155 : f32 to vector<1000x1xf32>
    %div3A_157 = arith.divf %div3A_156, %max3A_154 : vector<1000x1xf32>
    %get3A_158 = arith.constant 2 : index
    %get3A_159 = arith.constant 0 : index
    %get3A_160 = arith.constant 0 : index
    %get3A_161 = vector.load %arg2[%get3A_158, %get3A_159, %get3A_160] : memref<4x1000x64xf32, #tpu.memory_space<vmem>>, vector<1x1000x64xf32>
    %get3A_162 = vector.shape_cast %get3A_161 : vector<1x1000x64xf32> to vector<1000x64xf32>
    %mul3A_163 = vector.broadcast %div3A_157 : vector<1000x1xf32> to vector<1000x64xf32>
    %mul3A_164 = arith.mulf %get3A_162, %mul3A_163 : vector<1000x64xf32>
    %dot_general3A_165 = arith.constant dense<0.000000e+00> : vector<1000x64xf32>
    %dot_general3A_166 = tpu.matmul %get3A_145, %get3A_1, %dot_general3A_165 {dimension_numbers = #tpu.dot_dimension_numbers<[1], [0], [0], [1], [0, 0, 1, 1], [], []>, transpose_lhs_hint = false} : vector<1000x128xf32>, vector<128x64xf32>, vector<1000x64xf32> -> vector<1000x64xf32>
    %add3A_167 = arith.addf %mul3A_164, %dot_general3A_166 : vector<1000x64xf32>
    %add3A_168 = vector.broadcast %get3A_10 : vector<1x64xf32> to vector<1000x64xf32>
    %add3A_169 = arith.addf %add3A_167, %add3A_168 : vector<1000x64xf32>
    %dot_general3A_170 = arith.constant dense<0.000000e+00> : vector<1000x64xf32>
    %dot_general3A_171 = tpu.matmul %get3A_145, %get3A_4, %dot_general3A_170 {dimension_numbers = #tpu.dot_dimension_numbers<[1], [0], [0], [1], [0, 0, 1, 1], [], []>, transpose_lhs_hint = false} : vector<1000x128xf32>, vector<128x64xf32>, vector<1000x64xf32> -> vector<1000x64xf32>
    %add3A_172 = vector.broadcast %get3A_13 : vector<1x64xf32> to vector<1000x64xf32>
    %add3A_173 = arith.addf %dot_general3A_171, %add3A_172 : vector<1000x64xf32>
    %concatenate3A_174 = tpu.concatenate %add3A_169, %add3A_169, %add3A_169, %add3A_169, %add3A_169, %add3A_169, %add3A_169, %add3A_169, %add3A_169, %add3A_169, %add3A_169, %add3A_169, %add3A_169, %add3A_169, %add3A_169, %add3A_169 in 1 : vector<1000x64xf32>, vector<1000x64xf32>, vector<1000x64xf32>, vector<1000x64xf32>, vector<1000x64xf32>, vector<1000x64xf32>, vector<1000x64xf32>, vector<1000x64xf32>, vector<1000x64xf32>, vector<1000x64xf32>, vector<1000x64xf32>, vector<1000x64xf32>, vector<1000x64xf32>, vector<1000x64xf32>, vector<1000x64xf32>, vector<1000x64xf32> -> vector<1000x1024xf32>
    %mul3A_175 = vector.broadcast %get3A_19 : vector<1x1024xf32> to vector<1000x1024xf32>
    %mul3A_176 = arith.mulf %mul3A_175, %add3A_118 : vector<1000x1024xf32>
    %mul3A_177 = vector.broadcast %get3A_22 : vector<1x1024xf32> to vector<1000x1024xf32>
    %mul3A_178 = arith.mulf %mul3A_177, %concatenate3A_174 : vector<1000x1024xf32>
    %add3A_179 = arith.addf %mul3A_176, %mul3A_178 : vector<1000x1024xf32>
    %max3A_180 = arith.constant 0.000000e+00 : f32
    %max3A_181 = vector.broadcast %max3A_180 : f32 to vector<1000x1024xf32>
    %max3A_182 = arith.maximumf %add3A_179, %max3A_181 : vector<1000x1024xf32>
    %dot_general3A_183 = arith.constant dense<0.000000e+00> : vector<1000x64xf32>
    %dot_general3A_184 = tpu.matmul %max3A_182, %get3A_25, %dot_general3A_183 {dimension_numbers = #tpu.dot_dimension_numbers<[1], [0], [0], [1], [0, 0, 1, 1], [], []>, transpose_lhs_hint = false} : vector<1000x1024xf32>, vector<1024x64xf32>, vector<1000x64xf32> -> vector<1000x64xf32>
    %add3A_185 = vector.broadcast %get3A_16 : vector<1x64xf32> to vector<1000x64xf32>
    %add3A_186 = arith.addf %dot_general3A_184, %add3A_185 : vector<1000x64xf32>
    %add3A_187 = arith.addf %add3A_186, %add3A_173 : vector<1000x64xf32>
    %swap3A_188 = arith.constant 2 : index
    %swap3A_189 = arith.constant 0 : index
    %swap3A_190 = arith.constant 0 : index
    %swap3A_191 = vector.load %arg13[%swap3A_188, %swap3A_189, %swap3A_190] : memref<4x1000x64xf32, #tpu.memory_space<vmem>>, vector<1x1000x64xf32>
    %swap3A_192 = vector.shape_cast %swap3A_191 : vector<1x1000x64xf32> to vector<1000x64xf32>
    %swap3A_193 = vector.shape_cast %add3A_187 : vector<1000x64xf32> to vector<1x1000x64xf32>
    tpu.vector_store %arg13[%swap3A_188, %swap3A_189, %swap3A_190], %swap3A_193 {strides = array<i32>} : memref<4x1000x64xf32, #tpu.memory_space<vmem>>, vector<1x1000x64xf32>,
    %dot_general3A_194 = arith.constant dense<0.000000e+00> : vector<1000x64xf32>
    %dot_general3A_195 = tpu.matmul %add3A_187, %get3A_7, %dot_general3A_194 {dimension_numbers = #tpu.dot_dimension_numbers<[1], [0], [0], [1], [0, 0, 1, 1], [], []>, transpose_lhs_hint = false} : vector<1000x64xf32>, vector<64x64xf32>, vector<1000x64xf32> -> vector<1000x64xf32>
    %swap3A_196 = arith.constant 2 : index
    %swap3A_197 = arith.constant 0 : index
    %swap3A_198 = arith.constant 0 : index
    %swap3A_199 = vector.load %arg14[%swap3A_196, %swap3A_197, %swap3A_198] : memref<4x1000x64xf32, #tpu.memory_space<vmem>>, vector<1x1000x64xf32>
    %swap3A_200 = vector.shape_cast %swap3A_199 : vector<1x1000x64xf32> to vector<1000x64xf32>
    %swap3A_201 = vector.shape_cast %dot_general3A_195 : vector<1000x64xf32> to vector<1x1000x64xf32>
    tpu.vector_store %arg14[%swap3A_196, %swap3A_197, %swap3A_198], %swap3A_201 {strides = array<i32>} : memref<4x1000x64xf32, #tpu.memory_space<vmem>>, vector<1x1000x64xf32>,
    %get3A_202 = arith.constant 3 : index
    %get3A_203 = arith.constant 0 : index
    %get3A_204 = arith.constant 0 : index
    %get3A_205 = vector.load %arg1[%get3A_202, %get3A_203, %get3A_204] : memref<4x1000x128xf32, #tpu.memory_space<vmem>>, vector<1x1000x128xf32>
    %get3A_206 = vector.shape_cast %get3A_205 : vector<1x1000x128xf32> to vector<1000x128xf32>
    %get3A_207 = arith.constant 3 : index
    %get3A_208 = arith.constant 0 : index
    %get3A_209 = arith.constant 0 : index
    %get3A_210 = vector.load %arg3[%get3A_207, %get3A_208, %get3A_209] : memref<4x1000x8xf32, #tpu.memory_space<vmem>>, vector<1x1000x8xf32>
    %get3A_211 = vector.shape_cast %get3A_210 : vector<1x1000x8xf32> to vector<1000x8xf32>
    %slice3A_212 = vector.extract_strided_slice %get3A_211 {offsets = [0, 0], sizes = [1000, 1], strides = [1, 1]} : vector<1000x8xf32> to vector<1000x1xf32>
    %max3A_213 = arith.constant 1.000000e+00 : f32
    %max3A_214 = vector.broadcast %max3A_213 : f32 to vector<1000x1xf32>
    %max3A_215 = arith.maximumf %slice3A_212, %max3A_214 : vector<1000x1xf32>
    %div3A_216 = arith.constant 1.000000e+00 : f32
    %div3A_217 = vector.broadcast %div3A_216 : f32 to vector<1000x1xf32>
    %div3A_218 = arith.divf %div3A_217, %max3A_215 : vector<1000x1xf32>
    %get3A_219 = arith.constant 3 : index
    %get3A_220 = arith.constant 0 : index
    %get3A_221 = arith.constant 0 : index
    %get3A_222 = vector.load %arg2[%get3A_219, %get3A_220, %get3A_221] : memref<4x1000x64xf32, #tpu.memory_space<vmem>>, vector<1x1000x64xf32>
    %get3A_223 = vector.shape_cast %get3A_222 : vector<1x1000x64xf32> to vector<1000x64xf32>
    %mul3A_224 = vector.broadcast %div3A_218 : vector<1000x1xf32> to vector<1000x64xf32>
    %mul3A_225 = arith.mulf %get3A_223, %mul3A_224 : vector<1000x64xf32>
    %dot_general3A_226 = arith.constant dense<0.000000e+00> : vector<1000x64xf32>
    %dot_general3A_227 = tpu.matmul %get3A_206, %get3A_1, %dot_general3A_226 {dimension_numbers = #tpu.dot_dimension_numbers<[1], [0], [0], [1], [0, 0, 1, 1], [], []>, transpose_lhs_hint = false} : vector<1000x128xf32>, vector<128x64xf32>, vector<1000x64xf32> -> vector<1000x64xf32>
    %add3A_228 = arith.addf %mul3A_225, %dot_general3A_227 : vector<1000x64xf32>
    %add3A_229 = vector.broadcast %get3A_10 : vector<1x64xf32> to vector<1000x64xf32>
    %add3A_230 = arith.addf %add3A_228, %add3A_229 : vector<1000x64xf32>
    %dot_general3A_231 = arith.constant dense<0.000000e+00> : vector<1000x64xf32>
    %dot_general3A_232 = tpu.matmul %get3A_206, %get3A_4, %dot_general3A_231 {dimension_numbers = #tpu.dot_dimension_numbers<[1], [0], [0], [1], [0, 0, 1, 1], [], []>, transpose_lhs_hint = false} : vector<1000x128xf32>, vector<128x64xf32>, vector<1000x64xf32> -> vector<1000x64xf32>
    %add3A_233 = vector.broadcast %get3A_13 : vector<1x64xf32> to vector<1000x64xf32>
    %add3A_234 = arith.addf %dot_general3A_232, %add3A_233 : vector<1000x64xf32>
    %concatenate3A_235 = tpu.concatenate %add3A_230, %add3A_230, %add3A_230, %add3A_230, %add3A_230, %add3A_230, %add3A_230, %add3A_230, %add3A_230, %add3A_230, %add3A_230, %add3A_230, %add3A_230, %add3A_230, %add3A_230, %add3A_230 in 1 : vector<1000x64xf32>, vector<1000x64xf32>, vector<1000x64xf32>, vector<1000x64xf32>, vector<1000x64xf32>, vector<1000x64xf32>, vector<1000x64xf32>, vector<1000x64xf32>, vector<1000x64xf32>, vector<1000x64xf32>, vector<1000x64xf32>, vector<1000x64xf32>, vector<1000x64xf32>, vector<1000x64xf32>, vector<1000x64xf32>, vector<1000x64xf32> -> vector<1000x1024xf32>
    %mul3A_236 = vector.broadcast %get3A_19 : vector<1x1024xf32> to vector<1000x1024xf32>
    %mul3A_237 = arith.mulf %mul3A_236, %add3A_179 : vector<1000x1024xf32>
    %mul3A_238 = vector.broadcast %get3A_22 : vector<1x1024xf32> to vector<1000x1024xf32>
    %mul3A_239 = arith.mulf %mul3A_238, %concatenate3A_235 : vector<1000x1024xf32>
    %add3A_240 = arith.addf %mul3A_237, %mul3A_239 : vector<1000x1024xf32>
    %max3A_241 = arith.constant 0.000000e+00 : f32
    %max3A_242 = vector.broadcast %max3A_241 : f32 to vector<1000x1024xf32>
    %max3A_243 = arith.maximumf %add3A_240, %max3A_242 : vector<1000x1024xf32>
    %dot_general3A_244 = arith.constant dense<0.000000e+00> : vector<1000x64xf32>
    %dot_general3A_245 = tpu.matmul %max3A_243, %get3A_25, %dot_general3A_244 {dimension_numbers = #tpu.dot_dimension_numbers<[1], [0], [0], [1], [0, 0, 1, 1], [], []>, transpose_lhs_hint = false} : vector<1000x1024xf32>, vector<1024x64xf32>, vector<1000x64xf32> -> vector<1000x64xf32>
    %add3A_246 = vector.broadcast %get3A_16 : vector<1x64xf32> to vector<1000x64xf32>
    %add3A_247 = arith.addf %dot_general3A_245, %add3A_246 : vector<1000x64xf32>
    %add3A_248 = arith.addf %add3A_247, %add3A_234 : vector<1000x64xf32>
    %swap3A_249 = arith.constant 3 : index
    %swap3A_250 = arith.constant 0 : index
    %swap3A_251 = arith.constant 0 : index
    %swap3A_252 = vector.load %arg13[%swap3A_249, %swap3A_250, %swap3A_251] : memref<4x1000x64xf32, #tpu.memory_space<vmem>>, vector<1x1000x64xf32>
    %swap3A_253 = vector.shape_cast %swap3A_252 : vector<1x1000x64xf32> to vector<1000x64xf32>
    %swap3A_254 = vector.shape_cast %add3A_248 : vector<1000x64xf32> to vector<1x1000x64xf32>
    tpu.vector_store %arg13[%swap3A_249, %swap3A_250, %swap3A_251], %swap3A_254 {strides = array<i32>} : memref<4x1000x64xf32, #tpu.memory_space<vmem>>, vector<1x1000x64xf32>,
    %dot_general3A_255 = arith.constant dense<0.000000e+00> : vector<1000x64xf32>
    %dot_general3A_256 = tpu.matmul %add3A_248, %get3A_7, %dot_general3A_255 {dimension_numbers = #tpu.dot_dimension_numbers<[1], [0], [0], [1], [0, 0, 1, 1], [], []>, transpose_lhs_hint = false} : vector<1000x64xf32>, vector<64x64xf32>, vector<1000x64xf32> -> vector<1000x64xf32>
    %swap3A_257 = arith.constant 3 : index
    %swap3A_258 = arith.constant 0 : index
    %swap3A_259 = arith.constant 0 : index
    %swap3A_260 = vector.load %arg14[%swap3A_257, %swap3A_258, %swap3A_259] : memref<4x1000x64xf32, #tpu.memory_space<vmem>>, vector<1x1000x64xf32>
    %swap3A_261 = vector.shape_cast %swap3A_260 : vector<1x1000x64xf32> to vector<1000x64xf32>
    %swap3A_262 = vector.shape_cast %dot_general3A_256 : vector<1000x64xf32> to vector<1x1000x64xf32>
    tpu.vector_store %arg14[%swap3A_257, %swap3A_258, %swap3A_259], %swap3A_262 {strides = array<i32>} : memref<4x1000x64xf32, #tpu.memory_space<vmem>>, vector<1x1000x64xf32>,
    return
  }
  func.func @transform_0(%arg0: i32) -> (i32, i32, i32) {
    %c0_i32 = arith.constant 0 : i32
    %c0_i32_0 = arith.constant 0 : i32
    %c0_i32_1 = arith.constant 0 : i32
    return %c0_i32, %arg0, %c0_i32_0 : i32, i32, i32
  }
  func.func @transform_1(%arg0: i32) -> (i32, i32, i32) {
    %c0_i32 = arith.constant 0 : i32
    %c0_i32_0 = arith.constant 0 : i32
    %c0_i32_1 = arith.constant 0 : i32
    return %c0_i32, %arg0, %c0_i32_0 : i32, i32, i32
  }
  func.func @transform_2(%arg0: i32) -> (i32, i32, i32) {
    %c0_i32 = arith.constant 0 : i32
    %c0_i32_0 = arith.constant 0 : i32
    %c0_i32_1 = arith.constant 0 : i32
    return %c0_i32, %arg0, %c0_i32_0 : i32, i32, i32
  }
  func.func @transform_3(%arg0: i32) -> (i32, i32) {
    %c0_i32 = arith.constant 0 : i32
    %c0_i32_0 = arith.constant 0 : i32
    %c0_i32_1 = arith.constant 0 : i32
    return %c0_i32, %c0_i32_0 : i32, i32
  }
  func.func @transform_4(%arg0: i32) -> (i32, i32) {
    %c0_i32 = arith.constant 0 : i32
    %c0_i32_0 = arith.constant 0 : i32
    %c0_i32_1 = arith.constant 0 : i32
    return %c0_i32, %c0_i32_0 : i32, i32
  }
  func.func @transform_5(%arg0: i32) -> (i32, i32) {
    %c0_i32 = arith.constant 0 : i32
    %c0_i32_0 = arith.constant 0 : i32
    %c0_i32_1 = arith.constant 0 : i32
    return %c0_i32, %c0_i32_0 : i32, i32
  }
  func.func @transform_6(%arg0: i32) -> (i32, i32) {
    %c0_i32 = arith.constant 0 : i32
    %c0_i32_0 = arith.constant 0 : i32
    %c0_i32_1 = arith.constant 0 : i32
    return %c0_i32, %c0_i32_0 : i32, i32
  }
  func.func @transform_7(%arg0: i32) -> (i32, i32) {
    %c0_i32 = arith.constant 0 : i32
    %c0_i32_0 = arith.constant 0 : i32
    %c0_i32_1 = arith.constant 0 : i32
    return %c0_i32, %c0_i32_0 : i32, i32
  }
  func.func @transform_8(%arg0: i32) -> (i32, i32) {
    %c0_i32 = arith.constant 0 : i32
    %c0_i32_0 = arith.constant 0 : i32
    %c0_i32_1 = arith.constant 0 : i32
    return %c0_i32, %c0_i32_0 : i32, i32
  }
  func.func @transform_9(%arg0: i32) -> (i32, i32) {
    %c0_i32 = arith.constant 0 : i32
    %c0_i32_0 = arith.constant 0 : i32
    %c0_i32_1 = arith.constant 0 : i32
    return %c0_i32, %c0_i32_0 : i32, i32
  }
  func.func @transform_10(%arg0: i32) -> (i32, i32) {
    %c0_i32 = arith.constant 0 : i32
    %c0_i32_0 = arith.constant 0 : i32
    %c0_i32_1 = arith.constant 0 : i32
    return %c0_i32, %c0_i32_0 : i32, i32
  }
  func.func @transform_11(%arg0: i32) -> (i32, i32) {
    %c0_i32 = arith.constant 0 : i32
    %c0_i32_0 = arith.constant 0 : i32
    %c0_i32_1 = arith.constant 0 : i32
    return %c0_i32, %c0_i32_0 : i32, i32
  }
  func.func @transform_12(%arg0: i32) -> (i32, i32, i32) {
    %c0_i32 = arith.constant 0 : i32
    %c0_i32_0 = arith.constant 0 : i32
    %c0_i32_1 = arith.constant 0 : i32
    return %c0_i32, %arg0, %c0_i32_0 : i32, i32, i32
  }
  func.func @transform_13(%arg0: i32) -> (i32, i32, i32) {
    %c0_i32 = arith.constant 0 : i32
    %c0_i32_0 = arith.constant 0 : i32
    %c0_i32_1 = arith.constant 0 : i32
    return %c0_i32, %arg0, %c0_i32_0 : i32, i32, i32
  }
}

module attributes {stable_mosaic.version = 14 : i64} {
  func.func @_p5_body(%arg0: i32, %arg1: memref<4x1000x64xf32, #tpu.memory_space<vmem>>, %arg2: memref<4x1000x64xf32, #tpu.memory_space<vmem>>, %arg3: memref<4x1000x8xf32, #tpu.memory_space<vmem>>, %arg4: memref<64x64xf32, #tpu.memory_space<vmem>>, %arg5: memref<64x64xf32, #tpu.memory_space<vmem>>, %arg6: memref<1x64xf32, #tpu.memory_space<vmem>>, %arg7: memref<1x64xf32, #tpu.memory_space<vmem>>, %arg8: memref<1x1024xf32, #tpu.memory_space<vmem>>, %arg9: memref<1x1024xf32, #tpu.memory_space<vmem>>, %arg10: memref<1024x64xf32, #tpu.memory_space<vmem>>, %arg11: memref<1x64xf32, #tpu.memory_space<vmem>>, %arg12: memref<64x128xf32, #tpu.memory_space<vmem>>, %arg13: memref<1x128xf32, #tpu.memory_space<vmem>>, %arg14: memref<1000x128xf32, #tpu.memory_space<vmem>>) attributes {dimension_semantics = [#tpu.dimension_semantics<arbitrary>], iteration_bounds = array<i64: 10>, scalar_prefetch = 0 : i64, scratch_operands = 0 : i64, tpu.core_type = #tpu.core_type<tc>, window_params = [{transform_indices = @transform_0, window_bounds = array<i64: 4, 1000, 64>}, {transform_indices = @transform_1, window_bounds = array<i64: 4, 1000, 64>}, {transform_indices = @transform_2, window_bounds = array<i64: 4, 1000, 8>}, {pipeline_mode = #tpu.pipeline_mode<synchronous>, transform_indices = @transform_3, window_bounds = array<i64: 64, 64>}, {pipeline_mode = #tpu.pipeline_mode<synchronous>, transform_indices = @transform_4, window_bounds = array<i64: 64, 64>}, {pipeline_mode = #tpu.pipeline_mode<synchronous>, transform_indices = @transform_5, window_bounds = array<i64: 1, 64>}, {pipeline_mode = #tpu.pipeline_mode<synchronous>, transform_indices = @transform_6, window_bounds = array<i64: 1, 64>}, {pipeline_mode = #tpu.pipeline_mode<synchronous>, transform_indices = @transform_7, window_bounds = array<i64: 1, 1024>}, {pipeline_mode = #tpu.pipeline_mode<synchronous>, transform_indices = @transform_8, window_bounds = array<i64: 1, 1024>}, {pipeline_mode = #tpu.pipeline_mode<synchronous>, transform_indices = @transform_9, window_bounds = array<i64: 1024, 64>}, {pipeline_mode = #tpu.pipeline_mode<synchronous>, transform_indices = @transform_10, window_bounds = array<i64: 1, 64>}, {pipeline_mode = #tpu.pipeline_mode<synchronous>, transform_indices = @transform_11, window_bounds = array<i64: 64, 128>}, {pipeline_mode = #tpu.pipeline_mode<synchronous>, transform_indices = @transform_12, window_bounds = array<i64: 1, 128>}, {transform_indices = @transform_13, window_bounds = array<i64: 1000, 128>}]} {
    %get3A = arith.constant 0 : index
    %get3A_0 = arith.constant 0 : index
    %get3A_1 = vector.load %arg4[%get3A, %get3A_0] : memref<64x64xf32, #tpu.memory_space<vmem>>, vector<64x64xf32>
    %get3A_2 = arith.constant 0 : index
    %get3A_3 = arith.constant 0 : index
    %get3A_4 = vector.load %arg5[%get3A_2, %get3A_3] : memref<64x64xf32, #tpu.memory_space<vmem>>, vector<64x64xf32>
    %get3A_5 = arith.constant 0 : index
    %get3A_6 = arith.constant 0 : index
    %get3A_7 = vector.load %arg6[%get3A_5, %get3A_6] : memref<1x64xf32, #tpu.memory_space<vmem>>, vector<1x64xf32>
    %get3A_8 = arith.constant 0 : index
    %get3A_9 = arith.constant 0 : index
    %get3A_10 = vector.load %arg7[%get3A_8, %get3A_9] : memref<1x64xf32, #tpu.memory_space<vmem>>, vector<1x64xf32>
    %get3A_11 = arith.constant 0 : index
    %get3A_12 = arith.constant 0 : index
    %get3A_13 = vector.load %arg11[%get3A_11, %get3A_12] : memref<1x64xf32, #tpu.memory_space<vmem>>, vector<1x64xf32>
    %get3A_14 = arith.constant 0 : index
    %get3A_15 = arith.constant 0 : index
    %get3A_16 = vector.load %arg13[%get3A_14, %get3A_15] : memref<1x128xf32, #tpu.memory_space<vmem>>, vector<1x128xf32>
    %get3A_17 = arith.constant 0 : index
    %get3A_18 = arith.constant 0 : index
    %get3A_19 = vector.load %arg8[%get3A_17, %get3A_18] : memref<1x1024xf32, #tpu.memory_space<vmem>>, vector<1x1024xf32>
    %get3A_20 = arith.constant 0 : index
    %get3A_21 = arith.constant 0 : index
    %get3A_22 = vector.load %arg9[%get3A_20, %get3A_21] : memref<1x1024xf32, #tpu.memory_space<vmem>>, vector<1x1024xf32>
    %get3A_23 = arith.constant 0 : index
    %get3A_24 = arith.constant 0 : index
    %get3A_25 = vector.load %arg10[%get3A_23, %get3A_24] : memref<1024x64xf32, #tpu.memory_space<vmem>>, vector<1024x64xf32>
    %get3A_26 = arith.constant 0 : index
    %get3A_27 = arith.constant 0 : index
    %get3A_28 = vector.load %arg12[%get3A_26, %get3A_27] : memref<64x128xf32, #tpu.memory_space<vmem>>, vector<64x128xf32>
    %broadcast_in_dim3A = arith.constant 0.000000e+00 : f32
    %broadcast_in_dim3A_29 = vector.broadcast %broadcast_in_dim3A : f32 to vector<1000x1024xf32>
    %get3A_30 = arith.constant 0 : index
    %get3A_31 = arith.constant 0 : index
    %get3A_32 = arith.constant 0 : index
    %get3A_33 = vector.load %arg1[%get3A_30, %get3A_31, %get3A_32] : memref<4x1000x64xf32, #tpu.memory_space<vmem>>, vector<1x1000x64xf32>
    %get3A_34 = vector.shape_cast %get3A_33 : vector<1x1000x64xf32> to vector<1000x64xf32>
    %get3A_35 = arith.constant 0 : index
    %get3A_36 = arith.constant 0 : index
    %get3A_37 = arith.constant 0 : index
    %get3A_38 = vector.load %arg3[%get3A_35, %get3A_36, %get3A_37] : memref<4x1000x8xf32, #tpu.memory_space<vmem>>, vector<1x1000x8xf32>
    %get3A_39 = vector.shape_cast %get3A_38 : vector<1x1000x8xf32> to vector<1000x8xf32>
    %slice3A = vector.extract_strided_slice %get3A_39 {offsets = [0, 0], sizes = [1000, 1], strides = [1, 1]} : vector<1000x8xf32> to vector<1000x1xf32>
    %max3A = arith.constant 1.000000e+00 : f32
    %max3A_40 = vector.broadcast %max3A : f32 to vector<1000x1xf32>
    %max3A_41 = arith.maximumf %slice3A, %max3A_40 : vector<1000x1xf32>
    %div3A = arith.constant 1.000000e+00 : f32
    %div3A_42 = vector.broadcast %div3A : f32 to vector<1000x1xf32>
    %div3A_43 = arith.divf %div3A_42, %max3A_41 : vector<1000x1xf32>
    %get3A_44 = arith.constant 0 : index
    %get3A_45 = arith.constant 0 : index
    %get3A_46 = arith.constant 0 : index
    %get3A_47 = vector.load %arg2[%get3A_44, %get3A_45, %get3A_46] : memref<4x1000x64xf32, #tpu.memory_space<vmem>>, vector<1x1000x64xf32>
    %get3A_48 = vector.shape_cast %get3A_47 : vector<1x1000x64xf32> to vector<1000x64xf32>
    %mul3A = vector.broadcast %div3A_43 : vector<1000x1xf32> to vector<1000x64xf32>
    %mul3A_49 = arith.mulf %get3A_48, %mul3A : vector<1000x64xf32>
    %dot_general3A = arith.constant dense<0.000000e+00> : vector<1000x64xf32>
    %dot_general3A_50 = tpu.matmul %get3A_34, %get3A_1, %dot_general3A {dimension_numbers = #tpu.dot_dimension_numbers<[1], [0], [0], [1], [0, 0, 1, 1], [], []>, transpose_lhs_hint = false} : vector<1000x64xf32>, vector<64x64xf32>, vector<1000x64xf32> -> vector<1000x64xf32>
    %add3A = arith.addf %mul3A_49, %dot_general3A_50 : vector<1000x64xf32>
    %add3A_51 = vector.broadcast %get3A_7 : vector<1x64xf32> to vector<1000x64xf32>
    %add3A_52 = arith.addf %add3A, %add3A_51 : vector<1000x64xf32>
    %concatenate3A = tpu.concatenate %add3A_52, %add3A_52, %add3A_52, %add3A_52, %add3A_52, %add3A_52, %add3A_52, %add3A_52, %add3A_52, %add3A_52, %add3A_52, %add3A_52, %add3A_52, %add3A_52, %add3A_52, %add3A_52 in 1 : vector<1000x64xf32>, vector<1000x64xf32>, vector<1000x64xf32>, vector<1000x64xf32>, vector<1000x64xf32>, vector<1000x64xf32>, vector<1000x64xf32>, vector<1000x64xf32>, vector<1000x64xf32>, vector<1000x64xf32>, vector<1000x64xf32>, vector<1000x64xf32>, vector<1000x64xf32>, vector<1000x64xf32>, vector<1000x64xf32>, vector<1000x64xf32> -> vector<1000x1024xf32>
    %mul3A_53 = vector.broadcast %get3A_19 : vector<1x1024xf32> to vector<1000x1024xf32>
    %mul3A_54 = arith.mulf %mul3A_53, %broadcast_in_dim3A_29 : vector<1000x1024xf32>
    %mul3A_55 = vector.broadcast %get3A_22 : vector<1x1024xf32> to vector<1000x1024xf32>
    %mul3A_56 = arith.mulf %mul3A_55, %concatenate3A : vector<1000x1024xf32>
    %add3A_57 = arith.addf %mul3A_54, %mul3A_56 : vector<1000x1024xf32>
    %get3A_58 = arith.constant 1 : index
    %get3A_59 = arith.constant 0 : index
    %get3A_60 = arith.constant 0 : index
    %get3A_61 = vector.load %arg1[%get3A_58, %get3A_59, %get3A_60] : memref<4x1000x64xf32, #tpu.memory_space<vmem>>, vector<1x1000x64xf32>
    %get3A_62 = vector.shape_cast %get3A_61 : vector<1x1000x64xf32> to vector<1000x64xf32>
    %get3A_63 = arith.constant 1 : index
    %get3A_64 = arith.constant 0 : index
    %get3A_65 = arith.constant 0 : index
    %get3A_66 = vector.load %arg3[%get3A_63, %get3A_64, %get3A_65] : memref<4x1000x8xf32, #tpu.memory_space<vmem>>, vector<1x1000x8xf32>
    %get3A_67 = vector.shape_cast %get3A_66 : vector<1x1000x8xf32> to vector<1000x8xf32>
    %slice3A_68 = vector.extract_strided_slice %get3A_67 {offsets = [0, 0], sizes = [1000, 1], strides = [1, 1]} : vector<1000x8xf32> to vector<1000x1xf32>
    %max3A_69 = arith.constant 1.000000e+00 : f32
    %max3A_70 = vector.broadcast %max3A_69 : f32 to vector<1000x1xf32>
    %max3A_71 = arith.maximumf %slice3A_68, %max3A_70 : vector<1000x1xf32>
    %div3A_72 = arith.constant 1.000000e+00 : f32
    %div3A_73 = vector.broadcast %div3A_72 : f32 to vector<1000x1xf32>
    %div3A_74 = arith.divf %div3A_73, %max3A_71 : vector<1000x1xf32>
    %get3A_75 = arith.constant 1 : index
    %get3A_76 = arith.constant 0 : index
    %get3A_77 = arith.constant 0 : index
    %get3A_78 = vector.load %arg2[%get3A_75, %get3A_76, %get3A_77] : memref<4x1000x64xf32, #tpu.memory_space<vmem>>, vector<1x1000x64xf32>
    %get3A_79 = vector.shape_cast %get3A_78 : vector<1x1000x64xf32> to vector<1000x64xf32>
    %mul3A_80 = vector.broadcast %div3A_74 : vector<1000x1xf32> to vector<1000x64xf32>
    %mul3A_81 = arith.mulf %get3A_79, %mul3A_80 : vector<1000x64xf32>
    %dot_general3A_82 = arith.constant dense<0.000000e+00> : vector<1000x64xf32>
    %dot_general3A_83 = tpu.matmul %get3A_62, %get3A_1, %dot_general3A_82 {dimension_numbers = #tpu.dot_dimension_numbers<[1], [0], [0], [1], [0, 0, 1, 1], [], []>, transpose_lhs_hint = false} : vector<1000x64xf32>, vector<64x64xf32>, vector<1000x64xf32> -> vector<1000x64xf32>
    %add3A_84 = arith.addf %mul3A_81, %dot_general3A_83 : vector<1000x64xf32>
    %add3A_85 = vector.broadcast %get3A_7 : vector<1x64xf32> to vector<1000x64xf32>
    %add3A_86 = arith.addf %add3A_84, %add3A_85 : vector<1000x64xf32>
    %concatenate3A_87 = tpu.concatenate %add3A_86, %add3A_86, %add3A_86, %add3A_86, %add3A_86, %add3A_86, %add3A_86, %add3A_86, %add3A_86, %add3A_86, %add3A_86, %add3A_86, %add3A_86, %add3A_86, %add3A_86, %add3A_86 in 1 : vector<1000x64xf32>, vector<1000x64xf32>, vector<1000x64xf32>, vector<1000x64xf32>, vector<1000x64xf32>, vector<1000x64xf32>, vector<1000x64xf32>, vector<1000x64xf32>, vector<1000x64xf32>, vector<1000x64xf32>, vector<1000x64xf32>, vector<1000x64xf32>, vector<1000x64xf32>, vector<1000x64xf32>, vector<1000x64xf32>, vector<1000x64xf32> -> vector<1000x1024xf32>
    %mul3A_88 = vector.broadcast %get3A_19 : vector<1x1024xf32> to vector<1000x1024xf32>
    %mul3A_89 = arith.mulf %mul3A_88, %add3A_57 : vector<1000x1024xf32>
    %mul3A_90 = vector.broadcast %get3A_22 : vector<1x1024xf32> to vector<1000x1024xf32>
    %mul3A_91 = arith.mulf %mul3A_90, %concatenate3A_87 : vector<1000x1024xf32>
    %add3A_92 = arith.addf %mul3A_89, %mul3A_91 : vector<1000x1024xf32>
    %get3A_93 = arith.constant 2 : index
    %get3A_94 = arith.constant 0 : index
    %get3A_95 = arith.constant 0 : index
    %get3A_96 = vector.load %arg1[%get3A_93, %get3A_94, %get3A_95] : memref<4x1000x64xf32, #tpu.memory_space<vmem>>, vector<1x1000x64xf32>
    %get3A_97 = vector.shape_cast %get3A_96 : vector<1x1000x64xf32> to vector<1000x64xf32>
    %get3A_98 = arith.constant 2 : index
    %get3A_99 = arith.constant 0 : index
    %get3A_100 = arith.constant 0 : index
    %get3A_101 = vector.load %arg3[%get3A_98, %get3A_99, %get3A_100] : memref<4x1000x8xf32, #tpu.memory_space<vmem>>, vector<1x1000x8xf32>
    %get3A_102 = vector.shape_cast %get3A_101 : vector<1x1000x8xf32> to vector<1000x8xf32>
    %slice3A_103 = vector.extract_strided_slice %get3A_102 {offsets = [0, 0], sizes = [1000, 1], strides = [1, 1]} : vector<1000x8xf32> to vector<1000x1xf32>
    %max3A_104 = arith.constant 1.000000e+00 : f32
    %max3A_105 = vector.broadcast %max3A_104 : f32 to vector<1000x1xf32>
    %max3A_106 = arith.maximumf %slice3A_103, %max3A_105 : vector<1000x1xf32>
    %div3A_107 = arith.constant 1.000000e+00 : f32
    %div3A_108 = vector.broadcast %div3A_107 : f32 to vector<1000x1xf32>
    %div3A_109 = arith.divf %div3A_108, %max3A_106 : vector<1000x1xf32>
    %get3A_110 = arith.constant 2 : index
    %get3A_111 = arith.constant 0 : index
    %get3A_112 = arith.constant 0 : index
    %get3A_113 = vector.load %arg2[%get3A_110, %get3A_111, %get3A_112] : memref<4x1000x64xf32, #tpu.memory_space<vmem>>, vector<1x1000x64xf32>
    %get3A_114 = vector.shape_cast %get3A_113 : vector<1x1000x64xf32> to vector<1000x64xf32>
    %mul3A_115 = vector.broadcast %div3A_109 : vector<1000x1xf32> to vector<1000x64xf32>
    %mul3A_116 = arith.mulf %get3A_114, %mul3A_115 : vector<1000x64xf32>
    %dot_general3A_117 = arith.constant dense<0.000000e+00> : vector<1000x64xf32>
    %dot_general3A_118 = tpu.matmul %get3A_97, %get3A_1, %dot_general3A_117 {dimension_numbers = #tpu.dot_dimension_numbers<[1], [0], [0], [1], [0, 0, 1, 1], [], []>, transpose_lhs_hint = false} : vector<1000x64xf32>, vector<64x64xf32>, vector<1000x64xf32> -> vector<1000x64xf32>
    %add3A_119 = arith.addf %mul3A_116, %dot_general3A_118 : vector<1000x64xf32>
    %add3A_120 = vector.broadcast %get3A_7 : vector<1x64xf32> to vector<1000x64xf32>
    %add3A_121 = arith.addf %add3A_119, %add3A_120 : vector<1000x64xf32>
    %concatenate3A_122 = tpu.concatenate %add3A_121, %add3A_121, %add3A_121, %add3A_121, %add3A_121, %add3A_121, %add3A_121, %add3A_121, %add3A_121, %add3A_121, %add3A_121, %add3A_121, %add3A_121, %add3A_121, %add3A_121, %add3A_121 in 1 : vector<1000x64xf32>, vector<1000x64xf32>, vector<1000x64xf32>, vector<1000x64xf32>, vector<1000x64xf32>, vector<1000x64xf32>, vector<1000x64xf32>, vector<1000x64xf32>, vector<1000x64xf32>, vector<1000x64xf32>, vector<1000x64xf32>, vector<1000x64xf32>, vector<1000x64xf32>, vector<1000x64xf32>, vector<1000x64xf32>, vector<1000x64xf32> -> vector<1000x1024xf32>
    %mul3A_123 = vector.broadcast %get3A_19 : vector<1x1024xf32> to vector<1000x1024xf32>
    %mul3A_124 = arith.mulf %mul3A_123, %add3A_92 : vector<1000x1024xf32>
    %mul3A_125 = vector.broadcast %get3A_22 : vector<1x1024xf32> to vector<1000x1024xf32>
    %mul3A_126 = arith.mulf %mul3A_125, %concatenate3A_122 : vector<1000x1024xf32>
    %add3A_127 = arith.addf %mul3A_124, %mul3A_126 : vector<1000x1024xf32>
    %get3A_128 = arith.constant 3 : index
    %get3A_129 = arith.constant 0 : index
    %get3A_130 = arith.constant 0 : index
    %get3A_131 = vector.load %arg1[%get3A_128, %get3A_129, %get3A_130] : memref<4x1000x64xf32, #tpu.memory_space<vmem>>, vector<1x1000x64xf32>
    %get3A_132 = vector.shape_cast %get3A_131 : vector<1x1000x64xf32> to vector<1000x64xf32>
    %get3A_133 = arith.constant 3 : index
    %get3A_134 = arith.constant 0 : index
    %get3A_135 = arith.constant 0 : index
    %get3A_136 = vector.load %arg3[%get3A_133, %get3A_134, %get3A_135] : memref<4x1000x8xf32, #tpu.memory_space<vmem>>, vector<1x1000x8xf32>
    %get3A_137 = vector.shape_cast %get3A_136 : vector<1x1000x8xf32> to vector<1000x8xf32>
    %slice3A_138 = vector.extract_strided_slice %get3A_137 {offsets = [0, 0], sizes = [1000, 1], strides = [1, 1]} : vector<1000x8xf32> to vector<1000x1xf32>
    %max3A_139 = arith.constant 1.000000e+00 : f32
    %max3A_140 = vector.broadcast %max3A_139 : f32 to vector<1000x1xf32>
    %max3A_141 = arith.maximumf %slice3A_138, %max3A_140 : vector<1000x1xf32>
    %div3A_142 = arith.constant 1.000000e+00 : f32
    %div3A_143 = vector.broadcast %div3A_142 : f32 to vector<1000x1xf32>
    %div3A_144 = arith.divf %div3A_143, %max3A_141 : vector<1000x1xf32>
    %get3A_145 = arith.constant 3 : index
    %get3A_146 = arith.constant 0 : index
    %get3A_147 = arith.constant 0 : index
    %get3A_148 = vector.load %arg2[%get3A_145, %get3A_146, %get3A_147] : memref<4x1000x64xf32, #tpu.memory_space<vmem>>, vector<1x1000x64xf32>
    %get3A_149 = vector.shape_cast %get3A_148 : vector<1x1000x64xf32> to vector<1000x64xf32>
    %mul3A_150 = vector.broadcast %div3A_144 : vector<1000x1xf32> to vector<1000x64xf32>
    %mul3A_151 = arith.mulf %get3A_149, %mul3A_150 : vector<1000x64xf32>
    %dot_general3A_152 = arith.constant dense<0.000000e+00> : vector<1000x64xf32>
    %dot_general3A_153 = tpu.matmul %get3A_132, %get3A_1, %dot_general3A_152 {dimension_numbers = #tpu.dot_dimension_numbers<[1], [0], [0], [1], [0, 0, 1, 1], [], []>, transpose_lhs_hint = false} : vector<1000x64xf32>, vector<64x64xf32>, vector<1000x64xf32> -> vector<1000x64xf32>
    %add3A_154 = arith.addf %mul3A_151, %dot_general3A_153 : vector<1000x64xf32>
    %add3A_155 = vector.broadcast %get3A_7 : vector<1x64xf32> to vector<1000x64xf32>
    %add3A_156 = arith.addf %add3A_154, %add3A_155 : vector<1000x64xf32>
    %concatenate3A_157 = tpu.concatenate %add3A_156, %add3A_156, %add3A_156, %add3A_156, %add3A_156, %add3A_156, %add3A_156, %add3A_156, %add3A_156, %add3A_156, %add3A_156, %add3A_156, %add3A_156, %add3A_156, %add3A_156, %add3A_156 in 1 : vector<1000x64xf32>, vector<1000x64xf32>, vector<1000x64xf32>, vector<1000x64xf32>, vector<1000x64xf32>, vector<1000x64xf32>, vector<1000x64xf32>, vector<1000x64xf32>, vector<1000x64xf32>, vector<1000x64xf32>, vector<1000x64xf32>, vector<1000x64xf32>, vector<1000x64xf32>, vector<1000x64xf32>, vector<1000x64xf32>, vector<1000x64xf32> -> vector<1000x1024xf32>
    %mul3A_158 = vector.broadcast %get3A_19 : vector<1x1024xf32> to vector<1000x1024xf32>
    %mul3A_159 = arith.mulf %mul3A_158, %add3A_127 : vector<1000x1024xf32>
    %mul3A_160 = vector.broadcast %get3A_22 : vector<1x1024xf32> to vector<1000x1024xf32>
    %mul3A_161 = arith.mulf %mul3A_160, %concatenate3A_157 : vector<1000x1024xf32>
    %add3A_162 = arith.addf %mul3A_159, %mul3A_161 : vector<1000x1024xf32>
    %max3A_163 = arith.constant 0.000000e+00 : f32
    %max3A_164 = vector.broadcast %max3A_163 : f32 to vector<1000x1024xf32>
    %max3A_165 = arith.maximumf %add3A_162, %max3A_164 : vector<1000x1024xf32>
    %dot_general3A_166 = arith.constant dense<0.000000e+00> : vector<1000x64xf32>
    %dot_general3A_167 = tpu.matmul %max3A_165, %get3A_25, %dot_general3A_166 {dimension_numbers = #tpu.dot_dimension_numbers<[1], [0], [0], [1], [0, 0, 1, 1], [], []>, transpose_lhs_hint = false} : vector<1000x1024xf32>, vector<1024x64xf32>, vector<1000x64xf32> -> vector<1000x64xf32>
    %add3A_168 = vector.broadcast %get3A_13 : vector<1x64xf32> to vector<1000x64xf32>
    %add3A_169 = arith.addf %dot_general3A_167, %add3A_168 : vector<1000x64xf32>
    %get3A_170 = arith.constant 3 : index
    %get3A_171 = arith.constant 0 : index
    %get3A_172 = arith.constant 0 : index
    %get3A_173 = vector.load %arg1[%get3A_170, %get3A_171, %get3A_172] : memref<4x1000x64xf32, #tpu.memory_space<vmem>>, vector<1x1000x64xf32>
    %get3A_174 = vector.shape_cast %get3A_173 : vector<1x1000x64xf32> to vector<1000x64xf32>
    %dot_general3A_175 = arith.constant dense<0.000000e+00> : vector<1000x64xf32>
    %dot_general3A_176 = tpu.matmul %get3A_174, %get3A_4, %dot_general3A_175 {dimension_numbers = #tpu.dot_dimension_numbers<[1], [0], [0], [1], [0, 0, 1, 1], [], []>, transpose_lhs_hint = false} : vector<1000x64xf32>, vector<64x64xf32>, vector<1000x64xf32> -> vector<1000x64xf32>
    %add3A_177 = arith.addf %add3A_169, %dot_general3A_176 : vector<1000x64xf32>
    %add3A_178 = vector.broadcast %get3A_10 : vector<1x64xf32> to vector<1000x64xf32>
    %add3A_179 = arith.addf %add3A_177, %add3A_178 : vector<1000x64xf32>
    %dot_general3A_180 = arith.constant dense<0.000000e+00> : vector<1000x128xf32>
    %dot_general3A_181 = tpu.matmul %add3A_179, %get3A_28, %dot_general3A_180 {dimension_numbers = #tpu.dot_dimension_numbers<[1], [0], [0], [1], [0, 0, 1, 1], [], []>, transpose_lhs_hint = false} : vector<1000x64xf32>, vector<64x128xf32>, vector<1000x128xf32> -> vector<1000x128xf32>
    %add3A_182 = vector.broadcast %get3A_16 : vector<1x128xf32> to vector<1000x128xf32>
    %add3A_183 = arith.addf %dot_general3A_181, %add3A_182 : vector<1000x128xf32>
    %swap3A = arith.constant 0 : index
    %swap3A_184 = arith.constant 0 : index
    %swap3A_185 = vector.load %arg14[%swap3A, %swap3A_184] : memref<1000x128xf32, #tpu.memory_space<vmem>>, vector<1000x128xf32>
    tpu.vector_store %arg14[%swap3A, %swap3A_184], %add3A_183 {strides = array<i32>} : memref<1000x128xf32, #tpu.memory_space<vmem>>, vector<1000x128xf32>,
    return
  }
  func.func @transform_0(%arg0: i32) -> (i32, i32, i32) {
    %c0_i32 = arith.constant 0 : i32
    %c0_i32_0 = arith.constant 0 : i32
    %c0_i32_1 = arith.constant 0 : i32
    return %c0_i32, %arg0, %c0_i32_0 : i32, i32, i32
  }
  func.func @transform_1(%arg0: i32) -> (i32, i32, i32) {
    %c0_i32 = arith.constant 0 : i32
    %c0_i32_0 = arith.constant 0 : i32
    %c0_i32_1 = arith.constant 0 : i32
    return %c0_i32, %arg0, %c0_i32_0 : i32, i32, i32
  }
  func.func @transform_2(%arg0: i32) -> (i32, i32, i32) {
    %c0_i32 = arith.constant 0 : i32
    %c0_i32_0 = arith.constant 0 : i32
    %c0_i32_1 = arith.constant 0 : i32
    return %c0_i32, %arg0, %c0_i32_0 : i32, i32, i32
  }
  func.func @transform_3(%arg0: i32) -> (i32, i32) {
    %c0_i32 = arith.constant 0 : i32
    %c0_i32_0 = arith.constant 0 : i32
    %c0_i32_1 = arith.constant 0 : i32
    return %c0_i32, %c0_i32_0 : i32, i32
  }
  func.func @transform_4(%arg0: i32) -> (i32, i32) {
    %c0_i32 = arith.constant 0 : i32
    %c0_i32_0 = arith.constant 0 : i32
    %c0_i32_1 = arith.constant 0 : i32
    return %c0_i32, %c0_i32_0 : i32, i32
  }
  func.func @transform_5(%arg0: i32) -> (i32, i32) {
    %c0_i32 = arith.constant 0 : i32
    %c0_i32_0 = arith.constant 0 : i32
    %c0_i32_1 = arith.constant 0 : i32
    return %c0_i32, %c0_i32_0 : i32, i32
  }
  func.func @transform_6(%arg0: i32) -> (i32, i32) {
    %c0_i32 = arith.constant 0 : i32
    %c0_i32_0 = arith.constant 0 : i32
    %c0_i32_1 = arith.constant 0 : i32
    return %c0_i32, %c0_i32_0 : i32, i32
  }
  func.func @transform_7(%arg0: i32) -> (i32, i32) {
    %c0_i32 = arith.constant 0 : i32
    %c0_i32_0 = arith.constant 0 : i32
    %c0_i32_1 = arith.constant 0 : i32
    return %c0_i32, %c0_i32_0 : i32, i32
  }
  func.func @transform_8(%arg0: i32) -> (i32, i32) {
    %c0_i32 = arith.constant 0 : i32
    %c0_i32_0 = arith.constant 0 : i32
    %c0_i32_1 = arith.constant 0 : i32
    return %c0_i32, %c0_i32_0 : i32, i32
  }
  func.func @transform_9(%arg0: i32) -> (i32, i32) {
    %c0_i32 = arith.constant 0 : i32
    %c0_i32_0 = arith.constant 0 : i32
    %c0_i32_1 = arith.constant 0 : i32
    return %c0_i32, %c0_i32_0 : i32, i32
  }
  func.func @transform_10(%arg0: i32) -> (i32, i32) {
    %c0_i32 = arith.constant 0 : i32
    %c0_i32_0 = arith.constant 0 : i32
    %c0_i32_1 = arith.constant 0 : i32
    return %c0_i32, %c0_i32_0 : i32, i32
  }
  func.func @transform_11(%arg0: i32) -> (i32, i32) {
    %c0_i32 = arith.constant 0 : i32
    %c0_i32_0 = arith.constant 0 : i32
    %c0_i32_1 = arith.constant 0 : i32
    return %c0_i32, %c0_i32_0 : i32, i32
  }
  func.func @transform_12(%arg0: i32) -> (i32, i32) {
    %c0_i32 = arith.constant 0 : i32
    %c0_i32_0 = arith.constant 0 : i32
    %c0_i32_1 = arith.constant 0 : i32
    return %c0_i32, %c0_i32_0 : i32, i32
  }
  func.func @transform_13(%arg0: i32) -> (i32, i32) {
    %c0_i32 = arith.constant 0 : i32
    %c0_i32_0 = arith.constant 0 : i32
    return %arg0, %c0_i32 : i32, i32
  }
}

</mosaic_0001>

<sc_bundles>
// kernel: kernel.10.cloned.1.call-start
scs
__scs_entry_jumppad:
0x0: {  	(pc) =	sbr.rel $0x88, $3  }
0x1: {  	(tag) =	ssettag $0x0;
	lr =	simm.s32 $0x1  }
0x2: {  	[smem:$0x3F89] =	sst lr;
	_ =	strace $0xD0000000  }
0x3: {  	_ = 	snop  }
0x4: {  	_ = 	snop  }
0x5: {  	_ = 	snop  }
0x6: {  	_ = 	snop  }
0x7: {  	_ = 	snop  }
__scs_overlays_trampoline_lowered:
0x8: {  	[smem:$0x3F98] =	sst s0  }
0x9: {  	[smem:$0x3F99] =	sst s1  }
0xa: {  	[smem:$0x3F9A] =	sst s2  }
0xb: {  	[smem:$0x3F9B] =	sst s3  }
0xc: {  	[smem:$0x3F9C] =	sst s4  }
0xd: {  	[smem:$0x3F9D] =	sst s5  }
0xe: {  	[smem:$0x3F9E] =	sst s6  }
0xf: {  	[smem:$0x3F9F] =	sst s7  }
0x10: {  	[smem:$0x3FA0] =	sst s8  }
0x11: {  	[smem:$0x3FA1] =	sst s9;
	s0 =	simm.s32 @!p0 $0x0  }
0x12: {  	s1 =	sld [smem:$0x3F87];
	s0 =	simm.s32 @p0 $0x1  }
0x13: {  	[smem:$0x3FA2] =	sst s0;
	s0 =	simm.s32 @!p1 $0x0  }
0x14: {  	s2 =	sld [smem:$0x3F86];
	s0 =	simm.s32 @p1 $0x1  }
0x15: {  	[smem:$0x3FA3] =	sst s0;
	s0 =	simm.s32 @!p2 $0x0  }
0x16: {  	s3 =	sld [smem:$0x3FDB];
	s0 =	simm.s32 @p2 $0x1  }
0x17: {  	s4 =	simm.s32 $0x1BF5;
	[smem:$0x3FA5] =	sst s0  }
0x18: {  	s0 =	sld [smem:$0x3F88];
	_ =	swait.ge [sflag:s4], $0x0  }
0x19: {  	s7 =	sld [smem:$0x3F89]  }
0x1a: {  	s8 =	sadd.s32 $0xFFFFE003, lr  }
0x1b: {  	s9 =	sadd.s32 $0xFFFFFEF7, lr;
	s5 =	simm.s32 $0xFFFFFFFF;
	p2 =	slt.u32 s8, $0xFFFFF086  }
0x1c: {  	p1 =	slt.u32 s9, $0xF7A;
	s5 =	simm.s32 @!p2 $0x0  }
0x1d: {  	s5 =	simm.s32 @p1 $0x1;
	p0 =	seq.s32 s7, s2  }
0x1e: {  	s7 =	smul.u32 @!p0 $0xF7A, s2;
	p2 =	seq.s32 @!p0 s5, $0x0  }
0x1f: {  	s9 =	smul.u32 $0xF7A, s1;
	s8 =	simm.s32 @!p0 $0x1BF5;
	p2 =	por !p2, p0  }
0x20: {  	[sflag:s8] =	ssyncset.s32 @!p0 $0xFFFFF086;
	s6 =	sadd.s32 @!p0 s3, s7;
	s7 =	simm.s32 @!p0 $0x108  }
0x21: {  	s3 =	sadd.s32 s3, s9;
	s6 =	sadd.s32 @!p0 $0x88, s6;
	s7 =	simm.s32 @p2 $0x1082  }
0x22: {  	[simem:s7], [sflag:s8] =	dma.local @!p0 [hbm:s6], $0xF7A  }
0x23: {  	s9 =	sor.u32 $0xD0000000, s2;
	s6 =	simm.s32 $0x108;
	_ =	swait.ge @!p0 [sflag:s8], $0x0  }
0x24: {  	s3 =	sadd.s32 $0x88, s3;
	s6 =	simm.s32 @!p1 $0x1082;
	[sflag:s4] =	ssyncset.s32 $0xFFFFF086  }
0x25: {  	[simem:s6], [sflag:s4] =	dma.local [hbm:s3], $0xF7A  }
0x26: {  	[smem:$0x3F89] =	sst s1;
	(tag) =	ssettag s2;
	_ =	strace s9  }
0x27: {  	s1 =	sld [smem:$0x3F99]  }
0x28: {  	s2 =	sld [smem:$0x3F9A]  }
0x29: {  	s4 =	sld [smem:$0x3F9C]  }
0x2a: {  	p0 =	seq.s32 s5, $0x0;
	s5 =	sld [smem:$0x3F9D]  }
0x2b: {  	s6 =	sld [smem:$0x3F9E]  }
0x2c: {  	s7 =	sld [smem:$0x3F9F]  }
0x2d: {  	s3 =	simm.s32 $0x108;
	s8 =	sld [smem:$0x3FA0]  }
0x2e: {  	s3 =	simm.s32 @!p0 $0x1082;
	s9 =	sld [smem:$0x3FA1]  }
0x2f: {  	lr =	sadd.s32 s0, s3;
	s0 =	sld [smem:$0x3F98]  }
0x30: {  	s3 =	sld [smem:$0x3F9B]  }
0x31: {  	[smem:$0x3FA4] =	sst s10  }
0x32: {  	s10 =	sld [smem:$0x3FA2];
	_ =	sdelay $0x3  }
0x33: {  	p0 =	seq.s32 s10, $0x1;
	s10 =	sld [smem:$0x3FA4];
	_ =	sdelay $0x3  }
0x34: {  	[smem:$0x3FA4] =	sst s10  }
0x35: {  	s10 =	sld [smem:$0x3FA3];
	_ =	sdelay $0x3  }
0x36: {  	p1 =	seq.s32 s10, $0x1;
	s10 =	sld [smem:$0x3FA4];
	_ =	sdelay $0x3  }
0x37: {  	[smem:$0x3FA4] =	sst s10  }
0x38: {  	s10 =	sld [smem:$0x3FA5]  }
0x39: {  	_ = 	snop;
	(pc) =	sbr.ind lr, $3  }
0x3a: {  	_ = 	snop  }
0x3b: {  	_ = 	snop  }
0x3c: {  	p2 =	seq.s32 s10, $0x1;
	s10 =	sld [smem:$0x3FA4]  }
0x3d: {  	_ =	shalt  }
0x3e: {  	_ =	shalt  }
0x3f: {  	_ =	shalt  }
0x40: {  	_ =	shalt  }
0x41: {  	_ =	shalt  }
0x42: {  	_ =	shalt  }
0x43: {  	_ =	shalt  }
0x44: {  	_ =	shalt  }
0x45: {  	_ =	shalt  }
0x46: {  	_ =	shalt  }
0x47: {  	_ =	shalt  }
0x48: {  	_ =	shalt  }
0x49: {  	_ =	shalt  }
0x4a: {  	_ =	shalt  }
0x4b: {  	_ =	shalt  }
0x4c: {  	_ =	shalt  }
0x4d: {  	_ =	shalt  }
0x4e: {  	_ =	shalt  }
0x4f: {  	_ =	shalt  }
0x50: {  	_ =	shalt  }
0x51: {  	_ =	shalt  }
0x52: {  	_ =	shalt  }
0x53: {  	_ =	shalt  }
0x54: {  	_ =	shalt  }
0x55: {  	_ =	shalt  }
0x56: {  	_ =	shalt  }
0x57: {  	_ =	shalt  }
0x58: {  	_ =	shalt  }
0x59: {  	_ =	shalt  }
0x5a: {  	_ =	shalt  }
0x5b: {  	_ =	shalt  }
0x5c: {  	_ =	shalt  }
0x5d: {  	_ =	shalt  }
0x5e: {  	_ =	shalt  }
0x5f: {  	_ =	shalt  }
0x60: {  	_ =	shalt  }
0x61: {  	_ =	shalt  }
0x62: {  	_ =	shalt  }
0x63: {  	_ =	shalt  }
0x64: {  	_ =	shalt  }
0x65: {  	_ =	shalt  }
0x66: {  	_ =	shalt  }
0x67: {  	_ =	shalt  }
0x68: {  	_ =	shalt  }
0x69: {  	_ =	shalt  }
0x6a: {  	_ =	shalt  }
0x6b: {  	_ =	shalt  }
0x6c: {  	_ =	shalt  }
0x6d: {  	_ =	shalt  }
0x6e: {  	_ =	shalt  }
0x6f: {  	_ =	shalt  }
0x70: {  	_ =	shalt  }
0x71: {  	_ =	shalt  }
0x72: {  	_ =	shalt  }
0x73: {  	_ =	shalt  }
0x74: {  	_ =	shalt  }
0x75: {  	_ =	shalt  }
0x76: {  	_ =	shalt  }
0x77: {  	_ =	shalt  }
0x78: {  	_ =	shalt  }
0x79: {  	_ =	shalt  }
0x7a: {  	_ =	shalt  }
0x7b: {  	_ =	shalt  }
0x7c: {  	_ =	shalt  }
0x7d: {  	_ =	shalt  }
0x7e: {  	_ =	shalt  }
0x7f: {  	_ =	shalt  }
0x80: {  	_ =	shalt  }
0x81: {  	_ =	shalt  }
0x82: {  	_ =	shalt  }
0x83: {  	_ =	shalt  }
0x84: {  	_ =	shalt  }
0x85: {  	_ =	shalt  }
0x86: {  	_ =	shalt  }
0x87: {  	_ =	shalt  }
.Lfunc_end0:
.L_simem_size_0:
called_computation.1_lowered:
.L_overlay_start_0:
0x88: {  	s2 =	sld [smem:$0x3FD9]  }
0x89: {  	s3 =	sld [smem:$0x3FFE];
	_ =	sdelay $0x1  }
0x8a: {  	s1 =	srdreg.scid  }
0x8b: {  	s0 =	sand.u32 $0x1, s1  }
0x8c: {  	s17 =	sshll.u32 s0, $0xA;
	s2 =	sadd.s32 s3, s2  }
0x8d: {  	s2 =	sadd.s32 s2, s17  }
0x8e: {  	[smem:$0x3FB0] =	sst s2  }
0x8f: {  	_ = 	snop  }
0x90: {  	s2 =	sld [smem:$0x3FD0];
	(tm) =	ssettm $0x1  }
0x91: {  	s18 =	sld [smem:$0x3FFB];
	_ =	sdelay $0x3  }
0x92: {  	_ =	strace s18  }
0x93: {  	s3 =	sld [smem:$0x3FFC];
	_ =	sdelay $0x3  }
0x94: {  	_ =	strace s3  }
0x95: {  	s3 =	sld [smem:$0x3FFD];
	_ =	sdelay $0x3  }
0x96: {  	_ =	strace s3  }
0x97: {  	_ =	strace $0x8FFFFFFF  }
0x98: {  	s19 =	sld [smem:$0x3FDB];
	_ =	sdelay $0x1  }
0x99: {  	s4 =	simm.s32 $_scs_section_size  }
0x9a: {  	s5 =	simm.s32 $_size__tile_overlayer_lowered;
	s6 =	simm.s32 $_tile_overlayer_lowered  }
0x9b: {  	s22 =	simm.s32 $0x1BFF;
	s21 =	sshll.u32 s6, $0x1;
	s3 =	sadd.s32 s4, s19  }
0x9c: {  	s7 =	simm.s32 $0x0;
	s20 =	sshll.u32 s5, $0x1;
	s5 =	sadd.s32 s21, s3  }
0x9d: {  	[timem:s7], [sflag:s22] =	dma.local [hbm:s5], s20  }
0x9e: {  	_ =	swait.ge [sflag:s22], s20  }
0x9f: {  	s4 =	ssub.s32 $0x0, s20;
	[sflag:s22] =	ssyncset.done $0x0  }
0xa0: {  	[sflag:s22] =	ssyncadd.s32 s4;
	_ =	sdelay $0x1  }
0xa1: {  	s23 =	simm.s32 $0x1B8B  }
0xa2: {  	_ =	swait.ge [sflag:s23], $0x1  }
0xa3: {  	[sflag:s23] =	ssyncset.done $0x0  }
0xa4: {  	s25 =	simm.s32 $0x1B8E;
	s24 =	sld [smem:$0x3FFE];
	[sflag:s23] =	ssyncadd.s32 $0xFFFFFFFF  }
0xa5: {  	s26 =	simm.s32 $execute0_lowered;
	[smem:$0x3FD2] =	sst s25  }
0xa6: {  	s5 =	sshll.u32 s26, $0x1;
	_ =	strace $0x80000049;
	[dreg:$0x1] =	wrdreg $0xFFFFFFFF  }
0xa7: {  	s28 =	simm.s32 $_size_execute0_lowered;
	s3 =	sadd.s32 s3, s5;
	[dreg:$0x0] =	wrdreg $0x0  }
0xa8: {  	s5 =	sshll.u32 s28, $0x1;
	[dreg:$0x2] =	wrdreg s3  }
0xa9: {  	[dreg:$0x3] =	wrdreg s5  }
0xaa: {  	[dreg:$0x4] =	wrdreg $0xC0  }
0xab: {  	_ =	task [dreg:s7], $0x5FFFF  }
0xac: {  	[dreg:$0x1] =	wrdreg $0xFFFFFFFF  }
0xad: {  	[dreg:$0x0] =	wrdreg $0x60  }
0xae: {  	[dreg:$0x2] =	wrdreg s24  }
0xaf: {  	[dreg:$0x3] =	wrdreg s2  }
0xb0: {  	[dreg:$0x4] =	wrdreg $0xF5500  }
0xb1: {  	[dreg:$0x5] =	wrdreg $0x9  }
0xb2: {  	_ =	task.clear_ibuf [dreg:s7], $0x6FFFF;
	_ =	strace $0x90000049  }
0xb3: {  	s29 =	simm.s32 $0x9;
	_ =	strace $0x8000004B  }
0xb4: {  	_ =	swait.ge [sflag:s29], $0x1  }
0xb5: {  	[sflag:s29] =	ssyncadd.s32 $0xFFFFFFFF  }
0xb6: {  	_ =	strace $0x9000004B  }
0xb7: {  	_ =	sfence  }
0xb8: {  	s30 =	sld [smem:$0x0];
	_ =	sdelay $0x2  }
0xb9: {  	s31 =	sshll.u32 s1, $0xD;
	s1 =	sshrl.u32 s1, $0x2  }
0xba: {  	s3 =	sand.u32 $0x4000, s31;
	s1 =	sadd.s32 s1, s30  }
0xbb: {  	s0 =	sor.u32 s3, s0;
	s1 =	sshll.u32 s1, $0x11  }
0xbc: {  	s0 =	sor.u32 s1, s0  }
0xbd: {  	s0 =	sadd.s32 $0x8F2B, s0  }
0xbe: {  	[sflag:s0] =	ssyncadd.remote.s32 $0x1  }
0xbf: {  	_ =	sfence.sel $0xFFFF  }
0xc0: {  	[dreg:$0x0] =	wrdreg $0xFFFFFFFF;
	(pc) =	sbr.abs _section_cstart, $3  }
0xc1: {  	[dreg:$0x1] =	wrdreg $0xFFFFFFFF  }
0xc2: {  	_ =	task.clear_ibuf [dreg:s7], $0x2FFFF;
	_ =	strace $0x9FFFFFFF  }
0xc3: {  	(tm) =	ssettm $0x7FFFFFFF  }
tec
execute0_lowered:
.L_overlay_start_1:
0x0: {  	(tag) =	ssettag $0x1  }
0x1: {  	s0 =	rddreg [dreg:$0x0]  }
0x2: {  	s1 =	rddreg [dreg:$0x1]  }
0x3: {  	s2 =	rddreg [dreg:$0x2]  }
0x4: {  	s3 =	simm.s32 $0x0;
	s26 =	stileid.u32;
	s22 =	srdreg.scid  }
0x5: {  	s28 =	simm.s32 $0x8E30;
	s29 =	simm.s32 $0x9150;
	s30 =	simm.s32 $0x1  }
0x6: {  	s31 =	simm.s32 $0x28A0;
	[smem:$0x7FF] =	sst s3;
	s6 =	smul.u32 $0x3E800, s26  }
0x7: {  	s4 =	sadd.s32 $0x6000, s0;
	s5 =	sadd.s32 $0x5800, s0;
	s14 =	smul.u32 $0x2710, s26  }
0x8: {  	s3 =	sand.u32 $0x1, s22;
	s0 =	sadd.s32 $0x54200, s0;
	s17 =	smul.u32 $0xFA00, s26  }
0x9: {  	p0 =	sgt.u32 s26, $0x9;
	p1 =	slt.u32 s26, $0xA;
	s15 =	smul.u32 $0x4E200, s3  }
0xa: {  	s7 =	ssub.s32 $0x2, s3;
	s16 =	smul.u32 $0x138800, s3;
	s3 =	sshllo.u32 s3, $0x1  }
0xb: {  	_ =	strace $0x8000004A;
	s6 =	sshrl.u32 s6, $0x2;
	s18 =	smul.u32 $0x27100, s3  }
0xc: {  	s8 =	sshrl.u32 s7, $0x1;
	s3 =	smul.u32 $0x9C400, s3;
	s6 =	sadd.s32 s6, s2  }
0xd: {  	s7 =	ssub.s32 s7, s8;
	s15 =	sadd.s32 s14, s15;
	s16 =	sadd.s32 s17, s16  }
0xe: {  	s22 =	sadd.s32 $0x1F40, s6;
	s8 =	sadd.s32 $0x3E80, s6;
	s9 =	sadd.s32 $0x5DC0, s6  }
0xf: {  	s10 =	sadd.s32 $0x7D00, s6;
	s11 =	sadd.s32 $0x9C40, s6;
	s12 =	sadd.s32 $0xBB80, s6  }
0x10: {  	s13 =	sadd.s32 $0xDAC0, s6;
	s15 =	sshrl.u32 s15, $0x3;
	s16 =	sshrl.u32 s16, $0x3  }
0x11: {  	s14 =	sadd.s32 s14, s18;
	s3 =	sadd.s32 s17, s3;
	s25 =	smax.u32 s7, $0x1  }
0x12: {  	s21 =	sshrl.u32 @!p0 s6, $0x3;
	s15 =	sadd.s32 s1, s15;
	s23 =	sadd.s32 s0, s16  }
0x13: {  	s16 =	sadd.s32 s17, s2;
	s14 =	sshrl.u32 s14, $0x3;
	s24 =	sshrl.u32 s3, $0x3  }
0x14: {  	[dreg:$0x8] =	wrdreg s25;
	s19 =	smov.u32 s22;
	s22 =	sshrl.u32 @!p0 s22, $0x3  }
0x15: {  	s25 =	simm.s32 $0x2A30;
	s3 =	simm.s32 $0x8FC0;
	[dreg:$0x4] =	wrdreg s15  }
0x16: {  	[dreg:$0x5] =	wrdreg s23;
	s1 =	sadd.s32 s1, s14;
	s0 =	sadd.s32 s0, s24  }
0x17: {  	s23 =	simm.s32 $0x3;
	s24 =	simm.s32 $0x2710;
	[dreg:$0x6] =	wrdreg s1  }
0x18: {  	[dreg:$0x7] =	wrdreg s0;
	s0 =	sshll.u32 @!p0 s26, $0x6;
	s26 =	simm.s32 $0x190  }
0x19: {  	s1 =	simm.s32 $0x0;
	s20 =	sor.u32 @!p0 $0x1C03, s0;
	s0 =	simm.s32 $0x2  }
.LBB2_1:
0x1a: {  	[spmem:s21], [sflag:s20] =	dma.local @!p0 [hbm:s5], $0x3E8  }
0x1b: {  	s7 =	simm.s32 @!p0 $0x3  }
0x1c: {  	_ =	swait.ge @!p0 [sflag:s7], $0x3E8  }
0x1d: {  	[sflag:s7] =	ssyncset.done @!p0 $0x0  }
0x1e: {  	[sflag:s7] =	ssyncadd.s32 @!p0 $0xFFFFFC18  }
0x1f: {  	[spmem:s22], [sflag:s20] =	dma.local @!p0 [hbm:s5], $0x3E8  }
0x20: {  	_ =	swait.ge @!p0 [sflag:s7], $0x3E8  }
0x21: {  	[sflag:s7] =	ssyncset.done @!p0 $0x0  }
0x22: {  	s14 =	sshrl.u32 @!p0 s8, $0x3;
	[sflag:s7] =	ssyncadd.s32 @!p0 $0xFFFFFC18  }
0x23: {  	[spmem:s14], [sflag:s20] =	dma.local @!p0 [hbm:s5], $0x3E8  }
0x24: {  	_ =	swait.ge @!p0 [sflag:s7], $0x3E8  }
0x25: {  	[sflag:s7] =	ssyncset.done @!p0 $0x0  }
0x26: {  	s14 =	sshrl.u32 @!p0 s9, $0x3;
	[sflag:s7] =	ssyncadd.s32 @!p0 $0xFFFFFC18  }
0x27: {  	[spmem:s14], [sflag:s20] =	dma.local @!p0 [hbm:s5], $0x3E8  }
0x28: {  	_ =	swait.ge @!p0 [sflag:s7], $0x3E8  }
0x29: {  	[sflag:s7] =	ssyncset.done @!p0 $0x0  }
0x2a: {  	s14 =	sshrl.u32 @!p0 s10, $0x3;
	[sflag:s7] =	ssyncadd.s32 @!p0 $0xFFFFFC18  }
0x2b: {  	[spmem:s14], [sflag:s20] =	dma.local @!p0 [hbm:s5], $0x3E8  }
0x2c: {  	_ =	swait.ge @!p0 [sflag:s7], $0x3E8  }
0x2d: {  	[sflag:s7] =	ssyncset.done @!p0 $0x0  }
0x2e: {  	s14 =	sshrl.u32 @!p0 s11, $0x3;
	[sflag:s7] =	ssyncadd.s32 @!p0 $0xFFFFFC18  }
0x2f: {  	[spmem:s14], [sflag:s20] =	dma.local @!p0 [hbm:s5], $0x3E8  }
0x30: {  	_ =	swait.ge @!p0 [sflag:s7], $0x3E8  }
0x31: {  	[sflag:s7] =	ssyncset.done @!p0 $0x0  }
0x32: {  	s14 =	sshrl.u32 @!p0 s12, $0x3;
	[sflag:s7] =	ssyncadd.s32 @!p0 $0xFFFFFC18  }
0x33: {  	[spmem:s14], [sflag:s20] =	dma.local @!p0 [hbm:s5], $0x3E8  }
0x34: {  	_ =	swait.ge @!p0 [sflag:s7], $0x3E8  }
0x35: {  	[sflag:s7] =	ssyncset.done @!p0 $0x0  }
0x36: {  	s14 =	sshrl.u32 @!p0 s13, $0x3;
	[sflag:s7] =	ssyncadd.s32 @!p0 $0xFFFFFC18  }
0x37: {  	[spmem:s14], [sflag:s20] =	dma.local @!p0 [hbm:s5], $0x3E8  }
0x38: {  	_ =	swait.ge @!p0 [sflag:s7], $0x3E8  }
0x39: {  	[sflag:s7] =	ssyncset.done @!p0 $0x0  }
0x3a: {  	s17 =	simm.s32 $0x0;
	s18 =	rddreg [dreg:$0x4];
	[sflag:s7] =	ssyncadd.s32 @!p0 $0xFFFFFC18  }
0x3b: {  	[tilespmem:s17], [sflag:$0x3] =	stream.linear.gather [hbm4b:s18+s17], $0x2710, $0x38;
	[tilespmem:$0x19190] =	vst v63  }
0x3c: {  	_ =	swait.ge [sflag:s23], $0x2710  }
0x3d: {  	[sflag:s23] =	ssyncset.done $0x0  }
0x3e: {  	[sflag:s23] =	ssyncadd.s32 $0xFFFFD8F0  }
0x3f: {  	s7 =	simm.s32 $0x0;
	[bflag:$0x0] =	sbarrier.arrive $0xFFFF  }
0x40: {  	v0 =	vld [tilespmem:s7+$0x0]  }
0x41: {  	s14 =	simm.s32 $0x40  }
.LBB2_2:
0x42: {  	p2 =	sne.s32 s14, $0x600  }
.Ltmp0:
0x43: {  	_ = 	snop;
	(pc) =	sbr.rel @p2 .LBB2_2-.Ltmp0, $4  }
0x44: {  	_ = 	snop  }
0x45: {  	s15 =	sshra.s32 s14, $0x2;
	s14 =	sadd.s32 $0x40, s14;
	v1 =	vand.u32 $0xFFFF, v0;
	v2 =	vshrl.u32 v0, $0x10  }
0x46: {  	v0 =	vld [tilespmem:s15+$0x0];
	[tilespmem:s7+$0x28A0] =	vst v2  }
0x47: {  	[tilespmem:s7+$0x2710] =	vst v1;
	s7 =	smov.u32 s15  }
0x48: {  	_ =	sdelay $0x2  }
0x49: {  	v1 =	vshrl.u32 v0, $0x10  }
0x4a: {  	v63 =	vand.u32 $0xFFFF, v0;
	[tilespmem:s7+$0x28A0] =	vst v1  }
0x4b: {  	s14 =	simm.s32 $0x0;
	s15 =	simm.s32 $0x320;
	[tilespmem:s7+$0x2710] =	vst v63;
	s7 =	simm.s32 $0x190  }
0x4c: {  	[tilespmem:s25], [sflag:$0x1] =	stream.indirect.gather [hbm4b:s4+s7], $0x40, s24, s7, $0xb8;
	[tilespmem:$0x19190] =	vst v63  }
.LBB2_4:
0x4d: {  	v0 =	vmov s7;
	_ =	sdelay $0x3  }
0x4e: {  	s17 =	simm.s32 $0x0;
	s18 =	simm.s32 $0x40  }
.LBB2_5:
0x4f: {  	p2 =	sne.s32 s18, $0x600;
	v1 =	vld.idx.msk [tilespmem:v0+s17+$0x0 ss:$0x1], $0xffff;
	_ =	sdelay $0x3  }
.Ltmp1:
0x50: {  	(pc) =	sbr.rel @p2 .LBB2_5-.Ltmp1, $4  }
0x51: {  	_ = 	snop  }
0x52: {  	v2 =	vand.u32 $0xFFFF, v1;
	v1 =	vshrl.u32 v1, $0x10  }
0x53: {  	[tilespmem:s17+$0x8E30] =	vst v2  }
0x54: {  	[tilespmem:s17+$0x8FC0] =	vst v1;
	s17 =	sshra.s32 s18, $0x2;
	s18 =	sadd.s32 $0x40, s18  }
0x55: {  	_ =	sdelay $0x3  }
0x56: {  	v0 =	vld.idx.msk [tilespmem:v0+s17+$0x0 ss:$0x1], $0xffff;
	_ =	sdelay $0x4  }
0x57: {  	v1 =	vand.u32 $0xFFFF, v0  }
0x58: {  	v0 =	vshrl.u32 v0, $0x10;
	[tilespmem:s17+$0x8E30] =	vst v1  }
0x59: {  	[tilespmem:s17+$0x8FC0] =	vst v0  }
0x5a: {  	[tilespmem:s29], [sflag:$0x2] =	stream.indirect.gather [hbm4b:s4+s26], $0x40, s28, s26, $0xb8;
	[tilespmem:$0x19190] =	vst v63  }
0x5b: {  	_ =	swait.ge [sflag:s30], $0x6400  }
0x5c: {  	[sflag:s30] =	ssyncset.done $0x0  }
0x5d: {  	v0 =	vmov s15;
	[sflag:s30] =	ssyncadd.s32 $0xFFFF9C00  }
0x5e: {  	[spmem:s2] =	stream.indirect.scatter.add.f32 [tilespmem:s25], [sflag:$0x3], $0x40, s31, s26, $0xb8;
	[tilespmem:$0x19190] =	vst v63  }
0x5f: {  	_ =	swait.ge [sflag:s23], $0x6400  }
0x60: {  	[sflag:s23] =	ssyncset.done $0x0  }
0x61: {  	s18 =	simm.s32 $0x40;
	s17 =	simm.s32 $0x0;
	[sflag:s23] =	ssyncadd.s32 $0xFFFF9C00  }
.LBB2_7:
0x62: {  	p2 =	sne.s32 s18, $0x600;
	v1 =	vld.idx.msk [tilespmem:v0+s17+$0x0 ss:$0x1], $0xffff;
	_ =	sdelay $0x3  }
.Ltmp2:
0x63: {  	(pc) =	sbr.rel @p2 .LBB2_7-.Ltmp2, $4  }
0x64: {  	_ = 	snop  }
0x65: {  	v2 =	vand.u32 $0xFFFF, v1;
	v1 =	vshrl.u32 v1, $0x10  }
0x66: {  	[tilespmem:s17+$0x2710] =	vst v2  }
0x67: {  	[tilespmem:s17+$0x28A0] =	vst v1;
	s17 =	sshra.s32 s18, $0x2;
	s18 =	sadd.s32 $0x40, s18  }
0x68: {  	_ =	sdelay $0x3  }
0x69: {  	v0 =	vld.idx.msk [tilespmem:v0+s17+$0x0 ss:$0x1], $0xffff;
	_ =	sdelay $0x4  }
0x6a: {  	v1 =	vand.u32 $0xFFFF, v0  }
0x6b: {  	v0 =	vshrl.u32 v0, $0x10;
	[tilespmem:s17+$0x2710] =	vst v1  }
0x6c: {  	[tilespmem:s17+$0x28A0] =	vst v0  }
0x6d: {  	[tilespmem:s25], [sflag:$0x1] =	stream.indirect.gather [hbm4b:s4+s26], $0x40, s24, s26, $0xb8;
	[tilespmem:$0x19190] =	vst v63  }
0x6e: {  	s14 =	sadd.s32 $0x1, s14;
	_ =	swait.ge [sflag:s0], $0x6400  }
0x6f: {  	p2 =	sne.s32 s14, $0xC;
	[sflag:s0] =	ssyncset.done $0x0  }
.Ltmp3:
0x70: {  	[sflag:s0] =	ssyncadd.s32 $0xFFFF9C00;
	(pc) =	sbr.rel @p2 .LBB2_4-.Ltmp3, $4  }
0x71: {  	[spmem:s2] =	stream.indirect.scatter.add.f32 [tilespmem:s29], [sflag:$0x3], $0x40, s3, s26, $0xb8;
	[tilespmem:$0x19190] =	vst v63  }
0x72: {  	_ =	swait.ge [sflag:s23], $0x6400  }
0x73: {  	[sflag:s23] =	ssyncset.done $0x0  }
0x74: {  	s7 =	sadd.s32 $0x320, s7;
	s15 =	sadd.s32 $0x320, s15;
	[sflag:s23] =	ssyncadd.s32 $0xFFFF9C00  }
0x75: {  	_ =	swait.ge [sflag:s30], $0x6400  }
0x76: {  	[sflag:s30] =	ssyncset.done $0x0  }
0x77: {  	[sflag:s30] =	ssyncadd.s32 $0xFFFF9C00  }
0x78: {  	[spmem:s2] =	stream.indirect.scatter.add.f32 [tilespmem:s25], [sflag:$0x3], $0x40, s31, s26, $0xb8;
	[tilespmem:$0x19190] =	vst v63  }
0x79: {  	_ =	swait.ge [sflag:s23], $0x6400  }
0x7a: {  	[sflag:s23] =	ssyncset.done $0x0  }
0x7b: {  	s7 =	stileid.u32;
	[sflag:s23] =	ssyncadd.s32 $0xFFFF9C00  }
0x7c: {  	s7 =	sshll.u32 @p1 s7, $0x6;
	[bflag:$0x0] =	sbarrier.arrive $0xFFFF  }
0x7d: {  	s14 =	sshrl.u32 @p1 s16, $0x3;
	s7 =	sor.u32 @p1 $0x1C03, s7;
	s15 =	rddreg [dreg:$0x5]  }
0x7e: {  	[hbm:s15], [sflag:s7] =	dma.local @p1 [spmem:s14], $0x1F40  }
0x7f: {  	s14 =	simm.s32 @p1 $0x3  }
0x80: {  	_ =	swait.ge @p1 [sflag:s14], $0x1F40  }
0x81: {  	[sflag:s14] =	ssyncset.done @p1 $0x0  }
0x82: {  	[sflag:s14] =	ssyncadd.s32 @p1 $0xFFFFE0C0  }
0x83: {  	s15 =	sshrl.u32 @p1 s6, $0x3;
	[bflag:$0x0] =	sbarrier.arrive @p1 $0xFFFF  }
0x84: {  	[spmem:s15], [sflag:s7] =	dma.local @p1 [hbm:s5], $0x3E8  }
0x85: {  	_ =	swait.ge @p1 [sflag:s14], $0x3E8  }
0x86: {  	[sflag:s14] =	ssyncset.done @p1 $0x0  }
0x87: {  	s15 =	sshrl.u32 @p1 s19, $0x3;
	[sflag:s14] =	ssyncadd.s32 @p1 $0xFFFFFC18  }
0x88: {  	[spmem:s15], [sflag:s7] =	dma.local @p1 [hbm:s5], $0x3E8  }
0x89: {  	_ =	swait.ge @p1 [sflag:s14], $0x3E8  }
0x8a: {  	[sflag:s14] =	ssyncset.done @p1 $0x0  }
0x8b: {  	s15 =	sshrl.u32 @p1 s8, $0x3;
	[sflag:s14] =	ssyncadd.s32 @p1 $0xFFFFFC18  }
0x8c: {  	[spmem:s15], [sflag:s7] =	dma.local @p1 [hbm:s5], $0x3E8  }
0x8d: {  	_ =	swait.ge @p1 [sflag:s14], $0x3E8  }
0x8e: {  	[sflag:s14] =	ssyncset.done @p1 $0x0  }
0x8f: {  	s15 =	sshrl.u32 @p1 s9, $0x3;
	[sflag:s14] =	ssyncadd.s32 @p1 $0xFFFFFC18  }
0x90: {  	[spmem:s15], [sflag:s7] =	dma.local @p1 [hbm:s5], $0x3E8  }
0x91: {  	_ =	swait.ge @p1 [sflag:s14], $0x3E8  }
0x92: {  	[sflag:s14] =	ssyncset.done @p1 $0x0  }
0x93: {  	s15 =	sshrl.u32 @p1 s10, $0x3;
	[sflag:s14] =	ssyncadd.s32 @p1 $0xFFFFFC18  }
0x94: {  	[spmem:s15], [sflag:s7] =	dma.local @p1 [hbm:s5], $0x3E8  }
0x95: {  	_ =	swait.ge @p1 [sflag:s14], $0x3E8  }
0x96: {  	[sflag:s14] =	ssyncset.done @p1 $0x0  }
0x97: {  	s15 =	sshrl.u32 @p1 s11, $0x3;
	[sflag:s14] =	ssyncadd.s32 @p1 $0xFFFFFC18  }
0x98: {  	[spmem:s15], [sflag:s7] =	dma.local @p1 [hbm:s5], $0x3E8  }
0x99: {  	_ =	swait.ge @p1 [sflag:s14], $0x3E8  }
0x9a: {  	[sflag:s14] =	ssyncset.done @p1 $0x0  }
0x9b: {  	s15 =	sshrl.u32 @p1 s12, $0x3;
	[sflag:s14] =	ssyncadd.s32 @p1 $0xFFFFFC18  }
0x9c: {  	[spmem:s15], [sflag:s7] =	dma.local @p1 [hbm:s5], $0x3E8  }
0x9d: {  	_ =	swait.ge @p1 [sflag:s14], $0x3E8  }
0x9e: {  	[sflag:s14] =	ssyncset.done @p1 $0x0  }
0x9f: {  	s15 =	sshrl.u32 @p1 s13, $0x3;
	[sflag:s14] =	ssyncadd.s32 @p1 $0xFFFFFC18  }
0xa0: {  	[spmem:s15], [sflag:s7] =	dma.local @p1 [hbm:s5], $0x3E8  }
0xa1: {  	_ =	swait.ge @p1 [sflag:s14], $0x3E8  }
0xa2: {  	[sflag:s14] =	ssyncset.done @p1 $0x0  }
0xa3: {  	[sflag:s14] =	ssyncadd.s32 @p1 $0xFFFFFC18  }
0xa4: {  	[bflag:$0x0] =	sbarrier.arrive @!p1 $0xFFFF  }
0xa5: {  	s17 =	simm.s32 $0x0;
	s18 =	rddreg [dreg:$0x6]  }
0xa6: {  	[tilespmem:s17], [sflag:$0x3] =	stream.linear.gather [hbm4b:s18+s17], $0x2710, $0x38;
	[tilespmem:$0x19190] =	vst v63  }
0xa7: {  	_ =	swait.ge [sflag:s23], $0x2710  }
0xa8: {  	[sflag:s23] =	ssyncset.done $0x0  }
0xa9: {  	[sflag:s23] =	ssyncadd.s32 $0xFFFFD8F0  }
0xaa: {  	s7 =	simm.s32 $0x0;
	[bflag:$0x0] =	sbarrier.arrive $0xFFFF  }
0xab: {  	v0 =	vld [tilespmem:s7+$0x0]  }
0xac: {  	s14 =	simm.s32 $0x40  }
.LBB2_10:
0xad: {  	p2 =	sne.s32 s14, $0x600  }
.Ltmp4:
0xae: {  	_ = 	snop;
	(pc) =	sbr.rel @p2 .LBB2_10-.Ltmp4, $4  }
0xaf: {  	_ = 	snop  }
0xb0: {  	s15 =	sshra.s32 s14, $0x2;
	s14 =	sadd.s32 $0x40, s14;
	v1 =	vand.u32 $0xFFFF, v0;
	v2 =	vshrl.u32 v0, $0x10  }
0xb1: {  	v0 =	vld [tilespmem:s15+$0x0];
	[tilespmem:s7+$0x28A0] =	vst v2  }
0xb2: {  	[tilespmem:s7+$0x2710] =	vst v1;
	s7 =	smov.u32 s15  }
0xb3: {  	_ =	sdelay $0x2  }
0xb4: {  	v1 =	vshrl.u32 v0, $0x10  }
0xb5: {  	v63 =	vand.u32 $0xFFFF, v0;
	[tilespmem:s7+$0x28A0] =	vst v1  }
0xb6: {  	s14 =	simm.s32 $0x0;
	s15 =	simm.s32 $0x320;
	[tilespmem:s7+$0x2710] =	vst v63;
	s7 =	simm.s32 $0x190  }
0xb7: {  	[tilespmem:s25], [sflag:$0x1] =	stream.indirect.gather [hbm4b:s4+s7], $0x40, s24, s7, $0xb8;
	[tilespmem:$0x19190] =	vst v63  }
.LBB2_12:
0xb8: {  	v0 =	vmov s7;
	_ =	sdelay $0x3  }
0xb9: {  	s17 =	simm.s32 $0x0;
	s18 =	simm.s32 $0x40  }
.LBB2_13:
0xba: {  	p2 =	sne.s32 s18, $0x600;
	v1 =	vld.idx.msk [tilespmem:v0+s17+$0x0 ss:$0x1], $0xffff;
	_ =	sdelay $0x3  }
.Ltmp5:
0xbb: {  	(pc) =	sbr.rel @p2 .LBB2_13-.Ltmp5, $4  }
0xbc: {  	_ = 	snop  }
0xbd: {  	v2 =	vand.u32 $0xFFFF, v1;
	v1 =	vshrl.u32 v1, $0x10  }
0xbe: {  	[tilespmem:s17+$0x8E30] =	vst v2  }
0xbf: {  	[tilespmem:s17+$0x8FC0] =	vst v1;
	s17 =	sshra.s32 s18, $0x2;
	s18 =	sadd.s32 $0x40, s18  }
0xc0: {  	_ =	sdelay $0x3  }
0xc1: {  	v0 =	vld.idx.msk [tilespmem:v0+s17+$0x0 ss:$0x1], $0xffff;
	_ =	sdelay $0x4  }
0xc2: {  	v1 =	vand.u32 $0xFFFF, v0  }
0xc3: {  	v0 =	vshrl.u32 v0, $0x10;
	[tilespmem:s17+$0x8E30] =	vst v1  }
0xc4: {  	[tilespmem:s17+$0x8FC0] =	vst v0  }
0xc5: {  	[tilespmem:s29], [sflag:$0x2] =	stream.indirect.gather [hbm4b:s4+s26], $0x40, s28, s26, $0xb8;
	[tilespmem:$0x19190] =	vst v63  }
0xc6: {  	_ =	swait.ge [sflag:s30], $0x6400  }
0xc7: {  	[sflag:s30] =	ssyncset.done $0x0  }
0xc8: {  	v0 =	vmov s15;
	[sflag:s30] =	ssyncadd.s32 $0xFFFF9C00  }
0xc9: {  	[spmem:s2] =	stream.indirect.scatter.add.f32 [tilespmem:s25], [sflag:$0x3], $0x40, s31, s26, $0xb8;
	[tilespmem:$0x19190] =	vst v63  }
0xca: {  	_ =	swait.ge [sflag:s23], $0x6400  }
0xcb: {  	[sflag:s23] =	ssyncset.done $0x0  }
0xcc: {  	s18 =	simm.s32 $0x40;
	s17 =	simm.s32 $0x0;
	[sflag:s23] =	ssyncadd.s32 $0xFFFF9C00  }
.LBB2_15:
0xcd: {  	p2 =	sne.s32 s18, $0x600;
	v1 =	vld.idx.msk [tilespmem:v0+s17+$0x0 ss:$0x1], $0xffff;
	_ =	sdelay $0x3  }
.Ltmp6:
0xce: {  	(pc) =	sbr.rel @p2 .LBB2_15-.Ltmp6, $4  }
0xcf: {  	_ = 	snop  }
0xd0: {  	v2 =	vand.u32 $0xFFFF, v1;
	v1 =	vshrl.u32 v1, $0x10  }
0xd1: {  	[tilespmem:s17+$0x2710] =	vst v2  }
0xd2: {  	[tilespmem:s17+$0x28A0] =	vst v1;
	s17 =	sshra.s32 s18, $0x2;
	s18 =	sadd.s32 $0x40, s18  }
0xd3: {  	_ =	sdelay $0x3  }
0xd4: {  	v0 =	vld.idx.msk [tilespmem:v0+s17+$0x0 ss:$0x1], $0xffff;
	_ =	sdelay $0x4  }
0xd5: {  	v1 =	vand.u32 $0xFFFF, v0  }
0xd6: {  	v0 =	vshrl.u32 v0, $0x10;
	[tilespmem:s17+$0x2710] =	vst v1  }
0xd7: {  	[tilespmem:s17+$0x28A0] =	vst v0  }
0xd8: {  	[tilespmem:s25], [sflag:$0x1] =	stream.indirect.gather [hbm4b:s4+s26], $0x40, s24, s26, $0xb8;
	[tilespmem:$0x19190] =	vst v63  }
0xd9: {  	s14 =	sadd.s32 $0x1, s14;
	_ =	swait.ge [sflag:s0], $0x6400  }
0xda: {  	p2 =	sne.s32 s14, $0xC;
	[sflag:s0] =	ssyncset.done $0x0  }
.Ltmp7:
0xdb: {  	[sflag:s0] =	ssyncadd.s32 $0xFFFF9C00;
	(pc) =	sbr.rel @p2 .LBB2_12-.Ltmp7, $4  }
0xdc: {  	[spmem:s2] =	stream.indirect.scatter.add.f32 [tilespmem:s29], [sflag:$0x3], $0x40, s3, s26, $0xb8;
	[tilespmem:$0x19190] =	vst v63  }
0xdd: {  	_ =	swait.ge [sflag:s23], $0x6400  }
0xde: {  	[sflag:s23] =	ssyncset.done $0x0  }
0xdf: {  	s7 =	sadd.s32 $0x320, s7;
	s15 =	sadd.s32 $0x320, s15;
	[sflag:s23] =	ssyncadd.s32 $0xFFFF9C00  }
0xe0: {  	_ =	swait.ge [sflag:s30], $0x6400  }
0xe1: {  	[sflag:s30] =	ssyncset.done $0x0  }
0xe2: {  	[sflag:s30] =	ssyncadd.s32 $0xFFFF9C00  }
0xe3: {  	[spmem:s2] =	stream.indirect.scatter.add.f32 [tilespmem:s25], [sflag:$0x3], $0x40, s31, s26, $0xb8;
	[tilespmem:$0x19190] =	vst v63  }
0xe4: {  	_ =	swait.ge [sflag:s23], $0x6400  }
0xe5: {  	[sflag:s23] =	ssyncset.done $0x0  }
0xe6: {  	[sflag:s23] =	ssyncadd.s32 $0xFFFF9C00  }
0xe7: {  	[bflag:$0x0] =	sbarrier.arrive $0xFFFF  }
0xe8: {  	s7 =	sshrl.u32 @!p0 s16, $0x3;
	s14 =	rddreg [dreg:$0x7]  }
0xe9: {  	[hbm:s14], [sflag:s20] =	dma.local @!p0 [spmem:s7], $0x1F40  }
0xea: {  	s7 =	simm.s32 @!p0 $0x3  }
0xeb: {  	_ =	swait.ge @!p0 [sflag:s7], $0x1F40  }
0xec: {  	s1 =	sadd.s32 $0x1, s1;
	s18 =	rddreg [dreg:$0x8]  }
0xed: {  	p2 =	sne.s32 s1, s18  }
.Ltmp8:
0xee: {  	_ = 	snop;
	(pc) =	sbr.rel @p2 .LBB2_1-.Ltmp8, $3  }
0xef: {  	[sflag:s7] =	ssyncset.done @!p0 $0x0  }
0xf0: {  	[sflag:s7] =	ssyncadd.s32 @!p0 $0xFFFFE0C0  }
0xf1: {  	[bflag:$0x0] =	sbarrier.arrive $0xFFFF;
	_ =	sdelay $0x1  }
0xf2: {  	_ =	sfence.sel $0x180000  }
0xf3: {  	[bflag:$0x0] =	sbarrier.arrive $0xFFFF  }
0xf4: {  	_ =	strace $0x9000004A  }
0xf5: {  	s0 =	stileid.u32;
	[bflag:$0x2] =	sbarrier.arrive $0xFFFF  }
0xf6: {  	p0 =	sne.s32 s0, $0x0;
	s0 =	rddreg [dreg:$0x3]  }
0xf7: {  	s0 =	sadd.s32 @!p0 $0x100000, s0  }
0xf8: {  	[sflag:s0] =	ssyncadd.tile.s32 @!p0 $0x1;
	_ =	shalt  }
.Lfunc_end2:
_tile_overlayer_lowered:
.L_overlay_start_2:
0xf9: {  	(tag) =	ssettag $0x2  }
0xfa: {  	s0 =	rddreg [dreg:$0x0];
	s2 =	stileid.u32  }
0xfb: {  	s1 =	rddreg [dreg:$0x1];
	p0 =	sne.s32 s2, $0x0  }
0xfc: {  	s3 =	rddreg [dreg:$0x2];
	[bflag:$0x3] =	sbarrier.arrive $0xFFFF;
	s2 =	simm.s32 @!p0 $0x1C03  }
0xfd: {  	[timem:s3], [sflag:s2] =	dma.local @!p0 [hbm:s0], s1  }
0xfe: {  	s0 =	simm.s32 @!p0 $0x3  }
0xff: {  	_ =	swait.ge @!p0 [sflag:s0], s1  }
0x100: {  	s1 =	ssub.s32 @!p0 $0x0, s1;
	[sflag:s0] =	ssyncset.done @!p0 $0x0  }
0x101: {  	[sflag:s0] =	ssyncadd.s32 @!p0 s1  }
0x102: {  	[bflag:$0x3] =	sbarrier.arrive $0xFFFF  }
0x103: {  	_ =	shalt  }

// kernel: kernel.7.cloned.1.call-start
scs
__scs_entry_jumppad:
0x0: {  	(pc) =	sbr.rel $0x88, $3  }
0x1: {  	(tag) =	ssettag $0x0;
	lr =	simm.s32 $0x1  }
0x2: {  	[smem:$0x3F89] =	sst lr;
	_ =	strace $0xD0000000  }
0x3: {  	_ = 	snop  }
0x4: {  	_ = 	snop  }
0x5: {  	_ = 	snop  }
0x6: {  	_ = 	snop  }
0x7: {  	_ = 	snop  }
__scs_overlays_trampoline_lowered:
0x8: {  	[smem:$0x3F98] =	sst s0  }
0x9: {  	[smem:$0x3F99] =	sst s1  }
0xa: {  	[smem:$0x3F9A] =	sst s2  }
0xb: {  	[smem:$0x3F9B] =	sst s3  }
0xc: {  	[smem:$0x3F9C] =	sst s4  }
0xd: {  	[smem:$0x3F9D] =	sst s5  }
0xe: {  	[smem:$0x3F9E] =	sst s6  }
0xf: {  	[smem:$0x3F9F] =	sst s7  }
0x10: {  	[smem:$0x3FA0] =	sst s8  }
0x11: {  	[smem:$0x3FA1] =	sst s9;
	s0 =	simm.s32 @!p0 $0x0  }
0x12: {  	s1 =	sld [smem:$0x3F87];
	s0 =	simm.s32 @p0 $0x1  }
0x13: {  	[smem:$0x3FA2] =	sst s0;
	s0 =	simm.s32 @!p1 $0x0  }
0x14: {  	s2 =	sld [smem:$0x3F86];
	s0 =	simm.s32 @p1 $0x1  }
0x15: {  	[smem:$0x3FA3] =	sst s0;
	s0 =	simm.s32 @!p2 $0x0  }
0x16: {  	s3 =	sld [smem:$0x3FDB];
	s0 =	simm.s32 @p2 $0x1  }
0x17: {  	s4 =	simm.s32 $0x1BF5;
	[smem:$0x3FA5] =	sst s0  }
0x18: {  	s0 =	sld [smem:$0x3F88];
	_ =	swait.ge [sflag:s4], $0x0  }
0x19: {  	s7 =	sld [smem:$0x3F89]  }
0x1a: {  	s8 =	sadd.s32 $0xFFFFE003, lr  }
0x1b: {  	s9 =	sadd.s32 $0xFFFFFEF7, lr;
	s5 =	simm.s32 $0xFFFFFFFF;
	p2 =	slt.u32 s8, $0xFFFFF086  }
0x1c: {  	p1 =	slt.u32 s9, $0xF7A;
	s5 =	simm.s32 @!p2 $0x0  }
0x1d: {  	s5 =	simm.s32 @p1 $0x1;
	p0 =	seq.s32 s7, s2  }
0x1e: {  	s7 =	smul.u32 @!p0 $0xF7A, s2;
	p2 =	seq.s32 @!p0 s5, $0x0  }
0x1f: {  	s9 =	smul.u32 $0xF7A, s1;
	s8 =	simm.s32 @!p0 $0x1BF5;
	p2 =	por !p2, p0  }
0x20: {  	[sflag:s8] =	ssyncset.s32 @!p0 $0xFFFFF086;
	s6 =	sadd.s32 @!p0 s3, s7;
	s7 =	simm.s32 @!p0 $0x108  }
0x21: {  	s3 =	sadd.s32 s3, s9;
	s6 =	sadd.s32 @!p0 $0x88, s6;
	s7 =	simm.s32 @p2 $0x1082  }
0x22: {  	[simem:s7], [sflag:s8] =	dma.local @!p0 [hbm:s6], $0xF7A  }
0x23: {  	s9 =	sor.u32 $0xD0000000, s2;
	s6 =	simm.s32 $0x108;
	_ =	swait.ge @!p0 [sflag:s8], $0x0  }
0x24: {  	s3 =	sadd.s32 $0x88, s3;
	s6 =	simm.s32 @!p1 $0x1082;
	[sflag:s4] =	ssyncset.s32 $0xFFFFF086  }
0x25: {  	[simem:s6], [sflag:s4] =	dma.local [hbm:s3], $0xF7A  }
0x26: {  	[smem:$0x3F89] =	sst s1;
	(tag) =	ssettag s2;
	_ =	strace s9  }
0x27: {  	s1 =	sld [smem:$0x3F99]  }
0x28: {  	s2 =	sld [smem:$0x3F9A]  }
0x29: {  	s4 =	sld [smem:$0x3F9C]  }
0x2a: {  	p0 =	seq.s32 s5, $0x0;
	s5 =	sld [smem:$0x3F9D]  }
0x2b: {  	s6 =	sld [smem:$0x3F9E]  }
0x2c: {  	s7 =	sld [smem:$0x3F9F]  }
0x2d: {  	s3 =	simm.s32 $0x108;
	s8 =	sld [smem:$0x3FA0]  }
0x2e: {  	s3 =	simm.s32 @!p0 $0x1082;
	s9 =	sld [smem:$0x3FA1]  }
0x2f: {  	lr =	sadd.s32 s0, s3;
	s0 =	sld [smem:$0x3F98]  }
0x30: {  	s3 =	sld [smem:$0x3F9B]  }
0x31: {  	[smem:$0x3FA4] =	sst s10  }
0x32: {  	s10 =	sld [smem:$0x3FA2];
	_ =	sdelay $0x3  }
0x33: {  	p0 =	seq.s32 s10, $0x1;
	s10 =	sld [smem:$0x3FA4];
	_ =	sdelay $0x3  }
0x34: {  	[smem:$0x3FA4] =	sst s10  }
0x35: {  	s10 =	sld [smem:$0x3FA3];
	_ =	sdelay $0x3  }
0x36: {  	p1 =	seq.s32 s10, $0x1;
	s10 =	sld [smem:$0x3FA4];
	_ =	sdelay $0x3  }
0x37: {  	[smem:$0x3FA4] =	sst s10  }
0x38: {  	s10 =	sld [smem:$0x3FA5]  }
0x39: {  	_ = 	snop;
	(pc) =	sbr.ind lr, $3  }
0x3a: {  	_ = 	snop  }
0x3b: {  	_ = 	snop  }
0x3c: {  	p2 =	seq.s32 s10, $0x1;
	s10 =	sld [smem:$0x3FA4]  }
0x3d: {  	_ =	shalt  }
0x3e: {  	_ =	shalt  }
0x3f: {  	_ =	shalt  }
0x40: {  	_ =	shalt  }
0x41: {  	_ =	shalt  }
0x42: {  	_ =	shalt  }
0x43: {  	_ =	shalt  }
0x44: {  	_ =	shalt  }
0x45: {  	_ =	shalt  }
0x46: {  	_ =	shalt  }
0x47: {  	_ =	shalt  }
0x48: {  	_ =	shalt  }
0x49: {  	_ =	shalt  }
0x4a: {  	_ =	shalt  }
0x4b: {  	_ =	shalt  }
0x4c: {  	_ =	shalt  }
0x4d: {  	_ =	shalt  }
0x4e: {  	_ =	shalt  }
0x4f: {  	_ =	shalt  }
0x50: {  	_ =	shalt  }
0x51: {  	_ =	shalt  }
0x52: {  	_ =	shalt  }
0x53: {  	_ =	shalt  }
0x54: {  	_ =	shalt  }
0x55: {  	_ =	shalt  }
0x56: {  	_ =	shalt  }
0x57: {  	_ =	shalt  }
0x58: {  	_ =	shalt  }
0x59: {  	_ =	shalt  }
0x5a: {  	_ =	shalt  }
0x5b: {  	_ =	shalt  }
0x5c: {  	_ =	shalt  }
0x5d: {  	_ =	shalt  }
0x5e: {  	_ =	shalt  }
0x5f: {  	_ =	shalt  }
0x60: {  	_ =	shalt  }
0x61: {  	_ =	shalt  }
0x62: {  	_ =	shalt  }
0x63: {  	_ =	shalt  }
0x64: {  	_ =	shalt  }
0x65: {  	_ =	shalt  }
0x66: {  	_ =	shalt  }
0x67: {  	_ =	shalt  }
0x68: {  	_ =	shalt  }
0x69: {  	_ =	shalt  }
0x6a: {  	_ =	shalt  }
0x6b: {  	_ =	shalt  }
0x6c: {  	_ =	shalt  }
0x6d: {  	_ =	shalt  }
0x6e: {  	_ =	shalt  }
0x6f: {  	_ =	shalt  }
0x70: {  	_ =	shalt  }
0x71: {  	_ =	shalt  }
0x72: {  	_ =	shalt  }
0x73: {  	_ =	shalt  }
0x74: {  	_ =	shalt  }
0x75: {  	_ =	shalt  }
0x76: {  	_ =	shalt  }
0x77: {  	_ =	shalt  }
0x78: {  	_ =	shalt  }
0x79: {  	_ =	shalt  }
0x7a: {  	_ =	shalt  }
0x7b: {  	_ =	shalt  }
0x7c: {  	_ =	shalt  }
0x7d: {  	_ =	shalt  }
0x7e: {  	_ =	shalt  }
0x7f: {  	_ =	shalt  }
0x80: {  	_ =	shalt  }
0x81: {  	_ =	shalt  }
0x82: {  	_ =	shalt  }
0x83: {  	_ =	shalt  }
0x84: {  	_ =	shalt  }
0x85: {  	_ =	shalt  }
0x86: {  	_ =	shalt  }
0x87: {  	_ =	shalt  }
.Lfunc_end0:
.L_simem_size_0:
called_computation_lowered:
.L_overlay_start_0:
0x88: {  	s2 =	sld [smem:$0x3FD9]  }
0x89: {  	s3 =	sld [smem:$0x3FFE];
	_ =	sdelay $0x1  }
0x8a: {  	s1 =	srdreg.scid  }
0x8b: {  	s0 =	sand.u32 $0x1, s1  }
0x8c: {  	s17 =	sshll.u32 s0, $0xA;
	s2 =	sadd.s32 s3, s2  }
0x8d: {  	s2 =	sadd.s32 s2, s17  }
0x8e: {  	[smem:$0x3FB0] =	sst s2  }
0x8f: {  	_ = 	snop  }
0x90: {  	s2 =	sld [smem:$0x3FD0];
	(tm) =	ssettm $0x1  }
0x91: {  	s18 =	sld [smem:$0x3FFB];
	_ =	sdelay $0x3  }
0x92: {  	_ =	strace s18  }
0x93: {  	s3 =	sld [smem:$0x3FFC];
	_ =	sdelay $0x3  }
0x94: {  	_ =	strace s3  }
0x95: {  	s3 =	sld [smem:$0x3FFD];
	_ =	sdelay $0x3  }
0x96: {  	_ =	strace s3  }
0x97: {  	_ =	strace $0x8FFFFFFF  }
0x98: {  	s19 =	sld [smem:$0x3FDB];
	_ =	sdelay $0x1  }
0x99: {  	s4 =	simm.s32 $_scs_section_size  }
0x9a: {  	s5 =	simm.s32 $_size__tile_overlayer_lowered;
	s6 =	simm.s32 $_tile_overlayer_lowered  }
0x9b: {  	s22 =	simm.s32 $0x1BFF;
	s21 =	sshll.u32 s6, $0x1;
	s3 =	sadd.s32 s4, s19  }
0x9c: {  	s7 =	simm.s32 $0x0;
	s20 =	sshll.u32 s5, $0x1;
	s5 =	sadd.s32 s21, s3  }
0x9d: {  	[timem:s7], [sflag:s22] =	dma.local [hbm:s5], s20  }
0x9e: {  	_ =	swait.ge [sflag:s22], s20  }
0x9f: {  	s4 =	ssub.s32 $0x0, s20;
	[sflag:s22] =	ssyncset.done $0x0  }
0xa0: {  	[sflag:s22] =	ssyncadd.s32 s4;
	_ =	sdelay $0x1  }
0xa1: {  	s23 =	simm.s32 $0x1B8B  }
0xa2: {  	_ =	swait.ge [sflag:s23], $0x1  }
0xa3: {  	[sflag:s23] =	ssyncset.done $0x0  }
0xa4: {  	s25 =	simm.s32 $0x1B8E;
	s24 =	sld [smem:$0x3FFE];
	[sflag:s23] =	ssyncadd.s32 $0xFFFFFFFF  }
0xa5: {  	s26 =	simm.s32 $execute0_lowered;
	[smem:$0x3FD2] =	sst s25  }
0xa6: {  	s5 =	sshll.u32 s26, $0x1;
	_ =	strace $0x80000046;
	[dreg:$0x1] =	wrdreg $0xFFFFFFFF  }
0xa7: {  	s28 =	simm.s32 $_size_execute0_lowered;
	s3 =	sadd.s32 s3, s5;
	[dreg:$0x0] =	wrdreg $0x0  }
0xa8: {  	s5 =	sshll.u32 s28, $0x1;
	[dreg:$0x2] =	wrdreg s3  }
0xa9: {  	[dreg:$0x3] =	wrdreg s5  }
0xaa: {  	[dreg:$0x4] =	wrdreg $0xC0  }
0xab: {  	_ =	task [dreg:s7], $0x5FFFF  }
0xac: {  	[dreg:$0x1] =	wrdreg $0xFFFFFFFF  }
0xad: {  	[dreg:$0x0] =	wrdreg $0x60  }
0xae: {  	[dreg:$0x2] =	wrdreg s24  }
0xaf: {  	[dreg:$0x3] =	wrdreg s2  }
0xb0: {  	[dreg:$0x4] =	wrdreg $0x101D00  }
0xb1: {  	[dreg:$0x5] =	wrdreg $0x19E100  }
0xb2: {  	[dreg:$0x6] =	wrdreg $0x9  }
0xb3: {  	_ =	task.clear_ibuf [dreg:s7], $0x7FFFF;
	_ =	strace $0x90000046  }
0xb4: {  	s29 =	simm.s32 $0x9;
	_ =	strace $0x80000048  }
0xb5: {  	_ =	swait.ge [sflag:s29], $0x1  }
0xb6: {  	[sflag:s29] =	ssyncadd.s32 $0xFFFFFFFF  }
0xb7: {  	_ =	strace $0x90000048  }
0xb8: {  	_ =	sfence  }
0xb9: {  	s30 =	sld [smem:$0x0];
	_ =	sdelay $0x2  }
0xba: {  	s31 =	sshll.u32 s1, $0xD;
	s1 =	sshrl.u32 s1, $0x2  }
0xbb: {  	s3 =	sand.u32 $0x4000, s31;
	s1 =	sadd.s32 s1, s30  }
0xbc: {  	s0 =	sor.u32 s3, s0;
	s1 =	sshll.u32 s1, $0x11  }
0xbd: {  	s0 =	sor.u32 s1, s0  }
0xbe: {  	s0 =	sadd.s32 $0x8F2B, s0  }
0xbf: {  	[sflag:s0] =	ssyncadd.remote.s32 $0x1  }
0xc0: {  	_ =	sfence.sel $0xFFFF  }
0xc1: {  	[dreg:$0x0] =	wrdreg $0xFFFFFFFF;
	(pc) =	sbr.abs _section_cstart, $3  }
0xc2: {  	[dreg:$0x1] =	wrdreg $0xFFFFFFFF  }
0xc3: {  	_ =	task.clear_ibuf [dreg:s7], $0x2FFFF;
	_ =	strace $0x9FFFFFFF  }
0xc4: {  	(tm) =	ssettm $0x7FFFFFFF  }
0xc5: {  	_ =	shalt  }
tec
execute0_lowered:
.L_overlay_start_1:
0x0: {  	(tag) =	ssettag $0x1  }
0x1: {  	s0 =	rddreg [dreg:$0x0]  }
0x2: {  	s3 =	rddreg [dreg:$0x1]  }
0x3: {  	s1 =	rddreg [dreg:$0x2]  }
0x4: {  	s2 =	rddreg [dreg:$0x3];
	s4 =	simm.s32 $0x0;
	s16 =	srdreg.scid  }
0x5: {  	s23 =	stileid.u32;
	[smem:$0x7FF] =	sst s4  }
0x6: {  	s4 =	sadd.s32 $0x13E000, s0;
	s6 =	sadd.s32 $0x5800, s0;
	s17 =	smul.u32 $0x3E800, s23  }
0x7: {  	s7 =	sadd.s32 $0x5E00, s0;
	s5 =	sadd.s32 $0x5C00, s0;
	s11 =	smul.u32 $0x3E8, s23  }
0x8: {  	s8 =	sadd.s32 $0xFE00, s0;
	s9 =	sand.u32 $0x1, s16;
	s14 =	smul.u32 $0x7D00, s23  }
0x9: {  	s0 =	sadd.s32 $0x6000, s0;
	s22 =	smul.u32 $0x2710, s23;
	p0 =	sgt.u32 s23, $0x9  }
0xa: {  	p1 =	slt.u32 s23, $0xA;
	_ =	strace $0x80000047;
	s25 =	smul.u32 $0x4E200, s9  }
0xb: {  	[dreg:$0x5] =	wrdreg s5;
	s10 =	ssub.s32 $0x2, s9;
	s26 =	smul.u32 $0x138800, s9  }
0xc: {  	s15 =	sshllo.u32 s9, $0x1;
	s9 =	smul.u32 $0x27100, s9;
	s12 =	sshrl.u32 s10, $0x1  }
0xd: {  	s13 =	sshrl.u32 s17, $0x2;
	s19 =	sadd.s32 $0x7D, s11;
	s20 =	sshrl.u32 s14, $0x2  }
0xe: {  	s16 =	sadd.s32 $0xFA, s11;
	s17 =	smul.u32 $0xFA00, s23;
	s5 =	ssub.s32 s10, s12  }
0xf: {  	s18 =	sadd.s32 s13, s1;
	s21 =	sshll.u32 s19, $0x6;
	s12 =	sadd.s32 s20, s2  }
0x10: {  	s10 =	sshll.u32 s19, $0x3;
	s19 =	smul.u32 $0x27100, s15;
	[dreg:$0x6] =	wrdreg s18  }
0x11: {  	[dreg:$0x7] =	wrdreg s12;
	s24 =	sadd.s32 s21, s1;
	s10 =	sadd.s32 s10, s2  }
0x12: {  	s18 =	sadd.s32 s22, s25;
	s21 =	smul.u32 $0x9C400, s15;
	s13 =	sadd.s32 s17, s26  }
0x13: {  	s25 =	smul.u32 $0x13880, s15;
	s26 =	sshll.u32 s16, $0x6;
	[dreg:$0x8] =	wrdreg s24  }
0x14: {  	[dreg:$0x9] =	wrdreg s10;
	s10 =	sshrl.u32 s18, $0x3;
	s20 =	sadd.s32 s22, s19  }
0x15: {  	s24 =	sshrl.u32 s13, $0x3;
	s13 =	sadd.s32 $0x177, s11;
	s19 =	sadd.s32 $0x271, s11  }
0x16: {  	s10 =	sadd.s32 s3, s10;
	s22 =	sadd.s32 s17, s21;
	s12 =	sadd.s32 s8, s24  }
0x17: {  	s15 =	sshll.u32 s13, $0x6;
	s21 =	sshll.u32 s19, $0x3;
	[dreg:$0xa] =	wrdreg s10  }
0x18: {  	s24 =	sadd.s32 $0x36B, s11;
	s10 =	sshrl.u32 s20, $0x3;
	[dreg:$0xc] =	wrdreg s12  }
0x19: {  	s12 =	sshll.u32 s16, $0x3;
	s16 =	sadd.s32 $0x1F4, s11;
	s20 =	sshll.u32 s19, $0x6  }
0x1a: {  	s19 =	simm.s32 $0x8FC0;
	s3 =	sadd.s32 s3, s10;
	s10 =	sshrl.u32 s22, $0x3  }
0x1b: {  	s14 =	sadd.s32 s12, s2;
	s18 =	sshll.u32 s16, $0x6;
	s22 =	sadd.s32 $0x2EE, s11  }
0x1c: {  	s11 =	simm.s32 $0x190;
	s12 =	simm.s32 $0x8E30;
	[dreg:$0xb] =	wrdreg s3  }
0x1d: {  	s3 =	smul.u32 $0x1F40, s23;
	s8 =	sadd.s32 s8, s10;
	[dreg:$0x11] =	wrdreg s14  }
0x1e: {  	s14 =	simm.s32 $0x1;
	[dreg:$0xd] =	wrdreg s8;
	s8 =	sadd.s32 s26, s1  }
0x1f: {  	s26 =	sshll.u32 s24, $0x6;
	[dreg:$0xe] =	wrdreg s8;
	s9 =	sadd.s32 s3, s9  }
0x20: {  	s10 =	sadd.s32 s3, s25;
	s25 =	sshll.u32 s22, $0x6;
	s30 =	sadd.s32 s26, s1  }
0x21: {  	s3 =	sadd.s32 s3, s2;
	s8 =	sshrl.u32 s9, $0x3;
	s9 =	sshrl.u32 s10, $0x3  }
0x22: {  	s28 =	sadd.s32 s25, s1;
	s10 =	simm.s32 $0x2A30;
	s8 =	sadd.s32 s0, s8  }
0x23: {  	s0 =	sadd.s32 s0, s9;
	s9 =	simm.s32 $0x2710;
	[dreg:$0xf] =	wrdreg s8  }
0x24: {  	[dreg:$0x10] =	wrdreg s0;
	s0 =	sshll.u32 s13, $0x3;
	s8 =	sadd.s32 s15, s1  }
0x25: {  	s15 =	smax.u32 s5, $0x1;
	[dreg:$0x12] =	wrdreg s8;
	s0 =	sadd.s32 s0, s2  }
0x26: {  	s13 =	simm.s32 $0x9150;
	s8 =	sadd.s32 s18, s1;
	[dreg:$0x13] =	wrdreg s0  }
0x27: {  	s18 =	simm.s32 $0xF550;
	s0 =	sshll.u32 s16, $0x3;
	[dreg:$0x14] =	wrdreg s8  }
0x28: {  	s8 =	sshll.u32 s22, $0x3;
	s16 =	simm.s32 $0x28A0;
	s0 =	sadd.s32 s0, s2  }
0x29: {  	s29 =	sadd.s32 s8, s2;
	[dreg:$0x15] =	wrdreg s0;
	s0 =	sadd.s32 s20, s1  }
0x2a: {  	s8 =	simm.s32 $0x3;
	[dreg:$0x16] =	wrdreg s0;
	s0 =	sadd.s32 s21, s2  }
0x2b: {  	s20 =	simm.s32 $0x0;
	[dreg:$0x17] =	wrdreg s0;
	s0 =	sshll.u32 s24, $0x3  }
0x2c: {  	s31 =	sadd.s32 s0, s2;
	s0 =	sadd.s32 s17, s1;
	s17 =	simm.s32 $0x2  }
.LBB2_1:
.Ltmp0:
0x2d: {  	s5 =	simm.s32 $0x0;
	s21 =	rddreg [dreg:$0x5];
	(pc) =	sbr.rel @p0 .LBB2_3-.Ltmp0, $4  }
0x2e: {  	[tilespmem:s18], [sflag:$0x3] =	stream.linear.gather [hbm4b:s21+s5], $0xC80, $0x38;
	[tilespmem:$0x1B198] =	vst v63  }
0x2f: {  	_ =	swait.ge [sflag:s8], $0xC80  }
0x30: {  	s25 =	sshll.u32 s23, $0x6;
	[sflag:s8] =	ssyncset.done $0x0;
	s26 =	rddreg [dreg:$0x6]  }
0x31: {  	s21 =	sor.u32 $0x1C03, s25;
	[sflag:s8] =	ssyncadd.s32 $0xFFFFF380;
	s22 =	sshrl.u32 s26, $0x3  }
0x32: {  	[spmem:s22], [sflag:s21] =	dma.local [hbm:s6], $0x3E8  }
0x33: {  	_ =	swait.ge [sflag:s8], $0x3E8  }
0x34: {  	[sflag:s8] =	ssyncset.done $0x0;
	s5 =	rddreg [dreg:$0x7]  }
0x35: {  	[sflag:s8] =	ssyncadd.s32 $0xFFFFFC18;
	s5 =	sshrl.u32 s5, $0x3  }
0x36: {  	[spmem:s5], [sflag:s21] =	dma.local [hbm:s7], $0x7D  }
0x37: {  	_ =	swait.ge [sflag:s8], $0x7D  }
0x38: {  	[sflag:s8] =	ssyncset.done $0x0;
	s25 =	rddreg [dreg:$0x8]  }
0x39: {  	[sflag:s8] =	ssyncadd.s32 $0xFFFFFF83;
	s5 =	sshrl.u32 s25, $0x3  }
0x3a: {  	[spmem:s5], [sflag:s21] =	dma.local [hbm:s6], $0x3E8  }
0x3b: {  	_ =	swait.ge [sflag:s8], $0x3E8  }
0x3c: {  	[sflag:s8] =	ssyncset.done $0x0;
	s26 =	rddreg [dreg:$0x9]  }
0x3d: {  	[sflag:s8] =	ssyncadd.s32 $0xFFFFFC18;
	s5 =	sshrl.u32 s26, $0x3  }
0x3e: {  	[spmem:s5], [sflag:s21] =	dma.local [hbm:s7], $0x7D  }
0x3f: {  	_ =	swait.ge [sflag:s8], $0x7D  }
0x40: {  	[sflag:s8] =	ssyncset.done $0x0;
	s23 =	rddreg [dreg:$0xe]  }
0x41: {  	[sflag:s8] =	ssyncadd.s32 $0xFFFFFF83;
	s5 =	sshrl.u32 s23, $0x3  }
0x42: {  	[spmem:s5], [sflag:s21] =	dma.local [hbm:s6], $0x3E8  }
0x43: {  	_ =	swait.ge [sflag:s8], $0x3E8  }
0x44: {  	[sflag:s8] =	ssyncset.done $0x0;
	s24 =	rddreg [dreg:$0x11]  }
0x45: {  	[sflag:s8] =	ssyncadd.s32 $0xFFFFFC18;
	s5 =	sshrl.u32 s24, $0x3  }
0x46: {  	[spmem:s5], [sflag:s21] =	dma.local [hbm:s7], $0x7D  }
0x47: {  	_ =	swait.ge [sflag:s8], $0x7D  }
0x48: {  	[sflag:s8] =	ssyncset.done $0x0;
	s25 =	rddreg [dreg:$0x12]  }
0x49: {  	[sflag:s8] =	ssyncadd.s32 $0xFFFFFF83;
	s5 =	sshrl.u32 s25, $0x3  }
0x4a: {  	[spmem:s5], [sflag:s21] =	dma.local [hbm:s6], $0x3E8  }
0x4b: {  	_ =	swait.ge [sflag:s8], $0x3E8  }
0x4c: {  	[sflag:s8] =	ssyncset.done $0x0;
	s26 =	rddreg [dreg:$0x13]  }
0x4d: {  	[sflag:s8] =	ssyncadd.s32 $0xFFFFFC18;
	s5 =	sshrl.u32 s26, $0x3  }
0x4e: {  	[spmem:s5], [sflag:s21] =	dma.local [hbm:s7], $0x7D  }
0x4f: {  	_ =	swait.ge [sflag:s8], $0x7D  }
0x50: {  	[sflag:s8] =	ssyncset.done $0x0;
	s23 =	rddreg [dreg:$0x14]  }
0x51: {  	[sflag:s8] =	ssyncadd.s32 $0xFFFFFF83;
	s5 =	sshrl.u32 s23, $0x3  }
0x52: {  	[spmem:s5], [sflag:s21] =	dma.local [hbm:s6], $0x3E8  }
0x53: {  	_ =	swait.ge [sflag:s8], $0x3E8  }
0x54: {  	[sflag:s8] =	ssyncset.done $0x0;
	s24 =	rddreg [dreg:$0x15]  }
0x55: {  	[sflag:s8] =	ssyncadd.s32 $0xFFFFFC18;
	s5 =	sshrl.u32 s24, $0x3  }
0x56: {  	[spmem:s5], [sflag:s21] =	dma.local [hbm:s7], $0x7D  }
0x57: {  	_ =	swait.ge [sflag:s8], $0x7D  }
0x58: {  	[sflag:s8] =	ssyncset.done $0x0;
	s25 =	rddreg [dreg:$0x16]  }
0x59: {  	[sflag:s8] =	ssyncadd.s32 $0xFFFFFF83;
	s5 =	sshrl.u32 s25, $0x3  }
0x5a: {  	[spmem:s5], [sflag:s21] =	dma.local [hbm:s6], $0x3E8  }
0x5b: {  	_ =	swait.ge [sflag:s8], $0x3E8  }
0x5c: {  	[sflag:s8] =	ssyncset.done $0x0;
	s26 =	rddreg [dreg:$0x17]  }
0x5d: {  	[sflag:s8] =	ssyncadd.s32 $0xFFFFFC18;
	s5 =	sshrl.u32 s26, $0x3  }
0x5e: {  	[spmem:s5], [sflag:s21] =	dma.local [hbm:s7], $0x7D  }
0x5f: {  	_ =	swait.ge [sflag:s8], $0x7D  }
0x60: {  	[sflag:s8] =	ssyncset.done $0x0  }
0x61: {  	s23 =	sshrl.u32 s28, $0x3;
	[sflag:s8] =	ssyncadd.s32 $0xFFFFFF83  }
0x62: {  	[spmem:s23], [sflag:s21] =	dma.local [hbm:s6], $0x3E8  }
0x63: {  	_ =	swait.ge [sflag:s8], $0x3E8  }
0x64: {  	[sflag:s8] =	ssyncset.done $0x0  }
0x65: {  	s24 =	sshrl.u32 s29, $0x3;
	[sflag:s8] =	ssyncadd.s32 $0xFFFFFC18  }
0x66: {  	[spmem:s24], [sflag:s21] =	dma.local [hbm:s7], $0x7D  }
0x67: {  	_ =	swait.ge [sflag:s8], $0x7D  }
0x68: {  	[sflag:s8] =	ssyncset.done $0x0  }
0x69: {  	s25 =	sshrl.u32 s30, $0x3;
	[sflag:s8] =	ssyncadd.s32 $0xFFFFFF83  }
0x6a: {  	[spmem:s25], [sflag:s21] =	dma.local [hbm:s6], $0x3E8  }
0x6b: {  	_ =	swait.ge [sflag:s8], $0x3E8  }
0x6c: {  	[sflag:s8] =	ssyncset.done $0x0  }
0x6d: {  	s26 =	sshrl.u32 s31, $0x3;
	[sflag:s8] =	ssyncadd.s32 $0xFFFFFC18  }
0x6e: {  	[spmem:s26], [sflag:s21] =	dma.local [hbm:s7], $0x7D  }
0x6f: {  	_ =	swait.ge [sflag:s8], $0x7D  }
0x70: {  	[sflag:s8] =	ssyncset.done $0x0  }
0x71: {  	[sflag:s8] =	ssyncadd.s32 $0xFFFFFF83  }
.LBB2_3:
0x72: {  	s5 =	simm.s32 $0x0;
	s23 =	rddreg [dreg:$0xa]  }
0x73: {  	[tilespmem:s5], [sflag:$0x3] =	stream.linear.gather [hbm4b:s23+s5], $0x2710, $0x38;
	[tilespmem:$0x1B198] =	vst v63  }
0x74: {  	_ =	swait.ge [sflag:s8], $0x2710  }
0x75: {  	[sflag:s8] =	ssyncset.done $0x0  }
0x76: {  	[sflag:s8] =	ssyncadd.s32 $0xFFFFD8F0  }
0x77: {  	s5 =	simm.s32 $0x0;
	[bflag:$0x0] =	sbarrier.arrive $0xFFFF  }
0x78: {  	v0 =	vld [tilespmem:s5+$0x0]  }
0x79: {  	s23 =	simm.s32 $0x40  }
.LBB2_4:
0x7a: {  	p2 =	sne.s32 s23, $0x600  }
.Ltmp1:
0x7b: {  	_ = 	snop;
	(pc) =	sbr.rel @p2 .LBB2_4-.Ltmp1, $4  }
0x7c: {  	_ = 	snop  }
0x7d: {  	s24 =	sshra.s32 s23, $0x2;
	s23 =	sadd.s32 $0x40, s23;
	v1 =	vand.u32 $0xFFFF, v0;
	v2 =	vshrl.u32 v0, $0x10  }
0x7e: {  	v0 =	vld [tilespmem:s24+$0x0];
	[tilespmem:s5+$0x28A0] =	vst v2  }
0x7f: {  	[tilespmem:s5+$0x2710] =	vst v1;
	s5 =	smov.u32 s24  }
0x80: {  	_ =	sdelay $0x2  }
0x81: {  	v1 =	vshrl.u32 v0, $0x10  }
0x82: {  	v63 =	vand.u32 $0xFFFF, v0;
	[tilespmem:s5+$0x28A0] =	vst v1  }
0x83: {  	s23 =	simm.s32 $0x0;
	s24 =	simm.s32 $0x320;
	[tilespmem:s5+$0x2710] =	vst v63;
	s5 =	simm.s32 $0x190  }
0x84: {  	[tilespmem:s10], [sflag:$0x1] =	stream.indirect.gather [hbm4b:s4+s5], $0x40, s9, s5, $0xb8;
	[tilespmem:$0x1B198] =	vst v63  }
.LBB2_6:
0x85: {  	v0 =	vmov s5;
	_ =	sdelay $0x3  }
0x86: {  	s25 =	simm.s32 $0x0;
	s26 =	simm.s32 $0x40  }
.LBB2_7:
0x87: {  	p2 =	sne.s32 s26, $0x600;
	v1 =	vld.idx.msk [tilespmem:v0+s25+$0x0 ss:$0x1], $0xffff;
	_ =	sdelay $0x3  }
.Ltmp2:
0x88: {  	(pc) =	sbr.rel @p2 .LBB2_7-.Ltmp2, $4  }
0x89: {  	_ = 	snop  }
0x8a: {  	v2 =	vand.u32 $0xFFFF, v1;
	v1 =	vshrl.u32 v1, $0x10  }
0x8b: {  	[tilespmem:s25+$0x8E30] =	vst v2  }
0x8c: {  	[tilespmem:s25+$0x8FC0] =	vst v1;
	s25 =	sshra.s32 s26, $0x2;
	s26 =	sadd.s32 $0x40, s26  }
0x8d: {  	_ =	sdelay $0x3  }
0x8e: {  	v0 =	vld.idx.msk [tilespmem:v0+s25+$0x0 ss:$0x1], $0xffff;
	_ =	sdelay $0x4  }
0x8f: {  	v1 =	vand.u32 $0xFFFF, v0  }
0x90: {  	v0 =	vshrl.u32 v0, $0x10;
	[tilespmem:s25+$0x8E30] =	vst v1  }
0x91: {  	[tilespmem:s25+$0x8FC0] =	vst v0  }
0x92: {  	[tilespmem:s13], [sflag:$0x2] =	stream.indirect.gather [hbm4b:s4+s11], $0x40, s12, s11, $0xb8;
	[tilespmem:$0x1B198] =	vst v63  }
0x93: {  	_ =	swait.ge [sflag:s14], $0x6400  }
0x94: {  	[sflag:s14] =	ssyncset.done $0x0  }
0x95: {  	[sflag:s14] =	ssyncadd.s32 $0xFFFF9C00  }
0x96: {  	[spmem:s1] =	stream.indirect.scatter.add.f32 [tilespmem:s10], [sflag:$0x3], $0x40, s16, s11, $0xb8;
	[tilespmem:$0x1B198] =	vst v63  }
0x97: {  	_ =	swait.ge [sflag:s8], $0x6400  }
0x98: {  	[sflag:s8] =	ssyncset.done $0x0  }
0x99: {  	v0 =	vmov s24;
	[sflag:s8] =	ssyncadd.s32 $0xFFFF9C00  }
0x9a: {  	[spmem:s2] =	stream.indirect.scatter.add.f32 [tilespmem:s18], [sflag:$0x3], $0x8, s16, s11, $0xb8;
	[tilespmem:$0x1B198] =	vst v63  }
0x9b: {  	_ =	swait.ge [sflag:s8], $0xC80  }
0x9c: {  	[sflag:s8] =	ssyncset.done $0x0  }
0x9d: {  	s26 =	simm.s32 $0x40;
	s25 =	simm.s32 $0x0;
	[sflag:s8] =	ssyncadd.s32 $0xFFFFF380  }
.LBB2_9:
0x9e: {  	p2 =	sne.s32 s26, $0x600;
	v1 =	vld.idx.msk [tilespmem:v0+s25+$0x0 ss:$0x1], $0xffff;
	_ =	sdelay $0x3  }
.Ltmp3:
0x9f: {  	(pc) =	sbr.rel @p2 .LBB2_9-.Ltmp3, $4  }
0xa0: {  	_ = 	snop  }
0xa1: {  	v2 =	vand.u32 $0xFFFF, v1;
	v1 =	vshrl.u32 v1, $0x10  }
0xa2: {  	[tilespmem:s25+$0x2710] =	vst v2  }
0xa3: {  	[tilespmem:s25+$0x28A0] =	vst v1;
	s25 =	sshra.s32 s26, $0x2;
	s26 =	sadd.s32 $0x40, s26  }
0xa4: {  	_ =	sdelay $0x3  }
0xa5: {  	v0 =	vld.idx.msk [tilespmem:v0+s25+$0x0 ss:$0x1], $0xffff;
	_ =	sdelay $0x4  }
0xa6: {  	v1 =	vand.u32 $0xFFFF, v0  }
0xa7: {  	v0 =	vshrl.u32 v0, $0x10;
	[tilespmem:s25+$0x2710] =	vst v1  }
0xa8: {  	[tilespmem:s25+$0x28A0] =	vst v0  }
0xa9: {  	[tilespmem:s10], [sflag:$0x1] =	stream.indirect.gather [hbm4b:s4+s11], $0x40, s9, s11, $0xb8;
	[tilespmem:$0x1B198] =	vst v63  }
0xaa: {  	_ =	swait.ge [sflag:s17], $0x6400  }
0xab: {  	[sflag:s17] =	ssyncset.done $0x0  }
0xac: {  	[sflag:s17] =	ssyncadd.s32 $0xFFFF9C00  }
0xad: {  	[spmem:s1] =	stream.indirect.scatter.add.f32 [tilespmem:s13], [sflag:$0x3], $0x40, s19, s11, $0xb8;
	[tilespmem:$0x1B198] =	vst v63  }
0xae: {  	s23 =	sadd.s32 $0x1, s23;
	_ =	swait.ge [sflag:s8], $0x6400  }
0xaf: {  	p2 =	sne.s32 s23, $0xC;
	[sflag:s8] =	ssyncset.done $0x0  }
.Ltmp4:
0xb0: {  	[sflag:s8] =	ssyncadd.s32 $0xFFFF9C00;
	(pc) =	sbr.rel @p2 .LBB2_6-.Ltmp4, $4  }
0xb1: {  	[spmem:s2] =	stream.indirect.scatter.add.f32 [tilespmem:s18], [sflag:$0x3], $0x8, s19, s11, $0xb8;
	[tilespmem:$0x1B198] =	vst v63  }
0xb2: {  	_ =	swait.ge [sflag:s8], $0xC80  }
0xb3: {  	[sflag:s8] =	ssyncset.done $0x0  }
0xb4: {  	s5 =	sadd.s32 $0x320, s5;
	s24 =	sadd.s32 $0x320, s24;
	[sflag:s8] =	ssyncadd.s32 $0xFFFFF380  }
0xb5: {  	_ =	swait.ge [sflag:s14], $0x6400  }
0xb6: {  	[sflag:s14] =	ssyncset.done $0x0  }
0xb7: {  	[sflag:s14] =	ssyncadd.s32 $0xFFFF9C00  }
0xb8: {  	[spmem:s1] =	stream.indirect.scatter.add.f32 [tilespmem:s10], [sflag:$0x3], $0x40, s16, s11, $0xb8;
	[tilespmem:$0x1B198] =	vst v63  }
0xb9: {  	_ =	swait.ge [sflag:s8], $0x6400  }
0xba: {  	[sflag:s8] =	ssyncset.done $0x0  }
0xbb: {  	[sflag:s8] =	ssyncadd.s32 $0xFFFF9C00  }
0xbc: {  	[spmem:s2] =	stream.indirect.scatter.add.f32 [tilespmem:s18], [sflag:$0x3], $0x8, s16, s11, $0xb8;
	[tilespmem:$0x1B198] =	vst v63  }
.Ltmp5:
0xbd: {  	_ =	swait.ge [sflag:s8], $0xC80;
	(pc) =	sbr.rel @!p1 .LBB2_12-.Ltmp5, $3  }
0xbe: {  	[sflag:s8] =	ssyncset.done $0x0  }
0xbf: {  	[sflag:s8] =	ssyncadd.s32 $0xFFFFF380  }
0xc0: {  	[bflag:$0x0] =	sbarrier.arrive $0xFFFF;
	_ =	sdelay $0x1  }
0xc1: {  	s5 =	sshrl.u32 s0, $0x3;
	s23 =	rddreg [dreg:$0xc]  }
0xc2: {  	[hbm:s23], [sflag:s21] =	dma.local [spmem:s5], $0x1F40  }
0xc3: {  	_ =	swait.ge [sflag:s8], $0x1F40  }
0xc4: {  	[sflag:s8] =	ssyncset.done $0x0  }
0xc5: {  	s25 =	sshrl.u32 s3, $0x3;
	s26 =	rddreg [dreg:$0xf];
	[sflag:s8] =	ssyncadd.s32 $0xFFFFE0C0  }
0xc6: {  	[hbm:s26], [sflag:s21] =	dma.local [spmem:s25], $0x3E8  }
0xc7: {  	_ =	swait.ge [sflag:s8], $0x3E8  }
0xc8: {  	[sflag:s8] =	ssyncset.done $0x0  }
0xc9: {  	[sflag:s8] =	ssyncadd.s32 $0xFFFFFC18  }
0xca: {  	[bflag:$0x0] =	sbarrier.arrive $0xFFFF  }
0xcb: {  	[spmem:s22], [sflag:s21] =	dma.local [hbm:s6], $0x3E8  }
0xcc: {  	_ =	swait.ge [sflag:s8], $0x3E8  }
0xcd: {  	[sflag:s8] =	ssyncset.done $0x0;
	s22 =	rddreg [dreg:$0x7]  }
0xce: {  	[sflag:s8] =	ssyncadd.s32 $0xFFFFFC18;
	s5 =	sshrl.u32 s22, $0x3  }
0xcf: {  	[spmem:s5], [sflag:s21] =	dma.local [hbm:s7], $0x7D  }
0xd0: {  	_ =	swait.ge [sflag:s8], $0x7D  }
0xd1: {  	[sflag:s8] =	ssyncset.done $0x0;
	s23 =	rddreg [dreg:$0x8]  }
0xd2: {  	[sflag:s8] =	ssyncadd.s32 $0xFFFFFF83;
	s5 =	sshrl.u32 s23, $0x3  }
0xd3: {  	[spmem:s5], [sflag:s21] =	dma.local [hbm:s6], $0x3E8  }
0xd4: {  	_ =	swait.ge [sflag:s8], $0x3E8  }
0xd5: {  	[sflag:s8] =	ssyncset.done $0x0;
	s24 =	rddreg [dreg:$0x9]  }
0xd6: {  	[sflag:s8] =	ssyncadd.s32 $0xFFFFFC18;
	s5 =	sshrl.u32 s24, $0x3  }
0xd7: {  	[spmem:s5], [sflag:s21] =	dma.local [hbm:s7], $0x7D  }
0xd8: {  	_ =	swait.ge [sflag:s8], $0x7D  }
0xd9: {  	[sflag:s8] =	ssyncset.done $0x0;
	s25 =	rddreg [dreg:$0xe]  }
0xda: {  	[sflag:s8] =	ssyncadd.s32 $0xFFFFFF83;
	s5 =	sshrl.u32 s25, $0x3  }
0xdb: {  	[spmem:s5], [sflag:s21] =	dma.local [hbm:s6], $0x3E8  }
0xdc: {  	_ =	swait.ge [sflag:s8], $0x3E8  }
0xdd: {  	[sflag:s8] =	ssyncset.done $0x0;
	s26 =	rddreg [dreg:$0x11]  }
0xde: {  	[sflag:s8] =	ssyncadd.s32 $0xFFFFFC18;
	s5 =	sshrl.u32 s26, $0x3  }
0xdf: {  	[spmem:s5], [sflag:s21] =	dma.local [hbm:s7], $0x7D  }
0xe0: {  	_ =	swait.ge [sflag:s8], $0x7D  }
0xe1: {  	[sflag:s8] =	ssyncset.done $0x0;
	s22 =	rddreg [dreg:$0x12]  }
0xe2: {  	[sflag:s8] =	ssyncadd.s32 $0xFFFFFF83;
	s5 =	sshrl.u32 s22, $0x3  }
0xe3: {  	[spmem:s5], [sflag:s21] =	dma.local [hbm:s6], $0x3E8  }
0xe4: {  	_ =	swait.ge [sflag:s8], $0x3E8  }
0xe5: {  	[sflag:s8] =	ssyncset.done $0x0;
	s23 =	rddreg [dreg:$0x13]  }
0xe6: {  	[sflag:s8] =	ssyncadd.s32 $0xFFFFFC18;
	s5 =	sshrl.u32 s23, $0x3  }
0xe7: {  	[spmem:s5], [sflag:s21] =	dma.local [hbm:s7], $0x7D  }
0xe8: {  	_ =	swait.ge [sflag:s8], $0x7D  }
0xe9: {  	[sflag:s8] =	ssyncset.done $0x0;
	s24 =	rddreg [dreg:$0x14]  }
0xea: {  	[sflag:s8] =	ssyncadd.s32 $0xFFFFFF83;
	s5 =	sshrl.u32 s24, $0x3  }
0xeb: {  	[spmem:s5], [sflag:s21] =	dma.local [hbm:s6], $0x3E8  }
0xec: {  	_ =	swait.ge [sflag:s8], $0x3E8  }
0xed: {  	[sflag:s8] =	ssyncset.done $0x0;
	s25 =	rddreg [dreg:$0x15]  }
0xee: {  	[sflag:s8] =	ssyncadd.s32 $0xFFFFFC18;
	s5 =	sshrl.u32 s25, $0x3  }
0xef: {  	[spmem:s5], [sflag:s21] =	dma.local [hbm:s7], $0x7D  }
0xf0: {  	_ =	swait.ge [sflag:s8], $0x7D  }
0xf1: {  	[sflag:s8] =	ssyncset.done $0x0;
	s26 =	rddreg [dreg:$0x16]  }
0xf2: {  	[sflag:s8] =	ssyncadd.s32 $0xFFFFFF83;
	s5 =	sshrl.u32 s26, $0x3  }
0xf3: {  	[spmem:s5], [sflag:s21] =	dma.local [hbm:s6], $0x3E8  }
0xf4: {  	_ =	swait.ge [sflag:s8], $0x3E8  }
0xf5: {  	[sflag:s8] =	ssyncset.done $0x0;
	s22 =	rddreg [dreg:$0x17]  }
0xf6: {  	[sflag:s8] =	ssyncadd.s32 $0xFFFFFC18;
	s5 =	sshrl.u32 s22, $0x3  }
0xf7: {  	[spmem:s5], [sflag:s21] =	dma.local [hbm:s7], $0x7D  }
0xf8: {  	_ =	swait.ge [sflag:s8], $0x7D  }
0xf9: {  	[sflag:s8] =	ssyncset.done $0x0  }
0xfa: {  	s23 =	sshrl.u32 s28, $0x3;
	[sflag:s8] =	ssyncadd.s32 $0xFFFFFF83  }
0xfb: {  	[spmem:s23], [sflag:s21] =	dma.local [hbm:s6], $0x3E8  }
0xfc: {  	_ =	swait.ge [sflag:s8], $0x3E8  }
0xfd: {  	[sflag:s8] =	ssyncset.done $0x0  }
0xfe: {  	s24 =	sshrl.u32 s29, $0x3;
	[sflag:s8] =	ssyncadd.s32 $0xFFFFFC18  }
0xff: {  	[spmem:s24], [sflag:s21] =	dma.local [hbm:s7], $0x7D  }
0x100: {  	_ =	swait.ge [sflag:s8], $0x7D  }
0x101: {  	[sflag:s8] =	ssyncset.done $0x0  }
0x102: {  	s25 =	sshrl.u32 s30, $0x3;
	[sflag:s8] =	ssyncadd.s32 $0xFFFFFF83  }
0x103: {  	[spmem:s25], [sflag:s21] =	dma.local [hbm:s6], $0x3E8  }
0x104: {  	_ =	swait.ge [sflag:s8], $0x3E8  }
0x105: {  	[sflag:s8] =	ssyncset.done $0x0  }
.Ltmp6:
0x106: {  	s26 =	sshrl.u32 s31, $0x3;
	[sflag:s8] =	ssyncadd.s32 $0xFFFFFC18;
	(pc) =	sbr.rel .LBB2_14-.Ltmp6, $4  }
0x107: {  	[spmem:s26], [sflag:s21] =	dma.local [hbm:s7], $0x7D  }
0x108: {  	_ =	swait.ge [sflag:s8], $0x7D  }
0x109: {  	[sflag:s8] =	ssyncset.done $0x0  }
0x10a: {  	[sflag:s8] =	ssyncadd.s32 $0xFFFFFF83  }
.LBB2_12:
0x10b: {  	[bflag:$0x0] =	sbarrier.arrive $0xFFFF  }
.LBB2_14:
0x10c: {  	s5 =	simm.s32 $0x0;
	s21 =	rddreg [dreg:$0xb]  }
0x10d: {  	[tilespmem:s5], [sflag:$0x3] =	stream.linear.gather [hbm4b:s21+s5], $0x2710, $0x38;
	[tilespmem:$0x1B198] =	vst v63  }
0x10e: {  	_ =	swait.ge [sflag:s8], $0x2710  }
0x10f: {  	[sflag:s8] =	ssyncset.done $0x0  }
0x110: {  	[sflag:s8] =	ssyncadd.s32 $0xFFFFD8F0  }
0x111: {  	s5 =	simm.s32 $0x0;
	[bflag:$0x0] =	sbarrier.arrive $0xFFFF  }
0x112: {  	v0 =	vld [tilespmem:s5+$0x0]  }
0x113: {  	s21 =	simm.s32 $0x40  }
.LBB2_15:
0x114: {  	p2 =	sne.s32 s21, $0x600  }
.Ltmp7:
0x115: {  	_ = 	snop;
	(pc) =	sbr.rel @p2 .LBB2_15-.Ltmp7, $4  }
0x116: {  	_ = 	snop  }
0x117: {  	s22 =	sshra.s32 s21, $0x2;
	s21 =	sadd.s32 $0x40, s21;
	v1 =	vand.u32 $0xFFFF, v0;
	v2 =	vshrl.u32 v0, $0x10  }
0x118: {  	v0 =	vld [tilespmem:s22+$0x0];
	[tilespmem:s5+$0x28A0] =	vst v2  }
0x119: {  	[tilespmem:s5+$0x2710] =	vst v1;
	s5 =	smov.u32 s22  }
0x11a: {  	_ =	sdelay $0x2  }
0x11b: {  	v1 =	vshrl.u32 v0, $0x10  }
0x11c: {  	v63 =	vand.u32 $0xFFFF, v0;
	[tilespmem:s5+$0x28A0] =	vst v1  }
0x11d: {  	s21 =	simm.s32 $0x0;
	s22 =	simm.s32 $0x320;
	[tilespmem:s5+$0x2710] =	vst v63;
	s5 =	simm.s32 $0x190  }
0x11e: {  	[tilespmem:s10], [sflag:$0x1] =	stream.indirect.gather [hbm4b:s4+s5], $0x40, s9, s5, $0xb8;
	[tilespmem:$0x1B198] =	vst v63  }
.LBB2_17:
0x11f: {  	v0 =	vmov s5;
	_ =	sdelay $0x3  }
0x120: {  	s23 =	simm.s32 $0x0;
	s24 =	simm.s32 $0x40  }
.LBB2_18:
0x121: {  	p2 =	sne.s32 s24, $0x600;
	v1 =	vld.idx.msk [tilespmem:v0+s23+$0x0 ss:$0x1], $0xffff;
	_ =	sdelay $0x3  }
.Ltmp8:
0x122: {  	(pc) =	sbr.rel @p2 .LBB2_18-.Ltmp8, $4  }
0x123: {  	_ = 	snop  }
0x124: {  	v2 =	vand.u32 $0xFFFF, v1;
	v1 =	vshrl.u32 v1, $0x10  }
0x125: {  	[tilespmem:s23+$0x8E30] =	vst v2  }
0x126: {  	[tilespmem:s23+$0x8FC0] =	vst v1;
	s23 =	sshra.s32 s24, $0x2;
	s24 =	sadd.s32 $0x40, s24  }
0x127: {  	_ =	sdelay $0x3  }
0x128: {  	v0 =	vld.idx.msk [tilespmem:v0+s23+$0x0 ss:$0x1], $0xffff;
	_ =	sdelay $0x4  }
0x129: {  	v1 =	vand.u32 $0xFFFF, v0  }
0x12a: {  	v0 =	vshrl.u32 v0, $0x10;
	[tilespmem:s23+$0x8E30] =	vst v1  }
0x12b: {  	[tilespmem:s23+$0x8FC0] =	vst v0  }
0x12c: {  	[tilespmem:s13], [sflag:$0x2] =	stream.indirect.gather [hbm4b:s4+s11], $0x40, s12, s11, $0xb8;
	[tilespmem:$0x1B198] =	vst v63  }
0x12d: {  	_ =	swait.ge [sflag:s14], $0x6400  }
0x12e: {  	[sflag:s14] =	ssyncset.done $0x0  }
0x12f: {  	[sflag:s14] =	ssyncadd.s32 $0xFFFF9C00  }
0x130: {  	[spmem:s1] =	stream.indirect.scatter.add.f32 [tilespmem:s10], [sflag:$0x3], $0x40, s16, s11, $0xb8;
	[tilespmem:$0x1B198] =	vst v63  }
0x131: {  	_ =	swait.ge [sflag:s8], $0x6400  }
0x132: {  	[sflag:s8] =	ssyncset.done $0x0  }
0x133: {  	v0 =	vmov s22;
	[sflag:s8] =	ssyncadd.s32 $0xFFFF9C00  }
0x134: {  	[spmem:s2] =	stream.indirect.scatter.add.f32 [tilespmem:s18], [sflag:$0x3], $0x8, s16, s11, $0xb8;
	[tilespmem:$0x1B198] =	vst v63  }
0x135: {  	_ =	swait.ge [sflag:s8], $0xC80  }
0x136: {  	[sflag:s8] =	ssyncset.done $0x0  }
0x137: {  	s24 =	simm.s32 $0x40;
	s23 =	simm.s32 $0x0;
	[sflag:s8] =	ssyncadd.s32 $0xFFFFF380  }
.LBB2_20:
0x138: {  	p2 =	sne.s32 s24, $0x600;
	v1 =	vld.idx.msk [tilespmem:v0+s23+$0x0 ss:$0x1], $0xffff;
	_ =	sdelay $0x3  }
.Ltmp9:
0x139: {  	(pc) =	sbr.rel @p2 .LBB2_20-.Ltmp9, $4  }
0x13a: {  	_ = 	snop  }
0x13b: {  	v2 =	vand.u32 $0xFFFF, v1;
	v1 =	vshrl.u32 v1, $0x10  }
0x13c: {  	[tilespmem:s23+$0x2710] =	vst v2  }
0x13d: {  	[tilespmem:s23+$0x28A0] =	vst v1;
	s23 =	sshra.s32 s24, $0x2;
	s24 =	sadd.s32 $0x40, s24  }
0x13e: {  	_ =	sdelay $0x3  }
0x13f: {  	v0 =	vld.idx.msk [tilespmem:v0+s23+$0x0 ss:$0x1], $0xffff;
	_ =	sdelay $0x4  }
0x140: {  	v1 =	vand.u32 $0xFFFF, v0  }
0x141: {  	v0 =	vshrl.u32 v0, $0x10;
	[tilespmem:s23+$0x2710] =	vst v1  }
0x142: {  	[tilespmem:s23+$0x28A0] =	vst v0  }
0x143: {  	[tilespmem:s10], [sflag:$0x1] =	stream.indirect.gather [hbm4b:s4+s11], $0x40, s9, s11, $0xb8;
	[tilespmem:$0x1B198] =	vst v63  }
0x144: {  	_ =	swait.ge [sflag:s17], $0x6400  }
0x145: {  	[sflag:s17] =	ssyncset.done $0x0  }
0x146: {  	[sflag:s17] =	ssyncadd.s32 $0xFFFF9C00  }
0x147: {  	[spmem:s1] =	stream.indirect.scatter.add.f32 [tilespmem:s13], [sflag:$0x3], $0x40, s19, s11, $0xb8;
	[tilespmem:$0x1B198] =	vst v63  }
0x148: {  	s21 =	sadd.s32 $0x1, s21;
	_ =	swait.ge [sflag:s8], $0x6400  }
0x149: {  	p2 =	sne.s32 s21, $0xC;
	[sflag:s8] =	ssyncset.done $0x0  }
.Ltmp10:
0x14a: {  	[sflag:s8] =	ssyncadd.s32 $0xFFFF9C00;
	(pc) =	sbr.rel @p2 .LBB2_17-.Ltmp10, $4  }
0x14b: {  	[spmem:s2] =	stream.indirect.scatter.add.f32 [tilespmem:s18], [sflag:$0x3], $0x8, s19, s11, $0xb8;
	[tilespmem:$0x1B198] =	vst v63  }
0x14c: {  	_ =	swait.ge [sflag:s8], $0xC80  }
0x14d: {  	[sflag:s8] =	ssyncset.done $0x0  }
0x14e: {  	s5 =	sadd.s32 $0x320, s5;
	s22 =	sadd.s32 $0x320, s22;
	[sflag:s8] =	ssyncadd.s32 $0xFFFFF380  }
0x14f: {  	_ =	swait.ge [sflag:s14], $0x6400  }
0x150: {  	[sflag:s14] =	ssyncset.done $0x0  }
0x151: {  	[sflag:s14] =	ssyncadd.s32 $0xFFFF9C00  }
0x152: {  	[spmem:s1] =	stream.indirect.scatter.add.f32 [tilespmem:s10], [sflag:$0x3], $0x40, s16, s11, $0xb8;
	[tilespmem:$0x1B198] =	vst v63  }
0x153: {  	_ =	swait.ge [sflag:s8], $0x6400  }
0x154: {  	[sflag:s8] =	ssyncset.done $0x0  }
0x155: {  	[sflag:s8] =	ssyncadd.s32 $0xFFFF9C00  }
0x156: {  	[spmem:s2] =	stream.indirect.scatter.add.f32 [tilespmem:s18], [sflag:$0x3], $0x8, s16, s11, $0xb8;
	[tilespmem:$0x1B198] =	vst v63  }
0x157: {  	_ =	swait.ge [sflag:s8], $0xC80  }
0x158: {  	[sflag:s8] =	ssyncset.done $0x0  }
0x159: {  	s23 =	stileid.u32;
	[sflag:s8] =	ssyncadd.s32 $0xFFFFF380  }
0x15a: {  	s5 =	sshll.u32 @!p0 s23, $0x6;
	[bflag:$0x0] =	sbarrier.arrive $0xFFFF  }
0x15b: {  	s21 =	sshrl.u32 @!p0 s0, $0x3;
	s5 =	sor.u32 @!p0 $0x1C03, s5;
	s22 =	rddreg [dreg:$0xd]  }
0x15c: {  	[hbm:s22], [sflag:s5] =	dma.local @!p0 [spmem:s21], $0x1F40  }
0x15d: {  	s21 =	simm.s32 @!p0 $0x3  }
0x15e: {  	s20 =	sadd.s32 $0x1, s20;
	_ =	swait.ge @!p0 [sflag:s21], $0x1F40  }
0x15f: {  	p2 =	sne.s32 s20, s15;
	[sflag:s21] =	ssyncset.done @!p0 $0x0  }
0x160: {  	s22 =	sshrl.u32 @!p0 s3, $0x3;
	s24 =	rddreg [dreg:$0x10];
	[sflag:s21] =	ssyncadd.s32 @!p0 $0xFFFFE0C0  }
0x161: {  	[hbm:s24], [sflag:s5] =	dma.local @!p0 [spmem:s22], $0x3E8  }
.Ltmp11:
0x162: {  	_ =	swait.ge @!p0 [sflag:s21], $0x3E8;
	(pc) =	sbr.rel @p2 .LBB2_1-.Ltmp11, $3  }
0x163: {  	[sflag:s21] =	ssyncset.done @!p0 $0x0  }
0x164: {  	[sflag:s21] =	ssyncadd.s32 @!p0 $0xFFFFFC18  }
0x165: {  	[bflag:$0x0] =	sbarrier.arrive $0xFFFF;
	_ =	sdelay $0x1  }
0x166: {  	_ =	sfence.sel $0x180000  }
0x167: {  	[bflag:$0x0] =	sbarrier.arrive $0xFFFF  }
0x168: {  	_ =	strace $0x90000047  }
0x169: {  	[bflag:$0x2] =	sbarrier.arrive $0xFFFF  }
0x16a: {  	p0 =	sne.s32 s23, $0x0;
	s0 =	rddreg [dreg:$0x4]  }
0x16b: {  	s0 =	sadd.s32 @!p0 $0x100000, s0  }
0x16c: {  	[sflag:s0] =	ssyncadd.tile.s32 @!p0 $0x1;
	_ =	shalt  }
.Lfunc_end2:
_tile_overlayer_lowered:
.L_overlay_start_2:
0x16d: {  	(tag) =	ssettag $0x2  }
0x16e: {  	s0 =	rddreg [dreg:$0x0];
	s2 =	stileid.u32  }
0x16f: {  	s1 =	rddreg [dreg:$0x1];
	p0 =	sne.s32 s2, $0x0  }
0x170: {  	s3 =	rddreg [dreg:$0x2];
	[bflag:$0x3] =	sbarrier.arrive $0xFFFF;
	s2 =	simm.s32 @!p0 $0x1C03  }
0x171: {  	[timem:s3], [sflag:s2] =	dma.local @!p0 [hbm:s0], s1  }
0x172: {  	s0 =	simm.s32 @!p0 $0x3  }
0x173: {  	_ =	swait.ge @!p0 [sflag:s0], s1  }
0x174: {  	s1 =	ssub.s32 @!p0 $0x0, s1;
	[sflag:s0] =	ssyncset.done @!p0 $0x0  }
0x175: {  	[sflag:s0] =	ssyncadd.s32 @!p0 s1  }
0x176: {  	[bflag:$0x3] =	sbarrier.arrive $0xFFFF  }
0x177: {  	_ =	shalt  }

</sc_bundles>
